<compile_context>
chip_gen: v7x
topology: tpu7x:2x2x1
jax: 0.10.2.dev20260603
libtpu: 0.0.44.dev20260713+nightly
codegen_flags: <defaults>
</compile_context>

<pallas_src>
import functools

import jax
import jax.numpy as jnp
from jax import lax
from jax.experimental import pallas as pl
from jax.experimental.pallas import tpu as pltpu
from jax.experimental.pallas import tpu_sc as plsc

M = 2048
K = 16

_NC = 2
_NS = 16
_NW = _NC * _NS
_CH = 128


def _knn_body(n_total, mb, k, big_i, xyzT_ref, xyzTs_ref, cT_ref, featsT_ref,
              w1x_ref, w1f_ref, b1_ref, knn_ref, q1_ref, o_ref):
    b = pl.program_id(0)
    xyzT = xyzT_ref[0]
    cT = cT_ref[0]
    dn = (((0,), (0,)), ((), ()))
    cp = lax.dot_general(cT, xyzT, dn, preferred_element_type=jnp.float32)
    pn = jnp.sum(xyzT * xyzT, axis=0, keepdims=True)
    d = pn - 2.0 * cp
    G = 8
    W = d.shape[1] // G
    INF = jnp.float32(jnp.inf)
    quarters = [d[:, q * W:(q + 1) * W] for q in range(G)]
    iota_w = lax.broadcasted_iota(jnp.int32, (mb, W), 1)
    lo = quarters[0]
    gidx = iota_w
    for q in range(1, G):
        c = quarters[q] < lo
        lo = jnp.where(c, quarters[q], lo)
        gidx = jnp.where(c, q * W + iota_w, gidx)
    lane_c = lax.broadcasted_iota(jnp.int32, (mb, G * k), 1)
    lane_k = lax.broadcasted_iota(jnp.int32, (mb, k), 1)
    V = jnp.full((mb, G * k), INF)
    IDX = jnp.full((mb, G * k), big_i, jnp.int32)
    for i in range(k):
        mv = jnp.min(lo, axis=1, keepdims=True)
        amg = jnp.min(jnp.where(lo == mv, gidx, big_i), axis=1, keepdims=True)
        am = jnp.bitwise_and(amg, W - 1)
        sel = iota_w == am
        for q in range(G):
            vq = jnp.min(jnp.where(sel, quarters[q], INF), axis=1,
                         keepdims=True)
            col = i * G + q
            V = jnp.where(lane_c == col, vq, V)
            IDX = jnp.where(lane_c == col, q * W + am, IDX)
        lo = jnp.where(sel, INF, lo)
    knn = jnp.zeros((mb, k), jnp.int32)
    for kk in range(k):
        mv = jnp.min(V, axis=1, keepdims=True)
        tie = V == mv
        pick = jnp.min(jnp.where(tie, IDX, big_i), axis=1, keepdims=True)
        knn = jnp.where(lane_k == kk, pick, knn)
        V = jnp.where(tie & (IDX == pick), INF, V)
    knn_ref[0] = knn + b * n_total
    q1 = (lax.dot_general(xyzTs_ref[0], w1x_ref[...], dn,
                          preferred_element_type=jnp.float32)
          + lax.dot_general(featsT_ref[0], w1f_ref[...], dn,
                            preferred_element_type=jnp.float32)
          + b1_ref[...])
    q1_ref[0] = q1
    o_ref[0] = lax.dot_general(cT, w1x_ref[...], dn,
                               preferred_element_type=jnp.float32)


def _mlp_body(mb, k, g_ref, o_ref, w2_ref, b2_ref, out_ref):
    o = o_ref[...]
    w2 = w2_ref[...]
    b2 = b2_ref[...]
    c2 = w2.shape[1]
    acc = jnp.zeros((mb, c2), jnp.float32)
    for kk in range(k):
        h1 = jnp.maximum(g_ref[kk] - o, 0.0)
        h2 = lax.dot_general(h1, w2, (((1,), (0,)), ((), ())),
                             preferred_element_type=jnp.float32) + b2
        acc = jnp.maximum(acc, jnp.maximum(h2, 0.0))
    out_ref[...] = acc


def _make_knn_call(B, N, CI, C1, mb, interpret=False):
    nj = M // mb
    nsl = N // nj
    grid = (B, nj)
    in_specs = [
        pl.BlockSpec((1, 3, N), lambda b, j: (b, 0, 0)),
        pl.BlockSpec((1, 3, nsl), lambda b, j: (b, 0, j)),
        pl.BlockSpec((1, 3, mb), lambda b, j: (b, 0, j)),
        pl.BlockSpec((1, CI, nsl), lambda b, j: (b, 0, j)),
        pl.BlockSpec((3, C1), lambda b, j: (0, 0)),
        pl.BlockSpec((CI, C1), lambda b, j: (0, 0)),
        pl.BlockSpec((1, C1), lambda b, j: (0, 0)),
    ]
    out_specs = [
        pl.BlockSpec((1, mb, K), lambda b, j: (b, j, 0)),
        pl.BlockSpec((1, nsl, C1), lambda b, j: (b, j, 0)),
        pl.BlockSpec((1, mb, C1), lambda b, j: (b, j, 0)),
    ]
    out_shape = [
        jax.ShapeDtypeStruct((B, M, K), jnp.int32),
        jax.ShapeDtypeStruct((B, N, C1), jnp.float32),
        jax.ShapeDtypeStruct((B, M, C1), jnp.float32),
    ]
    body = functools.partial(_knn_body, N, mb, K, 2**30)
    return pl.pallas_call(body, grid=grid, in_specs=in_specs,
                          out_specs=out_specs, out_shape=out_shape,
                          interpret=interpret)


def _make_mlp_call(BM, C1, C2, mb, interpret=False):
    grid = (BM // mb,)
    in_specs = [
        pl.BlockSpec((K, mb, C1), lambda p: (0, p, 0)),
        pl.BlockSpec((mb, C1), lambda p: (p, 0)),
        pl.BlockSpec((C1, C2), lambda p: (0, 0)),
        pl.BlockSpec((1, C2), lambda p: (0, 0)),
    ]
    out_specs = pl.BlockSpec((mb, C2), lambda p: (p, 0))
    out_shape = jax.ShapeDtypeStruct((BM, C2), jnp.float32)
    body = functools.partial(_mlp_body, mb, K)
    return pl.pallas_call(body, grid=grid, in_specs=in_specs,
                          out_specs=out_specs, out_shape=out_shape,
                          interpret=interpret)


def _make_sc_gather(rows_total, C1):
    b_per_w = rows_total // _NW
    nch = b_per_w // _CH
    mesh = plsc.VectorSubcoreMesh(core_axis_name="c", subcore_axis_name="s")

    @functools.partial(
        pl.kernel, mesh=mesh,
        compiler_params=pltpu.CompilerParams(use_tc_tiling_on_sc=False),
        out_type=jax.ShapeDtypeStruct((rows_total, C1), jnp.float32),
        scratch_types=[
            pltpu.VMEM((nch, _CH), jnp.int32),
            pltpu.VMEM((b_per_w, C1), jnp.float32),
            pltpu.SemaphoreType.DMA,
        ],
    )
    def gather(table_hbm, idx_hbm, out_hbm, idx_v, rows_v, sem):
        wid = lax.axis_index("s") * _NC + lax.axis_index("c")
        pltpu.sync_copy(idx_hbm.at[pl.ds(wid * nch, nch)], idx_v)
        copies = []
        for j in range(nch):
            copies.append(pltpu.async_copy(
                table_hbm.at[idx_v.at[j]],
                rows_v.at[pl.ds(j * _CH, _CH)], sem))
        for c in copies:
            c.wait()
        pltpu.sync_copy(rows_v, out_hbm.at[pl.ds(wid * b_per_w, b_per_w)])

    return gather


def kernel(xyz, feats, bid, W1, b1, W2, b2):
    B, N, _ = xyz.shape
    CI = feats.shape[-1]
    C1 = W1.shape[1]
    C2 = W2.shape[1]
    stride = N // M

    new_xyz = xyz[:, ::stride, :]
    new_bid = bid[:, :M, :]

    xyzT = xyz.transpose(0, 2, 1)
    featsT = feats.transpose(0, 2, 1)
    cT = new_xyz.transpose(0, 2, 1)

    knn_call = _make_knn_call(B, N, CI, C1, mb=256)
    knn, q1, o = knn_call(xyzT, xyzT, cT, featsT,
                          W1[:3], W1[3:], b1.reshape(1, C1))

    rows = B * M * K
    idx_km = knn.transpose(2, 0, 1).reshape(rows // _CH, _CH)
    gath = _make_sc_gather(rows, C1)(q1.reshape(B * N, C1), idx_km)

    mlp_call = _make_mlp_call(B * M, C1, C2, mb=256)
    nf = mlp_call(gath.reshape(K, B * M, C1), o.reshape(B * M, C1),
                  W2, b2.reshape(1, C2))
    return new_xyz, nf.reshape(B, M, C2), new_bid

# --- scband reference (transcript-rebuilt; emitter-appended) ---
"""Pipeline reference for scband-general-point-set-abstraction-31576599560743 (READ-ONLY COPY).

The authoritative reference and input builder live on the scoring server;
editing this copy changes nothing except your own understanding.
"""

import jax, jax.numpy as jnp
import numpy as np

B, N, CI = 2, 8192, 16
M, K = 2048, 16
C1, C2 = 32, 64


def setup_inputs(seed: int = 0) -> dict:
    key = jax.random.key(seed)
    k1, k2, k3, k4 = jax.random.split(key, 4)
    xyz = jax.random.normal(k1, (B, N, 3), dtype=jnp.float32) * 10.0
    feats = jax.random.normal(k2, (B, N, CI), dtype=jnp.float32)
    bid = jnp.zeros((B, N, 1), dtype=jnp.int32)
    W1 = jax.random.normal(k3, (3 + CI, C1), dtype=jnp.float32) * 0.1
    b1 = jnp.zeros((C1,), dtype=jnp.float32)
    W2 = jax.random.normal(k4, (C1, C2), dtype=jnp.float32) * 0.1
    b2 = jnp.zeros((C2,), dtype=jnp.float32)
    return {"xyz": xyz, "feats": feats, "bid": bid, "W1": W1, "b1": b1, "W2": W2, "b2": b2}


def reference(xyz, feats, bid, W1, b1, W2, b2):
    # --- sampler: stride sampler, indices_as_output=True ---
    stride = N // M
    sample_ind = jnp.arange(M) * stride                      # (M,)
    new_xyz = xyz[:, sample_ind, :]                          # gather -> (B, M, 3)
    new_bid = bid[:, :M, :]                                  # (B, M, 1)
    # --- grouper: kNN query + gather + relative-coord MLP ---
    # squared distances (B, M, N) via |a|^2 + |b|^2 - 2ab
    d = (jnp.sum(new_xyz ** 2, axis=-1)[:, :, None]
         + jnp.sum(xyz ** 2, axis=-1)[:, None, :]
         - 2.0 * jnp.einsum('bmc,bnc->bmn', new_xyz, xyz))
    _, knn_idx = jax.lax.top_k(-d, K)                        # (B, M, K) nearest neighbors
    gather_b = lambda pts, idx: pts[idx]                     # (N,C),(M,K)->(M,K,C)
    grouped_xyz = jax.vmap(gather_b)(xyz, knn_idx)           # (B, M, K, 3)
    grouped_feats = jax.vmap(gather_b)(feats, knn_idx)       # (B, M, K, CI)
    rel = grouped_xyz - new_xyz[:, :, None, :]               # center-relative coords
    g = jnp.concatenate([rel, grouped_feats], axis=-1)       # (B, M, K, 3+CI)
    h = jax.nn.relu(jnp.einsum('bmkc,cd->bmkd', g, W1) + b1)
    h = jax.nn.relu(jnp.einsum('bmkc,cd->bmkd', h, W2) + b2)
    # --- aggregation: max-pool over neighborhood ---
    new_feats = jnp.max(h, axis=2)                           # (B, M, C2)
    return (new_xyz, new_feats, new_bid)

if __name__ == "__main__":
    import jax
    _d = setup_inputs()
    print(jax.jit(kernel)(*tuple(_d.values())))

</pallas_src>

<mosaic_0001>
#map = affine_map<(d0, d1) -> (0, 0)>
module attributes {stable_mosaic.version = 14 : i64} {
  func.func @gather(%arg0: i32, %arg1: i32, %arg2: memref<16384x32xf32, #tpu.memory_space<hbm>>, %arg3: memref<512x128xi32, #tpu.memory_space<hbm>>, %arg4: memref<65536x32xf32, #tpu.memory_space<hbm>>, %arg5: memref<16x128xi32, #tpu.memory_space<vmem>>, %arg6: memref<2048x32xf32, #tpu.memory_space<vmem>>, %arg7: memref<!tpu.dma_semaphore, #tpu.memory_space<semaphore_mem>>) attributes {dimension_semantics = [#tpu.dimension_semantics<core_parallel>, #tpu.dimension_semantics<subcore_parallel>], iteration_bounds = array<i64: 2, 16>, scalar_prefetch = 0 : i64, scratch_operands = 3 : i64, tpu.core_type = #tpu.core_type<sc_vector_subcore>, window_params = [{transform_indices = #map}, {transform_indices = #map}, {transform_indices = #map}]} {
    %mul3A = arith.constant 2 : i32
    %mul3A_0 = arith.muli %arg1, %mul3A : i32
    %add3A = arith.addi %mul3A_0, %arg0 : i32
    %mul3A_1 = arith.constant 16 : i32
    %mul3A_2 = arith.muli %add3A, %mul3A_1 : i32
    "tpu.region"() ({
      %run_scoped3A = tpu.sem_alloc : memref<!tpu.dma_semaphore, #tpu.memory_space<semaphore_mem>>
      %dma_start3A_323 = arith.constant 0 : i32
      %dma_start3A_324 = tpu.memref_slice %arg3[%mul3A_2, %dma_start3A_323] : memref<512x128xi32, #tpu.memory_space<hbm>> -> memref<16x128xi32, #tpu.memory_space<hbm>>
      %dma_start3A_325 = arith.constant 0 : i32
      %dma_start3A_326 = tpu.memref_slice %arg3[%mul3A_2, %dma_start3A_325] : memref<512x128xi32, #tpu.memory_space<hbm>> -> memref<16x128xi32, #tpu.memory_space<hbm>>
      tpu.enqueue_dma source(%dma_start3A_326 : memref<16x128xi32, #tpu.memory_space<hbm>>) target(%arg5 : memref<16x128xi32, #tpu.memory_space<vmem>>) target_semaphore(%run_scoped3A : memref<!tpu.dma_semaphore, #tpu.memory_space<semaphore_mem>>)
      %dma_wait3A_327 = arith.constant 0 : i32
      %dma_wait3A_328 = tpu.memref_slice %arg3[%mul3A_2, %dma_wait3A_327] : memref<512x128xi32, #tpu.memory_space<hbm>> -> memref<16x128xi32, #tpu.memory_space<hbm>>
      %dma_wait3A_329 = arith.constant 0 : i32
      %dma_wait3A_330 = tpu.memref_slice %arg3[%mul3A_2, %dma_wait3A_329] : memref<512x128xi32, #tpu.memory_space<hbm>> -> memref<16x128xi32, #tpu.memory_space<hbm>>
      tpu.wait_dma2 semaphore(%run_scoped3A : memref<!tpu.dma_semaphore, #tpu.memory_space<semaphore_mem>>) src(%dma_wait3A_330 : memref<16x128xi32, #tpu.memory_space<hbm>>) dst(%arg5 : memref<16x128xi32, #tpu.memory_space<vmem>>)
      tpu.yield
    }) : () -> ()
    %dma_start3A = arith.constant 0 : i32
    %dma_start3A_3 = arith.constant 0 : i32
    %dma_start3A_4 = arith.constant 0 : i32
    %dma_start3A_5 = tpu.memref_slice %arg6[%dma_start3A_3, %dma_start3A_4] : memref<2048x32xf32, #tpu.memory_space<vmem>> -> memref<128x32xf32, #tpu.memory_space<vmem>>
    %dma_start3A_6 = arith.constant 0 : i32
    %dma_start3A_7 = tpu.memref_slice %arg5[%dma_start3A, %dma_start3A_6] : memref<16x128xi32, #tpu.memory_space<vmem>> -> memref<1x128xi32, #tpu.memory_space<vmem>>
    %dma_start3A_8 = tpu.memref_squeeze %dma_start3A_7 : memref<1x128xi32, #tpu.memory_space<vmem>> -> memref<128xi32, #tpu.memory_space<vmem>>
    %dma_start3A_9 = arith.constant 0 : i32
    %dma_start3A_10 = arith.constant 0 : i32
    %dma_start3A_11 = tpu.memref_slice %arg2[%dma_start3A_9, %dma_start3A_10] : memref<16384x32xf32, #tpu.memory_space<hbm>> -> memref<16384x32xf32, #tpu.memory_space<hbm>>
    tpu.enqueue_indirect_dma source(%dma_start3A_11 : memref<16384x32xf32, #tpu.memory_space<hbm>>) target(%dma_start3A_5 : memref<128x32xf32, #tpu.memory_space<vmem>>) offsets(%dma_start3A_8 : memref<128xi32, #tpu.memory_space<vmem>>) semaphore(%arg7 : memref<!tpu.dma_semaphore, #tpu.memory_space<semaphore_mem>>)
    %dma_start3A_12 = arith.constant 1 : i32
    %dma_start3A_13 = arith.constant 128 : i32
    %dma_start3A_14 = arith.constant 0 : i32
    %dma_start3A_15 = tpu.memref_slice %arg6[%dma_start3A_13, %dma_start3A_14] : memref<2048x32xf32, #tpu.memory_space<vmem>> -> memref<128x32xf32, #tpu.memory_space<vmem>>
    %dma_start3A_16 = arith.constant 0 : i32
    %dma_start3A_17 = tpu.memref_slice %arg5[%dma_start3A_12, %dma_start3A_16] : memref<16x128xi32, #tpu.memory_space<vmem>> -> memref<1x128xi32, #tpu.memory_space<vmem>>
    %dma_start3A_18 = tpu.memref_squeeze %dma_start3A_17 : memref<1x128xi32, #tpu.memory_space<vmem>> -> memref<128xi32, #tpu.memory_space<vmem>>
    %dma_start3A_19 = arith.constant 0 : i32
    %dma_start3A_20 = arith.constant 0 : i32
    %dma_start3A_21 = tpu.memref_slice %arg2[%dma_start3A_19, %dma_start3A_20] : memref<16384x32xf32, #tpu.memory_space<hbm>> -> memref<16384x32xf32, #tpu.memory_space<hbm>>
    tpu.enqueue_indirect_dma source(%dma_start3A_21 : memref<16384x32xf32, #tpu.memory_space<hbm>>) target(%dma_start3A_15 : memref<128x32xf32, #tpu.memory_space<vmem>>) offsets(%dma_start3A_18 : memref<128xi32, #tpu.memory_space<vmem>>) semaphore(%arg7 : memref<!tpu.dma_semaphore, #tpu.memory_space<semaphore_mem>>)
    %dma_start3A_22 = arith.constant 2 : i32
    %dma_start3A_23 = arith.constant 256 : i32
    %dma_start3A_24 = arith.constant 0 : i32
    %dma_start3A_25 = tpu.memref_slice %arg6[%dma_start3A_23, %dma_start3A_24] : memref<2048x32xf32, #tpu.memory_space<vmem>> -> memref<128x32xf32, #tpu.memory_space<vmem>>
    %dma_start3A_26 = arith.constant 0 : i32
    %dma_start3A_27 = tpu.memref_slice %arg5[%dma_start3A_22, %dma_start3A_26] : memref<16x128xi32, #tpu.memory_space<vmem>> -> memref<1x128xi32, #tpu.memory_space<vmem>>
    %dma_start3A_28 = tpu.memref_squeeze %dma_start3A_27 : memref<1x128xi32, #tpu.memory_space<vmem>> -> memref<128xi32, #tpu.memory_space<vmem>>
    %dma_start3A_29 = arith.constant 0 : i32
    %dma_start3A_30 = arith.constant 0 : i32
    %dma_start3A_31 = tpu.memref_slice %arg2[%dma_start3A_29, %dma_start3A_30] : memref<16384x32xf32, #tpu.memory_space<hbm>> -> memref<16384x32xf32, #tpu.memory_space<hbm>>
    tpu.enqueue_indirect_dma source(%dma_start3A_31 : memref<16384x32xf32, #tpu.memory_space<hbm>>) target(%dma_start3A_25 : memref<128x32xf32, #tpu.memory_space<vmem>>) offsets(%dma_start3A_28 : memref<128xi32, #tpu.memory_space<vmem>>) semaphore(%arg7 : memref<!tpu.dma_semaphore, #tpu.memory_space<semaphore_mem>>)
    %dma_start3A_32 = arith.constant 3 : i32
    %dma_start3A_33 = arith.constant 384 : i32
    %dma_start3A_34 = arith.constant 0 : i32
    %dma_start3A_35 = tpu.memref_slice %arg6[%dma_start3A_33, %dma_start3A_34] : memref<2048x32xf32, #tpu.memory_space<vmem>> -> memref<128x32xf32, #tpu.memory_space<vmem>>
    %dma_start3A_36 = arith.constant 0 : i32
    %dma_start3A_37 = tpu.memref_slice %arg5[%dma_start3A_32, %dma_start3A_36] : memref<16x128xi32, #tpu.memory_space<vmem>> -> memref<1x128xi32, #tpu.memory_space<vmem>>
    %dma_start3A_38 = tpu.memref_squeeze %dma_start3A_37 : memref<1x128xi32, #tpu.memory_space<vmem>> -> memref<128xi32, #tpu.memory_space<vmem>>
    %dma_start3A_39 = arith.constant 0 : i32
    %dma_start3A_40 = arith.constant 0 : i32
    %dma_start3A_41 = tpu.memref_slice %arg2[%dma_start3A_39, %dma_start3A_40] : memref<16384x32xf32, #tpu.memory_space<hbm>> -> memref<16384x32xf32, #tpu.memory_space<hbm>>
    tpu.enqueue_indirect_dma source(%dma_start3A_41 : memref<16384x32xf32, #tpu.memory_space<hbm>>) target(%dma_start3A_35 : memref<128x32xf32, #tpu.memory_space<vmem>>) offsets(%dma_start3A_38 : memref<128xi32, #tpu.memory_space<vmem>>) semaphore(%arg7 : memref<!tpu.dma_semaphore, #tpu.memory_space<semaphore_mem>>)
    %dma_start3A_42 = arith.constant 4 : i32
    %dma_start3A_43 = arith.constant 512 : i32
    %dma_start3A_44 = arith.constant 0 : i32
    %dma_start3A_45 = tpu.memref_slice %arg6[%dma_start3A_43, %dma_start3A_44] : memref<2048x32xf32, #tpu.memory_space<vmem>> -> memref<128x32xf32, #tpu.memory_space<vmem>>
    %dma_start3A_46 = arith.constant 0 : i32
    %dma_start3A_47 = tpu.memref_slice %arg5[%dma_start3A_42, %dma_start3A_46] : memref<16x128xi32, #tpu.memory_space<vmem>> -> memref<1x128xi32, #tpu.memory_space<vmem>>
    %dma_start3A_48 = tpu.memref_squeeze %dma_start3A_47 : memref<1x128xi32, #tpu.memory_space<vmem>> -> memref<128xi32, #tpu.memory_space<vmem>>
    %dma_start3A_49 = arith.constant 0 : i32
    %dma_start3A_50 = arith.constant 0 : i32
    %dma_start3A_51 = tpu.memref_slice %arg2[%dma_start3A_49, %dma_start3A_50] : memref<16384x32xf32, #tpu.memory_space<hbm>> -> memref<16384x32xf32, #tpu.memory_space<hbm>>
    tpu.enqueue_indirect_dma source(%dma_start3A_51 : memref<16384x32xf32, #tpu.memory_space<hbm>>) target(%dma_start3A_45 : memref<128x32xf32, #tpu.memory_space<vmem>>) offsets(%dma_start3A_48 : memref<128xi32, #tpu.memory_space<vmem>>) semaphore(%arg7 : memref<!tpu.dma_semaphore, #tpu.memory_space<semaphore_mem>>)
    %dma_start3A_52 = arith.constant 5 : i32
    %dma_start3A_53 = arith.constant 640 : i32
    %dma_start3A_54 = arith.constant 0 : i32
    %dma_start3A_55 = tpu.memref_slice %arg6[%dma_start3A_53, %dma_start3A_54] : memref<2048x32xf32, #tpu.memory_space<vmem>> -> memref<128x32xf32, #tpu.memory_space<vmem>>
    %dma_start3A_56 = arith.constant 0 : i32
    %dma_start3A_57 = tpu.memref_slice %arg5[%dma_start3A_52, %dma_start3A_56] : memref<16x128xi32, #tpu.memory_space<vmem>> -> memref<1x128xi32, #tpu.memory_space<vmem>>
    %dma_start3A_58 = tpu.memref_squeeze %dma_start3A_57 : memref<1x128xi32, #tpu.memory_space<vmem>> -> memref<128xi32, #tpu.memory_space<vmem>>
    %dma_start3A_59 = arith.constant 0 : i32
    %dma_start3A_60 = arith.constant 0 : i32
    %dma_start3A_61 = tpu.memref_slice %arg2[%dma_start3A_59, %dma_start3A_60] : memref<16384x32xf32, #tpu.memory_space<hbm>> -> memref<16384x32xf32, #tpu.memory_space<hbm>>
    tpu.enqueue_indirect_dma source(%dma_start3A_61 : memref<16384x32xf32, #tpu.memory_space<hbm>>) target(%dma_start3A_55 : memref<128x32xf32, #tpu.memory_space<vmem>>) offsets(%dma_start3A_58 : memref<128xi32, #tpu.memory_space<vmem>>) semaphore(%arg7 : memref<!tpu.dma_semaphore, #tpu.memory_space<semaphore_mem>>)
    %dma_start3A_62 = arith.constant 6 : i32
    %dma_start3A_63 = arith.constant 768 : i32
    %dma_start3A_64 = arith.constant 0 : i32
    %dma_start3A_65 = tpu.memref_slice %arg6[%dma_start3A_63, %dma_start3A_64] : memref<2048x32xf32, #tpu.memory_space<vmem>> -> memref<128x32xf32, #tpu.memory_space<vmem>>
    %dma_start3A_66 = arith.constant 0 : i32
    %dma_start3A_67 = tpu.memref_slice %arg5[%dma_start3A_62, %dma_start3A_66] : memref<16x128xi32, #tpu.memory_space<vmem>> -> memref<1x128xi32, #tpu.memory_space<vmem>>
    %dma_start3A_68 = tpu.memref_squeeze %dma_start3A_67 : memref<1x128xi32, #tpu.memory_space<vmem>> -> memref<128xi32, #tpu.memory_space<vmem>>
    %dma_start3A_69 = arith.constant 0 : i32
    %dma_start3A_70 = arith.constant 0 : i32
    %dma_start3A_71 = tpu.memref_slice %arg2[%dma_start3A_69, %dma_start3A_70] : memref<16384x32xf32, #tpu.memory_space<hbm>> -> memref<16384x32xf32, #tpu.memory_space<hbm>>
    tpu.enqueue_indirect_dma source(%dma_start3A_71 : memref<16384x32xf32, #tpu.memory_space<hbm>>) target(%dma_start3A_65 : memref<128x32xf32, #tpu.memory_space<vmem>>) offsets(%dma_start3A_68 : memref<128xi32, #tpu.memory_space<vmem>>) semaphore(%arg7 : memref<!tpu.dma_semaphore, #tpu.memory_space<semaphore_mem>>)
    %dma_start3A_72 = arith.constant 7 : i32
    %dma_start3A_73 = arith.constant 896 : i32
    %dma_start3A_74 = arith.constant 0 : i32
    %dma_start3A_75 = tpu.memref_slice %arg6[%dma_start3A_73, %dma_start3A_74] : memref<2048x32xf32, #tpu.memory_space<vmem>> -> memref<128x32xf32, #tpu.memory_space<vmem>>
    %dma_start3A_76 = arith.constant 0 : i32
    %dma_start3A_77 = tpu.memref_slice %arg5[%dma_start3A_72, %dma_start3A_76] : memref<16x128xi32, #tpu.memory_space<vmem>> -> memref<1x128xi32, #tpu.memory_space<vmem>>
    %dma_start3A_78 = tpu.memref_squeeze %dma_start3A_77 : memref<1x128xi32, #tpu.memory_space<vmem>> -> memref<128xi32, #tpu.memory_space<vmem>>
    %dma_start3A_79 = arith.constant 0 : i32
    %dma_start3A_80 = arith.constant 0 : i32
    %dma_start3A_81 = tpu.memref_slice %arg2[%dma_start3A_79, %dma_start3A_80] : memref<16384x32xf32, #tpu.memory_space<hbm>> -> memref<16384x32xf32, #tpu.memory_space<hbm>>
    tpu.enqueue_indirect_dma source(%dma_start3A_81 : memref<16384x32xf32, #tpu.memory_space<hbm>>) target(%dma_start3A_75 : memref<128x32xf32, #tpu.memory_space<vmem>>) offsets(%dma_start3A_78 : memref<128xi32, #tpu.memory_space<vmem>>) semaphore(%arg7 : memref<!tpu.dma_semaphore, #tpu.memory_space<semaphore_mem>>)
    %dma_start3A_82 = arith.constant 8 : i32
    %dma_start3A_83 = arith.constant 1024 : i32
    %dma_start3A_84 = arith.constant 0 : i32
    %dma_start3A_85 = tpu.memref_slice %arg6[%dma_start3A_83, %dma_start3A_84] : memref<2048x32xf32, #tpu.memory_space<vmem>> -> memref<128x32xf32, #tpu.memory_space<vmem>>
    %dma_start3A_86 = arith.constant 0 : i32
    %dma_start3A_87 = tpu.memref_slice %arg5[%dma_start3A_82, %dma_start3A_86] : memref<16x128xi32, #tpu.memory_space<vmem>> -> memref<1x128xi32, #tpu.memory_space<vmem>>
    %dma_start3A_88 = tpu.memref_squeeze %dma_start3A_87 : memref<1x128xi32, #tpu.memory_space<vmem>> -> memref<128xi32, #tpu.memory_space<vmem>>
    %dma_start3A_89 = arith.constant 0 : i32
    %dma_start3A_90 = arith.constant 0 : i32
    %dma_start3A_91 = tpu.memref_slice %arg2[%dma_start3A_89, %dma_start3A_90] : memref<16384x32xf32, #tpu.memory_space<hbm>> -> memref<16384x32xf32, #tpu.memory_space<hbm>>
    tpu.enqueue_indirect_dma source(%dma_start3A_91 : memref<16384x32xf32, #tpu.memory_space<hbm>>) target(%dma_start3A_85 : memref<128x32xf32, #tpu.memory_space<vmem>>) offsets(%dma_start3A_88 : memref<128xi32, #tpu.memory_space<vmem>>) semaphore(%arg7 : memref<!tpu.dma_semaphore, #tpu.memory_space<semaphore_mem>>)
    %dma_start3A_92 = arith.constant 9 : i32
    %dma_start3A_93 = arith.constant 1152 : i32
    %dma_start3A_94 = arith.constant 0 : i32
    %dma_start3A_95 = tpu.memref_slice %arg6[%dma_start3A_93, %dma_start3A_94] : memref<2048x32xf32, #tpu.memory_space<vmem>> -> memref<128x32xf32, #tpu.memory_space<vmem>>
    %dma_start3A_96 = arith.constant 0 : i32
    %dma_start3A_97 = tpu.memref_slice %arg5[%dma_start3A_92, %dma_start3A_96] : memref<16x128xi32, #tpu.memory_space<vmem>> -> memref<1x128xi32, #tpu.memory_space<vmem>>
    %dma_start3A_98 = tpu.memref_squeeze %dma_start3A_97 : memref<1x128xi32, #tpu.memory_space<vmem>> -> memref<128xi32, #tpu.memory_space<vmem>>
    %dma_start3A_99 = arith.constant 0 : i32
    %dma_start3A_100 = arith.constant 0 : i32
    %dma_start3A_101 = tpu.memref_slice %arg2[%dma_start3A_99, %dma_start3A_100] : memref<16384x32xf32, #tpu.memory_space<hbm>> -> memref<16384x32xf32, #tpu.memory_space<hbm>>
    tpu.enqueue_indirect_dma source(%dma_start3A_101 : memref<16384x32xf32, #tpu.memory_space<hbm>>) target(%dma_start3A_95 : memref<128x32xf32, #tpu.memory_space<vmem>>) offsets(%dma_start3A_98 : memref<128xi32, #tpu.memory_space<vmem>>) semaphore(%arg7 : memref<!tpu.dma_semaphore, #tpu.memory_space<semaphore_mem>>)
    %dma_start3A_102 = arith.constant 10 : i32
    %dma_start3A_103 = arith.constant 1280 : i32
    %dma_start3A_104 = arith.constant 0 : i32
    %dma_start3A_105 = tpu.memref_slice %arg6[%dma_start3A_103, %dma_start3A_104] : memref<2048x32xf32, #tpu.memory_space<vmem>> -> memref<128x32xf32, #tpu.memory_space<vmem>>
    %dma_start3A_106 = arith.constant 0 : i32
    %dma_start3A_107 = tpu.memref_slice %arg5[%dma_start3A_102, %dma_start3A_106] : memref<16x128xi32, #tpu.memory_space<vmem>> -> memref<1x128xi32, #tpu.memory_space<vmem>>
    %dma_start3A_108 = tpu.memref_squeeze %dma_start3A_107 : memref<1x128xi32, #tpu.memory_space<vmem>> -> memref<128xi32, #tpu.memory_space<vmem>>
    %dma_start3A_109 = arith.constant 0 : i32
    %dma_start3A_110 = arith.constant 0 : i32
    %dma_start3A_111 = tpu.memref_slice %arg2[%dma_start3A_109, %dma_start3A_110] : memref<16384x32xf32, #tpu.memory_space<hbm>> -> memref<16384x32xf32, #tpu.memory_space<hbm>>
    tpu.enqueue_indirect_dma source(%dma_start3A_111 : memref<16384x32xf32, #tpu.memory_space<hbm>>) target(%dma_start3A_105 : memref<128x32xf32, #tpu.memory_space<vmem>>) offsets(%dma_start3A_108 : memref<128xi32, #tpu.memory_space<vmem>>) semaphore(%arg7 : memref<!tpu.dma_semaphore, #tpu.memory_space<semaphore_mem>>)
    %dma_start3A_112 = arith.constant 11 : i32
    %dma_start3A_113 = arith.constant 1408 : i32
    %dma_start3A_114 = arith.constant 0 : i32
    %dma_start3A_115 = tpu.memref_slice %arg6[%dma_start3A_113, %dma_start3A_114] : memref<2048x32xf32, #tpu.memory_space<vmem>> -> memref<128x32xf32, #tpu.memory_space<vmem>>
    %dma_start3A_116 = arith.constant 0 : i32
    %dma_start3A_117 = tpu.memref_slice %arg5[%dma_start3A_112, %dma_start3A_116] : memref<16x128xi32, #tpu.memory_space<vmem>> -> memref<1x128xi32, #tpu.memory_space<vmem>>
    %dma_start3A_118 = tpu.memref_squeeze %dma_start3A_117 : memref<1x128xi32, #tpu.memory_space<vmem>> -> memref<128xi32, #tpu.memory_space<vmem>>
    %dma_start3A_119 = arith.constant 0 : i32
    %dma_start3A_120 = arith.constant 0 : i32
    %dma_start3A_121 = tpu.memref_slice %arg2[%dma_start3A_119, %dma_start3A_120] : memref<16384x32xf32, #tpu.memory_space<hbm>> -> memref<16384x32xf32, #tpu.memory_space<hbm>>
    tpu.enqueue_indirect_dma source(%dma_start3A_121 : memref<16384x32xf32, #tpu.memory_space<hbm>>) target(%dma_start3A_115 : memref<128x32xf32, #tpu.memory_space<vmem>>) offsets(%dma_start3A_118 : memref<128xi32, #tpu.memory_space<vmem>>) semaphore(%arg7 : memref<!tpu.dma_semaphore, #tpu.memory_space<semaphore_mem>>)
    %dma_start3A_122 = arith.constant 12 : i32
    %dma_start3A_123 = arith.constant 1536 : i32
    %dma_start3A_124 = arith.constant 0 : i32
    %dma_start3A_125 = tpu.memref_slice %arg6[%dma_start3A_123, %dma_start3A_124] : memref<2048x32xf32, #tpu.memory_space<vmem>> -> memref<128x32xf32, #tpu.memory_space<vmem>>
    %dma_start3A_126 = arith.constant 0 : i32
    %dma_start3A_127 = tpu.memref_slice %arg5[%dma_start3A_122, %dma_start3A_126] : memref<16x128xi32, #tpu.memory_space<vmem>> -> memref<1x128xi32, #tpu.memory_space<vmem>>
    %dma_start3A_128 = tpu.memref_squeeze %dma_start3A_127 : memref<1x128xi32, #tpu.memory_space<vmem>> -> memref<128xi32, #tpu.memory_space<vmem>>
    %dma_start3A_129 = arith.constant 0 : i32
    %dma_start3A_130 = arith.constant 0 : i32
    %dma_start3A_131 = tpu.memref_slice %arg2[%dma_start3A_129, %dma_start3A_130] : memref<16384x32xf32, #tpu.memory_space<hbm>> -> memref<16384x32xf32, #tpu.memory_space<hbm>>
    tpu.enqueue_indirect_dma source(%dma_start3A_131 : memref<16384x32xf32, #tpu.memory_space<hbm>>) target(%dma_start3A_125 : memref<128x32xf32, #tpu.memory_space<vmem>>) offsets(%dma_start3A_128 : memref<128xi32, #tpu.memory_space<vmem>>) semaphore(%arg7 : memref<!tpu.dma_semaphore, #tpu.memory_space<semaphore_mem>>)
    %dma_start3A_132 = arith.constant 13 : i32
    %dma_start3A_133 = arith.constant 1664 : i32
    %dma_start3A_134 = arith.constant 0 : i32
    %dma_start3A_135 = tpu.memref_slice %arg6[%dma_start3A_133, %dma_start3A_134] : memref<2048x32xf32, #tpu.memory_space<vmem>> -> memref<128x32xf32, #tpu.memory_space<vmem>>
    %dma_start3A_136 = arith.constant 0 : i32
    %dma_start3A_137 = tpu.memref_slice %arg5[%dma_start3A_132, %dma_start3A_136] : memref<16x128xi32, #tpu.memory_space<vmem>> -> memref<1x128xi32, #tpu.memory_space<vmem>>
    %dma_start3A_138 = tpu.memref_squeeze %dma_start3A_137 : memref<1x128xi32, #tpu.memory_space<vmem>> -> memref<128xi32, #tpu.memory_space<vmem>>
    %dma_start3A_139 = arith.constant 0 : i32
    %dma_start3A_140 = arith.constant 0 : i32
    %dma_start3A_141 = tpu.memref_slice %arg2[%dma_start3A_139, %dma_start3A_140] : memref<16384x32xf32, #tpu.memory_space<hbm>> -> memref<16384x32xf32, #tpu.memory_space<hbm>>
    tpu.enqueue_indirect_dma source(%dma_start3A_141 : memref<16384x32xf32, #tpu.memory_space<hbm>>) target(%dma_start3A_135 : memref<128x32xf32, #tpu.memory_space<vmem>>) offsets(%dma_start3A_138 : memref<128xi32, #tpu.memory_space<vmem>>) semaphore(%arg7 : memref<!tpu.dma_semaphore, #tpu.memory_space<semaphore_mem>>)
    %dma_start3A_142 = arith.constant 14 : i32
    %dma_start3A_143 = arith.constant 1792 : i32
    %dma_start3A_144 = arith.constant 0 : i32
    %dma_start3A_145 = tpu.memref_slice %arg6[%dma_start3A_143, %dma_start3A_144] : memref<2048x32xf32, #tpu.memory_space<vmem>> -> memref<128x32xf32, #tpu.memory_space<vmem>>
    %dma_start3A_146 = arith.constant 0 : i32
    %dma_start3A_147 = tpu.memref_slice %arg5[%dma_start3A_142, %dma_start3A_146] : memref<16x128xi32, #tpu.memory_space<vmem>> -> memref<1x128xi32, #tpu.memory_space<vmem>>
    %dma_start3A_148 = tpu.memref_squeeze %dma_start3A_147 : memref<1x128xi32, #tpu.memory_space<vmem>> -> memref<128xi32, #tpu.memory_space<vmem>>
    %dma_start3A_149 = arith.constant 0 : i32
    %dma_start3A_150 = arith.constant 0 : i32
    %dma_start3A_151 = tpu.memref_slice %arg2[%dma_start3A_149, %dma_start3A_150] : memref<16384x32xf32, #tpu.memory_space<hbm>> -> memref<16384x32xf32, #tpu.memory_space<hbm>>
    tpu.enqueue_indirect_dma source(%dma_start3A_151 : memref<16384x32xf32, #tpu.memory_space<hbm>>) target(%dma_start3A_145 : memref<128x32xf32, #tpu.memory_space<vmem>>) offsets(%dma_start3A_148 : memref<128xi32, #tpu.memory_space<vmem>>) semaphore(%arg7 : memref<!tpu.dma_semaphore, #tpu.memory_space<semaphore_mem>>)
    %dma_start3A_152 = arith.constant 15 : i32
    %dma_start3A_153 = arith.constant 1920 : i32
    %dma_start3A_154 = arith.constant 0 : i32
    %dma_start3A_155 = tpu.memref_slice %arg6[%dma_start3A_153, %dma_start3A_154] : memref<2048x32xf32, #tpu.memory_space<vmem>> -> memref<128x32xf32, #tpu.memory_space<vmem>>
    %dma_start3A_156 = arith.constant 0 : i32
    %dma_start3A_157 = tpu.memref_slice %arg5[%dma_start3A_152, %dma_start3A_156] : memref<16x128xi32, #tpu.memory_space<vmem>> -> memref<1x128xi32, #tpu.memory_space<vmem>>
    %dma_start3A_158 = tpu.memref_squeeze %dma_start3A_157 : memref<1x128xi32, #tpu.memory_space<vmem>> -> memref<128xi32, #tpu.memory_space<vmem>>
    %dma_start3A_159 = arith.constant 0 : i32
    %dma_start3A_160 = arith.constant 0 : i32
    %dma_start3A_161 = tpu.memref_slice %arg2[%dma_start3A_159, %dma_start3A_160] : memref<16384x32xf32, #tpu.memory_space<hbm>> -> memref<16384x32xf32, #tpu.memory_space<hbm>>
    tpu.enqueue_indirect_dma source(%dma_start3A_161 : memref<16384x32xf32, #tpu.memory_space<hbm>>) target(%dma_start3A_155 : memref<128x32xf32, #tpu.memory_space<vmem>>) offsets(%dma_start3A_158 : memref<128xi32, #tpu.memory_space<vmem>>) semaphore(%arg7 : memref<!tpu.dma_semaphore, #tpu.memory_space<semaphore_mem>>)
    %dma_wait3A = arith.constant 0 : i32
    %dma_wait3A_162 = arith.constant 0 : i32
    %dma_wait3A_163 = arith.constant 0 : i32
    %dma_wait3A_164 = tpu.memref_slice %arg6[%dma_wait3A_162, %dma_wait3A_163] : memref<2048x32xf32, #tpu.memory_space<vmem>> -> memref<128x32xf32, #tpu.memory_space<vmem>>
    %dma_wait3A_165 = arith.constant 0 : i32
    %dma_wait3A_166 = tpu.memref_slice %arg5[%dma_wait3A, %dma_wait3A_165] : memref<16x128xi32, #tpu.memory_space<vmem>> -> memref<1x128xi32, #tpu.memory_space<vmem>>
    %dma_wait3A_167 = tpu.memref_squeeze %dma_wait3A_166 : memref<1x128xi32, #tpu.memory_space<vmem>> -> memref<128xi32, #tpu.memory_space<vmem>>
    %dma_wait3A_168 = arith.constant 0 : i32
    %dma_wait3A_169 = arith.constant 0 : i32
    %dma_wait3A_170 = tpu.memref_slice %arg2[%dma_wait3A_168, %dma_wait3A_169] : memref<16384x32xf32, #tpu.memory_space<hbm>> -> memref<16384x32xf32, #tpu.memory_space<hbm>>
    tpu.wait_indirect_dma semaphore(%arg7 : memref<!tpu.dma_semaphore, #tpu.memory_space<semaphore_mem>>) src(%dma_wait3A_170 : memref<16384x32xf32, #tpu.memory_space<hbm>>) dst(%dma_wait3A_164 : memref<128x32xf32, #tpu.memory_space<vmem>>)
    %dma_wait3A_171 = arith.constant 1 : i32
    %dma_wait3A_172 = arith.constant 128 : i32
    %dma_wait3A_173 = arith.constant 0 : i32
    %dma_wait3A_174 = tpu.memref_slice %arg6[%dma_wait3A_172, %dma_wait3A_173] : memref<2048x32xf32, #tpu.memory_space<vmem>> -> memref<128x32xf32, #tpu.memory_space<vmem>>
    %dma_wait3A_175 = arith.constant 0 : i32
    %dma_wait3A_176 = tpu.memref_slice %arg5[%dma_wait3A_171, %dma_wait3A_175] : memref<16x128xi32, #tpu.memory_space<vmem>> -> memref<1x128xi32, #tpu.memory_space<vmem>>
    %dma_wait3A_177 = tpu.memref_squeeze %dma_wait3A_176 : memref<1x128xi32, #tpu.memory_space<vmem>> -> memref<128xi32, #tpu.memory_space<vmem>>
    %dma_wait3A_178 = arith.constant 0 : i32
    %dma_wait3A_179 = arith.constant 0 : i32
    %dma_wait3A_180 = tpu.memref_slice %arg2[%dma_wait3A_178, %dma_wait3A_179] : memref<16384x32xf32, #tpu.memory_space<hbm>> -> memref<16384x32xf32, #tpu.memory_space<hbm>>
    tpu.wait_indirect_dma semaphore(%arg7 : memref<!tpu.dma_semaphore, #tpu.memory_space<semaphore_mem>>) src(%dma_wait3A_180 : memref<16384x32xf32, #tpu.memory_space<hbm>>) dst(%dma_wait3A_174 : memref<128x32xf32, #tpu.memory_space<vmem>>)
    %dma_wait3A_181 = arith.constant 2 : i32
    %dma_wait3A_182 = arith.constant 256 : i32
    %dma_wait3A_183 = arith.constant 0 : i32
    %dma_wait3A_184 = tpu.memref_slice %arg6[%dma_wait3A_182, %dma_wait3A_183] : memref<2048x32xf32, #tpu.memory_space<vmem>> -> memref<128x32xf32, #tpu.memory_space<vmem>>
    %dma_wait3A_185 = arith.constant 0 : i32
    %dma_wait3A_186 = tpu.memref_slice %arg5[%dma_wait3A_181, %dma_wait3A_185] : memref<16x128xi32, #tpu.memory_space<vmem>> -> memref<1x128xi32, #tpu.memory_space<vmem>>
    %dma_wait3A_187 = tpu.memref_squeeze %dma_wait3A_186 : memref<1x128xi32, #tpu.memory_space<vmem>> -> memref<128xi32, #tpu.memory_space<vmem>>
    %dma_wait3A_188 = arith.constant 0 : i32
    %dma_wait3A_189 = arith.constant 0 : i32
    %dma_wait3A_190 = tpu.memref_slice %arg2[%dma_wait3A_188, %dma_wait3A_189] : memref<16384x32xf32, #tpu.memory_space<hbm>> -> memref<16384x32xf32, #tpu.memory_space<hbm>>
    tpu.wait_indirect_dma semaphore(%arg7 : memref<!tpu.dma_semaphore, #tpu.memory_space<semaphore_mem>>) src(%dma_wait3A_190 : memref<16384x32xf32, #tpu.memory_space<hbm>>) dst(%dma_wait3A_184 : memref<128x32xf32, #tpu.memory_space<vmem>>)
    %dma_wait3A_191 = arith.constant 3 : i32
    %dma_wait3A_192 = arith.constant 384 : i32
    %dma_wait3A_193 = arith.constant 0 : i32
    %dma_wait3A_194 = tpu.memref_slice %arg6[%dma_wait3A_192, %dma_wait3A_193] : memref<2048x32xf32, #tpu.memory_space<vmem>> -> memref<128x32xf32, #tpu.memory_space<vmem>>
    %dma_wait3A_195 = arith.constant 0 : i32
    %dma_wait3A_196 = tpu.memref_slice %arg5[%dma_wait3A_191, %dma_wait3A_195] : memref<16x128xi32, #tpu.memory_space<vmem>> -> memref<1x128xi32, #tpu.memory_space<vmem>>
    %dma_wait3A_197 = tpu.memref_squeeze %dma_wait3A_196 : memref<1x128xi32, #tpu.memory_space<vmem>> -> memref<128xi32, #tpu.memory_space<vmem>>
    %dma_wait3A_198 = arith.constant 0 : i32
    %dma_wait3A_199 = arith.constant 0 : i32
    %dma_wait3A_200 = tpu.memref_slice %arg2[%dma_wait3A_198, %dma_wait3A_199] : memref<16384x32xf32, #tpu.memory_space<hbm>> -> memref<16384x32xf32, #tpu.memory_space<hbm>>
    tpu.wait_indirect_dma semaphore(%arg7 : memref<!tpu.dma_semaphore, #tpu.memory_space<semaphore_mem>>) src(%dma_wait3A_200 : memref<16384x32xf32, #tpu.memory_space<hbm>>) dst(%dma_wait3A_194 : memref<128x32xf32, #tpu.memory_space<vmem>>)
    %dma_wait3A_201 = arith.constant 4 : i32
    %dma_wait3A_202 = arith.constant 512 : i32
    %dma_wait3A_203 = arith.constant 0 : i32
    %dma_wait3A_204 = tpu.memref_slice %arg6[%dma_wait3A_202, %dma_wait3A_203] : memref<2048x32xf32, #tpu.memory_space<vmem>> -> memref<128x32xf32, #tpu.memory_space<vmem>>
    %dma_wait3A_205 = arith.constant 0 : i32
    %dma_wait3A_206 = tpu.memref_slice %arg5[%dma_wait3A_201, %dma_wait3A_205] : memref<16x128xi32, #tpu.memory_space<vmem>> -> memref<1x128xi32, #tpu.memory_space<vmem>>
    %dma_wait3A_207 = tpu.memref_squeeze %dma_wait3A_206 : memref<1x128xi32, #tpu.memory_space<vmem>> -> memref<128xi32, #tpu.memory_space<vmem>>
    %dma_wait3A_208 = arith.constant 0 : i32
    %dma_wait3A_209 = arith.constant 0 : i32
    %dma_wait3A_210 = tpu.memref_slice %arg2[%dma_wait3A_208, %dma_wait3A_209] : memref<16384x32xf32, #tpu.memory_space<hbm>> -> memref<16384x32xf32, #tpu.memory_space<hbm>>
    tpu.wait_indirect_dma semaphore(%arg7 : memref<!tpu.dma_semaphore, #tpu.memory_space<semaphore_mem>>) src(%dma_wait3A_210 : memref<16384x32xf32, #tpu.memory_space<hbm>>) dst(%dma_wait3A_204 : memref<128x32xf32, #tpu.memory_space<vmem>>)
    %dma_wait3A_211 = arith.constant 5 : i32
    %dma_wait3A_212 = arith.constant 640 : i32
    %dma_wait3A_213 = arith.constant 0 : i32
    %dma_wait3A_214 = tpu.memref_slice %arg6[%dma_wait3A_212, %dma_wait3A_213] : memref<2048x32xf32, #tpu.memory_space<vmem>> -> memref<128x32xf32, #tpu.memory_space<vmem>>
    %dma_wait3A_215 = arith.constant 0 : i32
    %dma_wait3A_216 = tpu.memref_slice %arg5[%dma_wait3A_211, %dma_wait3A_215] : memref<16x128xi32, #tpu.memory_space<vmem>> -> memref<1x128xi32, #tpu.memory_space<vmem>>
    %dma_wait3A_217 = tpu.memref_squeeze %dma_wait3A_216 : memref<1x128xi32, #tpu.memory_space<vmem>> -> memref<128xi32, #tpu.memory_space<vmem>>
    %dma_wait3A_218 = arith.constant 0 : i32
    %dma_wait3A_219 = arith.constant 0 : i32
    %dma_wait3A_220 = tpu.memref_slice %arg2[%dma_wait3A_218, %dma_wait3A_219] : memref<16384x32xf32, #tpu.memory_space<hbm>> -> memref<16384x32xf32, #tpu.memory_space<hbm>>
    tpu.wait_indirect_dma semaphore(%arg7 : memref<!tpu.dma_semaphore, #tpu.memory_space<semaphore_mem>>) src(%dma_wait3A_220 : memref<16384x32xf32, #tpu.memory_space<hbm>>) dst(%dma_wait3A_214 : memref<128x32xf32, #tpu.memory_space<vmem>>)
    %dma_wait3A_221 = arith.constant 6 : i32
    %dma_wait3A_222 = arith.constant 768 : i32
    %dma_wait3A_223 = arith.constant 0 : i32
    %dma_wait3A_224 = tpu.memref_slice %arg6[%dma_wait3A_222, %dma_wait3A_223] : memref<2048x32xf32, #tpu.memory_space<vmem>> -> memref<128x32xf32, #tpu.memory_space<vmem>>
    %dma_wait3A_225 = arith.constant 0 : i32
    %dma_wait3A_226 = tpu.memref_slice %arg5[%dma_wait3A_221, %dma_wait3A_225] : memref<16x128xi32, #tpu.memory_space<vmem>> -> memref<1x128xi32, #tpu.memory_space<vmem>>
    %dma_wait3A_227 = tpu.memref_squeeze %dma_wait3A_226 : memref<1x128xi32, #tpu.memory_space<vmem>> -> memref<128xi32, #tpu.memory_space<vmem>>
    %dma_wait3A_228 = arith.constant 0 : i32
    %dma_wait3A_229 = arith.constant 0 : i32
    %dma_wait3A_230 = tpu.memref_slice %arg2[%dma_wait3A_228, %dma_wait3A_229] : memref<16384x32xf32, #tpu.memory_space<hbm>> -> memref<16384x32xf32, #tpu.memory_space<hbm>>
    tpu.wait_indirect_dma semaphore(%arg7 : memref<!tpu.dma_semaphore, #tpu.memory_space<semaphore_mem>>) src(%dma_wait3A_230 : memref<16384x32xf32, #tpu.memory_space<hbm>>) dst(%dma_wait3A_224 : memref<128x32xf32, #tpu.memory_space<vmem>>)
    %dma_wait3A_231 = arith.constant 7 : i32
    %dma_wait3A_232 = arith.constant 896 : i32
    %dma_wait3A_233 = arith.constant 0 : i32
    %dma_wait3A_234 = tpu.memref_slice %arg6[%dma_wait3A_232, %dma_wait3A_233] : memref<2048x32xf32, #tpu.memory_space<vmem>> -> memref<128x32xf32, #tpu.memory_space<vmem>>
    %dma_wait3A_235 = arith.constant 0 : i32
    %dma_wait3A_236 = tpu.memref_slice %arg5[%dma_wait3A_231, %dma_wait3A_235] : memref<16x128xi32, #tpu.memory_space<vmem>> -> memref<1x128xi32, #tpu.memory_space<vmem>>
    %dma_wait3A_237 = tpu.memref_squeeze %dma_wait3A_236 : memref<1x128xi32, #tpu.memory_space<vmem>> -> memref<128xi32, #tpu.memory_space<vmem>>
    %dma_wait3A_238 = arith.constant 0 : i32
    %dma_wait3A_239 = arith.constant 0 : i32
    %dma_wait3A_240 = tpu.memref_slice %arg2[%dma_wait3A_238, %dma_wait3A_239] : memref<16384x32xf32, #tpu.memory_space<hbm>> -> memref<16384x32xf32, #tpu.memory_space<hbm>>
    tpu.wait_indirect_dma semaphore(%arg7 : memref<!tpu.dma_semaphore, #tpu.memory_space<semaphore_mem>>) src(%dma_wait3A_240 : memref<16384x32xf32, #tpu.memory_space<hbm>>) dst(%dma_wait3A_234 : memref<128x32xf32, #tpu.memory_space<vmem>>)
    %dma_wait3A_241 = arith.constant 8 : i32
    %dma_wait3A_242 = arith.constant 1024 : i32
    %dma_wait3A_243 = arith.constant 0 : i32
    %dma_wait3A_244 = tpu.memref_slice %arg6[%dma_wait3A_242, %dma_wait3A_243] : memref<2048x32xf32, #tpu.memory_space<vmem>> -> memref<128x32xf32, #tpu.memory_space<vmem>>
    %dma_wait3A_245 = arith.constant 0 : i32
    %dma_wait3A_246 = tpu.memref_slice %arg5[%dma_wait3A_241, %dma_wait3A_245] : memref<16x128xi32, #tpu.memory_space<vmem>> -> memref<1x128xi32, #tpu.memory_space<vmem>>
    %dma_wait3A_247 = tpu.memref_squeeze %dma_wait3A_246 : memref<1x128xi32, #tpu.memory_space<vmem>> -> memref<128xi32, #tpu.memory_space<vmem>>
    %dma_wait3A_248 = arith.constant 0 : i32
    %dma_wait3A_249 = arith.constant 0 : i32
    %dma_wait3A_250 = tpu.memref_slice %arg2[%dma_wait3A_248, %dma_wait3A_249] : memref<16384x32xf32, #tpu.memory_space<hbm>> -> memref<16384x32xf32, #tpu.memory_space<hbm>>
    tpu.wait_indirect_dma semaphore(%arg7 : memref<!tpu.dma_semaphore, #tpu.memory_space<semaphore_mem>>) src(%dma_wait3A_250 : memref<16384x32xf32, #tpu.memory_space<hbm>>) dst(%dma_wait3A_244 : memref<128x32xf32, #tpu.memory_space<vmem>>)
    %dma_wait3A_251 = arith.constant 9 : i32
    %dma_wait3A_252 = arith.constant 1152 : i32
    %dma_wait3A_253 = arith.constant 0 : i32
    %dma_wait3A_254 = tpu.memref_slice %arg6[%dma_wait3A_252, %dma_wait3A_253] : memref<2048x32xf32, #tpu.memory_space<vmem>> -> memref<128x32xf32, #tpu.memory_space<vmem>>
    %dma_wait3A_255 = arith.constant 0 : i32
    %dma_wait3A_256 = tpu.memref_slice %arg5[%dma_wait3A_251, %dma_wait3A_255] : memref<16x128xi32, #tpu.memory_space<vmem>> -> memref<1x128xi32, #tpu.memory_space<vmem>>
    %dma_wait3A_257 = tpu.memref_squeeze %dma_wait3A_256 : memref<1x128xi32, #tpu.memory_space<vmem>> -> memref<128xi32, #tpu.memory_space<vmem>>
    %dma_wait3A_258 = arith.constant 0 : i32
    %dma_wait3A_259 = arith.constant 0 : i32
    %dma_wait3A_260 = tpu.memref_slice %arg2[%dma_wait3A_258, %dma_wait3A_259] : memref<16384x32xf32, #tpu.memory_space<hbm>> -> memref<16384x32xf32, #tpu.memory_space<hbm>>
    tpu.wait_indirect_dma semaphore(%arg7 : memref<!tpu.dma_semaphore, #tpu.memory_space<semaphore_mem>>) src(%dma_wait3A_260 : memref<16384x32xf32, #tpu.memory_space<hbm>>) dst(%dma_wait3A_254 : memref<128x32xf32, #tpu.memory_space<vmem>>)
    %dma_wait3A_261 = arith.constant 10 : i32
    %dma_wait3A_262 = arith.constant 1280 : i32
    %dma_wait3A_263 = arith.constant 0 : i32
    %dma_wait3A_264 = tpu.memref_slice %arg6[%dma_wait3A_262, %dma_wait3A_263] : memref<2048x32xf32, #tpu.memory_space<vmem>> -> memref<128x32xf32, #tpu.memory_space<vmem>>
    %dma_wait3A_265 = arith.constant 0 : i32
    %dma_wait3A_266 = tpu.memref_slice %arg5[%dma_wait3A_261, %dma_wait3A_265] : memref<16x128xi32, #tpu.memory_space<vmem>> -> memref<1x128xi32, #tpu.memory_space<vmem>>
    %dma_wait3A_267 = tpu.memref_squeeze %dma_wait3A_266 : memref<1x128xi32, #tpu.memory_space<vmem>> -> memref<128xi32, #tpu.memory_space<vmem>>
    %dma_wait3A_268 = arith.constant 0 : i32
    %dma_wait3A_269 = arith.constant 0 : i32
    %dma_wait3A_270 = tpu.memref_slice %arg2[%dma_wait3A_268, %dma_wait3A_269] : memref<16384x32xf32, #tpu.memory_space<hbm>> -> memref<16384x32xf32, #tpu.memory_space<hbm>>
    tpu.wait_indirect_dma semaphore(%arg7 : memref<!tpu.dma_semaphore, #tpu.memory_space<semaphore_mem>>) src(%dma_wait3A_270 : memref<16384x32xf32, #tpu.memory_space<hbm>>) dst(%dma_wait3A_264 : memref<128x32xf32, #tpu.memory_space<vmem>>)
    %dma_wait3A_271 = arith.constant 11 : i32
    %dma_wait3A_272 = arith.constant 1408 : i32
    %dma_wait3A_273 = arith.constant 0 : i32
    %dma_wait3A_274 = tpu.memref_slice %arg6[%dma_wait3A_272, %dma_wait3A_273] : memref<2048x32xf32, #tpu.memory_space<vmem>> -> memref<128x32xf32, #tpu.memory_space<vmem>>
    %dma_wait3A_275 = arith.constant 0 : i32
    %dma_wait3A_276 = tpu.memref_slice %arg5[%dma_wait3A_271, %dma_wait3A_275] : memref<16x128xi32, #tpu.memory_space<vmem>> -> memref<1x128xi32, #tpu.memory_space<vmem>>
    %dma_wait3A_277 = tpu.memref_squeeze %dma_wait3A_276 : memref<1x128xi32, #tpu.memory_space<vmem>> -> memref<128xi32, #tpu.memory_space<vmem>>
    %dma_wait3A_278 = arith.constant 0 : i32
    %dma_wait3A_279 = arith.constant 0 : i32
    %dma_wait3A_280 = tpu.memref_slice %arg2[%dma_wait3A_278, %dma_wait3A_279] : memref<16384x32xf32, #tpu.memory_space<hbm>> -> memref<16384x32xf32, #tpu.memory_space<hbm>>
    tpu.wait_indirect_dma semaphore(%arg7 : memref<!tpu.dma_semaphore, #tpu.memory_space<semaphore_mem>>) src(%dma_wait3A_280 : memref<16384x32xf32, #tpu.memory_space<hbm>>) dst(%dma_wait3A_274 : memref<128x32xf32, #tpu.memory_space<vmem>>)
    %dma_wait3A_281 = arith.constant 12 : i32
    %dma_wait3A_282 = arith.constant 1536 : i32
    %dma_wait3A_283 = arith.constant 0 : i32
    %dma_wait3A_284 = tpu.memref_slice %arg6[%dma_wait3A_282, %dma_wait3A_283] : memref<2048x32xf32, #tpu.memory_space<vmem>> -> memref<128x32xf32, #tpu.memory_space<vmem>>
    %dma_wait3A_285 = arith.constant 0 : i32
    %dma_wait3A_286 = tpu.memref_slice %arg5[%dma_wait3A_281, %dma_wait3A_285] : memref<16x128xi32, #tpu.memory_space<vmem>> -> memref<1x128xi32, #tpu.memory_space<vmem>>
    %dma_wait3A_287 = tpu.memref_squeeze %dma_wait3A_286 : memref<1x128xi32, #tpu.memory_space<vmem>> -> memref<128xi32, #tpu.memory_space<vmem>>
    %dma_wait3A_288 = arith.constant 0 : i32
    %dma_wait3A_289 = arith.constant 0 : i32
    %dma_wait3A_290 = tpu.memref_slice %arg2[%dma_wait3A_288, %dma_wait3A_289] : memref<16384x32xf32, #tpu.memory_space<hbm>> -> memref<16384x32xf32, #tpu.memory_space<hbm>>
    tpu.wait_indirect_dma semaphore(%arg7 : memref<!tpu.dma_semaphore, #tpu.memory_space<semaphore_mem>>) src(%dma_wait3A_290 : memref<16384x32xf32, #tpu.memory_space<hbm>>) dst(%dma_wait3A_284 : memref<128x32xf32, #tpu.memory_space<vmem>>)
    %dma_wait3A_291 = arith.constant 13 : i32
    %dma_wait3A_292 = arith.constant 1664 : i32
    %dma_wait3A_293 = arith.constant 0 : i32
    %dma_wait3A_294 = tpu.memref_slice %arg6[%dma_wait3A_292, %dma_wait3A_293] : memref<2048x32xf32, #tpu.memory_space<vmem>> -> memref<128x32xf32, #tpu.memory_space<vmem>>
    %dma_wait3A_295 = arith.constant 0 : i32
    %dma_wait3A_296 = tpu.memref_slice %arg5[%dma_wait3A_291, %dma_wait3A_295] : memref<16x128xi32, #tpu.memory_space<vmem>> -> memref<1x128xi32, #tpu.memory_space<vmem>>
    %dma_wait3A_297 = tpu.memref_squeeze %dma_wait3A_296 : memref<1x128xi32, #tpu.memory_space<vmem>> -> memref<128xi32, #tpu.memory_space<vmem>>
    %dma_wait3A_298 = arith.constant 0 : i32
    %dma_wait3A_299 = arith.constant 0 : i32
    %dma_wait3A_300 = tpu.memref_slice %arg2[%dma_wait3A_298, %dma_wait3A_299] : memref<16384x32xf32, #tpu.memory_space<hbm>> -> memref<16384x32xf32, #tpu.memory_space<hbm>>
    tpu.wait_indirect_dma semaphore(%arg7 : memref<!tpu.dma_semaphore, #tpu.memory_space<semaphore_mem>>) src(%dma_wait3A_300 : memref<16384x32xf32, #tpu.memory_space<hbm>>) dst(%dma_wait3A_294 : memref<128x32xf32, #tpu.memory_space<vmem>>)
    %dma_wait3A_301 = arith.constant 14 : i32
    %dma_wait3A_302 = arith.constant 1792 : i32
    %dma_wait3A_303 = arith.constant 0 : i32
    %dma_wait3A_304 = tpu.memref_slice %arg6[%dma_wait3A_302, %dma_wait3A_303] : memref<2048x32xf32, #tpu.memory_space<vmem>> -> memref<128x32xf32, #tpu.memory_space<vmem>>
    %dma_wait3A_305 = arith.constant 0 : i32
    %dma_wait3A_306 = tpu.memref_slice %arg5[%dma_wait3A_301, %dma_wait3A_305] : memref<16x128xi32, #tpu.memory_space<vmem>> -> memref<1x128xi32, #tpu.memory_space<vmem>>
    %dma_wait3A_307 = tpu.memref_squeeze %dma_wait3A_306 : memref<1x128xi32, #tpu.memory_space<vmem>> -> memref<128xi32, #tpu.memory_space<vmem>>
    %dma_wait3A_308 = arith.constant 0 : i32
    %dma_wait3A_309 = arith.constant 0 : i32
    %dma_wait3A_310 = tpu.memref_slice %arg2[%dma_wait3A_308, %dma_wait3A_309] : memref<16384x32xf32, #tpu.memory_space<hbm>> -> memref<16384x32xf32, #tpu.memory_space<hbm>>
    tpu.wait_indirect_dma semaphore(%arg7 : memref<!tpu.dma_semaphore, #tpu.memory_space<semaphore_mem>>) src(%dma_wait3A_310 : memref<16384x32xf32, #tpu.memory_space<hbm>>) dst(%dma_wait3A_304 : memref<128x32xf32, #tpu.memory_space<vmem>>)
    %dma_wait3A_311 = arith.constant 15 : i32
    %dma_wait3A_312 = arith.constant 1920 : i32
    %dma_wait3A_313 = arith.constant 0 : i32
    %dma_wait3A_314 = tpu.memref_slice %arg6[%dma_wait3A_312, %dma_wait3A_313] : memref<2048x32xf32, #tpu.memory_space<vmem>> -> memref<128x32xf32, #tpu.memory_space<vmem>>
    %dma_wait3A_315 = arith.constant 0 : i32
    %dma_wait3A_316 = tpu.memref_slice %arg5[%dma_wait3A_311, %dma_wait3A_315] : memref<16x128xi32, #tpu.memory_space<vmem>> -> memref<1x128xi32, #tpu.memory_space<vmem>>
    %dma_wait3A_317 = tpu.memref_squeeze %dma_wait3A_316 : memref<1x128xi32, #tpu.memory_space<vmem>> -> memref<128xi32, #tpu.memory_space<vmem>>
    %dma_wait3A_318 = arith.constant 0 : i32
    %dma_wait3A_319 = arith.constant 0 : i32
    %dma_wait3A_320 = tpu.memref_slice %arg2[%dma_wait3A_318, %dma_wait3A_319] : memref<16384x32xf32, #tpu.memory_space<hbm>> -> memref<16384x32xf32, #tpu.memory_space<hbm>>
    tpu.wait_indirect_dma semaphore(%arg7 : memref<!tpu.dma_semaphore, #tpu.memory_space<semaphore_mem>>) src(%dma_wait3A_320 : memref<16384x32xf32, #tpu.memory_space<hbm>>) dst(%dma_wait3A_314 : memref<128x32xf32, #tpu.memory_space<vmem>>)
    %mul3A_321 = arith.constant 2048 : i32
    %mul3A_322 = arith.muli %add3A, %mul3A_321 : i32
    "tpu.region"() ({
      %run_scoped3A = tpu.sem_alloc : memref<!tpu.dma_semaphore, #tpu.memory_space<semaphore_mem>>
      %dma_start3A_323 = arith.constant 0 : i32
      %dma_start3A_324 = tpu.memref_slice %arg4[%mul3A_322, %dma_start3A_323] : memref<65536x32xf32, #tpu.memory_space<hbm>> -> memref<2048x32xf32, #tpu.memory_space<hbm>>
      %dma_start3A_325 = arith.constant 0 : i32
      %dma_start3A_326 = tpu.memref_slice %arg4[%mul3A_322, %dma_start3A_325] : memref<65536x32xf32, #tpu.memory_space<hbm>> -> memref<2048x32xf32, #tpu.memory_space<hbm>>
      tpu.enqueue_dma source(%arg6 : memref<2048x32xf32, #tpu.memory_space<vmem>>) target(%dma_start3A_326 : memref<2048x32xf32, #tpu.memory_space<hbm>>) target_semaphore(%run_scoped3A : memref<!tpu.dma_semaphore, #tpu.memory_space<semaphore_mem>>)
      %dma_wait3A_327 = arith.constant 0 : i32
      %dma_wait3A_328 = tpu.memref_slice %arg4[%mul3A_322, %dma_wait3A_327] : memref<65536x32xf32, #tpu.memory_space<hbm>> -> memref<2048x32xf32, #tpu.memory_space<hbm>>
      %dma_wait3A_329 = arith.constant 0 : i32
      %dma_wait3A_330 = tpu.memref_slice %arg4[%mul3A_322, %dma_wait3A_329] : memref<65536x32xf32, #tpu.memory_space<hbm>> -> memref<2048x32xf32, #tpu.memory_space<hbm>>
      tpu.wait_dma2 semaphore(%run_scoped3A : memref<!tpu.dma_semaphore, #tpu.memory_space<semaphore_mem>>) src(%arg6 : memref<2048x32xf32, #tpu.memory_space<vmem>>) dst(%dma_wait3A_330 : memref<2048x32xf32, #tpu.memory_space<hbm>>)
      tpu.yield
    }) : () -> ()
    return
  }
}

module attributes {stable_mosaic.version = 14 : i64} {
  func.func @_knn_body(%arg0: i32, %arg1: i32, %arg2: memref<1x3x8192xf32, #tpu.memory_space<vmem>>, %arg3: memref<1x3x1024xf32, #tpu.memory_space<vmem>>, %arg4: memref<1x3x256xf32, #tpu.memory_space<vmem>>, %arg5: memref<1x16x1024xf32, #tpu.memory_space<vmem>>, %arg6: memref<3x32xf32, #tpu.memory_space<vmem>>, %arg7: memref<16x32xf32, #tpu.memory_space<vmem>>, %arg8: memref<1x32xf32, #tpu.memory_space<vmem>>, %arg9: memref<1x256x16xi32, #tpu.memory_space<vmem>>, %arg10: memref<1x1024x32xf32, #tpu.memory_space<vmem>>, %arg11: memref<1x256x32xf32, #tpu.memory_space<vmem>>) attributes {dimension_semantics = [#tpu.dimension_semantics<arbitrary>, #tpu.dimension_semantics<arbitrary>], iteration_bounds = array<i64: 2, 8>, scalar_prefetch = 0 : i64, scratch_operands = 0 : i64, tpu.core_type = #tpu.core_type<tc>, window_params = [{transform_indices = @transform_0, window_bounds = array<i64: 1, 3, 8192>}, {transform_indices = @transform_1, window_bounds = array<i64: 1, 3, 1024>}, {transform_indices = @transform_2, window_bounds = array<i64: 1, 3, 256>}, {transform_indices = @transform_3, window_bounds = array<i64: 1, 16, 1024>}, {pipeline_mode = #tpu.pipeline_mode<synchronous>, transform_indices = @transform_4, window_bounds = array<i64: 3, 32>}, {pipeline_mode = #tpu.pipeline_mode<synchronous>, transform_indices = @transform_5, window_bounds = array<i64: 16, 32>}, {pipeline_mode = #tpu.pipeline_mode<synchronous>, transform_indices = @transform_6, window_bounds = array<i64: 1, 32>}, {transform_indices = @transform_7, window_bounds = array<i64: 1, 256, 16>}, {transform_indices = @transform_8, window_bounds = array<i64: 1, 1024, 32>}, {transform_indices = @transform_9, window_bounds = array<i64: 1, 256, 32>}]} {
    %get3A = arith.constant 0 : index
    %get3A_0 = arith.constant 0 : index
    %get3A_1 = arith.constant 0 : index
    %get3A_2 = vector.load %arg2[%get3A, %get3A_0, %get3A_1] : memref<1x3x8192xf32, #tpu.memory_space<vmem>>, vector<1x3x8192xf32>
    %get3A_3 = vector.shape_cast %get3A_2 : vector<1x3x8192xf32> to vector<3x8192xf32>
    %get3A_4 = arith.constant 0 : index
    %get3A_5 = arith.constant 0 : index
    %get3A_6 = arith.constant 0 : index
    %get3A_7 = vector.load %arg4[%get3A_4, %get3A_5, %get3A_6] : memref<1x3x256xf32, #tpu.memory_space<vmem>>, vector<1x3x256xf32>
    %get3A_8 = vector.shape_cast %get3A_7 : vector<1x3x256xf32> to vector<3x256xf32>
    %dot_general3A = arith.constant dense<0.000000e+00> : vector<256x8192xf32>
    %dot_general3A_9 = tpu.matmul %get3A_8, %get3A_3, %dot_general3A {dimension_numbers = #tpu.dot_dimension_numbers<[0], [0], [1], [1], [0, 1, 1, 1], [], []>, transpose_lhs_hint = false} : vector<3x256xf32>, vector<3x8192xf32>, vector<256x8192xf32> -> vector<256x8192xf32>
    %mul3A = arith.mulf %get3A_3, %get3A_3 : vector<3x8192xf32>
    %reduce_sum3A = arith.constant dense<0.000000e+00> : vector<8192xf32>
    %reduce_sum3A_10 = vector.multi_reduction <add>, %mul3A, %reduce_sum3A [0] : vector<3x8192xf32> to vector<8192xf32>
    %broadcast_in_dim3A = vector.shape_cast %reduce_sum3A_10 : vector<8192xf32> to vector<1x8192xf32>
    %mul3A_11 = arith.constant 2.000000e+00 : f32
    %mul3A_12 = vector.broadcast %mul3A_11 : f32 to vector<256x8192xf32>
    %mul3A_13 = arith.mulf %mul3A_12, %dot_general3A_9 : vector<256x8192xf32>
    %sub3A = vector.broadcast %broadcast_in_dim3A : vector<1x8192xf32> to vector<256x8192xf32>
    %sub3A_14 = arith.subf %sub3A, %mul3A_13 : vector<256x8192xf32>
    %slice3A = vector.extract_strided_slice %sub3A_14 {offsets = [0, 0], sizes = [256, 1024], strides = [1, 1]} : vector<256x8192xf32> to vector<256x1024xf32>
    %slice3A_15 = vector.extract_strided_slice %sub3A_14 {offsets = [0, 1024], sizes = [256, 1024], strides = [1, 1]} : vector<256x8192xf32> to vector<256x1024xf32>
    %slice3A_16 = vector.extract_strided_slice %sub3A_14 {offsets = [0, 2048], sizes = [256, 1024], strides = [1, 1]} : vector<256x8192xf32> to vector<256x1024xf32>
    %slice3A_17 = vector.extract_strided_slice %sub3A_14 {offsets = [0, 3072], sizes = [256, 1024], strides = [1, 1]} : vector<256x8192xf32> to vector<256x1024xf32>
    %slice3A_18 = vector.extract_strided_slice %sub3A_14 {offsets = [0, 4096], sizes = [256, 1024], strides = [1, 1]} : vector<256x8192xf32> to vector<256x1024xf32>
    %slice3A_19 = vector.extract_strided_slice %sub3A_14 {offsets = [0, 5120], sizes = [256, 1024], strides = [1, 1]} : vector<256x8192xf32> to vector<256x1024xf32>
    %slice3A_20 = vector.extract_strided_slice %sub3A_14 {offsets = [0, 6144], sizes = [256, 1024], strides = [1, 1]} : vector<256x8192xf32> to vector<256x1024xf32>
    %slice3A_21 = vector.extract_strided_slice %sub3A_14 {offsets = [0, 7168], sizes = [256, 1024], strides = [1, 1]} : vector<256x8192xf32> to vector<256x1024xf32>
    %iota3A = tpu.iota {dimensions = array<i32: 1>} : vector<256x1024xi32>
    %lt3A = arith.cmpf olt, %slice3A_15, %slice3A : vector<256x1024xf32>
    %select_n3A = arith.select %lt3A, %slice3A_15, %slice3A : vector<256x1024xi1>, vector<256x1024xf32>
    %add3A = arith.constant 1024 : i32
    %add3A_22 = vector.broadcast %add3A : i32 to vector<256x1024xi32>
    %add3A_23 = arith.addi %add3A_22, %iota3A : vector<256x1024xi32>
    %select_n3A_24 = arith.select %lt3A, %add3A_23, %iota3A : vector<256x1024xi1>, vector<256x1024xi32>
    %lt3A_25 = arith.cmpf olt, %slice3A_16, %select_n3A : vector<256x1024xf32>
    %select_n3A_26 = arith.select %lt3A_25, %slice3A_16, %select_n3A : vector<256x1024xi1>, vector<256x1024xf32>
    %add3A_27 = arith.constant 2048 : i32
    %add3A_28 = vector.broadcast %add3A_27 : i32 to vector<256x1024xi32>
    %add3A_29 = arith.addi %add3A_28, %iota3A : vector<256x1024xi32>
    %select_n3A_30 = arith.select %lt3A_25, %add3A_29, %select_n3A_24 : vector<256x1024xi1>, vector<256x1024xi32>
    %lt3A_31 = arith.cmpf olt, %slice3A_17, %select_n3A_26 : vector<256x1024xf32>
    %select_n3A_32 = arith.select %lt3A_31, %slice3A_17, %select_n3A_26 : vector<256x1024xi1>, vector<256x1024xf32>
    %add3A_33 = arith.constant 3072 : i32
    %add3A_34 = vector.broadcast %add3A_33 : i32 to vector<256x1024xi32>
    %add3A_35 = arith.addi %add3A_34, %iota3A : vector<256x1024xi32>
    %select_n3A_36 = arith.select %lt3A_31, %add3A_35, %select_n3A_30 : vector<256x1024xi1>, vector<256x1024xi32>
    %lt3A_37 = arith.cmpf olt, %slice3A_18, %select_n3A_32 : vector<256x1024xf32>
    %select_n3A_38 = arith.select %lt3A_37, %slice3A_18, %select_n3A_32 : vector<256x1024xi1>, vector<256x1024xf32>
    %add3A_39 = arith.constant 4096 : i32
    %add3A_40 = vector.broadcast %add3A_39 : i32 to vector<256x1024xi32>
    %add3A_41 = arith.addi %add3A_40, %iota3A : vector<256x1024xi32>
    %select_n3A_42 = arith.select %lt3A_37, %add3A_41, %select_n3A_36 : vector<256x1024xi1>, vector<256x1024xi32>
    %lt3A_43 = arith.cmpf olt, %slice3A_19, %select_n3A_38 : vector<256x1024xf32>
    %select_n3A_44 = arith.select %lt3A_43, %slice3A_19, %select_n3A_38 : vector<256x1024xi1>, vector<256x1024xf32>
    %add3A_45 = arith.constant 5120 : i32
    %add3A_46 = vector.broadcast %add3A_45 : i32 to vector<256x1024xi32>
    %add3A_47 = arith.addi %add3A_46, %iota3A : vector<256x1024xi32>
    %select_n3A_48 = arith.select %lt3A_43, %add3A_47, %select_n3A_42 : vector<256x1024xi1>, vector<256x1024xi32>
    %lt3A_49 = arith.cmpf olt, %slice3A_20, %select_n3A_44 : vector<256x1024xf32>
    %select_n3A_50 = arith.select %lt3A_49, %slice3A_20, %select_n3A_44 : vector<256x1024xi1>, vector<256x1024xf32>
    %add3A_51 = arith.constant 6144 : i32
    %add3A_52 = vector.broadcast %add3A_51 : i32 to vector<256x1024xi32>
    %add3A_53 = arith.addi %add3A_52, %iota3A : vector<256x1024xi32>
    %select_n3A_54 = arith.select %lt3A_49, %add3A_53, %select_n3A_48 : vector<256x1024xi1>, vector<256x1024xi32>
    %lt3A_55 = arith.cmpf olt, %slice3A_21, %select_n3A_50 : vector<256x1024xf32>
    %select_n3A_56 = arith.select %lt3A_55, %slice3A_21, %select_n3A_50 : vector<256x1024xi1>, vector<256x1024xf32>
    %add3A_57 = arith.constant 7168 : i32
    %add3A_58 = vector.broadcast %add3A_57 : i32 to vector<256x1024xi32>
    %add3A_59 = arith.addi %add3A_58, %iota3A : vector<256x1024xi32>
    %select_n3A_60 = arith.select %lt3A_55, %add3A_59, %select_n3A_54 : vector<256x1024xi1>, vector<256x1024xi32>
    %iota3A_61 = tpu.iota {dimensions = array<i32: 1>} : vector<256x128xi32>
    %iota3A_62 = tpu.iota {dimensions = array<i32: 1>} : vector<256x16xi32>
    %broadcast_in_dim3A_63 = arith.constant 0x7F800000 : f32
    %broadcast_in_dim3A_64 = vector.broadcast %broadcast_in_dim3A_63 : f32 to vector<256x128xf32>
    %broadcast_in_dim3A_65 = arith.constant 1073741824 : i32
    %broadcast_in_dim3A_66 = vector.broadcast %broadcast_in_dim3A_65 : i32 to vector<256x128xi32>
    %reduce_min3A = arith.constant dense<0x7F800000> : vector<256xf32>
    %reduce_min3A_67 = vector.multi_reduction <minimumf>, %select_n3A_56, %reduce_min3A [1] : vector<256x1024xf32> to vector<256xf32>
    %broadcast_in_dim3A_68 = vector.shape_cast %reduce_min3A_67 : vector<256xf32> to vector<256x1xf32>
    %eq3A = vector.broadcast %broadcast_in_dim3A_68 : vector<256x1xf32> to vector<256x1024xf32>
    %eq3A_69 = arith.cmpf oeq, %select_n3A_56, %eq3A : vector<256x1024xf32>
    %jit3A = arith.constant 1073741824 : i32
    %broadcast_in_dim3A_70 = vector.broadcast %jit3A : i32 to vector<256x1024xi32>
    %select_n3A_71 = arith.select %eq3A_69, %select_n3A_60, %broadcast_in_dim3A_70 : vector<256x1024xi1>, vector<256x1024xi32>
    %reduce_min3A_72 = arith.constant dense<2147483647> : vector<256xi32>
    %reduce_min3A_73 = vector.multi_reduction <minsi>, %select_n3A_71, %reduce_min3A_72 [1] : vector<256x1024xi32> to vector<256xi32>
    %broadcast_in_dim3A_74 = vector.shape_cast %reduce_min3A_73 : vector<256xi32> to vector<256x1xi32>
    %and3A = arith.constant 1023 : i32
    %and3A_75 = vector.broadcast %and3A : i32 to vector<256x1xi32>
    %and3A_76 = arith.andi %broadcast_in_dim3A_74, %and3A_75 : vector<256x1xi32>
    %eq3A_77 = vector.broadcast %and3A_76 : vector<256x1xi32> to vector<256x1024xi32>
    %eq3A_78 = arith.cmpi eq, %iota3A, %eq3A_77 : vector<256x1024xi32>
    %jit3A_79 = arith.constant 0x7F800000 : f32
    %broadcast_in_dim3A_80 = vector.broadcast %jit3A_79 : f32 to vector<256x1024xf32>
    %select_n3A_81 = arith.select %eq3A_78, %slice3A, %broadcast_in_dim3A_80 : vector<256x1024xi1>, vector<256x1024xf32>
    %reduce_min3A_82 = arith.constant dense<0x7F800000> : vector<256xf32>
    %reduce_min3A_83 = vector.multi_reduction <minimumf>, %select_n3A_81, %reduce_min3A_82 [1] : vector<256x1024xf32> to vector<256xf32>
    %broadcast_in_dim3A_84 = vector.shape_cast %reduce_min3A_83 : vector<256xf32> to vector<256x1xf32>
    %eq3A_85 = arith.constant 0 : i32
    %eq3A_86 = vector.broadcast %eq3A_85 : i32 to vector<256x128xi32>
    %eq3A_87 = arith.cmpi eq, %iota3A_61, %eq3A_86 : vector<256x128xi32>
    %broadcast_in_dim3A_88 = vector.shape_cast %broadcast_in_dim3A_84 : vector<256x1xf32> to vector<256x1xf32>
    %broadcast_in_dim3A_89 = vector.broadcast %broadcast_in_dim3A_88 : vector<256x1xf32> to vector<256x128xf32>
    %select_n3A_90 = arith.select %eq3A_87, %broadcast_in_dim3A_89, %broadcast_in_dim3A_64 : vector<256x128xi1>, vector<256x128xf32>
    %eq3A_91 = arith.constant 0 : i32
    %eq3A_92 = vector.broadcast %eq3A_91 : i32 to vector<256x128xi32>
    %eq3A_93 = arith.cmpi eq, %iota3A_61, %eq3A_92 : vector<256x128xi32>
    %add3A_94 = arith.constant 0 : i32
    %add3A_95 = vector.broadcast %add3A_94 : i32 to vector<256x1xi32>
    %add3A_96 = arith.addi %add3A_95, %and3A_76 : vector<256x1xi32>
    %broadcast_in_dim3A_97 = vector.shape_cast %add3A_96 : vector<256x1xi32> to vector<256x1xi32>
    %broadcast_in_dim3A_98 = vector.broadcast %broadcast_in_dim3A_97 : vector<256x1xi32> to vector<256x128xi32>
    %select_n3A_99 = arith.select %eq3A_93, %broadcast_in_dim3A_98, %broadcast_in_dim3A_66 : vector<256x128xi1>, vector<256x128xi32>
    %jit3A_100 = arith.constant 0x7F800000 : f32
    %broadcast_in_dim3A_101 = vector.broadcast %jit3A_100 : f32 to vector<256x1024xf32>
    %select_n3A_102 = arith.select %eq3A_78, %slice3A_15, %broadcast_in_dim3A_101 : vector<256x1024xi1>, vector<256x1024xf32>
    %reduce_min3A_103 = arith.constant dense<0x7F800000> : vector<256xf32>
    %reduce_min3A_104 = vector.multi_reduction <minimumf>, %select_n3A_102, %reduce_min3A_103 [1] : vector<256x1024xf32> to vector<256xf32>
    %broadcast_in_dim3A_105 = vector.shape_cast %reduce_min3A_104 : vector<256xf32> to vector<256x1xf32>
    %eq3A_106 = arith.constant 1 : i32
    %eq3A_107 = vector.broadcast %eq3A_106 : i32 to vector<256x128xi32>
    %eq3A_108 = arith.cmpi eq, %iota3A_61, %eq3A_107 : vector<256x128xi32>
    %broadcast_in_dim3A_109 = vector.shape_cast %broadcast_in_dim3A_105 : vector<256x1xf32> to vector<256x1xf32>
    %broadcast_in_dim3A_110 = vector.broadcast %broadcast_in_dim3A_109 : vector<256x1xf32> to vector<256x128xf32>
    %select_n3A_111 = arith.select %eq3A_108, %broadcast_in_dim3A_110, %select_n3A_90 : vector<256x128xi1>, vector<256x128xf32>
    %eq3A_112 = arith.constant 1 : i32
    %eq3A_113 = vector.broadcast %eq3A_112 : i32 to vector<256x128xi32>
    %eq3A_114 = arith.cmpi eq, %iota3A_61, %eq3A_113 : vector<256x128xi32>
    %add3A_115 = arith.constant 1024 : i32
    %add3A_116 = vector.broadcast %add3A_115 : i32 to vector<256x1xi32>
    %add3A_117 = arith.addi %add3A_116, %and3A_76 : vector<256x1xi32>
    %broadcast_in_dim3A_118 = vector.shape_cast %add3A_117 : vector<256x1xi32> to vector<256x1xi32>
    %broadcast_in_dim3A_119 = vector.broadcast %broadcast_in_dim3A_118 : vector<256x1xi32> to vector<256x128xi32>
    %select_n3A_120 = arith.select %eq3A_114, %broadcast_in_dim3A_119, %select_n3A_99 : vector<256x128xi1>, vector<256x128xi32>
    %jit3A_121 = arith.constant 0x7F800000 : f32
    %broadcast_in_dim3A_122 = vector.broadcast %jit3A_121 : f32 to vector<256x1024xf32>
    %select_n3A_123 = arith.select %eq3A_78, %slice3A_16, %broadcast_in_dim3A_122 : vector<256x1024xi1>, vector<256x1024xf32>
    %reduce_min3A_124 = arith.constant dense<0x7F800000> : vector<256xf32>
    %reduce_min3A_125 = vector.multi_reduction <minimumf>, %select_n3A_123, %reduce_min3A_124 [1] : vector<256x1024xf32> to vector<256xf32>
    %broadcast_in_dim3A_126 = vector.shape_cast %reduce_min3A_125 : vector<256xf32> to vector<256x1xf32>
    %eq3A_127 = arith.constant 2 : i32
    %eq3A_128 = vector.broadcast %eq3A_127 : i32 to vector<256x128xi32>
    %eq3A_129 = arith.cmpi eq, %iota3A_61, %eq3A_128 : vector<256x128xi32>
    %broadcast_in_dim3A_130 = vector.shape_cast %broadcast_in_dim3A_126 : vector<256x1xf32> to vector<256x1xf32>
    %broadcast_in_dim3A_131 = vector.broadcast %broadcast_in_dim3A_130 : vector<256x1xf32> to vector<256x128xf32>
    %select_n3A_132 = arith.select %eq3A_129, %broadcast_in_dim3A_131, %select_n3A_111 : vector<256x128xi1>, vector<256x128xf32>
    %eq3A_133 = arith.constant 2 : i32
    %eq3A_134 = vector.broadcast %eq3A_133 : i32 to vector<256x128xi32>
    %eq3A_135 = arith.cmpi eq, %iota3A_61, %eq3A_134 : vector<256x128xi32>
    %add3A_136 = arith.constant 2048 : i32
    %add3A_137 = vector.broadcast %add3A_136 : i32 to vector<256x1xi32>
    %add3A_138 = arith.addi %add3A_137, %and3A_76 : vector<256x1xi32>
    %broadcast_in_dim3A_139 = vector.shape_cast %add3A_138 : vector<256x1xi32> to vector<256x1xi32>
    %broadcast_in_dim3A_140 = vector.broadcast %broadcast_in_dim3A_139 : vector<256x1xi32> to vector<256x128xi32>
    %select_n3A_141 = arith.select %eq3A_135, %broadcast_in_dim3A_140, %select_n3A_120 : vector<256x128xi1>, vector<256x128xi32>
    %jit3A_142 = arith.constant 0x7F800000 : f32
    %broadcast_in_dim3A_143 = vector.broadcast %jit3A_142 : f32 to vector<256x1024xf32>
    %select_n3A_144 = arith.select %eq3A_78, %slice3A_17, %broadcast_in_dim3A_143 : vector<256x1024xi1>, vector<256x1024xf32>
    %reduce_min3A_145 = arith.constant dense<0x7F800000> : vector<256xf32>
    %reduce_min3A_146 = vector.multi_reduction <minimumf>, %select_n3A_144, %reduce_min3A_145 [1] : vector<256x1024xf32> to vector<256xf32>
    %broadcast_in_dim3A_147 = vector.shape_cast %reduce_min3A_146 : vector<256xf32> to vector<256x1xf32>
    %eq3A_148 = arith.constant 3 : i32
    %eq3A_149 = vector.broadcast %eq3A_148 : i32 to vector<256x128xi32>
    %eq3A_150 = arith.cmpi eq, %iota3A_61, %eq3A_149 : vector<256x128xi32>
    %broadcast_in_dim3A_151 = vector.shape_cast %broadcast_in_dim3A_147 : vector<256x1xf32> to vector<256x1xf32>
    %broadcast_in_dim3A_152 = vector.broadcast %broadcast_in_dim3A_151 : vector<256x1xf32> to vector<256x128xf32>
    %select_n3A_153 = arith.select %eq3A_150, %broadcast_in_dim3A_152, %select_n3A_132 : vector<256x128xi1>, vector<256x128xf32>
    %eq3A_154 = arith.constant 3 : i32
    %eq3A_155 = vector.broadcast %eq3A_154 : i32 to vector<256x128xi32>
    %eq3A_156 = arith.cmpi eq, %iota3A_61, %eq3A_155 : vector<256x128xi32>
    %add3A_157 = arith.constant 3072 : i32
    %add3A_158 = vector.broadcast %add3A_157 : i32 to vector<256x1xi32>
    %add3A_159 = arith.addi %add3A_158, %and3A_76 : vector<256x1xi32>
    %broadcast_in_dim3A_160 = vector.shape_cast %add3A_159 : vector<256x1xi32> to vector<256x1xi32>
    %broadcast_in_dim3A_161 = vector.broadcast %broadcast_in_dim3A_160 : vector<256x1xi32> to vector<256x128xi32>
    %select_n3A_162 = arith.select %eq3A_156, %broadcast_in_dim3A_161, %select_n3A_141 : vector<256x128xi1>, vector<256x128xi32>
    %jit3A_163 = arith.constant 0x7F800000 : f32
    %broadcast_in_dim3A_164 = vector.broadcast %jit3A_163 : f32 to vector<256x1024xf32>
    %select_n3A_165 = arith.select %eq3A_78, %slice3A_18, %broadcast_in_dim3A_164 : vector<256x1024xi1>, vector<256x1024xf32>
    %reduce_min3A_166 = arith.constant dense<0x7F800000> : vector<256xf32>
    %reduce_min3A_167 = vector.multi_reduction <minimumf>, %select_n3A_165, %reduce_min3A_166 [1] : vector<256x1024xf32> to vector<256xf32>
    %broadcast_in_dim3A_168 = vector.shape_cast %reduce_min3A_167 : vector<256xf32> to vector<256x1xf32>
    %eq3A_169 = arith.constant 4 : i32
    %eq3A_170 = vector.broadcast %eq3A_169 : i32 to vector<256x128xi32>
    %eq3A_171 = arith.cmpi eq, %iota3A_61, %eq3A_170 : vector<256x128xi32>
    %broadcast_in_dim3A_172 = vector.shape_cast %broadcast_in_dim3A_168 : vector<256x1xf32> to vector<256x1xf32>
    %broadcast_in_dim3A_173 = vector.broadcast %broadcast_in_dim3A_172 : vector<256x1xf32> to vector<256x128xf32>
    %select_n3A_174 = arith.select %eq3A_171, %broadcast_in_dim3A_173, %select_n3A_153 : vector<256x128xi1>, vector<256x128xf32>
    %eq3A_175 = arith.constant 4 : i32
    %eq3A_176 = vector.broadcast %eq3A_175 : i32 to vector<256x128xi32>
    %eq3A_177 = arith.cmpi eq, %iota3A_61, %eq3A_176 : vector<256x128xi32>
    %add3A_178 = arith.constant 4096 : i32
    %add3A_179 = vector.broadcast %add3A_178 : i32 to vector<256x1xi32>
    %add3A_180 = arith.addi %add3A_179, %and3A_76 : vector<256x1xi32>
    %broadcast_in_dim3A_181 = vector.shape_cast %add3A_180 : vector<256x1xi32> to vector<256x1xi32>
    %broadcast_in_dim3A_182 = vector.broadcast %broadcast_in_dim3A_181 : vector<256x1xi32> to vector<256x128xi32>
    %select_n3A_183 = arith.select %eq3A_177, %broadcast_in_dim3A_182, %select_n3A_162 : vector<256x128xi1>, vector<256x128xi32>
    %jit3A_184 = arith.constant 0x7F800000 : f32
    %broadcast_in_dim3A_185 = vector.broadcast %jit3A_184 : f32 to vector<256x1024xf32>
    %select_n3A_186 = arith.select %eq3A_78, %slice3A_19, %broadcast_in_dim3A_185 : vector<256x1024xi1>, vector<256x1024xf32>
    %reduce_min3A_187 = arith.constant dense<0x7F800000> : vector<256xf32>
    %reduce_min3A_188 = vector.multi_reduction <minimumf>, %select_n3A_186, %reduce_min3A_187 [1] : vector<256x1024xf32> to vector<256xf32>
    %broadcast_in_dim3A_189 = vector.shape_cast %reduce_min3A_188 : vector<256xf32> to vector<256x1xf32>
    %eq3A_190 = arith.constant 5 : i32
    %eq3A_191 = vector.broadcast %eq3A_190 : i32 to vector<256x128xi32>
    %eq3A_192 = arith.cmpi eq, %iota3A_61, %eq3A_191 : vector<256x128xi32>
    %broadcast_in_dim3A_193 = vector.shape_cast %broadcast_in_dim3A_189 : vector<256x1xf32> to vector<256x1xf32>
    %broadcast_in_dim3A_194 = vector.broadcast %broadcast_in_dim3A_193 : vector<256x1xf32> to vector<256x128xf32>
    %select_n3A_195 = arith.select %eq3A_192, %broadcast_in_dim3A_194, %select_n3A_174 : vector<256x128xi1>, vector<256x128xf32>
    %eq3A_196 = arith.constant 5 : i32
    %eq3A_197 = vector.broadcast %eq3A_196 : i32 to vector<256x128xi32>
    %eq3A_198 = arith.cmpi eq, %iota3A_61, %eq3A_197 : vector<256x128xi32>
    %add3A_199 = arith.constant 5120 : i32
    %add3A_200 = vector.broadcast %add3A_199 : i32 to vector<256x1xi32>
    %add3A_201 = arith.addi %add3A_200, %and3A_76 : vector<256x1xi32>
    %broadcast_in_dim3A_202 = vector.shape_cast %add3A_201 : vector<256x1xi32> to vector<256x1xi32>
    %broadcast_in_dim3A_203 = vector.broadcast %broadcast_in_dim3A_202 : vector<256x1xi32> to vector<256x128xi32>
    %select_n3A_204 = arith.select %eq3A_198, %broadcast_in_dim3A_203, %select_n3A_183 : vector<256x128xi1>, vector<256x128xi32>
    %jit3A_205 = arith.constant 0x7F800000 : f32
    %broadcast_in_dim3A_206 = vector.broadcast %jit3A_205 : f32 to vector<256x1024xf32>
    %select_n3A_207 = arith.select %eq3A_78, %slice3A_20, %broadcast_in_dim3A_206 : vector<256x1024xi1>, vector<256x1024xf32>
    %reduce_min3A_208 = arith.constant dense<0x7F800000> : vector<256xf32>
    %reduce_min3A_209 = vector.multi_reduction <minimumf>, %select_n3A_207, %reduce_min3A_208 [1] : vector<256x1024xf32> to vector<256xf32>
    %broadcast_in_dim3A_210 = vector.shape_cast %reduce_min3A_209 : vector<256xf32> to vector<256x1xf32>
    %eq3A_211 = arith.constant 6 : i32
    %eq3A_212 = vector.broadcast %eq3A_211 : i32 to vector<256x128xi32>
    %eq3A_213 = arith.cmpi eq, %iota3A_61, %eq3A_212 : vector<256x128xi32>
    %broadcast_in_dim3A_214 = vector.shape_cast %broadcast_in_dim3A_210 : vector<256x1xf32> to vector<256x1xf32>
    %broadcast_in_dim3A_215 = vector.broadcast %broadcast_in_dim3A_214 : vector<256x1xf32> to vector<256x128xf32>
    %select_n3A_216 = arith.select %eq3A_213, %broadcast_in_dim3A_215, %select_n3A_195 : vector<256x128xi1>, vector<256x128xf32>
    %eq3A_217 = arith.constant 6 : i32
    %eq3A_218 = vector.broadcast %eq3A_217 : i32 to vector<256x128xi32>
    %eq3A_219 = arith.cmpi eq, %iota3A_61, %eq3A_218 : vector<256x128xi32>
    %add3A_220 = arith.constant 6144 : i32
    %add3A_221 = vector.broadcast %add3A_220 : i32 to vector<256x1xi32>
    %add3A_222 = arith.addi %add3A_221, %and3A_76 : vector<256x1xi32>
    %broadcast_in_dim3A_223 = vector.shape_cast %add3A_222 : vector<256x1xi32> to vector<256x1xi32>
    %broadcast_in_dim3A_224 = vector.broadcast %broadcast_in_dim3A_223 : vector<256x1xi32> to vector<256x128xi32>
    %select_n3A_225 = arith.select %eq3A_219, %broadcast_in_dim3A_224, %select_n3A_204 : vector<256x128xi1>, vector<256x128xi32>
    %jit3A_226 = arith.constant 0x7F800000 : f32
    %broadcast_in_dim3A_227 = vector.broadcast %jit3A_226 : f32 to vector<256x1024xf32>
    %select_n3A_228 = arith.select %eq3A_78, %slice3A_21, %broadcast_in_dim3A_227 : vector<256x1024xi1>, vector<256x1024xf32>
    %reduce_min3A_229 = arith.constant dense<0x7F800000> : vector<256xf32>
    %reduce_min3A_230 = vector.multi_reduction <minimumf>, %select_n3A_228, %reduce_min3A_229 [1] : vector<256x1024xf32> to vector<256xf32>
    %broadcast_in_dim3A_231 = vector.shape_cast %reduce_min3A_230 : vector<256xf32> to vector<256x1xf32>
    %eq3A_232 = arith.constant 7 : i32
    %eq3A_233 = vector.broadcast %eq3A_232 : i32 to vector<256x128xi32>
    %eq3A_234 = arith.cmpi eq, %iota3A_61, %eq3A_233 : vector<256x128xi32>
    %broadcast_in_dim3A_235 = vector.shape_cast %broadcast_in_dim3A_231 : vector<256x1xf32> to vector<256x1xf32>
    %broadcast_in_dim3A_236 = vector.broadcast %broadcast_in_dim3A_235 : vector<256x1xf32> to vector<256x128xf32>
    %select_n3A_237 = arith.select %eq3A_234, %broadcast_in_dim3A_236, %select_n3A_216 : vector<256x128xi1>, vector<256x128xf32>
    %eq3A_238 = arith.constant 7 : i32
    %eq3A_239 = vector.broadcast %eq3A_238 : i32 to vector<256x128xi32>
    %eq3A_240 = arith.cmpi eq, %iota3A_61, %eq3A_239 : vector<256x128xi32>
    %add3A_241 = arith.constant 7168 : i32
    %add3A_242 = vector.broadcast %add3A_241 : i32 to vector<256x1xi32>
    %add3A_243 = arith.addi %add3A_242, %and3A_76 : vector<256x1xi32>
    %broadcast_in_dim3A_244 = vector.shape_cast %add3A_243 : vector<256x1xi32> to vector<256x1xi32>
    %broadcast_in_dim3A_245 = vector.broadcast %broadcast_in_dim3A_244 : vector<256x1xi32> to vector<256x128xi32>
    %select_n3A_246 = arith.select %eq3A_240, %broadcast_in_dim3A_245, %select_n3A_225 : vector<256x128xi1>, vector<256x128xi32>
    %jit3A_247 = arith.constant 0x7F800000 : f32
    %broadcast_in_dim3A_248 = vector.broadcast %jit3A_247 : f32 to vector<256x1024xf32>
    %select_n3A_249 = arith.select %eq3A_78, %broadcast_in_dim3A_248, %select_n3A_56 : vector<256x1024xi1>, vector<256x1024xf32>
    %reduce_min3A_250 = arith.constant dense<0x7F800000> : vector<256xf32>
    %reduce_min3A_251 = vector.multi_reduction <minimumf>, %select_n3A_249, %reduce_min3A_250 [1] : vector<256x1024xf32> to vector<256xf32>
    %broadcast_in_dim3A_252 = vector.shape_cast %reduce_min3A_251 : vector<256xf32> to vector<256x1xf32>
    %eq3A_253 = vector.broadcast %broadcast_in_dim3A_252 : vector<256x1xf32> to vector<256x1024xf32>
    %eq3A_254 = arith.cmpf oeq, %select_n3A_249, %eq3A_253 : vector<256x1024xf32>
    %jit3A_255 = arith.constant 1073741824 : i32
    %broadcast_in_dim3A_256 = vector.broadcast %jit3A_255 : i32 to vector<256x1024xi32>
    %select_n3A_257 = arith.select %eq3A_254, %select_n3A_60, %broadcast_in_dim3A_256 : vector<256x1024xi1>, vector<256x1024xi32>
    %reduce_min3A_258 = arith.constant dense<2147483647> : vector<256xi32>
    %reduce_min3A_259 = vector.multi_reduction <minsi>, %select_n3A_257, %reduce_min3A_258 [1] : vector<256x1024xi32> to vector<256xi32>
    %broadcast_in_dim3A_260 = vector.shape_cast %reduce_min3A_259 : vector<256xi32> to vector<256x1xi32>
    %and3A_261 = arith.constant 1023 : i32
    %and3A_262 = vector.broadcast %and3A_261 : i32 to vector<256x1xi32>
    %and3A_263 = arith.andi %broadcast_in_dim3A_260, %and3A_262 : vector<256x1xi32>
    %eq3A_264 = vector.broadcast %and3A_263 : vector<256x1xi32> to vector<256x1024xi32>
    %eq3A_265 = arith.cmpi eq, %iota3A, %eq3A_264 : vector<256x1024xi32>
    %jit3A_266 = arith.constant 0x7F800000 : f32
    %broadcast_in_dim3A_267 = vector.broadcast %jit3A_266 : f32 to vector<256x1024xf32>
    %select_n3A_268 = arith.select %eq3A_265, %slice3A, %broadcast_in_dim3A_267 : vector<256x1024xi1>, vector<256x1024xf32>
    %reduce_min3A_269 = arith.constant dense<0x7F800000> : vector<256xf32>
    %reduce_min3A_270 = vector.multi_reduction <minimumf>, %select_n3A_268, %reduce_min3A_269 [1] : vector<256x1024xf32> to vector<256xf32>
    %broadcast_in_dim3A_271 = vector.shape_cast %reduce_min3A_270 : vector<256xf32> to vector<256x1xf32>
    %eq3A_272 = arith.constant 8 : i32
    %eq3A_273 = vector.broadcast %eq3A_272 : i32 to vector<256x128xi32>
    %eq3A_274 = arith.cmpi eq, %iota3A_61, %eq3A_273 : vector<256x128xi32>
    %broadcast_in_dim3A_275 = vector.shape_cast %broadcast_in_dim3A_271 : vector<256x1xf32> to vector<256x1xf32>
    %broadcast_in_dim3A_276 = vector.broadcast %broadcast_in_dim3A_275 : vector<256x1xf32> to vector<256x128xf32>
    %select_n3A_277 = arith.select %eq3A_274, %broadcast_in_dim3A_276, %select_n3A_237 : vector<256x128xi1>, vector<256x128xf32>
    %eq3A_278 = arith.constant 8 : i32
    %eq3A_279 = vector.broadcast %eq3A_278 : i32 to vector<256x128xi32>
    %eq3A_280 = arith.cmpi eq, %iota3A_61, %eq3A_279 : vector<256x128xi32>
    %add3A_281 = arith.constant 0 : i32
    %add3A_282 = vector.broadcast %add3A_281 : i32 to vector<256x1xi32>
    %add3A_283 = arith.addi %add3A_282, %and3A_263 : vector<256x1xi32>
    %broadcast_in_dim3A_284 = vector.shape_cast %add3A_283 : vector<256x1xi32> to vector<256x1xi32>
    %broadcast_in_dim3A_285 = vector.broadcast %broadcast_in_dim3A_284 : vector<256x1xi32> to vector<256x128xi32>
    %select_n3A_286 = arith.select %eq3A_280, %broadcast_in_dim3A_285, %select_n3A_246 : vector<256x128xi1>, vector<256x128xi32>
    %jit3A_287 = arith.constant 0x7F800000 : f32
    %broadcast_in_dim3A_288 = vector.broadcast %jit3A_287 : f32 to vector<256x1024xf32>
    %select_n3A_289 = arith.select %eq3A_265, %slice3A_15, %broadcast_in_dim3A_288 : vector<256x1024xi1>, vector<256x1024xf32>
    %reduce_min3A_290 = arith.constant dense<0x7F800000> : vector<256xf32>
    %reduce_min3A_291 = vector.multi_reduction <minimumf>, %select_n3A_289, %reduce_min3A_290 [1] : vector<256x1024xf32> to vector<256xf32>
    %broadcast_in_dim3A_292 = vector.shape_cast %reduce_min3A_291 : vector<256xf32> to vector<256x1xf32>
    %eq3A_293 = arith.constant 9 : i32
    %eq3A_294 = vector.broadcast %eq3A_293 : i32 to vector<256x128xi32>
    %eq3A_295 = arith.cmpi eq, %iota3A_61, %eq3A_294 : vector<256x128xi32>
    %broadcast_in_dim3A_296 = vector.shape_cast %broadcast_in_dim3A_292 : vector<256x1xf32> to vector<256x1xf32>
    %broadcast_in_dim3A_297 = vector.broadcast %broadcast_in_dim3A_296 : vector<256x1xf32> to vector<256x128xf32>
    %select_n3A_298 = arith.select %eq3A_295, %broadcast_in_dim3A_297, %select_n3A_277 : vector<256x128xi1>, vector<256x128xf32>
    %eq3A_299 = arith.constant 9 : i32
    %eq3A_300 = vector.broadcast %eq3A_299 : i32 to vector<256x128xi32>
    %eq3A_301 = arith.cmpi eq, %iota3A_61, %eq3A_300 : vector<256x128xi32>
    %add3A_302 = arith.constant 1024 : i32
    %add3A_303 = vector.broadcast %add3A_302 : i32 to vector<256x1xi32>
    %add3A_304 = arith.addi %add3A_303, %and3A_263 : vector<256x1xi32>
    %broadcast_in_dim3A_305 = vector.shape_cast %add3A_304 : vector<256x1xi32> to vector<256x1xi32>
    %broadcast_in_dim3A_306 = vector.broadcast %broadcast_in_dim3A_305 : vector<256x1xi32> to vector<256x128xi32>
    %select_n3A_307 = arith.select %eq3A_301, %broadcast_in_dim3A_306, %select_n3A_286 : vector<256x128xi1>, vector<256x128xi32>
    %jit3A_308 = arith.constant 0x7F800000 : f32
    %broadcast_in_dim3A_309 = vector.broadcast %jit3A_308 : f32 to vector<256x1024xf32>
    %select_n3A_310 = arith.select %eq3A_265, %slice3A_16, %broadcast_in_dim3A_309 : vector<256x1024xi1>, vector<256x1024xf32>
    %reduce_min3A_311 = arith.constant dense<0x7F800000> : vector<256xf32>
    %reduce_min3A_312 = vector.multi_reduction <minimumf>, %select_n3A_310, %reduce_min3A_311 [1] : vector<256x1024xf32> to vector<256xf32>
    %broadcast_in_dim3A_313 = vector.shape_cast %reduce_min3A_312 : vector<256xf32> to vector<256x1xf32>
    %eq3A_314 = arith.constant 10 : i32
    %eq3A_315 = vector.broadcast %eq3A_314 : i32 to vector<256x128xi32>
    %eq3A_316 = arith.cmpi eq, %iota3A_61, %eq3A_315 : vector<256x128xi32>
    %broadcast_in_dim3A_317 = vector.shape_cast %broadcast_in_dim3A_313 : vector<256x1xf32> to vector<256x1xf32>
    %broadcast_in_dim3A_318 = vector.broadcast %broadcast_in_dim3A_317 : vector<256x1xf32> to vector<256x128xf32>
    %select_n3A_319 = arith.select %eq3A_316, %broadcast_in_dim3A_318, %select_n3A_298 : vector<256x128xi1>, vector<256x128xf32>
    %eq3A_320 = arith.constant 10 : i32
    %eq3A_321 = vector.broadcast %eq3A_320 : i32 to vector<256x128xi32>
    %eq3A_322 = arith.cmpi eq, %iota3A_61, %eq3A_321 : vector<256x128xi32>
    %add3A_323 = arith.constant 2048 : i32
    %add3A_324 = vector.broadcast %add3A_323 : i32 to vector<256x1xi32>
    %add3A_325 = arith.addi %add3A_324, %and3A_263 : vector<256x1xi32>
    %broadcast_in_dim3A_326 = vector.shape_cast %add3A_325 : vector<256x1xi32> to vector<256x1xi32>
    %broadcast_in_dim3A_327 = vector.broadcast %broadcast_in_dim3A_326 : vector<256x1xi32> to vector<256x128xi32>
    %select_n3A_328 = arith.select %eq3A_322, %broadcast_in_dim3A_327, %select_n3A_307 : vector<256x128xi1>, vector<256x128xi32>
    %jit3A_329 = arith.constant 0x7F800000 : f32
    %broadcast_in_dim3A_330 = vector.broadcast %jit3A_329 : f32 to vector<256x1024xf32>
    %select_n3A_331 = arith.select %eq3A_265, %slice3A_17, %broadcast_in_dim3A_330 : vector<256x1024xi1>, vector<256x1024xf32>
    %reduce_min3A_332 = arith.constant dense<0x7F800000> : vector<256xf32>
    %reduce_min3A_333 = vector.multi_reduction <minimumf>, %select_n3A_331, %reduce_min3A_332 [1] : vector<256x1024xf32> to vector<256xf32>
    %broadcast_in_dim3A_334 = vector.shape_cast %reduce_min3A_333 : vector<256xf32> to vector<256x1xf32>
    %eq3A_335 = arith.constant 11 : i32
    %eq3A_336 = vector.broadcast %eq3A_335 : i32 to vector<256x128xi32>
    %eq3A_337 = arith.cmpi eq, %iota3A_61, %eq3A_336 : vector<256x128xi32>
    %broadcast_in_dim3A_338 = vector.shape_cast %broadcast_in_dim3A_334 : vector<256x1xf32> to vector<256x1xf32>
    %broadcast_in_dim3A_339 = vector.broadcast %broadcast_in_dim3A_338 : vector<256x1xf32> to vector<256x128xf32>
    %select_n3A_340 = arith.select %eq3A_337, %broadcast_in_dim3A_339, %select_n3A_319 : vector<256x128xi1>, vector<256x128xf32>
    %eq3A_341 = arith.constant 11 : i32
    %eq3A_342 = vector.broadcast %eq3A_341 : i32 to vector<256x128xi32>
    %eq3A_343 = arith.cmpi eq, %iota3A_61, %eq3A_342 : vector<256x128xi32>
    %add3A_344 = arith.constant 3072 : i32
    %add3A_345 = vector.broadcast %add3A_344 : i32 to vector<256x1xi32>
    %add3A_346 = arith.addi %add3A_345, %and3A_263 : vector<256x1xi32>
    %broadcast_in_dim3A_347 = vector.shape_cast %add3A_346 : vector<256x1xi32> to vector<256x1xi32>
    %broadcast_in_dim3A_348 = vector.broadcast %broadcast_in_dim3A_347 : vector<256x1xi32> to vector<256x128xi32>
    %select_n3A_349 = arith.select %eq3A_343, %broadcast_in_dim3A_348, %select_n3A_328 : vector<256x128xi1>, vector<256x128xi32>
    %jit3A_350 = arith.constant 0x7F800000 : f32
    %broadcast_in_dim3A_351 = vector.broadcast %jit3A_350 : f32 to vector<256x1024xf32>
    %select_n3A_352 = arith.select %eq3A_265, %slice3A_18, %broadcast_in_dim3A_351 : vector<256x1024xi1>, vector<256x1024xf32>
    %reduce_min3A_353 = arith.constant dense<0x7F800000> : vector<256xf32>
    %reduce_min3A_354 = vector.multi_reduction <minimumf>, %select_n3A_352, %reduce_min3A_353 [1] : vector<256x1024xf32> to vector<256xf32>
    %broadcast_in_dim3A_355 = vector.shape_cast %reduce_min3A_354 : vector<256xf32> to vector<256x1xf32>
    %eq3A_356 = arith.constant 12 : i32
    %eq3A_357 = vector.broadcast %eq3A_356 : i32 to vector<256x128xi32>
    %eq3A_358 = arith.cmpi eq, %iota3A_61, %eq3A_357 : vector<256x128xi32>
    %broadcast_in_dim3A_359 = vector.shape_cast %broadcast_in_dim3A_355 : vector<256x1xf32> to vector<256x1xf32>
    %broadcast_in_dim3A_360 = vector.broadcast %broadcast_in_dim3A_359 : vector<256x1xf32> to vector<256x128xf32>
    %select_n3A_361 = arith.select %eq3A_358, %broadcast_in_dim3A_360, %select_n3A_340 : vector<256x128xi1>, vector<256x128xf32>
    %eq3A_362 = arith.constant 12 : i32
    %eq3A_363 = vector.broadcast %eq3A_362 : i32 to vector<256x128xi32>
    %eq3A_364 = arith.cmpi eq, %iota3A_61, %eq3A_363 : vector<256x128xi32>
    %add3A_365 = arith.constant 4096 : i32
    %add3A_366 = vector.broadcast %add3A_365 : i32 to vector<256x1xi32>
    %add3A_367 = arith.addi %add3A_366, %and3A_263 : vector<256x1xi32>
    %broadcast_in_dim3A_368 = vector.shape_cast %add3A_367 : vector<256x1xi32> to vector<256x1xi32>
    %broadcast_in_dim3A_369 = vector.broadcast %broadcast_in_dim3A_368 : vector<256x1xi32> to vector<256x128xi32>
    %select_n3A_370 = arith.select %eq3A_364, %broadcast_in_dim3A_369, %select_n3A_349 : vector<256x128xi1>, vector<256x128xi32>
    %jit3A_371 = arith.constant 0x7F800000 : f32
    %broadcast_in_dim3A_372 = vector.broadcast %jit3A_371 : f32 to vector<256x1024xf32>
    %select_n3A_373 = arith.select %eq3A_265, %slice3A_19, %broadcast_in_dim3A_372 : vector<256x1024xi1>, vector<256x1024xf32>
    %reduce_min3A_374 = arith.constant dense<0x7F800000> : vector<256xf32>
    %reduce_min3A_375 = vector.multi_reduction <minimumf>, %select_n3A_373, %reduce_min3A_374 [1] : vector<256x1024xf32> to vector<256xf32>
    %broadcast_in_dim3A_376 = vector.shape_cast %reduce_min3A_375 : vector<256xf32> to vector<256x1xf32>
    %eq3A_377 = arith.constant 13 : i32
    %eq3A_378 = vector.broadcast %eq3A_377 : i32 to vector<256x128xi32>
    %eq3A_379 = arith.cmpi eq, %iota3A_61, %eq3A_378 : vector<256x128xi32>
    %broadcast_in_dim3A_380 = vector.shape_cast %broadcast_in_dim3A_376 : vector<256x1xf32> to vector<256x1xf32>
    %broadcast_in_dim3A_381 = vector.broadcast %broadcast_in_dim3A_380 : vector<256x1xf32> to vector<256x128xf32>
    %select_n3A_382 = arith.select %eq3A_379, %broadcast_in_dim3A_381, %select_n3A_361 : vector<256x128xi1>, vector<256x128xf32>
    %eq3A_383 = arith.constant 13 : i32
    %eq3A_384 = vector.broadcast %eq3A_383 : i32 to vector<256x128xi32>
    %eq3A_385 = arith.cmpi eq, %iota3A_61, %eq3A_384 : vector<256x128xi32>
    %add3A_386 = arith.constant 5120 : i32
    %add3A_387 = vector.broadcast %add3A_386 : i32 to vector<256x1xi32>
    %add3A_388 = arith.addi %add3A_387, %and3A_263 : vector<256x1xi32>
    %broadcast_in_dim3A_389 = vector.shape_cast %add3A_388 : vector<256x1xi32> to vector<256x1xi32>
    %broadcast_in_dim3A_390 = vector.broadcast %broadcast_in_dim3A_389 : vector<256x1xi32> to vector<256x128xi32>
    %select_n3A_391 = arith.select %eq3A_385, %broadcast_in_dim3A_390, %select_n3A_370 : vector<256x128xi1>, vector<256x128xi32>
    %jit3A_392 = arith.constant 0x7F800000 : f32
    %broadcast_in_dim3A_393 = vector.broadcast %jit3A_392 : f32 to vector<256x1024xf32>
    %select_n3A_394 = arith.select %eq3A_265, %slice3A_20, %broadcast_in_dim3A_393 : vector<256x1024xi1>, vector<256x1024xf32>
    %reduce_min3A_395 = arith.constant dense<0x7F800000> : vector<256xf32>
    %reduce_min3A_396 = vector.multi_reduction <minimumf>, %select_n3A_394, %reduce_min3A_395 [1] : vector<256x1024xf32> to vector<256xf32>
    %broadcast_in_dim3A_397 = vector.shape_cast %reduce_min3A_396 : vector<256xf32> to vector<256x1xf32>
    %eq3A_398 = arith.constant 14 : i32
    %eq3A_399 = vector.broadcast %eq3A_398 : i32 to vector<256x128xi32>
    %eq3A_400 = arith.cmpi eq, %iota3A_61, %eq3A_399 : vector<256x128xi32>
    %broadcast_in_dim3A_401 = vector.shape_cast %broadcast_in_dim3A_397 : vector<256x1xf32> to vector<256x1xf32>
    %broadcast_in_dim3A_402 = vector.broadcast %broadcast_in_dim3A_401 : vector<256x1xf32> to vector<256x128xf32>
    %select_n3A_403 = arith.select %eq3A_400, %broadcast_in_dim3A_402, %select_n3A_382 : vector<256x128xi1>, vector<256x128xf32>
    %eq3A_404 = arith.constant 14 : i32
    %eq3A_405 = vector.broadcast %eq3A_404 : i32 to vector<256x128xi32>
    %eq3A_406 = arith.cmpi eq, %iota3A_61, %eq3A_405 : vector<256x128xi32>
    %add3A_407 = arith.constant 6144 : i32
    %add3A_408 = vector.broadcast %add3A_407 : i32 to vector<256x1xi32>
    %add3A_409 = arith.addi %add3A_408, %and3A_263 : vector<256x1xi32>
    %broadcast_in_dim3A_410 = vector.shape_cast %add3A_409 : vector<256x1xi32> to vector<256x1xi32>
    %broadcast_in_dim3A_411 = vector.broadcast %broadcast_in_dim3A_410 : vector<256x1xi32> to vector<256x128xi32>
    %select_n3A_412 = arith.select %eq3A_406, %broadcast_in_dim3A_411, %select_n3A_391 : vector<256x128xi1>, vector<256x128xi32>
    %jit3A_413 = arith.constant 0x7F800000 : f32
    %broadcast_in_dim3A_414 = vector.broadcast %jit3A_413 : f32 to vector<256x1024xf32>
    %select_n3A_415 = arith.select %eq3A_265, %slice3A_21, %broadcast_in_dim3A_414 : vector<256x1024xi1>, vector<256x1024xf32>
    %reduce_min3A_416 = arith.constant dense<0x7F800000> : vector<256xf32>
    %reduce_min3A_417 = vector.multi_reduction <minimumf>, %select_n3A_415, %reduce_min3A_416 [1] : vector<256x1024xf32> to vector<256xf32>
    %broadcast_in_dim3A_418 = vector.shape_cast %reduce_min3A_417 : vector<256xf32> to vector<256x1xf32>
    %eq3A_419 = arith.constant 15 : i32
    %eq3A_420 = vector.broadcast %eq3A_419 : i32 to vector<256x128xi32>
    %eq3A_421 = arith.cmpi eq, %iota3A_61, %eq3A_420 : vector<256x128xi32>
    %broadcast_in_dim3A_422 = vector.shape_cast %broadcast_in_dim3A_418 : vector<256x1xf32> to vector<256x1xf32>
    %broadcast_in_dim3A_423 = vector.broadcast %broadcast_in_dim3A_422 : vector<256x1xf32> to vector<256x128xf32>
    %select_n3A_424 = arith.select %eq3A_421, %broadcast_in_dim3A_423, %select_n3A_403 : vector<256x128xi1>, vector<256x128xf32>
    %eq3A_425 = arith.constant 15 : i32
    %eq3A_426 = vector.broadcast %eq3A_425 : i32 to vector<256x128xi32>
    %eq3A_427 = arith.cmpi eq, %iota3A_61, %eq3A_426 : vector<256x128xi32>
    %add3A_428 = arith.constant 7168 : i32
    %add3A_429 = vector.broadcast %add3A_428 : i32 to vector<256x1xi32>
    %add3A_430 = arith.addi %add3A_429, %and3A_263 : vector<256x1xi32>
    %broadcast_in_dim3A_431 = vector.shape_cast %add3A_430 : vector<256x1xi32> to vector<256x1xi32>
    %broadcast_in_dim3A_432 = vector.broadcast %broadcast_in_dim3A_431 : vector<256x1xi32> to vector<256x128xi32>
    %select_n3A_433 = arith.select %eq3A_427, %broadcast_in_dim3A_432, %select_n3A_412 : vector<256x128xi1>, vector<256x128xi32>
    %jit3A_434 = arith.constant 0x7F800000 : f32
    %broadcast_in_dim3A_435 = vector.broadcast %jit3A_434 : f32 to vector<256x1024xf32>
    %select_n3A_436 = arith.select %eq3A_265, %broadcast_in_dim3A_435, %select_n3A_249 : vector<256x1024xi1>, vector<256x1024xf32>
    %reduce_min3A_437 = arith.constant dense<0x7F800000> : vector<256xf32>
    %reduce_min3A_438 = vector.multi_reduction <minimumf>, %select_n3A_436, %reduce_min3A_437 [1] : vector<256x1024xf32> to vector<256xf32>
    %broadcast_in_dim3A_439 = vector.shape_cast %reduce_min3A_438 : vector<256xf32> to vector<256x1xf32>
    %eq3A_440 = vector.broadcast %broadcast_in_dim3A_439 : vector<256x1xf32> to vector<256x1024xf32>
    %eq3A_441 = arith.cmpf oeq, %select_n3A_436, %eq3A_440 : vector<256x1024xf32>
    %jit3A_442 = arith.constant 1073741824 : i32
    %broadcast_in_dim3A_443 = vector.broadcast %jit3A_442 : i32 to vector<256x1024xi32>
    %select_n3A_444 = arith.select %eq3A_441, %select_n3A_60, %broadcast_in_dim3A_443 : vector<256x1024xi1>, vector<256x1024xi32>
    %reduce_min3A_445 = arith.constant dense<2147483647> : vector<256xi32>
    %reduce_min3A_446 = vector.multi_reduction <minsi>, %select_n3A_444, %reduce_min3A_445 [1] : vector<256x1024xi32> to vector<256xi32>
    %broadcast_in_dim3A_447 = vector.shape_cast %reduce_min3A_446 : vector<256xi32> to vector<256x1xi32>
    %and3A_448 = arith.constant 1023 : i32
    %and3A_449 = vector.broadcast %and3A_448 : i32 to vector<256x1xi32>
    %and3A_450 = arith.andi %broadcast_in_dim3A_447, %and3A_449 : vector<256x1xi32>
    %eq3A_451 = vector.broadcast %and3A_450 : vector<256x1xi32> to vector<256x1024xi32>
    %eq3A_452 = arith.cmpi eq, %iota3A, %eq3A_451 : vector<256x1024xi32>
    %jit3A_453 = arith.constant 0x7F800000 : f32
    %broadcast_in_dim3A_454 = vector.broadcast %jit3A_453 : f32 to vector<256x1024xf32>
    %select_n3A_455 = arith.select %eq3A_452, %slice3A, %broadcast_in_dim3A_454 : vector<256x1024xi1>, vector<256x1024xf32>
    %reduce_min3A_456 = arith.constant dense<0x7F800000> : vector<256xf32>
    %reduce_min3A_457 = vector.multi_reduction <minimumf>, %select_n3A_455, %reduce_min3A_456 [1] : vector<256x1024xf32> to vector<256xf32>
    %broadcast_in_dim3A_458 = vector.shape_cast %reduce_min3A_457 : vector<256xf32> to vector<256x1xf32>
    %eq3A_459 = arith.constant 16 : i32
    %eq3A_460 = vector.broadcast %eq3A_459 : i32 to vector<256x128xi32>
    %eq3A_461 = arith.cmpi eq, %iota3A_61, %eq3A_460 : vector<256x128xi32>
    %broadcast_in_dim3A_462 = vector.shape_cast %broadcast_in_dim3A_458 : vector<256x1xf32> to vector<256x1xf32>
    %broadcast_in_dim3A_463 = vector.broadcast %broadcast_in_dim3A_462 : vector<256x1xf32> to vector<256x128xf32>
    %select_n3A_464 = arith.select %eq3A_461, %broadcast_in_dim3A_463, %select_n3A_424 : vector<256x128xi1>, vector<256x128xf32>
    %eq3A_465 = arith.constant 16 : i32
    %eq3A_466 = vector.broadcast %eq3A_465 : i32 to vector<256x128xi32>
    %eq3A_467 = arith.cmpi eq, %iota3A_61, %eq3A_466 : vector<256x128xi32>
    %add3A_468 = arith.constant 0 : i32
    %add3A_469 = vector.broadcast %add3A_468 : i32 to vector<256x1xi32>
    %add3A_470 = arith.addi %add3A_469, %and3A_450 : vector<256x1xi32>
    %broadcast_in_dim3A_471 = vector.shape_cast %add3A_470 : vector<256x1xi32> to vector<256x1xi32>
    %broadcast_in_dim3A_472 = vector.broadcast %broadcast_in_dim3A_471 : vector<256x1xi32> to vector<256x128xi32>
    %select_n3A_473 = arith.select %eq3A_467, %broadcast_in_dim3A_472, %select_n3A_433 : vector<256x128xi1>, vector<256x128xi32>
    %jit3A_474 = arith.constant 0x7F800000 : f32
    %broadcast_in_dim3A_475 = vector.broadcast %jit3A_474 : f32 to vector<256x1024xf32>
    %select_n3A_476 = arith.select %eq3A_452, %slice3A_15, %broadcast_in_dim3A_475 : vector<256x1024xi1>, vector<256x1024xf32>
    %reduce_min3A_477 = arith.constant dense<0x7F800000> : vector<256xf32>
    %reduce_min3A_478 = vector.multi_reduction <minimumf>, %select_n3A_476, %reduce_min3A_477 [1] : vector<256x1024xf32> to vector<256xf32>
    %broadcast_in_dim3A_479 = vector.shape_cast %reduce_min3A_478 : vector<256xf32> to vector<256x1xf32>
    %eq3A_480 = arith.constant 17 : i32
    %eq3A_481 = vector.broadcast %eq3A_480 : i32 to vector<256x128xi32>
    %eq3A_482 = arith.cmpi eq, %iota3A_61, %eq3A_481 : vector<256x128xi32>
    %broadcast_in_dim3A_483 = vector.shape_cast %broadcast_in_dim3A_479 : vector<256x1xf32> to vector<256x1xf32>
    %broadcast_in_dim3A_484 = vector.broadcast %broadcast_in_dim3A_483 : vector<256x1xf32> to vector<256x128xf32>
    %select_n3A_485 = arith.select %eq3A_482, %broadcast_in_dim3A_484, %select_n3A_464 : vector<256x128xi1>, vector<256x128xf32>
    %eq3A_486 = arith.constant 17 : i32
    %eq3A_487 = vector.broadcast %eq3A_486 : i32 to vector<256x128xi32>
    %eq3A_488 = arith.cmpi eq, %iota3A_61, %eq3A_487 : vector<256x128xi32>
    %add3A_489 = arith.constant 1024 : i32
    %add3A_490 = vector.broadcast %add3A_489 : i32 to vector<256x1xi32>
    %add3A_491 = arith.addi %add3A_490, %and3A_450 : vector<256x1xi32>
    %broadcast_in_dim3A_492 = vector.shape_cast %add3A_491 : vector<256x1xi32> to vector<256x1xi32>
    %broadcast_in_dim3A_493 = vector.broadcast %broadcast_in_dim3A_492 : vector<256x1xi32> to vector<256x128xi32>
    %select_n3A_494 = arith.select %eq3A_488, %broadcast_in_dim3A_493, %select_n3A_473 : vector<256x128xi1>, vector<256x128xi32>
    %jit3A_495 = arith.constant 0x7F800000 : f32
    %broadcast_in_dim3A_496 = vector.broadcast %jit3A_495 : f32 to vector<256x1024xf32>
    %select_n3A_497 = arith.select %eq3A_452, %slice3A_16, %broadcast_in_dim3A_496 : vector<256x1024xi1>, vector<256x1024xf32>
    %reduce_min3A_498 = arith.constant dense<0x7F800000> : vector<256xf32>
    %reduce_min3A_499 = vector.multi_reduction <minimumf>, %select_n3A_497, %reduce_min3A_498 [1] : vector<256x1024xf32> to vector<256xf32>
    %broadcast_in_dim3A_500 = vector.shape_cast %reduce_min3A_499 : vector<256xf32> to vector<256x1xf32>
    %eq3A_501 = arith.constant 18 : i32
    %eq3A_502 = vector.broadcast %eq3A_501 : i32 to vector<256x128xi32>
    %eq3A_503 = arith.cmpi eq, %iota3A_61, %eq3A_502 : vector<256x128xi32>
    %broadcast_in_dim3A_504 = vector.shape_cast %broadcast_in_dim3A_500 : vector<256x1xf32> to vector<256x1xf32>
    %broadcast_in_dim3A_505 = vector.broadcast %broadcast_in_dim3A_504 : vector<256x1xf32> to vector<256x128xf32>
    %select_n3A_506 = arith.select %eq3A_503, %broadcast_in_dim3A_505, %select_n3A_485 : vector<256x128xi1>, vector<256x128xf32>
    %eq3A_507 = arith.constant 18 : i32
    %eq3A_508 = vector.broadcast %eq3A_507 : i32 to vector<256x128xi32>
    %eq3A_509 = arith.cmpi eq, %iota3A_61, %eq3A_508 : vector<256x128xi32>
    %add3A_510 = arith.constant 2048 : i32
    %add3A_511 = vector.broadcast %add3A_510 : i32 to vector<256x1xi32>
    %add3A_512 = arith.addi %add3A_511, %and3A_450 : vector<256x1xi32>
    %broadcast_in_dim3A_513 = vector.shape_cast %add3A_512 : vector<256x1xi32> to vector<256x1xi32>
    %broadcast_in_dim3A_514 = vector.broadcast %broadcast_in_dim3A_513 : vector<256x1xi32> to vector<256x128xi32>
    %select_n3A_515 = arith.select %eq3A_509, %broadcast_in_dim3A_514, %select_n3A_494 : vector<256x128xi1>, vector<256x128xi32>
    %jit3A_516 = arith.constant 0x7F800000 : f32
    %broadcast_in_dim3A_517 = vector.broadcast %jit3A_516 : f32 to vector<256x1024xf32>
    %select_n3A_518 = arith.select %eq3A_452, %slice3A_17, %broadcast_in_dim3A_517 : vector<256x1024xi1>, vector<256x1024xf32>
    %reduce_min3A_519 = arith.constant dense<0x7F800000> : vector<256xf32>
    %reduce_min3A_520 = vector.multi_reduction <minimumf>, %select_n3A_518, %reduce_min3A_519 [1] : vector<256x1024xf32> to vector<256xf32>
    %broadcast_in_dim3A_521 = vector.shape_cast %reduce_min3A_520 : vector<256xf32> to vector<256x1xf32>
    %eq3A_522 = arith.constant 19 : i32
    %eq3A_523 = vector.broadcast %eq3A_522 : i32 to vector<256x128xi32>
    %eq3A_524 = arith.cmpi eq, %iota3A_61, %eq3A_523 : vector<256x128xi32>
    %broadcast_in_dim3A_525 = vector.shape_cast %broadcast_in_dim3A_521 : vector<256x1xf32> to vector<256x1xf32>
    %broadcast_in_dim3A_526 = vector.broadcast %broadcast_in_dim3A_525 : vector<256x1xf32> to vector<256x128xf32>
    %select_n3A_527 = arith.select %eq3A_524, %broadcast_in_dim3A_526, %select_n3A_506 : vector<256x128xi1>, vector<256x128xf32>
    %eq3A_528 = arith.constant 19 : i32
    %eq3A_529 = vector.broadcast %eq3A_528 : i32 to vector<256x128xi32>
    %eq3A_530 = arith.cmpi eq, %iota3A_61, %eq3A_529 : vector<256x128xi32>
    %add3A_531 = arith.constant 3072 : i32
    %add3A_532 = vector.broadcast %add3A_531 : i32 to vector<256x1xi32>
    %add3A_533 = arith.addi %add3A_532, %and3A_450 : vector<256x1xi32>
    %broadcast_in_dim3A_534 = vector.shape_cast %add3A_533 : vector<256x1xi32> to vector<256x1xi32>
    %broadcast_in_dim3A_535 = vector.broadcast %broadcast_in_dim3A_534 : vector<256x1xi32> to vector<256x128xi32>
    %select_n3A_536 = arith.select %eq3A_530, %broadcast_in_dim3A_535, %select_n3A_515 : vector<256x128xi1>, vector<256x128xi32>
    %jit3A_537 = arith.constant 0x7F800000 : f32
    %broadcast_in_dim3A_538 = vector.broadcast %jit3A_537 : f32 to vector<256x1024xf32>
    %select_n3A_539 = arith.select %eq3A_452, %slice3A_18, %broadcast_in_dim3A_538 : vector<256x1024xi1>, vector<256x1024xf32>
    %reduce_min3A_540 = arith.constant dense<0x7F800000> : vector<256xf32>
    %reduce_min3A_541 = vector.multi_reduction <minimumf>, %select_n3A_539, %reduce_min3A_540 [1] : vector<256x1024xf32> to vector<256xf32>
    %broadcast_in_dim3A_542 = vector.shape_cast %reduce_min3A_541 : vector<256xf32> to vector<256x1xf32>
    %eq3A_543 = arith.constant 20 : i32
    %eq3A_544 = vector.broadcast %eq3A_543 : i32 to vector<256x128xi32>
    %eq3A_545 = arith.cmpi eq, %iota3A_61, %eq3A_544 : vector<256x128xi32>
    %broadcast_in_dim3A_546 = vector.shape_cast %broadcast_in_dim3A_542 : vector<256x1xf32> to vector<256x1xf32>
    %broadcast_in_dim3A_547 = vector.broadcast %broadcast_in_dim3A_546 : vector<256x1xf32> to vector<256x128xf32>
    %select_n3A_548 = arith.select %eq3A_545, %broadcast_in_dim3A_547, %select_n3A_527 : vector<256x128xi1>, vector<256x128xf32>
    %eq3A_549 = arith.constant 20 : i32
    %eq3A_550 = vector.broadcast %eq3A_549 : i32 to vector<256x128xi32>
    %eq3A_551 = arith.cmpi eq, %iota3A_61, %eq3A_550 : vector<256x128xi32>
    %add3A_552 = arith.constant 4096 : i32
    %add3A_553 = vector.broadcast %add3A_552 : i32 to vector<256x1xi32>
    %add3A_554 = arith.addi %add3A_553, %and3A_450 : vector<256x1xi32>
    %broadcast_in_dim3A_555 = vector.shape_cast %add3A_554 : vector<256x1xi32> to vector<256x1xi32>
    %broadcast_in_dim3A_556 = vector.broadcast %broadcast_in_dim3A_555 : vector<256x1xi32> to vector<256x128xi32>
    %select_n3A_557 = arith.select %eq3A_551, %broadcast_in_dim3A_556, %select_n3A_536 : vector<256x128xi1>, vector<256x128xi32>
    %jit3A_558 = arith.constant 0x7F800000 : f32
    %broadcast_in_dim3A_559 = vector.broadcast %jit3A_558 : f32 to vector<256x1024xf32>
    %select_n3A_560 = arith.select %eq3A_452, %slice3A_19, %broadcast_in_dim3A_559 : vector<256x1024xi1>, vector<256x1024xf32>
    %reduce_min3A_561 = arith.constant dense<0x7F800000> : vector<256xf32>
    %reduce_min3A_562 = vector.multi_reduction <minimumf>, %select_n3A_560, %reduce_min3A_561 [1] : vector<256x1024xf32> to vector<256xf32>
    %broadcast_in_dim3A_563 = vector.shape_cast %reduce_min3A_562 : vector<256xf32> to vector<256x1xf32>
    %eq3A_564 = arith.constant 21 : i32
    %eq3A_565 = vector.broadcast %eq3A_564 : i32 to vector<256x128xi32>
    %eq3A_566 = arith.cmpi eq, %iota3A_61, %eq3A_565 : vector<256x128xi32>
    %broadcast_in_dim3A_567 = vector.shape_cast %broadcast_in_dim3A_563 : vector<256x1xf32> to vector<256x1xf32>
    %broadcast_in_dim3A_568 = vector.broadcast %broadcast_in_dim3A_567 : vector<256x1xf32> to vector<256x128xf32>
    %select_n3A_569 = arith.select %eq3A_566, %broadcast_in_dim3A_568, %select_n3A_548 : vector<256x128xi1>, vector<256x128xf32>
    %eq3A_570 = arith.constant 21 : i32
    %eq3A_571 = vector.broadcast %eq3A_570 : i32 to vector<256x128xi32>
    %eq3A_572 = arith.cmpi eq, %iota3A_61, %eq3A_571 : vector<256x128xi32>
    %add3A_573 = arith.constant 5120 : i32
    %add3A_574 = vector.broadcast %add3A_573 : i32 to vector<256x1xi32>
    %add3A_575 = arith.addi %add3A_574, %and3A_450 : vector<256x1xi32>
    %broadcast_in_dim3A_576 = vector.shape_cast %add3A_575 : vector<256x1xi32> to vector<256x1xi32>
    %broadcast_in_dim3A_577 = vector.broadcast %broadcast_in_dim3A_576 : vector<256x1xi32> to vector<256x128xi32>
    %select_n3A_578 = arith.select %eq3A_572, %broadcast_in_dim3A_577, %select_n3A_557 : vector<256x128xi1>, vector<256x128xi32>
    %jit3A_579 = arith.constant 0x7F800000 : f32
    %broadcast_in_dim3A_580 = vector.broadcast %jit3A_579 : f32 to vector<256x1024xf32>
    %select_n3A_581 = arith.select %eq3A_452, %slice3A_20, %broadcast_in_dim3A_580 : vector<256x1024xi1>, vector<256x1024xf32>
    %reduce_min3A_582 = arith.constant dense<0x7F800000> : vector<256xf32>
    %reduce_min3A_583 = vector.multi_reduction <minimumf>, %select_n3A_581, %reduce_min3A_582 [1] : vector<256x1024xf32> to vector<256xf32>
    %broadcast_in_dim3A_584 = vector.shape_cast %reduce_min3A_583 : vector<256xf32> to vector<256x1xf32>
    %eq3A_585 = arith.constant 22 : i32
    %eq3A_586 = vector.broadcast %eq3A_585 : i32 to vector<256x128xi32>
    %eq3A_587 = arith.cmpi eq, %iota3A_61, %eq3A_586 : vector<256x128xi32>
    %broadcast_in_dim3A_588 = vector.shape_cast %broadcast_in_dim3A_584 : vector<256x1xf32> to vector<256x1xf32>
    %broadcast_in_dim3A_589 = vector.broadcast %broadcast_in_dim3A_588 : vector<256x1xf32> to vector<256x128xf32>
    %select_n3A_590 = arith.select %eq3A_587, %broadcast_in_dim3A_589, %select_n3A_569 : vector<256x128xi1>, vector<256x128xf32>
    %eq3A_591 = arith.constant 22 : i32
    %eq3A_592 = vector.broadcast %eq3A_591 : i32 to vector<256x128xi32>
    %eq3A_593 = arith.cmpi eq, %iota3A_61, %eq3A_592 : vector<256x128xi32>
    %add3A_594 = arith.constant 6144 : i32
    %add3A_595 = vector.broadcast %add3A_594 : i32 to vector<256x1xi32>
    %add3A_596 = arith.addi %add3A_595, %and3A_450 : vector<256x1xi32>
    %broadcast_in_dim3A_597 = vector.shape_cast %add3A_596 : vector<256x1xi32> to vector<256x1xi32>
    %broadcast_in_dim3A_598 = vector.broadcast %broadcast_in_dim3A_597 : vector<256x1xi32> to vector<256x128xi32>
    %select_n3A_599 = arith.select %eq3A_593, %broadcast_in_dim3A_598, %select_n3A_578 : vector<256x128xi1>, vector<256x128xi32>
    %jit3A_600 = arith.constant 0x7F800000 : f32
    %broadcast_in_dim3A_601 = vector.broadcast %jit3A_600 : f32 to vector<256x1024xf32>
    %select_n3A_602 = arith.select %eq3A_452, %slice3A_21, %broadcast_in_dim3A_601 : vector<256x1024xi1>, vector<256x1024xf32>
    %reduce_min3A_603 = arith.constant dense<0x7F800000> : vector<256xf32>
    %reduce_min3A_604 = vector.multi_reduction <minimumf>, %select_n3A_602, %reduce_min3A_603 [1] : vector<256x1024xf32> to vector<256xf32>
    %broadcast_in_dim3A_605 = vector.shape_cast %reduce_min3A_604 : vector<256xf32> to vector<256x1xf32>
    %eq3A_606 = arith.constant 23 : i32
    %eq3A_607 = vector.broadcast %eq3A_606 : i32 to vector<256x128xi32>
    %eq3A_608 = arith.cmpi eq, %iota3A_61, %eq3A_607 : vector<256x128xi32>
    %broadcast_in_dim3A_609 = vector.shape_cast %broadcast_in_dim3A_605 : vector<256x1xf32> to vector<256x1xf32>
    %broadcast_in_dim3A_610 = vector.broadcast %broadcast_in_dim3A_609 : vector<256x1xf32> to vector<256x128xf32>
    %select_n3A_611 = arith.select %eq3A_608, %broadcast_in_dim3A_610, %select_n3A_590 : vector<256x128xi1>, vector<256x128xf32>
    %eq3A_612 = arith.constant 23 : i32
    %eq3A_613 = vector.broadcast %eq3A_612 : i32 to vector<256x128xi32>
    %eq3A_614 = arith.cmpi eq, %iota3A_61, %eq3A_613 : vector<256x128xi32>
    %add3A_615 = arith.constant 7168 : i32
    %add3A_616 = vector.broadcast %add3A_615 : i32 to vector<256x1xi32>
    %add3A_617 = arith.addi %add3A_616, %and3A_450 : vector<256x1xi32>
    %broadcast_in_dim3A_618 = vector.shape_cast %add3A_617 : vector<256x1xi32> to vector<256x1xi32>
    %broadcast_in_dim3A_619 = vector.broadcast %broadcast_in_dim3A_618 : vector<256x1xi32> to vector<256x128xi32>
    %select_n3A_620 = arith.select %eq3A_614, %broadcast_in_dim3A_619, %select_n3A_599 : vector<256x128xi1>, vector<256x128xi32>
    %jit3A_621 = arith.constant 0x7F800000 : f32
    %broadcast_in_dim3A_622 = vector.broadcast %jit3A_621 : f32 to vector<256x1024xf32>
    %select_n3A_623 = arith.select %eq3A_452, %broadcast_in_dim3A_622, %select_n3A_436 : vector<256x1024xi1>, vector<256x1024xf32>
    %reduce_min3A_624 = arith.constant dense<0x7F800000> : vector<256xf32>
    %reduce_min3A_625 = vector.multi_reduction <minimumf>, %select_n3A_623, %reduce_min3A_624 [1] : vector<256x1024xf32> to vector<256xf32>
    %broadcast_in_dim3A_626 = vector.shape_cast %reduce_min3A_625 : vector<256xf32> to vector<256x1xf32>
    %eq3A_627 = vector.broadcast %broadcast_in_dim3A_626 : vector<256x1xf32> to vector<256x1024xf32>
    %eq3A_628 = arith.cmpf oeq, %select_n3A_623, %eq3A_627 : vector<256x1024xf32>
    %jit3A_629 = arith.constant 1073741824 : i32
    %broadcast_in_dim3A_630 = vector.broadcast %jit3A_629 : i32 to vector<256x1024xi32>
    %select_n3A_631 = arith.select %eq3A_628, %select_n3A_60, %broadcast_in_dim3A_630 : vector<256x1024xi1>, vector<256x1024xi32>
    %reduce_min3A_632 = arith.constant dense<2147483647> : vector<256xi32>
    %reduce_min3A_633 = vector.multi_reduction <minsi>, %select_n3A_631, %reduce_min3A_632 [1] : vector<256x1024xi32> to vector<256xi32>
    %broadcast_in_dim3A_634 = vector.shape_cast %reduce_min3A_633 : vector<256xi32> to vector<256x1xi32>
    %and3A_635 = arith.constant 1023 : i32
    %and3A_636 = vector.broadcast %and3A_635 : i32 to vector<256x1xi32>
    %and3A_637 = arith.andi %broadcast_in_dim3A_634, %and3A_636 : vector<256x1xi32>
    %eq3A_638 = vector.broadcast %and3A_637 : vector<256x1xi32> to vector<256x1024xi32>
    %eq3A_639 = arith.cmpi eq, %iota3A, %eq3A_638 : vector<256x1024xi32>
    %jit3A_640 = arith.constant 0x7F800000 : f32
    %broadcast_in_dim3A_641 = vector.broadcast %jit3A_640 : f32 to vector<256x1024xf32>
    %select_n3A_642 = arith.select %eq3A_639, %slice3A, %broadcast_in_dim3A_641 : vector<256x1024xi1>, vector<256x1024xf32>
    %reduce_min3A_643 = arith.constant dense<0x7F800000> : vector<256xf32>
    %reduce_min3A_644 = vector.multi_reduction <minimumf>, %select_n3A_642, %reduce_min3A_643 [1] : vector<256x1024xf32> to vector<256xf32>
    %broadcast_in_dim3A_645 = vector.shape_cast %reduce_min3A_644 : vector<256xf32> to vector<256x1xf32>
    %eq3A_646 = arith.constant 24 : i32
    %eq3A_647 = vector.broadcast %eq3A_646 : i32 to vector<256x128xi32>
    %eq3A_648 = arith.cmpi eq, %iota3A_61, %eq3A_647 : vector<256x128xi32>
    %broadcast_in_dim3A_649 = vector.shape_cast %broadcast_in_dim3A_645 : vector<256x1xf32> to vector<256x1xf32>
    %broadcast_in_dim3A_650 = vector.broadcast %broadcast_in_dim3A_649 : vector<256x1xf32> to vector<256x128xf32>
    %select_n3A_651 = arith.select %eq3A_648, %broadcast_in_dim3A_650, %select_n3A_611 : vector<256x128xi1>, vector<256x128xf32>
    %eq3A_652 = arith.constant 24 : i32
    %eq3A_653 = vector.broadcast %eq3A_652 : i32 to vector<256x128xi32>
    %eq3A_654 = arith.cmpi eq, %iota3A_61, %eq3A_653 : vector<256x128xi32>
    %add3A_655 = arith.constant 0 : i32
    %add3A_656 = vector.broadcast %add3A_655 : i32 to vector<256x1xi32>
    %add3A_657 = arith.addi %add3A_656, %and3A_637 : vector<256x1xi32>
    %broadcast_in_dim3A_658 = vector.shape_cast %add3A_657 : vector<256x1xi32> to vector<256x1xi32>
    %broadcast_in_dim3A_659 = vector.broadcast %broadcast_in_dim3A_658 : vector<256x1xi32> to vector<256x128xi32>
    %select_n3A_660 = arith.select %eq3A_654, %broadcast_in_dim3A_659, %select_n3A_620 : vector<256x128xi1>, vector<256x128xi32>
    %jit3A_661 = arith.constant 0x7F800000 : f32
    %broadcast_in_dim3A_662 = vector.broadcast %jit3A_661 : f32 to vector<256x1024xf32>
    %select_n3A_663 = arith.select %eq3A_639, %slice3A_15, %broadcast_in_dim3A_662 : vector<256x1024xi1>, vector<256x1024xf32>
    %reduce_min3A_664 = arith.constant dense<0x7F800000> : vector<256xf32>
    %reduce_min3A_665 = vector.multi_reduction <minimumf>, %select_n3A_663, %reduce_min3A_664 [1] : vector<256x1024xf32> to vector<256xf32>
    %broadcast_in_dim3A_666 = vector.shape_cast %reduce_min3A_665 : vector<256xf32> to vector<256x1xf32>
    %eq3A_667 = arith.constant 25 : i32
    %eq3A_668 = vector.broadcast %eq3A_667 : i32 to vector<256x128xi32>
    %eq3A_669 = arith.cmpi eq, %iota3A_61, %eq3A_668 : vector<256x128xi32>
    %broadcast_in_dim3A_670 = vector.shape_cast %broadcast_in_dim3A_666 : vector<256x1xf32> to vector<256x1xf32>
    %broadcast_in_dim3A_671 = vector.broadcast %broadcast_in_dim3A_670 : vector<256x1xf32> to vector<256x128xf32>
    %select_n3A_672 = arith.select %eq3A_669, %broadcast_in_dim3A_671, %select_n3A_651 : vector<256x128xi1>, vector<256x128xf32>
    %eq3A_673 = arith.constant 25 : i32
    %eq3A_674 = vector.broadcast %eq3A_673 : i32 to vector<256x128xi32>
    %eq3A_675 = arith.cmpi eq, %iota3A_61, %eq3A_674 : vector<256x128xi32>
    %add3A_676 = arith.constant 1024 : i32
    %add3A_677 = vector.broadcast %add3A_676 : i32 to vector<256x1xi32>
    %add3A_678 = arith.addi %add3A_677, %and3A_637 : vector<256x1xi32>
    %broadcast_in_dim3A_679 = vector.shape_cast %add3A_678 : vector<256x1xi32> to vector<256x1xi32>
    %broadcast_in_dim3A_680 = vector.broadcast %broadcast_in_dim3A_679 : vector<256x1xi32> to vector<256x128xi32>
    %select_n3A_681 = arith.select %eq3A_675, %broadcast_in_dim3A_680, %select_n3A_660 : vector<256x128xi1>, vector<256x128xi32>
    %jit3A_682 = arith.constant 0x7F800000 : f32
    %broadcast_in_dim3A_683 = vector.broadcast %jit3A_682 : f32 to vector<256x1024xf32>
    %select_n3A_684 = arith.select %eq3A_639, %slice3A_16, %broadcast_in_dim3A_683 : vector<256x1024xi1>, vector<256x1024xf32>
    %reduce_min3A_685 = arith.constant dense<0x7F800000> : vector<256xf32>
    %reduce_min3A_686 = vector.multi_reduction <minimumf>, %select_n3A_684, %reduce_min3A_685 [1] : vector<256x1024xf32> to vector<256xf32>
    %broadcast_in_dim3A_687 = vector.shape_cast %reduce_min3A_686 : vector<256xf32> to vector<256x1xf32>
    %eq3A_688 = arith.constant 26 : i32
    %eq3A_689 = vector.broadcast %eq3A_688 : i32 to vector<256x128xi32>
    %eq3A_690 = arith.cmpi eq, %iota3A_61, %eq3A_689 : vector<256x128xi32>
    %broadcast_in_dim3A_691 = vector.shape_cast %broadcast_in_dim3A_687 : vector<256x1xf32> to vector<256x1xf32>
    %broadcast_in_dim3A_692 = vector.broadcast %broadcast_in_dim3A_691 : vector<256x1xf32> to vector<256x128xf32>
    %select_n3A_693 = arith.select %eq3A_690, %broadcast_in_dim3A_692, %select_n3A_672 : vector<256x128xi1>, vector<256x128xf32>
    %eq3A_694 = arith.constant 26 : i32
    %eq3A_695 = vector.broadcast %eq3A_694 : i32 to vector<256x128xi32>
    %eq3A_696 = arith.cmpi eq, %iota3A_61, %eq3A_695 : vector<256x128xi32>
    %add3A_697 = arith.constant 2048 : i32
    %add3A_698 = vector.broadcast %add3A_697 : i32 to vector<256x1xi32>
    %add3A_699 = arith.addi %add3A_698, %and3A_637 : vector<256x1xi32>
    %broadcast_in_dim3A_700 = vector.shape_cast %add3A_699 : vector<256x1xi32> to vector<256x1xi32>
    %broadcast_in_dim3A_701 = vector.broadcast %broadcast_in_dim3A_700 : vector<256x1xi32> to vector<256x128xi32>
    %select_n3A_702 = arith.select %eq3A_696, %broadcast_in_dim3A_701, %select_n3A_681 : vector<256x128xi1>, vector<256x128xi32>
    %jit3A_703 = arith.constant 0x7F800000 : f32
    %broadcast_in_dim3A_704 = vector.broadcast %jit3A_703 : f32 to vector<256x1024xf32>
    %select_n3A_705 = arith.select %eq3A_639, %slice3A_17, %broadcast_in_dim3A_704 : vector<256x1024xi1>, vector<256x1024xf32>
    %reduce_min3A_706 = arith.constant dense<0x7F800000> : vector<256xf32>
    %reduce_min3A_707 = vector.multi_reduction <minimumf>, %select_n3A_705, %reduce_min3A_706 [1] : vector<256x1024xf32> to vector<256xf32>
    %broadcast_in_dim3A_708 = vector.shape_cast %reduce_min3A_707 : vector<256xf32> to vector<256x1xf32>
    %eq3A_709 = arith.constant 27 : i32
    %eq3A_710 = vector.broadcast %eq3A_709 : i32 to vector<256x128xi32>
    %eq3A_711 = arith.cmpi eq, %iota3A_61, %eq3A_710 : vector<256x128xi32>
    %broadcast_in_dim3A_712 = vector.shape_cast %broadcast_in_dim3A_708 : vector<256x1xf32> to vector<256x1xf32>
    %broadcast_in_dim3A_713 = vector.broadcast %broadcast_in_dim3A_712 : vector<256x1xf32> to vector<256x128xf32>
    %select_n3A_714 = arith.select %eq3A_711, %broadcast_in_dim3A_713, %select_n3A_693 : vector<256x128xi1>, vector<256x128xf32>
    %eq3A_715 = arith.constant 27 : i32
    %eq3A_716 = vector.broadcast %eq3A_715 : i32 to vector<256x128xi32>
    %eq3A_717 = arith.cmpi eq, %iota3A_61, %eq3A_716 : vector<256x128xi32>
    %add3A_718 = arith.constant 3072 : i32
    %add3A_719 = vector.broadcast %add3A_718 : i32 to vector<256x1xi32>
    %add3A_720 = arith.addi %add3A_719, %and3A_637 : vector<256x1xi32>
    %broadcast_in_dim3A_721 = vector.shape_cast %add3A_720 : vector<256x1xi32> to vector<256x1xi32>
    %broadcast_in_dim3A_722 = vector.broadcast %broadcast_in_dim3A_721 : vector<256x1xi32> to vector<256x128xi32>
    %select_n3A_723 = arith.select %eq3A_717, %broadcast_in_dim3A_722, %select_n3A_702 : vector<256x128xi1>, vector<256x128xi32>
    %jit3A_724 = arith.constant 0x7F800000 : f32
    %broadcast_in_dim3A_725 = vector.broadcast %jit3A_724 : f32 to vector<256x1024xf32>
    %select_n3A_726 = arith.select %eq3A_639, %slice3A_18, %broadcast_in_dim3A_725 : vector<256x1024xi1>, vector<256x1024xf32>
    %reduce_min3A_727 = arith.constant dense<0x7F800000> : vector<256xf32>
    %reduce_min3A_728 = vector.multi_reduction <minimumf>, %select_n3A_726, %reduce_min3A_727 [1] : vector<256x1024xf32> to vector<256xf32>
    %broadcast_in_dim3A_729 = vector.shape_cast %reduce_min3A_728 : vector<256xf32> to vector<256x1xf32>
    %eq3A_730 = arith.constant 28 : i32
    %eq3A_731 = vector.broadcast %eq3A_730 : i32 to vector<256x128xi32>
    %eq3A_732 = arith.cmpi eq, %iota3A_61, %eq3A_731 : vector<256x128xi32>
    %broadcast_in_dim3A_733 = vector.shape_cast %broadcast_in_dim3A_729 : vector<256x1xf32> to vector<256x1xf32>
    %broadcast_in_dim3A_734 = vector.broadcast %broadcast_in_dim3A_733 : vector<256x1xf32> to vector<256x128xf32>
    %select_n3A_735 = arith.select %eq3A_732, %broadcast_in_dim3A_734, %select_n3A_714 : vector<256x128xi1>, vector<256x128xf32>
    %eq3A_736 = arith.constant 28 : i32
    %eq3A_737 = vector.broadcast %eq3A_736 : i32 to vector<256x128xi32>
    %eq3A_738 = arith.cmpi eq, %iota3A_61, %eq3A_737 : vector<256x128xi32>
    %add3A_739 = arith.constant 4096 : i32
    %add3A_740 = vector.broadcast %add3A_739 : i32 to vector<256x1xi32>
    %add3A_741 = arith.addi %add3A_740, %and3A_637 : vector<256x1xi32>
    %broadcast_in_dim3A_742 = vector.shape_cast %add3A_741 : vector<256x1xi32> to vector<256x1xi32>
    %broadcast_in_dim3A_743 = vector.broadcast %broadcast_in_dim3A_742 : vector<256x1xi32> to vector<256x128xi32>
    %select_n3A_744 = arith.select %eq3A_738, %broadcast_in_dim3A_743, %select_n3A_723 : vector<256x128xi1>, vector<256x128xi32>
    %jit3A_745 = arith.constant 0x7F800000 : f32
    %broadcast_in_dim3A_746 = vector.broadcast %jit3A_745 : f32 to vector<256x1024xf32>
    %select_n3A_747 = arith.select %eq3A_639, %slice3A_19, %broadcast_in_dim3A_746 : vector<256x1024xi1>, vector<256x1024xf32>
    %reduce_min3A_748 = arith.constant dense<0x7F800000> : vector<256xf32>
    %reduce_min3A_749 = vector.multi_reduction <minimumf>, %select_n3A_747, %reduce_min3A_748 [1] : vector<256x1024xf32> to vector<256xf32>
    %broadcast_in_dim3A_750 = vector.shape_cast %reduce_min3A_749 : vector<256xf32> to vector<256x1xf32>
    %eq3A_751 = arith.constant 29 : i32
    %eq3A_752 = vector.broadcast %eq3A_751 : i32 to vector<256x128xi32>
    %eq3A_753 = arith.cmpi eq, %iota3A_61, %eq3A_752 : vector<256x128xi32>
    %broadcast_in_dim3A_754 = vector.shape_cast %broadcast_in_dim3A_750 : vector<256x1xf32> to vector<256x1xf32>
    %broadcast_in_dim3A_755 = vector.broadcast %broadcast_in_dim3A_754 : vector<256x1xf32> to vector<256x128xf32>
    %select_n3A_756 = arith.select %eq3A_753, %broadcast_in_dim3A_755, %select_n3A_735 : vector<256x128xi1>, vector<256x128xf32>
    %eq3A_757 = arith.constant 29 : i32
    %eq3A_758 = vector.broadcast %eq3A_757 : i32 to vector<256x128xi32>
    %eq3A_759 = arith.cmpi eq, %iota3A_61, %eq3A_758 : vector<256x128xi32>
    %add3A_760 = arith.constant 5120 : i32
    %add3A_761 = vector.broadcast %add3A_760 : i32 to vector<256x1xi32>
    %add3A_762 = arith.addi %add3A_761, %and3A_637 : vector<256x1xi32>
    %broadcast_in_dim3A_763 = vector.shape_cast %add3A_762 : vector<256x1xi32> to vector<256x1xi32>
    %broadcast_in_dim3A_764 = vector.broadcast %broadcast_in_dim3A_763 : vector<256x1xi32> to vector<256x128xi32>
    %select_n3A_765 = arith.select %eq3A_759, %broadcast_in_dim3A_764, %select_n3A_744 : vector<256x128xi1>, vector<256x128xi32>
    %jit3A_766 = arith.constant 0x7F800000 : f32
    %broadcast_in_dim3A_767 = vector.broadcast %jit3A_766 : f32 to vector<256x1024xf32>
    %select_n3A_768 = arith.select %eq3A_639, %slice3A_20, %broadcast_in_dim3A_767 : vector<256x1024xi1>, vector<256x1024xf32>
    %reduce_min3A_769 = arith.constant dense<0x7F800000> : vector<256xf32>
    %reduce_min3A_770 = vector.multi_reduction <minimumf>, %select_n3A_768, %reduce_min3A_769 [1] : vector<256x1024xf32> to vector<256xf32>
    %broadcast_in_dim3A_771 = vector.shape_cast %reduce_min3A_770 : vector<256xf32> to vector<256x1xf32>
    %eq3A_772 = arith.constant 30 : i32
    %eq3A_773 = vector.broadcast %eq3A_772 : i32 to vector<256x128xi32>
    %eq3A_774 = arith.cmpi eq, %iota3A_61, %eq3A_773 : vector<256x128xi32>
    %broadcast_in_dim3A_775 = vector.shape_cast %broadcast_in_dim3A_771 : vector<256x1xf32> to vector<256x1xf32>
    %broadcast_in_dim3A_776 = vector.broadcast %broadcast_in_dim3A_775 : vector<256x1xf32> to vector<256x128xf32>
    %select_n3A_777 = arith.select %eq3A_774, %broadcast_in_dim3A_776, %select_n3A_756 : vector<256x128xi1>, vector<256x128xf32>
    %eq3A_778 = arith.constant 30 : i32
    %eq3A_779 = vector.broadcast %eq3A_778 : i32 to vector<256x128xi32>
    %eq3A_780 = arith.cmpi eq, %iota3A_61, %eq3A_779 : vector<256x128xi32>
    %add3A_781 = arith.constant 6144 : i32
    %add3A_782 = vector.broadcast %add3A_781 : i32 to vector<256x1xi32>
    %add3A_783 = arith.addi %add3A_782, %and3A_637 : vector<256x1xi32>
    %broadcast_in_dim3A_784 = vector.shape_cast %add3A_783 : vector<256x1xi32> to vector<256x1xi32>
    %broadcast_in_dim3A_785 = vector.broadcast %broadcast_in_dim3A_784 : vector<256x1xi32> to vector<256x128xi32>
    %select_n3A_786 = arith.select %eq3A_780, %broadcast_in_dim3A_785, %select_n3A_765 : vector<256x128xi1>, vector<256x128xi32>
    %jit3A_787 = arith.constant 0x7F800000 : f32
    %broadcast_in_dim3A_788 = vector.broadcast %jit3A_787 : f32 to vector<256x1024xf32>
    %select_n3A_789 = arith.select %eq3A_639, %slice3A_21, %broadcast_in_dim3A_788 : vector<256x1024xi1>, vector<256x1024xf32>
    %reduce_min3A_790 = arith.constant dense<0x7F800000> : vector<256xf32>
    %reduce_min3A_791 = vector.multi_reduction <minimumf>, %select_n3A_789, %reduce_min3A_790 [1] : vector<256x1024xf32> to vector<256xf32>
    %broadcast_in_dim3A_792 = vector.shape_cast %reduce_min3A_791 : vector<256xf32> to vector<256x1xf32>
    %eq3A_793 = arith.constant 31 : i32
    %eq3A_794 = vector.broadcast %eq3A_793 : i32 to vector<256x128xi32>
    %eq3A_795 = arith.cmpi eq, %iota3A_61, %eq3A_794 : vector<256x128xi32>
    %broadcast_in_dim3A_796 = vector.shape_cast %broadcast_in_dim3A_792 : vector<256x1xf32> to vector<256x1xf32>
    %broadcast_in_dim3A_797 = vector.broadcast %broadcast_in_dim3A_796 : vector<256x1xf32> to vector<256x128xf32>
    %select_n3A_798 = arith.select %eq3A_795, %broadcast_in_dim3A_797, %select_n3A_777 : vector<256x128xi1>, vector<256x128xf32>
    %eq3A_799 = arith.constant 31 : i32
    %eq3A_800 = vector.broadcast %eq3A_799 : i32 to vector<256x128xi32>
    %eq3A_801 = arith.cmpi eq, %iota3A_61, %eq3A_800 : vector<256x128xi32>
    %add3A_802 = arith.constant 7168 : i32
    %add3A_803 = vector.broadcast %add3A_802 : i32 to vector<256x1xi32>
    %add3A_804 = arith.addi %add3A_803, %and3A_637 : vector<256x1xi32>
    %broadcast_in_dim3A_805 = vector.shape_cast %add3A_804 : vector<256x1xi32> to vector<256x1xi32>
    %broadcast_in_dim3A_806 = vector.broadcast %broadcast_in_dim3A_805 : vector<256x1xi32> to vector<256x128xi32>
    %select_n3A_807 = arith.select %eq3A_801, %broadcast_in_dim3A_806, %select_n3A_786 : vector<256x128xi1>, vector<256x128xi32>
    %jit3A_808 = arith.constant 0x7F800000 : f32
    %broadcast_in_dim3A_809 = vector.broadcast %jit3A_808 : f32 to vector<256x1024xf32>
    %select_n3A_810 = arith.select %eq3A_639, %broadcast_in_dim3A_809, %select_n3A_623 : vector<256x1024xi1>, vector<256x1024xf32>
    %reduce_min3A_811 = arith.constant dense<0x7F800000> : vector<256xf32>
    %reduce_min3A_812 = vector.multi_reduction <minimumf>, %select_n3A_810, %reduce_min3A_811 [1] : vector<256x1024xf32> to vector<256xf32>
    %broadcast_in_dim3A_813 = vector.shape_cast %reduce_min3A_812 : vector<256xf32> to vector<256x1xf32>
    %eq3A_814 = vector.broadcast %broadcast_in_dim3A_813 : vector<256x1xf32> to vector<256x1024xf32>
    %eq3A_815 = arith.cmpf oeq, %select_n3A_810, %eq3A_814 : vector<256x1024xf32>
    %jit3A_816 = arith.constant 1073741824 : i32
    %broadcast_in_dim3A_817 = vector.broadcast %jit3A_816 : i32 to vector<256x1024xi32>
    %select_n3A_818 = arith.select %eq3A_815, %select_n3A_60, %broadcast_in_dim3A_817 : vector<256x1024xi1>, vector<256x1024xi32>
    %reduce_min3A_819 = arith.constant dense<2147483647> : vector<256xi32>
    %reduce_min3A_820 = vector.multi_reduction <minsi>, %select_n3A_818, %reduce_min3A_819 [1] : vector<256x1024xi32> to vector<256xi32>
    %broadcast_in_dim3A_821 = vector.shape_cast %reduce_min3A_820 : vector<256xi32> to vector<256x1xi32>
    %and3A_822 = arith.constant 1023 : i32
    %and3A_823 = vector.broadcast %and3A_822 : i32 to vector<256x1xi32>
    %and3A_824 = arith.andi %broadcast_in_dim3A_821, %and3A_823 : vector<256x1xi32>
    %eq3A_825 = vector.broadcast %and3A_824 : vector<256x1xi32> to vector<256x1024xi32>
    %eq3A_826 = arith.cmpi eq, %iota3A, %eq3A_825 : vector<256x1024xi32>
    %jit3A_827 = arith.constant 0x7F800000 : f32
    %broadcast_in_dim3A_828 = vector.broadcast %jit3A_827 : f32 to vector<256x1024xf32>
    %select_n3A_829 = arith.select %eq3A_826, %slice3A, %broadcast_in_dim3A_828 : vector<256x1024xi1>, vector<256x1024xf32>
    %reduce_min3A_830 = arith.constant dense<0x7F800000> : vector<256xf32>
    %reduce_min3A_831 = vector.multi_reduction <minimumf>, %select_n3A_829, %reduce_min3A_830 [1] : vector<256x1024xf32> to vector<256xf32>
    %broadcast_in_dim3A_832 = vector.shape_cast %reduce_min3A_831 : vector<256xf32> to vector<256x1xf32>
    %eq3A_833 = arith.constant 32 : i32
    %eq3A_834 = vector.broadcast %eq3A_833 : i32 to vector<256x128xi32>
    %eq3A_835 = arith.cmpi eq, %iota3A_61, %eq3A_834 : vector<256x128xi32>
    %broadcast_in_dim3A_836 = vector.shape_cast %broadcast_in_dim3A_832 : vector<256x1xf32> to vector<256x1xf32>
    %broadcast_in_dim3A_837 = vector.broadcast %broadcast_in_dim3A_836 : vector<256x1xf32> to vector<256x128xf32>
    %select_n3A_838 = arith.select %eq3A_835, %broadcast_in_dim3A_837, %select_n3A_798 : vector<256x128xi1>, vector<256x128xf32>
    %eq3A_839 = arith.constant 32 : i32
    %eq3A_840 = vector.broadcast %eq3A_839 : i32 to vector<256x128xi32>
    %eq3A_841 = arith.cmpi eq, %iota3A_61, %eq3A_840 : vector<256x128xi32>
    %add3A_842 = arith.constant 0 : i32
    %add3A_843 = vector.broadcast %add3A_842 : i32 to vector<256x1xi32>
    %add3A_844 = arith.addi %add3A_843, %and3A_824 : vector<256x1xi32>
    %broadcast_in_dim3A_845 = vector.shape_cast %add3A_844 : vector<256x1xi32> to vector<256x1xi32>
    %broadcast_in_dim3A_846 = vector.broadcast %broadcast_in_dim3A_845 : vector<256x1xi32> to vector<256x128xi32>
    %select_n3A_847 = arith.select %eq3A_841, %broadcast_in_dim3A_846, %select_n3A_807 : vector<256x128xi1>, vector<256x128xi32>
    %jit3A_848 = arith.constant 0x7F800000 : f32
    %broadcast_in_dim3A_849 = vector.broadcast %jit3A_848 : f32 to vector<256x1024xf32>
    %select_n3A_850 = arith.select %eq3A_826, %slice3A_15, %broadcast_in_dim3A_849 : vector<256x1024xi1>, vector<256x1024xf32>
    %reduce_min3A_851 = arith.constant dense<0x7F800000> : vector<256xf32>
    %reduce_min3A_852 = vector.multi_reduction <minimumf>, %select_n3A_850, %reduce_min3A_851 [1] : vector<256x1024xf32> to vector<256xf32>
    %broadcast_in_dim3A_853 = vector.shape_cast %reduce_min3A_852 : vector<256xf32> to vector<256x1xf32>
    %eq3A_854 = arith.constant 33 : i32
    %eq3A_855 = vector.broadcast %eq3A_854 : i32 to vector<256x128xi32>
    %eq3A_856 = arith.cmpi eq, %iota3A_61, %eq3A_855 : vector<256x128xi32>
    %broadcast_in_dim3A_857 = vector.shape_cast %broadcast_in_dim3A_853 : vector<256x1xf32> to vector<256x1xf32>
    %broadcast_in_dim3A_858 = vector.broadcast %broadcast_in_dim3A_857 : vector<256x1xf32> to vector<256x128xf32>
    %select_n3A_859 = arith.select %eq3A_856, %broadcast_in_dim3A_858, %select_n3A_838 : vector<256x128xi1>, vector<256x128xf32>
    %eq3A_860 = arith.constant 33 : i32
    %eq3A_861 = vector.broadcast %eq3A_860 : i32 to vector<256x128xi32>
    %eq3A_862 = arith.cmpi eq, %iota3A_61, %eq3A_861 : vector<256x128xi32>
    %add3A_863 = arith.constant 1024 : i32
    %add3A_864 = vector.broadcast %add3A_863 : i32 to vector<256x1xi32>
    %add3A_865 = arith.addi %add3A_864, %and3A_824 : vector<256x1xi32>
    %broadcast_in_dim3A_866 = vector.shape_cast %add3A_865 : vector<256x1xi32> to vector<256x1xi32>
    %broadcast_in_dim3A_867 = vector.broadcast %broadcast_in_dim3A_866 : vector<256x1xi32> to vector<256x128xi32>
    %select_n3A_868 = arith.select %eq3A_862, %broadcast_in_dim3A_867, %select_n3A_847 : vector<256x128xi1>, vector<256x128xi32>
    %jit3A_869 = arith.constant 0x7F800000 : f32
    %broadcast_in_dim3A_870 = vector.broadcast %jit3A_869 : f32 to vector<256x1024xf32>
    %select_n3A_871 = arith.select %eq3A_826, %slice3A_16, %broadcast_in_dim3A_870 : vector<256x1024xi1>, vector<256x1024xf32>
    %reduce_min3A_872 = arith.constant dense<0x7F800000> : vector<256xf32>
    %reduce_min3A_873 = vector.multi_reduction <minimumf>, %select_n3A_871, %reduce_min3A_872 [1] : vector<256x1024xf32> to vector<256xf32>
    %broadcast_in_dim3A_874 = vector.shape_cast %reduce_min3A_873 : vector<256xf32> to vector<256x1xf32>
    %eq3A_875 = arith.constant 34 : i32
    %eq3A_876 = vector.broadcast %eq3A_875 : i32 to vector<256x128xi32>
    %eq3A_877 = arith.cmpi eq, %iota3A_61, %eq3A_876 : vector<256x128xi32>
    %broadcast_in_dim3A_878 = vector.shape_cast %broadcast_in_dim3A_874 : vector<256x1xf32> to vector<256x1xf32>
    %broadcast_in_dim3A_879 = vector.broadcast %broadcast_in_dim3A_878 : vector<256x1xf32> to vector<256x128xf32>
    %select_n3A_880 = arith.select %eq3A_877, %broadcast_in_dim3A_879, %select_n3A_859 : vector<256x128xi1>, vector<256x128xf32>
    %eq3A_881 = arith.constant 34 : i32
    %eq3A_882 = vector.broadcast %eq3A_881 : i32 to vector<256x128xi32>
    %eq3A_883 = arith.cmpi eq, %iota3A_61, %eq3A_882 : vector<256x128xi32>
    %add3A_884 = arith.constant 2048 : i32
    %add3A_885 = vector.broadcast %add3A_884 : i32 to vector<256x1xi32>
    %add3A_886 = arith.addi %add3A_885, %and3A_824 : vector<256x1xi32>
    %broadcast_in_dim3A_887 = vector.shape_cast %add3A_886 : vector<256x1xi32> to vector<256x1xi32>
    %broadcast_in_dim3A_888 = vector.broadcast %broadcast_in_dim3A_887 : vector<256x1xi32> to vector<256x128xi32>
    %select_n3A_889 = arith.select %eq3A_883, %broadcast_in_dim3A_888, %select_n3A_868 : vector<256x128xi1>, vector<256x128xi32>
    %jit3A_890 = arith.constant 0x7F800000 : f32
    %broadcast_in_dim3A_891 = vector.broadcast %jit3A_890 : f32 to vector<256x1024xf32>
    %select_n3A_892 = arith.select %eq3A_826, %slice3A_17, %broadcast_in_dim3A_891 : vector<256x1024xi1>, vector<256x1024xf32>
    %reduce_min3A_893 = arith.constant dense<0x7F800000> : vector<256xf32>
    %reduce_min3A_894 = vector.multi_reduction <minimumf>, %select_n3A_892, %reduce_min3A_893 [1] : vector<256x1024xf32> to vector<256xf32>
    %broadcast_in_dim3A_895 = vector.shape_cast %reduce_min3A_894 : vector<256xf32> to vector<256x1xf32>
    %eq3A_896 = arith.constant 35 : i32
    %eq3A_897 = vector.broadcast %eq3A_896 : i32 to vector<256x128xi32>
    %eq3A_898 = arith.cmpi eq, %iota3A_61, %eq3A_897 : vector<256x128xi32>
    %broadcast_in_dim3A_899 = vector.shape_cast %broadcast_in_dim3A_895 : vector<256x1xf32> to vector<256x1xf32>
    %broadcast_in_dim3A_900 = vector.broadcast %broadcast_in_dim3A_899 : vector<256x1xf32> to vector<256x128xf32>
    %select_n3A_901 = arith.select %eq3A_898, %broadcast_in_dim3A_900, %select_n3A_880 : vector<256x128xi1>, vector<256x128xf32>
    %eq3A_902 = arith.constant 35 : i32
    %eq3A_903 = vector.broadcast %eq3A_902 : i32 to vector<256x128xi32>
    %eq3A_904 = arith.cmpi eq, %iota3A_61, %eq3A_903 : vector<256x128xi32>
    %add3A_905 = arith.constant 3072 : i32
    %add3A_906 = vector.broadcast %add3A_905 : i32 to vector<256x1xi32>
    %add3A_907 = arith.addi %add3A_906, %and3A_824 : vector<256x1xi32>
    %broadcast_in_dim3A_908 = vector.shape_cast %add3A_907 : vector<256x1xi32> to vector<256x1xi32>
    %broadcast_in_dim3A_909 = vector.broadcast %broadcast_in_dim3A_908 : vector<256x1xi32> to vector<256x128xi32>
    %select_n3A_910 = arith.select %eq3A_904, %broadcast_in_dim3A_909, %select_n3A_889 : vector<256x128xi1>, vector<256x128xi32>
    %jit3A_911 = arith.constant 0x7F800000 : f32
    %broadcast_in_dim3A_912 = vector.broadcast %jit3A_911 : f32 to vector<256x1024xf32>
    %select_n3A_913 = arith.select %eq3A_826, %slice3A_18, %broadcast_in_dim3A_912 : vector<256x1024xi1>, vector<256x1024xf32>
    %reduce_min3A_914 = arith.constant dense<0x7F800000> : vector<256xf32>
    %reduce_min3A_915 = vector.multi_reduction <minimumf>, %select_n3A_913, %reduce_min3A_914 [1] : vector<256x1024xf32> to vector<256xf32>
    %broadcast_in_dim3A_916 = vector.shape_cast %reduce_min3A_915 : vector<256xf32> to vector<256x1xf32>
    %eq3A_917 = arith.constant 36 : i32
    %eq3A_918 = vector.broadcast %eq3A_917 : i32 to vector<256x128xi32>
    %eq3A_919 = arith.cmpi eq, %iota3A_61, %eq3A_918 : vector<256x128xi32>
    %broadcast_in_dim3A_920 = vector.shape_cast %broadcast_in_dim3A_916 : vector<256x1xf32> to vector<256x1xf32>
    %broadcast_in_dim3A_921 = vector.broadcast %broadcast_in_dim3A_920 : vector<256x1xf32> to vector<256x128xf32>
    %select_n3A_922 = arith.select %eq3A_919, %broadcast_in_dim3A_921, %select_n3A_901 : vector<256x128xi1>, vector<256x128xf32>
    %eq3A_923 = arith.constant 36 : i32
    %eq3A_924 = vector.broadcast %eq3A_923 : i32 to vector<256x128xi32>
    %eq3A_925 = arith.cmpi eq, %iota3A_61, %eq3A_924 : vector<256x128xi32>
    %add3A_926 = arith.constant 4096 : i32
    %add3A_927 = vector.broadcast %add3A_926 : i32 to vector<256x1xi32>
    %add3A_928 = arith.addi %add3A_927, %and3A_824 : vector<256x1xi32>
    %broadcast_in_dim3A_929 = vector.shape_cast %add3A_928 : vector<256x1xi32> to vector<256x1xi32>
    %broadcast_in_dim3A_930 = vector.broadcast %broadcast_in_dim3A_929 : vector<256x1xi32> to vector<256x128xi32>
    %select_n3A_931 = arith.select %eq3A_925, %broadcast_in_dim3A_930, %select_n3A_910 : vector<256x128xi1>, vector<256x128xi32>
    %jit3A_932 = arith.constant 0x7F800000 : f32
    %broadcast_in_dim3A_933 = vector.broadcast %jit3A_932 : f32 to vector<256x1024xf32>
    %select_n3A_934 = arith.select %eq3A_826, %slice3A_19, %broadcast_in_dim3A_933 : vector<256x1024xi1>, vector<256x1024xf32>
    %reduce_min3A_935 = arith.constant dense<0x7F800000> : vector<256xf32>
    %reduce_min3A_936 = vector.multi_reduction <minimumf>, %select_n3A_934, %reduce_min3A_935 [1] : vector<256x1024xf32> to vector<256xf32>
    %broadcast_in_dim3A_937 = vector.shape_cast %reduce_min3A_936 : vector<256xf32> to vector<256x1xf32>
    %eq3A_938 = arith.constant 37 : i32
    %eq3A_939 = vector.broadcast %eq3A_938 : i32 to vector<256x128xi32>
    %eq3A_940 = arith.cmpi eq, %iota3A_61, %eq3A_939 : vector<256x128xi32>
    %broadcast_in_dim3A_941 = vector.shape_cast %broadcast_in_dim3A_937 : vector<256x1xf32> to vector<256x1xf32>
    %broadcast_in_dim3A_942 = vector.broadcast %broadcast_in_dim3A_941 : vector<256x1xf32> to vector<256x128xf32>
    %select_n3A_943 = arith.select %eq3A_940, %broadcast_in_dim3A_942, %select_n3A_922 : vector<256x128xi1>, vector<256x128xf32>
    %eq3A_944 = arith.constant 37 : i32
    %eq3A_945 = vector.broadcast %eq3A_944 : i32 to vector<256x128xi32>
    %eq3A_946 = arith.cmpi eq, %iota3A_61, %eq3A_945 : vector<256x128xi32>
    %add3A_947 = arith.constant 5120 : i32
    %add3A_948 = vector.broadcast %add3A_947 : i32 to vector<256x1xi32>
    %add3A_949 = arith.addi %add3A_948, %and3A_824 : vector<256x1xi32>
    %broadcast_in_dim3A_950 = vector.shape_cast %add3A_949 : vector<256x1xi32> to vector<256x1xi32>
    %broadcast_in_dim3A_951 = vector.broadcast %broadcast_in_dim3A_950 : vector<256x1xi32> to vector<256x128xi32>
    %select_n3A_952 = arith.select %eq3A_946, %broadcast_in_dim3A_951, %select_n3A_931 : vector<256x128xi1>, vector<256x128xi32>
    %jit3A_953 = arith.constant 0x7F800000 : f32
    %broadcast_in_dim3A_954 = vector.broadcast %jit3A_953 : f32 to vector<256x1024xf32>
    %select_n3A_955 = arith.select %eq3A_826, %slice3A_20, %broadcast_in_dim3A_954 : vector<256x1024xi1>, vector<256x1024xf32>
    %reduce_min3A_956 = arith.constant dense<0x7F800000> : vector<256xf32>
    %reduce_min3A_957 = vector.multi_reduction <minimumf>, %select_n3A_955, %reduce_min3A_956 [1] : vector<256x1024xf32> to vector<256xf32>
    %broadcast_in_dim3A_958 = vector.shape_cast %reduce_min3A_957 : vector<256xf32> to vector<256x1xf32>
    %eq3A_959 = arith.constant 38 : i32
    %eq3A_960 = vector.broadcast %eq3A_959 : i32 to vector<256x128xi32>
    %eq3A_961 = arith.cmpi eq, %iota3A_61, %eq3A_960 : vector<256x128xi32>
    %broadcast_in_dim3A_962 = vector.shape_cast %broadcast_in_dim3A_958 : vector<256x1xf32> to vector<256x1xf32>
    %broadcast_in_dim3A_963 = vector.broadcast %broadcast_in_dim3A_962 : vector<256x1xf32> to vector<256x128xf32>
    %select_n3A_964 = arith.select %eq3A_961, %broadcast_in_dim3A_963, %select_n3A_943 : vector<256x128xi1>, vector<256x128xf32>
    %eq3A_965 = arith.constant 38 : i32
    %eq3A_966 = vector.broadcast %eq3A_965 : i32 to vector<256x128xi32>
    %eq3A_967 = arith.cmpi eq, %iota3A_61, %eq3A_966 : vector<256x128xi32>
    %add3A_968 = arith.constant 6144 : i32
    %add3A_969 = vector.broadcast %add3A_968 : i32 to vector<256x1xi32>
    %add3A_970 = arith.addi %add3A_969, %and3A_824 : vector<256x1xi32>
    %broadcast_in_dim3A_971 = vector.shape_cast %add3A_970 : vector<256x1xi32> to vector<256x1xi32>
    %broadcast_in_dim3A_972 = vector.broadcast %broadcast_in_dim3A_971 : vector<256x1xi32> to vector<256x128xi32>
    %select_n3A_973 = arith.select %eq3A_967, %broadcast_in_dim3A_972, %select_n3A_952 : vector<256x128xi1>, vector<256x128xi32>
    %jit3A_974 = arith.constant 0x7F800000 : f32
    %broadcast_in_dim3A_975 = vector.broadcast %jit3A_974 : f32 to vector<256x1024xf32>
    %select_n3A_976 = arith.select %eq3A_826, %slice3A_21, %broadcast_in_dim3A_975 : vector<256x1024xi1>, vector<256x1024xf32>
    %reduce_min3A_977 = arith.constant dense<0x7F800000> : vector<256xf32>
    %reduce_min3A_978 = vector.multi_reduction <minimumf>, %select_n3A_976, %reduce_min3A_977 [1] : vector<256x1024xf32> to vector<256xf32>
    %broadcast_in_dim3A_979 = vector.shape_cast %reduce_min3A_978 : vector<256xf32> to vector<256x1xf32>
    %eq3A_980 = arith.constant 39 : i32
    %eq3A_981 = vector.broadcast %eq3A_980 : i32 to vector<256x128xi32>
    %eq3A_982 = arith.cmpi eq, %iota3A_61, %eq3A_981 : vector<256x128xi32>
    %broadcast_in_dim3A_983 = vector.shape_cast %broadcast_in_dim3A_979 : vector<256x1xf32> to vector<256x1xf32>
    %broadcast_in_dim3A_984 = vector.broadcast %broadcast_in_dim3A_983 : vector<256x1xf32> to vector<256x128xf32>
    %select_n3A_985 = arith.select %eq3A_982, %broadcast_in_dim3A_984, %select_n3A_964 : vector<256x128xi1>, vector<256x128xf32>
    %eq3A_986 = arith.constant 39 : i32
    %eq3A_987 = vector.broadcast %eq3A_986 : i32 to vector<256x128xi32>
    %eq3A_988 = arith.cmpi eq, %iota3A_61, %eq3A_987 : vector<256x128xi32>
    %add3A_989 = arith.constant 7168 : i32
    %add3A_990 = vector.broadcast %add3A_989 : i32 to vector<256x1xi32>
    %add3A_991 = arith.addi %add3A_990, %and3A_824 : vector<256x1xi32>
    %broadcast_in_dim3A_992 = vector.shape_cast %add3A_991 : vector<256x1xi32> to vector<256x1xi32>
    %broadcast_in_dim3A_993 = vector.broadcast %broadcast_in_dim3A_992 : vector<256x1xi32> to vector<256x128xi32>
    %select_n3A_994 = arith.select %eq3A_988, %broadcast_in_dim3A_993, %select_n3A_973 : vector<256x128xi1>, vector<256x128xi32>
    %jit3A_995 = arith.constant 0x7F800000 : f32
    %broadcast_in_dim3A_996 = vector.broadcast %jit3A_995 : f32 to vector<256x1024xf32>
    %select_n3A_997 = arith.select %eq3A_826, %broadcast_in_dim3A_996, %select_n3A_810 : vector<256x1024xi1>, vector<256x1024xf32>
    %reduce_min3A_998 = arith.constant dense<0x7F800000> : vector<256xf32>
    %reduce_min3A_999 = vector.multi_reduction <minimumf>, %select_n3A_997, %reduce_min3A_998 [1] : vector<256x1024xf32> to vector<256xf32>
    %broadcast_in_dim3A_1000 = vector.shape_cast %reduce_min3A_999 : vector<256xf32> to vector<256x1xf32>
    %eq3A_1001 = vector.broadcast %broadcast_in_dim3A_1000 : vector<256x1xf32> to vector<256x1024xf32>
    %eq3A_1002 = arith.cmpf oeq, %select_n3A_997, %eq3A_1001 : vector<256x1024xf32>
    %jit3A_1003 = arith.constant 1073741824 : i32
    %broadcast_in_dim3A_1004 = vector.broadcast %jit3A_1003 : i32 to vector<256x1024xi32>
    %select_n3A_1005 = arith.select %eq3A_1002, %select_n3A_60, %broadcast_in_dim3A_1004 : vector<256x1024xi1>, vector<256x1024xi32>
    %reduce_min3A_1006 = arith.constant dense<2147483647> : vector<256xi32>
    %reduce_min3A_1007 = vector.multi_reduction <minsi>, %select_n3A_1005, %reduce_min3A_1006 [1] : vector<256x1024xi32> to vector<256xi32>
    %broadcast_in_dim3A_1008 = vector.shape_cast %reduce_min3A_1007 : vector<256xi32> to vector<256x1xi32>
    %and3A_1009 = arith.constant 1023 : i32
    %and3A_1010 = vector.broadcast %and3A_1009 : i32 to vector<256x1xi32>
    %and3A_1011 = arith.andi %broadcast_in_dim3A_1008, %and3A_1010 : vector<256x1xi32>
    %eq3A_1012 = vector.broadcast %and3A_1011 : vector<256x1xi32> to vector<256x1024xi32>
    %eq3A_1013 = arith.cmpi eq, %iota3A, %eq3A_1012 : vector<256x1024xi32>
    %jit3A_1014 = arith.constant 0x7F800000 : f32
    %broadcast_in_dim3A_1015 = vector.broadcast %jit3A_1014 : f32 to vector<256x1024xf32>
    %select_n3A_1016 = arith.select %eq3A_1013, %slice3A, %broadcast_in_dim3A_1015 : vector<256x1024xi1>, vector<256x1024xf32>
    %reduce_min3A_1017 = arith.constant dense<0x7F800000> : vector<256xf32>
    %reduce_min3A_1018 = vector.multi_reduction <minimumf>, %select_n3A_1016, %reduce_min3A_1017 [1] : vector<256x1024xf32> to vector<256xf32>
    %broadcast_in_dim3A_1019 = vector.shape_cast %reduce_min3A_1018 : vector<256xf32> to vector<256x1xf32>
    %eq3A_1020 = arith.constant 40 : i32
    %eq3A_1021 = vector.broadcast %eq3A_1020 : i32 to vector<256x128xi32>
    %eq3A_1022 = arith.cmpi eq, %iota3A_61, %eq3A_1021 : vector<256x128xi32>
    %broadcast_in_dim3A_1023 = vector.shape_cast %broadcast_in_dim3A_1019 : vector<256x1xf32> to vector<256x1xf32>
    %broadcast_in_dim3A_1024 = vector.broadcast %broadcast_in_dim3A_1023 : vector<256x1xf32> to vector<256x128xf32>
    %select_n3A_1025 = arith.select %eq3A_1022, %broadcast_in_dim3A_1024, %select_n3A_985 : vector<256x128xi1>, vector<256x128xf32>
    %eq3A_1026 = arith.constant 40 : i32
    %eq3A_1027 = vector.broadcast %eq3A_1026 : i32 to vector<256x128xi32>
    %eq3A_1028 = arith.cmpi eq, %iota3A_61, %eq3A_1027 : vector<256x128xi32>
    %add3A_1029 = arith.constant 0 : i32
    %add3A_1030 = vector.broadcast %add3A_1029 : i32 to vector<256x1xi32>
    %add3A_1031 = arith.addi %add3A_1030, %and3A_1011 : vector<256x1xi32>
    %broadcast_in_dim3A_1032 = vector.shape_cast %add3A_1031 : vector<256x1xi32> to vector<256x1xi32>
    %broadcast_in_dim3A_1033 = vector.broadcast %broadcast_in_dim3A_1032 : vector<256x1xi32> to vector<256x128xi32>
    %select_n3A_1034 = arith.select %eq3A_1028, %broadcast_in_dim3A_1033, %select_n3A_994 : vector<256x128xi1>, vector<256x128xi32>
    %jit3A_1035 = arith.constant 0x7F800000 : f32
    %broadcast_in_dim3A_1036 = vector.broadcast %jit3A_1035 : f32 to vector<256x1024xf32>
    %select_n3A_1037 = arith.select %eq3A_1013, %slice3A_15, %broadcast_in_dim3A_1036 : vector<256x1024xi1>, vector<256x1024xf32>
    %reduce_min3A_1038 = arith.constant dense<0x7F800000> : vector<256xf32>
    %reduce_min3A_1039 = vector.multi_reduction <minimumf>, %select_n3A_1037, %reduce_min3A_1038 [1] : vector<256x1024xf32> to vector<256xf32>
    %broadcast_in_dim3A_1040 = vector.shape_cast %reduce_min3A_1039 : vector<256xf32> to vector<256x1xf32>
    %eq3A_1041 = arith.constant 41 : i32
    %eq3A_1042 = vector.broadcast %eq3A_1041 : i32 to vector<256x128xi32>
    %eq3A_1043 = arith.cmpi eq, %iota3A_61, %eq3A_1042 : vector<256x128xi32>
    %broadcast_in_dim3A_1044 = vector.shape_cast %broadcast_in_dim3A_1040 : vector<256x1xf32> to vector<256x1xf32>
    %broadcast_in_dim3A_1045 = vector.broadcast %broadcast_in_dim3A_1044 : vector<256x1xf32> to vector<256x128xf32>
    %select_n3A_1046 = arith.select %eq3A_1043, %broadcast_in_dim3A_1045, %select_n3A_1025 : vector<256x128xi1>, vector<256x128xf32>
    %eq3A_1047 = arith.constant 41 : i32
    %eq3A_1048 = vector.broadcast %eq3A_1047 : i32 to vector<256x128xi32>
    %eq3A_1049 = arith.cmpi eq, %iota3A_61, %eq3A_1048 : vector<256x128xi32>
    %add3A_1050 = arith.constant 1024 : i32
    %add3A_1051 = vector.broadcast %add3A_1050 : i32 to vector<256x1xi32>
    %add3A_1052 = arith.addi %add3A_1051, %and3A_1011 : vector<256x1xi32>
    %broadcast_in_dim3A_1053 = vector.shape_cast %add3A_1052 : vector<256x1xi32> to vector<256x1xi32>
    %broadcast_in_dim3A_1054 = vector.broadcast %broadcast_in_dim3A_1053 : vector<256x1xi32> to vector<256x128xi32>
    %select_n3A_1055 = arith.select %eq3A_1049, %broadcast_in_dim3A_1054, %select_n3A_1034 : vector<256x128xi1>, vector<256x128xi32>
    %jit3A_1056 = arith.constant 0x7F800000 : f32
    %broadcast_in_dim3A_1057 = vector.broadcast %jit3A_1056 : f32 to vector<256x1024xf32>
    %select_n3A_1058 = arith.select %eq3A_1013, %slice3A_16, %broadcast_in_dim3A_1057 : vector<256x1024xi1>, vector<256x1024xf32>
    %reduce_min3A_1059 = arith.constant dense<0x7F800000> : vector<256xf32>
    %reduce_min3A_1060 = vector.multi_reduction <minimumf>, %select_n3A_1058, %reduce_min3A_1059 [1] : vector<256x1024xf32> to vector<256xf32>
    %broadcast_in_dim3A_1061 = vector.shape_cast %reduce_min3A_1060 : vector<256xf32> to vector<256x1xf32>
    %eq3A_1062 = arith.constant 42 : i32
    %eq3A_1063 = vector.broadcast %eq3A_1062 : i32 to vector<256x128xi32>
    %eq3A_1064 = arith.cmpi eq, %iota3A_61, %eq3A_1063 : vector<256x128xi32>
    %broadcast_in_dim3A_1065 = vector.shape_cast %broadcast_in_dim3A_1061 : vector<256x1xf32> to vector<256x1xf32>
    %broadcast_in_dim3A_1066 = vector.broadcast %broadcast_in_dim3A_1065 : vector<256x1xf32> to vector<256x128xf32>
    %select_n3A_1067 = arith.select %eq3A_1064, %broadcast_in_dim3A_1066, %select_n3A_1046 : vector<256x128xi1>, vector<256x128xf32>
    %eq3A_1068 = arith.constant 42 : i32
    %eq3A_1069 = vector.broadcast %eq3A_1068 : i32 to vector<256x128xi32>
    %eq3A_1070 = arith.cmpi eq, %iota3A_61, %eq3A_1069 : vector<256x128xi32>
    %add3A_1071 = arith.constant 2048 : i32
    %add3A_1072 = vector.broadcast %add3A_1071 : i32 to vector<256x1xi32>
    %add3A_1073 = arith.addi %add3A_1072, %and3A_1011 : vector<256x1xi32>
    %broadcast_in_dim3A_1074 = vector.shape_cast %add3A_1073 : vector<256x1xi32> to vector<256x1xi32>
    %broadcast_in_dim3A_1075 = vector.broadcast %broadcast_in_dim3A_1074 : vector<256x1xi32> to vector<256x128xi32>
    %select_n3A_1076 = arith.select %eq3A_1070, %broadcast_in_dim3A_1075, %select_n3A_1055 : vector<256x128xi1>, vector<256x128xi32>
    %jit3A_1077 = arith.constant 0x7F800000 : f32
    %broadcast_in_dim3A_1078 = vector.broadcast %jit3A_1077 : f32 to vector<256x1024xf32>
    %select_n3A_1079 = arith.select %eq3A_1013, %slice3A_17, %broadcast_in_dim3A_1078 : vector<256x1024xi1>, vector<256x1024xf32>
    %reduce_min3A_1080 = arith.constant dense<0x7F800000> : vector<256xf32>
    %reduce_min3A_1081 = vector.multi_reduction <minimumf>, %select_n3A_1079, %reduce_min3A_1080 [1] : vector<256x1024xf32> to vector<256xf32>
    %broadcast_in_dim3A_1082 = vector.shape_cast %reduce_min3A_1081 : vector<256xf32> to vector<256x1xf32>
    %eq3A_1083 = arith.constant 43 : i32
    %eq3A_1084 = vector.broadcast %eq3A_1083 : i32 to vector<256x128xi32>
    %eq3A_1085 = arith.cmpi eq, %iota3A_61, %eq3A_1084 : vector<256x128xi32>
    %broadcast_in_dim3A_1086 = vector.shape_cast %broadcast_in_dim3A_1082 : vector<256x1xf32> to vector<256x1xf32>
    %broadcast_in_dim3A_1087 = vector.broadcast %broadcast_in_dim3A_1086 : vector<256x1xf32> to vector<256x128xf32>
    %select_n3A_1088 = arith.select %eq3A_1085, %broadcast_in_dim3A_1087, %select_n3A_1067 : vector<256x128xi1>, vector<256x128xf32>
    %eq3A_1089 = arith.constant 43 : i32
    %eq3A_1090 = vector.broadcast %eq3A_1089 : i32 to vector<256x128xi32>
    %eq3A_1091 = arith.cmpi eq, %iota3A_61, %eq3A_1090 : vector<256x128xi32>
    %add3A_1092 = arith.constant 3072 : i32
    %add3A_1093 = vector.broadcast %add3A_1092 : i32 to vector<256x1xi32>
    %add3A_1094 = arith.addi %add3A_1093, %and3A_1011 : vector<256x1xi32>
    %broadcast_in_dim3A_1095 = vector.shape_cast %add3A_1094 : vector<256x1xi32> to vector<256x1xi32>
    %broadcast_in_dim3A_1096 = vector.broadcast %broadcast_in_dim3A_1095 : vector<256x1xi32> to vector<256x128xi32>
    %select_n3A_1097 = arith.select %eq3A_1091, %broadcast_in_dim3A_1096, %select_n3A_1076 : vector<256x128xi1>, vector<256x128xi32>
    %jit3A_1098 = arith.constant 0x7F800000 : f32
    %broadcast_in_dim3A_1099 = vector.broadcast %jit3A_1098 : f32 to vector<256x1024xf32>
    %select_n3A_1100 = arith.select %eq3A_1013, %slice3A_18, %broadcast_in_dim3A_1099 : vector<256x1024xi1>, vector<256x1024xf32>
    %reduce_min3A_1101 = arith.constant dense<0x7F800000> : vector<256xf32>
    %reduce_min3A_1102 = vector.multi_reduction <minimumf>, %select_n3A_1100, %reduce_min3A_1101 [1] : vector<256x1024xf32> to vector<256xf32>
    %broadcast_in_dim3A_1103 = vector.shape_cast %reduce_min3A_1102 : vector<256xf32> to vector<256x1xf32>
    %eq3A_1104 = arith.constant 44 : i32
    %eq3A_1105 = vector.broadcast %eq3A_1104 : i32 to vector<256x128xi32>
    %eq3A_1106 = arith.cmpi eq, %iota3A_61, %eq3A_1105 : vector<256x128xi32>
    %broadcast_in_dim3A_1107 = vector.shape_cast %broadcast_in_dim3A_1103 : vector<256x1xf32> to vector<256x1xf32>
    %broadcast_in_dim3A_1108 = vector.broadcast %broadcast_in_dim3A_1107 : vector<256x1xf32> to vector<256x128xf32>
    %select_n3A_1109 = arith.select %eq3A_1106, %broadcast_in_dim3A_1108, %select_n3A_1088 : vector<256x128xi1>, vector<256x128xf32>
    %eq3A_1110 = arith.constant 44 : i32
    %eq3A_1111 = vector.broadcast %eq3A_1110 : i32 to vector<256x128xi32>
    %eq3A_1112 = arith.cmpi eq, %iota3A_61, %eq3A_1111 : vector<256x128xi32>
    %add3A_1113 = arith.constant 4096 : i32
    %add3A_1114 = vector.broadcast %add3A_1113 : i32 to vector<256x1xi32>
    %add3A_1115 = arith.addi %add3A_1114, %and3A_1011 : vector<256x1xi32>
    %broadcast_in_dim3A_1116 = vector.shape_cast %add3A_1115 : vector<256x1xi32> to vector<256x1xi32>
    %broadcast_in_dim3A_1117 = vector.broadcast %broadcast_in_dim3A_1116 : vector<256x1xi32> to vector<256x128xi32>
    %select_n3A_1118 = arith.select %eq3A_1112, %broadcast_in_dim3A_1117, %select_n3A_1097 : vector<256x128xi1>, vector<256x128xi32>
    %jit3A_1119 = arith.constant 0x7F800000 : f32
    %broadcast_in_dim3A_1120 = vector.broadcast %jit3A_1119 : f32 to vector<256x1024xf32>
    %select_n3A_1121 = arith.select %eq3A_1013, %slice3A_19, %broadcast_in_dim3A_1120 : vector<256x1024xi1>, vector<256x1024xf32>
    %reduce_min3A_1122 = arith.constant dense<0x7F800000> : vector<256xf32>
    %reduce_min3A_1123 = vector.multi_reduction <minimumf>, %select_n3A_1121, %reduce_min3A_1122 [1] : vector<256x1024xf32> to vector<256xf32>
    %broadcast_in_dim3A_1124 = vector.shape_cast %reduce_min3A_1123 : vector<256xf32> to vector<256x1xf32>
    %eq3A_1125 = arith.constant 45 : i32
    %eq3A_1126 = vector.broadcast %eq3A_1125 : i32 to vector<256x128xi32>
    %eq3A_1127 = arith.cmpi eq, %iota3A_61, %eq3A_1126 : vector<256x128xi32>
    %broadcast_in_dim3A_1128 = vector.shape_cast %broadcast_in_dim3A_1124 : vector<256x1xf32> to vector<256x1xf32>
    %broadcast_in_dim3A_1129 = vector.broadcast %broadcast_in_dim3A_1128 : vector<256x1xf32> to vector<256x128xf32>
    %select_n3A_1130 = arith.select %eq3A_1127, %broadcast_in_dim3A_1129, %select_n3A_1109 : vector<256x128xi1>, vector<256x128xf32>
    %eq3A_1131 = arith.constant 45 : i32
    %eq3A_1132 = vector.broadcast %eq3A_1131 : i32 to vector<256x128xi32>
    %eq3A_1133 = arith.cmpi eq, %iota3A_61, %eq3A_1132 : vector<256x128xi32>
    %add3A_1134 = arith.constant 5120 : i32
    %add3A_1135 = vector.broadcast %add3A_1134 : i32 to vector<256x1xi32>
    %add3A_1136 = arith.addi %add3A_1135, %and3A_1011 : vector<256x1xi32>
    %broadcast_in_dim3A_1137 = vector.shape_cast %add3A_1136 : vector<256x1xi32> to vector<256x1xi32>
    %broadcast_in_dim3A_1138 = vector.broadcast %broadcast_in_dim3A_1137 : vector<256x1xi32> to vector<256x128xi32>
    %select_n3A_1139 = arith.select %eq3A_1133, %broadcast_in_dim3A_1138, %select_n3A_1118 : vector<256x128xi1>, vector<256x128xi32>
    %jit3A_1140 = arith.constant 0x7F800000 : f32
    %broadcast_in_dim3A_1141 = vector.broadcast %jit3A_1140 : f32 to vector<256x1024xf32>
    %select_n3A_1142 = arith.select %eq3A_1013, %slice3A_20, %broadcast_in_dim3A_1141 : vector<256x1024xi1>, vector<256x1024xf32>
    %reduce_min3A_1143 = arith.constant dense<0x7F800000> : vector<256xf32>
    %reduce_min3A_1144 = vector.multi_reduction <minimumf>, %select_n3A_1142, %reduce_min3A_1143 [1] : vector<256x1024xf32> to vector<256xf32>
    %broadcast_in_dim3A_1145 = vector.shape_cast %reduce_min3A_1144 : vector<256xf32> to vector<256x1xf32>
    %eq3A_1146 = arith.constant 46 : i32
    %eq3A_1147 = vector.broadcast %eq3A_1146 : i32 to vector<256x128xi32>
    %eq3A_1148 = arith.cmpi eq, %iota3A_61, %eq3A_1147 : vector<256x128xi32>
    %broadcast_in_dim3A_1149 = vector.shape_cast %broadcast_in_dim3A_1145 : vector<256x1xf32> to vector<256x1xf32>
    %broadcast_in_dim3A_1150 = vector.broadcast %broadcast_in_dim3A_1149 : vector<256x1xf32> to vector<256x128xf32>
    %select_n3A_1151 = arith.select %eq3A_1148, %broadcast_in_dim3A_1150, %select_n3A_1130 : vector<256x128xi1>, vector<256x128xf32>
    %eq3A_1152 = arith.constant 46 : i32
    %eq3A_1153 = vector.broadcast %eq3A_1152 : i32 to vector<256x128xi32>
    %eq3A_1154 = arith.cmpi eq, %iota3A_61, %eq3A_1153 : vector<256x128xi32>
    %add3A_1155 = arith.constant 6144 : i32
    %add3A_1156 = vector.broadcast %add3A_1155 : i32 to vector<256x1xi32>
    %add3A_1157 = arith.addi %add3A_1156, %and3A_1011 : vector<256x1xi32>
    %broadcast_in_dim3A_1158 = vector.shape_cast %add3A_1157 : vector<256x1xi32> to vector<256x1xi32>
    %broadcast_in_dim3A_1159 = vector.broadcast %broadcast_in_dim3A_1158 : vector<256x1xi32> to vector<256x128xi32>
    %select_n3A_1160 = arith.select %eq3A_1154, %broadcast_in_dim3A_1159, %select_n3A_1139 : vector<256x128xi1>, vector<256x128xi32>
    %jit3A_1161 = arith.constant 0x7F800000 : f32
    %broadcast_in_dim3A_1162 = vector.broadcast %jit3A_1161 : f32 to vector<256x1024xf32>
    %select_n3A_1163 = arith.select %eq3A_1013, %slice3A_21, %broadcast_in_dim3A_1162 : vector<256x1024xi1>, vector<256x1024xf32>
    %reduce_min3A_1164 = arith.constant dense<0x7F800000> : vector<256xf32>
    %reduce_min3A_1165 = vector.multi_reduction <minimumf>, %select_n3A_1163, %reduce_min3A_1164 [1] : vector<256x1024xf32> to vector<256xf32>
    %broadcast_in_dim3A_1166 = vector.shape_cast %reduce_min3A_1165 : vector<256xf32> to vector<256x1xf32>
    %eq3A_1167 = arith.constant 47 : i32
    %eq3A_1168 = vector.broadcast %eq3A_1167 : i32 to vector<256x128xi32>
    %eq3A_1169 = arith.cmpi eq, %iota3A_61, %eq3A_1168 : vector<256x128xi32>
    %broadcast_in_dim3A_1170 = vector.shape_cast %broadcast_in_dim3A_1166 : vector<256x1xf32> to vector<256x1xf32>
    %broadcast_in_dim3A_1171 = vector.broadcast %broadcast_in_dim3A_1170 : vector<256x1xf32> to vector<256x128xf32>
    %select_n3A_1172 = arith.select %eq3A_1169, %broadcast_in_dim3A_1171, %select_n3A_1151 : vector<256x128xi1>, vector<256x128xf32>
    %eq3A_1173 = arith.constant 47 : i32
    %eq3A_1174 = vector.broadcast %eq3A_1173 : i32 to vector<256x128xi32>
    %eq3A_1175 = arith.cmpi eq, %iota3A_61, %eq3A_1174 : vector<256x128xi32>
    %add3A_1176 = arith.constant 7168 : i32
    %add3A_1177 = vector.broadcast %add3A_1176 : i32 to vector<256x1xi32>
    %add3A_1178 = arith.addi %add3A_1177, %and3A_1011 : vector<256x1xi32>
    %broadcast_in_dim3A_1179 = vector.shape_cast %add3A_1178 : vector<256x1xi32> to vector<256x1xi32>
    %broadcast_in_dim3A_1180 = vector.broadcast %broadcast_in_dim3A_1179 : vector<256x1xi32> to vector<256x128xi32>
    %select_n3A_1181 = arith.select %eq3A_1175, %broadcast_in_dim3A_1180, %select_n3A_1160 : vector<256x128xi1>, vector<256x128xi32>
    %jit3A_1182 = arith.constant 0x7F800000 : f32
    %broadcast_in_dim3A_1183 = vector.broadcast %jit3A_1182 : f32 to vector<256x1024xf32>
    %select_n3A_1184 = arith.select %eq3A_1013, %broadcast_in_dim3A_1183, %select_n3A_997 : vector<256x1024xi1>, vector<256x1024xf32>
    %reduce_min3A_1185 = arith.constant dense<0x7F800000> : vector<256xf32>
    %reduce_min3A_1186 = vector.multi_reduction <minimumf>, %select_n3A_1184, %reduce_min3A_1185 [1] : vector<256x1024xf32> to vector<256xf32>
    %broadcast_in_dim3A_1187 = vector.shape_cast %reduce_min3A_1186 : vector<256xf32> to vector<256x1xf32>
    %eq3A_1188 = vector.broadcast %broadcast_in_dim3A_1187 : vector<256x1xf32> to vector<256x1024xf32>
    %eq3A_1189 = arith.cmpf oeq, %select_n3A_1184, %eq3A_1188 : vector<256x1024xf32>
    %jit3A_1190 = arith.constant 1073741824 : i32
    %broadcast_in_dim3A_1191 = vector.broadcast %jit3A_1190 : i32 to vector<256x1024xi32>
    %select_n3A_1192 = arith.select %eq3A_1189, %select_n3A_60, %broadcast_in_dim3A_1191 : vector<256x1024xi1>, vector<256x1024xi32>
    %reduce_min3A_1193 = arith.constant dense<2147483647> : vector<256xi32>
    %reduce_min3A_1194 = vector.multi_reduction <minsi>, %select_n3A_1192, %reduce_min3A_1193 [1] : vector<256x1024xi32> to vector<256xi32>
    %broadcast_in_dim3A_1195 = vector.shape_cast %reduce_min3A_1194 : vector<256xi32> to vector<256x1xi32>
    %and3A_1196 = arith.constant 1023 : i32
    %and3A_1197 = vector.broadcast %and3A_1196 : i32 to vector<256x1xi32>
    %and3A_1198 = arith.andi %broadcast_in_dim3A_1195, %and3A_1197 : vector<256x1xi32>
    %eq3A_1199 = vector.broadcast %and3A_1198 : vector<256x1xi32> to vector<256x1024xi32>
    %eq3A_1200 = arith.cmpi eq, %iota3A, %eq3A_1199 : vector<256x1024xi32>
    %jit3A_1201 = arith.constant 0x7F800000 : f32
    %broadcast_in_dim3A_1202 = vector.broadcast %jit3A_1201 : f32 to vector<256x1024xf32>
    %select_n3A_1203 = arith.select %eq3A_1200, %slice3A, %broadcast_in_dim3A_1202 : vector<256x1024xi1>, vector<256x1024xf32>
    %reduce_min3A_1204 = arith.constant dense<0x7F800000> : vector<256xf32>
    %reduce_min3A_1205 = vector.multi_reduction <minimumf>, %select_n3A_1203, %reduce_min3A_1204 [1] : vector<256x1024xf32> to vector<256xf32>
    %broadcast_in_dim3A_1206 = vector.shape_cast %reduce_min3A_1205 : vector<256xf32> to vector<256x1xf32>
    %eq3A_1207 = arith.constant 48 : i32
    %eq3A_1208 = vector.broadcast %eq3A_1207 : i32 to vector<256x128xi32>
    %eq3A_1209 = arith.cmpi eq, %iota3A_61, %eq3A_1208 : vector<256x128xi32>
    %broadcast_in_dim3A_1210 = vector.shape_cast %broadcast_in_dim3A_1206 : vector<256x1xf32> to vector<256x1xf32>
    %broadcast_in_dim3A_1211 = vector.broadcast %broadcast_in_dim3A_1210 : vector<256x1xf32> to vector<256x128xf32>
    %select_n3A_1212 = arith.select %eq3A_1209, %broadcast_in_dim3A_1211, %select_n3A_1172 : vector<256x128xi1>, vector<256x128xf32>
    %eq3A_1213 = arith.constant 48 : i32
    %eq3A_1214 = vector.broadcast %eq3A_1213 : i32 to vector<256x128xi32>
    %eq3A_1215 = arith.cmpi eq, %iota3A_61, %eq3A_1214 : vector<256x128xi32>
    %add3A_1216 = arith.constant 0 : i32
    %add3A_1217 = vector.broadcast %add3A_1216 : i32 to vector<256x1xi32>
    %add3A_1218 = arith.addi %add3A_1217, %and3A_1198 : vector<256x1xi32>
    %broadcast_in_dim3A_1219 = vector.shape_cast %add3A_1218 : vector<256x1xi32> to vector<256x1xi32>
    %broadcast_in_dim3A_1220 = vector.broadcast %broadcast_in_dim3A_1219 : vector<256x1xi32> to vector<256x128xi32>
    %select_n3A_1221 = arith.select %eq3A_1215, %broadcast_in_dim3A_1220, %select_n3A_1181 : vector<256x128xi1>, vector<256x128xi32>
    %jit3A_1222 = arith.constant 0x7F800000 : f32
    %broadcast_in_dim3A_1223 = vector.broadcast %jit3A_1222 : f32 to vector<256x1024xf32>
    %select_n3A_1224 = arith.select %eq3A_1200, %slice3A_15, %broadcast_in_dim3A_1223 : vector<256x1024xi1>, vector<256x1024xf32>
    %reduce_min3A_1225 = arith.constant dense<0x7F800000> : vector<256xf32>
    %reduce_min3A_1226 = vector.multi_reduction <minimumf>, %select_n3A_1224, %reduce_min3A_1225 [1] : vector<256x1024xf32> to vector<256xf32>
    %broadcast_in_dim3A_1227 = vector.shape_cast %reduce_min3A_1226 : vector<256xf32> to vector<256x1xf32>
    %eq3A_1228 = arith.constant 49 : i32
    %eq3A_1229 = vector.broadcast %eq3A_1228 : i32 to vector<256x128xi32>
    %eq3A_1230 = arith.cmpi eq, %iota3A_61, %eq3A_1229 : vector<256x128xi32>
    %broadcast_in_dim3A_1231 = vector.shape_cast %broadcast_in_dim3A_1227 : vector<256x1xf32> to vector<256x1xf32>
    %broadcast_in_dim3A_1232 = vector.broadcast %broadcast_in_dim3A_1231 : vector<256x1xf32> to vector<256x128xf32>
    %select_n3A_1233 = arith.select %eq3A_1230, %broadcast_in_dim3A_1232, %select_n3A_1212 : vector<256x128xi1>, vector<256x128xf32>
    %eq3A_1234 = arith.constant 49 : i32
    %eq3A_1235 = vector.broadcast %eq3A_1234 : i32 to vector<256x128xi32>
    %eq3A_1236 = arith.cmpi eq, %iota3A_61, %eq3A_1235 : vector<256x128xi32>
    %add3A_1237 = arith.constant 1024 : i32
    %add3A_1238 = vector.broadcast %add3A_1237 : i32 to vector<256x1xi32>
    %add3A_1239 = arith.addi %add3A_1238, %and3A_1198 : vector<256x1xi32>
    %broadcast_in_dim3A_1240 = vector.shape_cast %add3A_1239 : vector<256x1xi32> to vector<256x1xi32>
    %broadcast_in_dim3A_1241 = vector.broadcast %broadcast_in_dim3A_1240 : vector<256x1xi32> to vector<256x128xi32>
    %select_n3A_1242 = arith.select %eq3A_1236, %broadcast_in_dim3A_1241, %select_n3A_1221 : vector<256x128xi1>, vector<256x128xi32>
    %jit3A_1243 = arith.constant 0x7F800000 : f32
    %broadcast_in_dim3A_1244 = vector.broadcast %jit3A_1243 : f32 to vector<256x1024xf32>
    %select_n3A_1245 = arith.select %eq3A_1200, %slice3A_16, %broadcast_in_dim3A_1244 : vector<256x1024xi1>, vector<256x1024xf32>
    %reduce_min3A_1246 = arith.constant dense<0x7F800000> : vector<256xf32>
    %reduce_min3A_1247 = vector.multi_reduction <minimumf>, %select_n3A_1245, %reduce_min3A_1246 [1] : vector<256x1024xf32> to vector<256xf32>
    %broadcast_in_dim3A_1248 = vector.shape_cast %reduce_min3A_1247 : vector<256xf32> to vector<256x1xf32>
    %eq3A_1249 = arith.constant 50 : i32
    %eq3A_1250 = vector.broadcast %eq3A_1249 : i32 to vector<256x128xi32>
    %eq3A_1251 = arith.cmpi eq, %iota3A_61, %eq3A_1250 : vector<256x128xi32>
    %broadcast_in_dim3A_1252 = vector.shape_cast %broadcast_in_dim3A_1248 : vector<256x1xf32> to vector<256x1xf32>
    %broadcast_in_dim3A_1253 = vector.broadcast %broadcast_in_dim3A_1252 : vector<256x1xf32> to vector<256x128xf32>
    %select_n3A_1254 = arith.select %eq3A_1251, %broadcast_in_dim3A_1253, %select_n3A_1233 : vector<256x128xi1>, vector<256x128xf32>
    %eq3A_1255 = arith.constant 50 : i32
    %eq3A_1256 = vector.broadcast %eq3A_1255 : i32 to vector<256x128xi32>
    %eq3A_1257 = arith.cmpi eq, %iota3A_61, %eq3A_1256 : vector<256x128xi32>
    %add3A_1258 = arith.constant 2048 : i32
    %add3A_1259 = vector.broadcast %add3A_1258 : i32 to vector<256x1xi32>
    %add3A_1260 = arith.addi %add3A_1259, %and3A_1198 : vector<256x1xi32>
    %broadcast_in_dim3A_1261 = vector.shape_cast %add3A_1260 : vector<256x1xi32> to vector<256x1xi32>
    %broadcast_in_dim3A_1262 = vector.broadcast %broadcast_in_dim3A_1261 : vector<256x1xi32> to vector<256x128xi32>
    %select_n3A_1263 = arith.select %eq3A_1257, %broadcast_in_dim3A_1262, %select_n3A_1242 : vector<256x128xi1>, vector<256x128xi32>
    %jit3A_1264 = arith.constant 0x7F800000 : f32
    %broadcast_in_dim3A_1265 = vector.broadcast %jit3A_1264 : f32 to vector<256x1024xf32>
    %select_n3A_1266 = arith.select %eq3A_1200, %slice3A_17, %broadcast_in_dim3A_1265 : vector<256x1024xi1>, vector<256x1024xf32>
    %reduce_min3A_1267 = arith.constant dense<0x7F800000> : vector<256xf32>
    %reduce_min3A_1268 = vector.multi_reduction <minimumf>, %select_n3A_1266, %reduce_min3A_1267 [1] : vector<256x1024xf32> to vector<256xf32>
    %broadcast_in_dim3A_1269 = vector.shape_cast %reduce_min3A_1268 : vector<256xf32> to vector<256x1xf32>
    %eq3A_1270 = arith.constant 51 : i32
    %eq3A_1271 = vector.broadcast %eq3A_1270 : i32 to vector<256x128xi32>
    %eq3A_1272 = arith.cmpi eq, %iota3A_61, %eq3A_1271 : vector<256x128xi32>
    %broadcast_in_dim3A_1273 = vector.shape_cast %broadcast_in_dim3A_1269 : vector<256x1xf32> to vector<256x1xf32>
    %broadcast_in_dim3A_1274 = vector.broadcast %broadcast_in_dim3A_1273 : vector<256x1xf32> to vector<256x128xf32>
    %select_n3A_1275 = arith.select %eq3A_1272, %broadcast_in_dim3A_1274, %select_n3A_1254 : vector<256x128xi1>, vector<256x128xf32>
    %eq3A_1276 = arith.constant 51 : i32
    %eq3A_1277 = vector.broadcast %eq3A_1276 : i32 to vector<256x128xi32>
    %eq3A_1278 = arith.cmpi eq, %iota3A_61, %eq3A_1277 : vector<256x128xi32>
    %add3A_1279 = arith.constant 3072 : i32
    %add3A_1280 = vector.broadcast %add3A_1279 : i32 to vector<256x1xi32>
    %add3A_1281 = arith.addi %add3A_1280, %and3A_1198 : vector<256x1xi32>
    %broadcast_in_dim3A_1282 = vector.shape_cast %add3A_1281 : vector<256x1xi32> to vector<256x1xi32>
    %broadcast_in_dim3A_1283 = vector.broadcast %broadcast_in_dim3A_1282 : vector<256x1xi32> to vector<256x128xi32>
    %select_n3A_1284 = arith.select %eq3A_1278, %broadcast_in_dim3A_1283, %select_n3A_1263 : vector<256x128xi1>, vector<256x128xi32>
    %jit3A_1285 = arith.constant 0x7F800000 : f32
    %broadcast_in_dim3A_1286 = vector.broadcast %jit3A_1285 : f32 to vector<256x1024xf32>
    %select_n3A_1287 = arith.select %eq3A_1200, %slice3A_18, %broadcast_in_dim3A_1286 : vector<256x1024xi1>, vector<256x1024xf32>
    %reduce_min3A_1288 = arith.constant dense<0x7F800000> : vector<256xf32>
    %reduce_min3A_1289 = vector.multi_reduction <minimumf>, %select_n3A_1287, %reduce_min3A_1288 [1] : vector<256x1024xf32> to vector<256xf32>
    %broadcast_in_dim3A_1290 = vector.shape_cast %reduce_min3A_1289 : vector<256xf32> to vector<256x1xf32>
    %eq3A_1291 = arith.constant 52 : i32
    %eq3A_1292 = vector.broadcast %eq3A_1291 : i32 to vector<256x128xi32>
    %eq3A_1293 = arith.cmpi eq, %iota3A_61, %eq3A_1292 : vector<256x128xi32>
    %broadcast_in_dim3A_1294 = vector.shape_cast %broadcast_in_dim3A_1290 : vector<256x1xf32> to vector<256x1xf32>
    %broadcast_in_dim3A_1295 = vector.broadcast %broadcast_in_dim3A_1294 : vector<256x1xf32> to vector<256x128xf32>
    %select_n3A_1296 = arith.select %eq3A_1293, %broadcast_in_dim3A_1295, %select_n3A_1275 : vector<256x128xi1>, vector<256x128xf32>
    %eq3A_1297 = arith.constant 52 : i32
    %eq3A_1298 = vector.broadcast %eq3A_1297 : i32 to vector<256x128xi32>
    %eq3A_1299 = arith.cmpi eq, %iota3A_61, %eq3A_1298 : vector<256x128xi32>
    %add3A_1300 = arith.constant 4096 : i32
    %add3A_1301 = vector.broadcast %add3A_1300 : i32 to vector<256x1xi32>
    %add3A_1302 = arith.addi %add3A_1301, %and3A_1198 : vector<256x1xi32>
    %broadcast_in_dim3A_1303 = vector.shape_cast %add3A_1302 : vector<256x1xi32> to vector<256x1xi32>
    %broadcast_in_dim3A_1304 = vector.broadcast %broadcast_in_dim3A_1303 : vector<256x1xi32> to vector<256x128xi32>
    %select_n3A_1305 = arith.select %eq3A_1299, %broadcast_in_dim3A_1304, %select_n3A_1284 : vector<256x128xi1>, vector<256x128xi32>
    %jit3A_1306 = arith.constant 0x7F800000 : f32
    %broadcast_in_dim3A_1307 = vector.broadcast %jit3A_1306 : f32 to vector<256x1024xf32>
    %select_n3A_1308 = arith.select %eq3A_1200, %slice3A_19, %broadcast_in_dim3A_1307 : vector<256x1024xi1>, vector<256x1024xf32>
    %reduce_min3A_1309 = arith.constant dense<0x7F800000> : vector<256xf32>
    %reduce_min3A_1310 = vector.multi_reduction <minimumf>, %select_n3A_1308, %reduce_min3A_1309 [1] : vector<256x1024xf32> to vector<256xf32>
    %broadcast_in_dim3A_1311 = vector.shape_cast %reduce_min3A_1310 : vector<256xf32> to vector<256x1xf32>
    %eq3A_1312 = arith.constant 53 : i32
    %eq3A_1313 = vector.broadcast %eq3A_1312 : i32 to vector<256x128xi32>
    %eq3A_1314 = arith.cmpi eq, %iota3A_61, %eq3A_1313 : vector<256x128xi32>
    %broadcast_in_dim3A_1315 = vector.shape_cast %broadcast_in_dim3A_1311 : vector<256x1xf32> to vector<256x1xf32>
    %broadcast_in_dim3A_1316 = vector.broadcast %broadcast_in_dim3A_1315 : vector<256x1xf32> to vector<256x128xf32>
    %select_n3A_1317 = arith.select %eq3A_1314, %broadcast_in_dim3A_1316, %select_n3A_1296 : vector<256x128xi1>, vector<256x128xf32>
    %eq3A_1318 = arith.constant 53 : i32
    %eq3A_1319 = vector.broadcast %eq3A_1318 : i32 to vector<256x128xi32>
    %eq3A_1320 = arith.cmpi eq, %iota3A_61, %eq3A_1319 : vector<256x128xi32>
    %add3A_1321 = arith.constant 5120 : i32
    %add3A_1322 = vector.broadcast %add3A_1321 : i32 to vector<256x1xi32>
    %add3A_1323 = arith.addi %add3A_1322, %and3A_1198 : vector<256x1xi32>
    %broadcast_in_dim3A_1324 = vector.shape_cast %add3A_1323 : vector<256x1xi32> to vector<256x1xi32>
    %broadcast_in_dim3A_1325 = vector.broadcast %broadcast_in_dim3A_1324 : vector<256x1xi32> to vector<256x128xi32>
    %select_n3A_1326 = arith.select %eq3A_1320, %broadcast_in_dim3A_1325, %select_n3A_1305 : vector<256x128xi1>, vector<256x128xi32>
    %jit3A_1327 = arith.constant 0x7F800000 : f32
    %broadcast_in_dim3A_1328 = vector.broadcast %jit3A_1327 : f32 to vector<256x1024xf32>
    %select_n3A_1329 = arith.select %eq3A_1200, %slice3A_20, %broadcast_in_dim3A_1328 : vector<256x1024xi1>, vector<256x1024xf32>
    %reduce_min3A_1330 = arith.constant dense<0x7F800000> : vector<256xf32>
    %reduce_min3A_1331 = vector.multi_reduction <minimumf>, %select_n3A_1329, %reduce_min3A_1330 [1] : vector<256x1024xf32> to vector<256xf32>
    %broadcast_in_dim3A_1332 = vector.shape_cast %reduce_min3A_1331 : vector<256xf32> to vector<256x1xf32>
    %eq3A_1333 = arith.constant 54 : i32
    %eq3A_1334 = vector.broadcast %eq3A_1333 : i32 to vector<256x128xi32>
    %eq3A_1335 = arith.cmpi eq, %iota3A_61, %eq3A_1334 : vector<256x128xi32>
    %broadcast_in_dim3A_1336 = vector.shape_cast %broadcast_in_dim3A_1332 : vector<256x1xf32> to vector<256x1xf32>
    %broadcast_in_dim3A_1337 = vector.broadcast %broadcast_in_dim3A_1336 : vector<256x1xf32> to vector<256x128xf32>
    %select_n3A_1338 = arith.select %eq3A_1335, %broadcast_in_dim3A_1337, %select_n3A_1317 : vector<256x128xi1>, vector<256x128xf32>
    %eq3A_1339 = arith.constant 54 : i32
    %eq3A_1340 = vector.broadcast %eq3A_1339 : i32 to vector<256x128xi32>
    %eq3A_1341 = arith.cmpi eq, %iota3A_61, %eq3A_1340 : vector<256x128xi32>
    %add3A_1342 = arith.constant 6144 : i32
    %add3A_1343 = vector.broadcast %add3A_1342 : i32 to vector<256x1xi32>
    %add3A_1344 = arith.addi %add3A_1343, %and3A_1198 : vector<256x1xi32>
    %broadcast_in_dim3A_1345 = vector.shape_cast %add3A_1344 : vector<256x1xi32> to vector<256x1xi32>
    %broadcast_in_dim3A_1346 = vector.broadcast %broadcast_in_dim3A_1345 : vector<256x1xi32> to vector<256x128xi32>
    %select_n3A_1347 = arith.select %eq3A_1341, %broadcast_in_dim3A_1346, %select_n3A_1326 : vector<256x128xi1>, vector<256x128xi32>
    %jit3A_1348 = arith.constant 0x7F800000 : f32
    %broadcast_in_dim3A_1349 = vector.broadcast %jit3A_1348 : f32 to vector<256x1024xf32>
    %select_n3A_1350 = arith.select %eq3A_1200, %slice3A_21, %broadcast_in_dim3A_1349 : vector<256x1024xi1>, vector<256x1024xf32>
    %reduce_min3A_1351 = arith.constant dense<0x7F800000> : vector<256xf32>
    %reduce_min3A_1352 = vector.multi_reduction <minimumf>, %select_n3A_1350, %reduce_min3A_1351 [1] : vector<256x1024xf32> to vector<256xf32>
    %broadcast_in_dim3A_1353 = vector.shape_cast %reduce_min3A_1352 : vector<256xf32> to vector<256x1xf32>
    %eq3A_1354 = arith.constant 55 : i32
    %eq3A_1355 = vector.broadcast %eq3A_1354 : i32 to vector<256x128xi32>
    %eq3A_1356 = arith.cmpi eq, %iota3A_61, %eq3A_1355 : vector<256x128xi32>
    %broadcast_in_dim3A_1357 = vector.shape_cast %broadcast_in_dim3A_1353 : vector<256x1xf32> to vector<256x1xf32>
    %broadcast_in_dim3A_1358 = vector.broadcast %broadcast_in_dim3A_1357 : vector<256x1xf32> to vector<256x128xf32>
    %select_n3A_1359 = arith.select %eq3A_1356, %broadcast_in_dim3A_1358, %select_n3A_1338 : vector<256x128xi1>, vector<256x128xf32>
    %eq3A_1360 = arith.constant 55 : i32
    %eq3A_1361 = vector.broadcast %eq3A_1360 : i32 to vector<256x128xi32>
    %eq3A_1362 = arith.cmpi eq, %iota3A_61, %eq3A_1361 : vector<256x128xi32>
    %add3A_1363 = arith.constant 7168 : i32
    %add3A_1364 = vector.broadcast %add3A_1363 : i32 to vector<256x1xi32>
    %add3A_1365 = arith.addi %add3A_1364, %and3A_1198 : vector<256x1xi32>
    %broadcast_in_dim3A_1366 = vector.shape_cast %add3A_1365 : vector<256x1xi32> to vector<256x1xi32>
    %broadcast_in_dim3A_1367 = vector.broadcast %broadcast_in_dim3A_1366 : vector<256x1xi32> to vector<256x128xi32>
    %select_n3A_1368 = arith.select %eq3A_1362, %broadcast_in_dim3A_1367, %select_n3A_1347 : vector<256x128xi1>, vector<256x128xi32>
    %jit3A_1369 = arith.constant 0x7F800000 : f32
    %broadcast_in_dim3A_1370 = vector.broadcast %jit3A_1369 : f32 to vector<256x1024xf32>
    %select_n3A_1371 = arith.select %eq3A_1200, %broadcast_in_dim3A_1370, %select_n3A_1184 : vector<256x1024xi1>, vector<256x1024xf32>
    %reduce_min3A_1372 = arith.constant dense<0x7F800000> : vector<256xf32>
    %reduce_min3A_1373 = vector.multi_reduction <minimumf>, %select_n3A_1371, %reduce_min3A_1372 [1] : vector<256x1024xf32> to vector<256xf32>
    %broadcast_in_dim3A_1374 = vector.shape_cast %reduce_min3A_1373 : vector<256xf32> to vector<256x1xf32>
    %eq3A_1375 = vector.broadcast %broadcast_in_dim3A_1374 : vector<256x1xf32> to vector<256x1024xf32>
    %eq3A_1376 = arith.cmpf oeq, %select_n3A_1371, %eq3A_1375 : vector<256x1024xf32>
    %jit3A_1377 = arith.constant 1073741824 : i32
    %broadcast_in_dim3A_1378 = vector.broadcast %jit3A_1377 : i32 to vector<256x1024xi32>
    %select_n3A_1379 = arith.select %eq3A_1376, %select_n3A_60, %broadcast_in_dim3A_1378 : vector<256x1024xi1>, vector<256x1024xi32>
    %reduce_min3A_1380 = arith.constant dense<2147483647> : vector<256xi32>
    %reduce_min3A_1381 = vector.multi_reduction <minsi>, %select_n3A_1379, %reduce_min3A_1380 [1] : vector<256x1024xi32> to vector<256xi32>
    %broadcast_in_dim3A_1382 = vector.shape_cast %reduce_min3A_1381 : vector<256xi32> to vector<256x1xi32>
    %and3A_1383 = arith.constant 1023 : i32
    %and3A_1384 = vector.broadcast %and3A_1383 : i32 to vector<256x1xi32>
    %and3A_1385 = arith.andi %broadcast_in_dim3A_1382, %and3A_1384 : vector<256x1xi32>
    %eq3A_1386 = vector.broadcast %and3A_1385 : vector<256x1xi32> to vector<256x1024xi32>
    %eq3A_1387 = arith.cmpi eq, %iota3A, %eq3A_1386 : vector<256x1024xi32>
    %jit3A_1388 = arith.constant 0x7F800000 : f32
    %broadcast_in_dim3A_1389 = vector.broadcast %jit3A_1388 : f32 to vector<256x1024xf32>
    %select_n3A_1390 = arith.select %eq3A_1387, %slice3A, %broadcast_in_dim3A_1389 : vector<256x1024xi1>, vector<256x1024xf32>
    %reduce_min3A_1391 = arith.constant dense<0x7F800000> : vector<256xf32>
    %reduce_min3A_1392 = vector.multi_reduction <minimumf>, %select_n3A_1390, %reduce_min3A_1391 [1] : vector<256x1024xf32> to vector<256xf32>
    %broadcast_in_dim3A_1393 = vector.shape_cast %reduce_min3A_1392 : vector<256xf32> to vector<256x1xf32>
    %eq3A_1394 = arith.constant 56 : i32
    %eq3A_1395 = vector.broadcast %eq3A_1394 : i32 to vector<256x128xi32>
    %eq3A_1396 = arith.cmpi eq, %iota3A_61, %eq3A_1395 : vector<256x128xi32>
    %broadcast_in_dim3A_1397 = vector.shape_cast %broadcast_in_dim3A_1393 : vector<256x1xf32> to vector<256x1xf32>
    %broadcast_in_dim3A_1398 = vector.broadcast %broadcast_in_dim3A_1397 : vector<256x1xf32> to vector<256x128xf32>
    %select_n3A_1399 = arith.select %eq3A_1396, %broadcast_in_dim3A_1398, %select_n3A_1359 : vector<256x128xi1>, vector<256x128xf32>
    %eq3A_1400 = arith.constant 56 : i32
    %eq3A_1401 = vector.broadcast %eq3A_1400 : i32 to vector<256x128xi32>
    %eq3A_1402 = arith.cmpi eq, %iota3A_61, %eq3A_1401 : vector<256x128xi32>
    %add3A_1403 = arith.constant 0 : i32
    %add3A_1404 = vector.broadcast %add3A_1403 : i32 to vector<256x1xi32>
    %add3A_1405 = arith.addi %add3A_1404, %and3A_1385 : vector<256x1xi32>
    %broadcast_in_dim3A_1406 = vector.shape_cast %add3A_1405 : vector<256x1xi32> to vector<256x1xi32>
    %broadcast_in_dim3A_1407 = vector.broadcast %broadcast_in_dim3A_1406 : vector<256x1xi32> to vector<256x128xi32>
    %select_n3A_1408 = arith.select %eq3A_1402, %broadcast_in_dim3A_1407, %select_n3A_1368 : vector<256x128xi1>, vector<256x128xi32>
    %jit3A_1409 = arith.constant 0x7F800000 : f32
    %broadcast_in_dim3A_1410 = vector.broadcast %jit3A_1409 : f32 to vector<256x1024xf32>
    %select_n3A_1411 = arith.select %eq3A_1387, %slice3A_15, %broadcast_in_dim3A_1410 : vector<256x1024xi1>, vector<256x1024xf32>
    %reduce_min3A_1412 = arith.constant dense<0x7F800000> : vector<256xf32>
    %reduce_min3A_1413 = vector.multi_reduction <minimumf>, %select_n3A_1411, %reduce_min3A_1412 [1] : vector<256x1024xf32> to vector<256xf32>
    %broadcast_in_dim3A_1414 = vector.shape_cast %reduce_min3A_1413 : vector<256xf32> to vector<256x1xf32>
    %eq3A_1415 = arith.constant 57 : i32
    %eq3A_1416 = vector.broadcast %eq3A_1415 : i32 to vector<256x128xi32>
    %eq3A_1417 = arith.cmpi eq, %iota3A_61, %eq3A_1416 : vector<256x128xi32>
    %broadcast_in_dim3A_1418 = vector.shape_cast %broadcast_in_dim3A_1414 : vector<256x1xf32> to vector<256x1xf32>
    %broadcast_in_dim3A_1419 = vector.broadcast %broadcast_in_dim3A_1418 : vector<256x1xf32> to vector<256x128xf32>
    %select_n3A_1420 = arith.select %eq3A_1417, %broadcast_in_dim3A_1419, %select_n3A_1399 : vector<256x128xi1>, vector<256x128xf32>
    %eq3A_1421 = arith.constant 57 : i32
    %eq3A_1422 = vector.broadcast %eq3A_1421 : i32 to vector<256x128xi32>
    %eq3A_1423 = arith.cmpi eq, %iota3A_61, %eq3A_1422 : vector<256x128xi32>
    %add3A_1424 = arith.constant 1024 : i32
    %add3A_1425 = vector.broadcast %add3A_1424 : i32 to vector<256x1xi32>
    %add3A_1426 = arith.addi %add3A_1425, %and3A_1385 : vector<256x1xi32>
    %broadcast_in_dim3A_1427 = vector.shape_cast %add3A_1426 : vector<256x1xi32> to vector<256x1xi32>
    %broadcast_in_dim3A_1428 = vector.broadcast %broadcast_in_dim3A_1427 : vector<256x1xi32> to vector<256x128xi32>
    %select_n3A_1429 = arith.select %eq3A_1423, %broadcast_in_dim3A_1428, %select_n3A_1408 : vector<256x128xi1>, vector<256x128xi32>
    %jit3A_1430 = arith.constant 0x7F800000 : f32
    %broadcast_in_dim3A_1431 = vector.broadcast %jit3A_1430 : f32 to vector<256x1024xf32>
    %select_n3A_1432 = arith.select %eq3A_1387, %slice3A_16, %broadcast_in_dim3A_1431 : vector<256x1024xi1>, vector<256x1024xf32>
    %reduce_min3A_1433 = arith.constant dense<0x7F800000> : vector<256xf32>
    %reduce_min3A_1434 = vector.multi_reduction <minimumf>, %select_n3A_1432, %reduce_min3A_1433 [1] : vector<256x1024xf32> to vector<256xf32>
    %broadcast_in_dim3A_1435 = vector.shape_cast %reduce_min3A_1434 : vector<256xf32> to vector<256x1xf32>
    %eq3A_1436 = arith.constant 58 : i32
    %eq3A_1437 = vector.broadcast %eq3A_1436 : i32 to vector<256x128xi32>
    %eq3A_1438 = arith.cmpi eq, %iota3A_61, %eq3A_1437 : vector<256x128xi32>
    %broadcast_in_dim3A_1439 = vector.shape_cast %broadcast_in_dim3A_1435 : vector<256x1xf32> to vector<256x1xf32>
    %broadcast_in_dim3A_1440 = vector.broadcast %broadcast_in_dim3A_1439 : vector<256x1xf32> to vector<256x128xf32>
    %select_n3A_1441 = arith.select %eq3A_1438, %broadcast_in_dim3A_1440, %select_n3A_1420 : vector<256x128xi1>, vector<256x128xf32>
    %eq3A_1442 = arith.constant 58 : i32
    %eq3A_1443 = vector.broadcast %eq3A_1442 : i32 to vector<256x128xi32>
    %eq3A_1444 = arith.cmpi eq, %iota3A_61, %eq3A_1443 : vector<256x128xi32>
    %add3A_1445 = arith.constant 2048 : i32
    %add3A_1446 = vector.broadcast %add3A_1445 : i32 to vector<256x1xi32>
    %add3A_1447 = arith.addi %add3A_1446, %and3A_1385 : vector<256x1xi32>
    %broadcast_in_dim3A_1448 = vector.shape_cast %add3A_1447 : vector<256x1xi32> to vector<256x1xi32>
    %broadcast_in_dim3A_1449 = vector.broadcast %broadcast_in_dim3A_1448 : vector<256x1xi32> to vector<256x128xi32>
    %select_n3A_1450 = arith.select %eq3A_1444, %broadcast_in_dim3A_1449, %select_n3A_1429 : vector<256x128xi1>, vector<256x128xi32>
    %jit3A_1451 = arith.constant 0x7F800000 : f32
    %broadcast_in_dim3A_1452 = vector.broadcast %jit3A_1451 : f32 to vector<256x1024xf32>
    %select_n3A_1453 = arith.select %eq3A_1387, %slice3A_17, %broadcast_in_dim3A_1452 : vector<256x1024xi1>, vector<256x1024xf32>
    %reduce_min3A_1454 = arith.constant dense<0x7F800000> : vector<256xf32>
    %reduce_min3A_1455 = vector.multi_reduction <minimumf>, %select_n3A_1453, %reduce_min3A_1454 [1] : vector<256x1024xf32> to vector<256xf32>
    %broadcast_in_dim3A_1456 = vector.shape_cast %reduce_min3A_1455 : vector<256xf32> to vector<256x1xf32>
    %eq3A_1457 = arith.constant 59 : i32
    %eq3A_1458 = vector.broadcast %eq3A_1457 : i32 to vector<256x128xi32>
    %eq3A_1459 = arith.cmpi eq, %iota3A_61, %eq3A_1458 : vector<256x128xi32>
    %broadcast_in_dim3A_1460 = vector.shape_cast %broadcast_in_dim3A_1456 : vector<256x1xf32> to vector<256x1xf32>
    %broadcast_in_dim3A_1461 = vector.broadcast %broadcast_in_dim3A_1460 : vector<256x1xf32> to vector<256x128xf32>
    %select_n3A_1462 = arith.select %eq3A_1459, %broadcast_in_dim3A_1461, %select_n3A_1441 : vector<256x128xi1>, vector<256x128xf32>
    %eq3A_1463 = arith.constant 59 : i32
    %eq3A_1464 = vector.broadcast %eq3A_1463 : i32 to vector<256x128xi32>
    %eq3A_1465 = arith.cmpi eq, %iota3A_61, %eq3A_1464 : vector<256x128xi32>
    %add3A_1466 = arith.constant 3072 : i32
    %add3A_1467 = vector.broadcast %add3A_1466 : i32 to vector<256x1xi32>
    %add3A_1468 = arith.addi %add3A_1467, %and3A_1385 : vector<256x1xi32>
    %broadcast_in_dim3A_1469 = vector.shape_cast %add3A_1468 : vector<256x1xi32> to vector<256x1xi32>
    %broadcast_in_dim3A_1470 = vector.broadcast %broadcast_in_dim3A_1469 : vector<256x1xi32> to vector<256x128xi32>
    %select_n3A_1471 = arith.select %eq3A_1465, %broadcast_in_dim3A_1470, %select_n3A_1450 : vector<256x128xi1>, vector<256x128xi32>
    %jit3A_1472 = arith.constant 0x7F800000 : f32
    %broadcast_in_dim3A_1473 = vector.broadcast %jit3A_1472 : f32 to vector<256x1024xf32>
    %select_n3A_1474 = arith.select %eq3A_1387, %slice3A_18, %broadcast_in_dim3A_1473 : vector<256x1024xi1>, vector<256x1024xf32>
    %reduce_min3A_1475 = arith.constant dense<0x7F800000> : vector<256xf32>
    %reduce_min3A_1476 = vector.multi_reduction <minimumf>, %select_n3A_1474, %reduce_min3A_1475 [1] : vector<256x1024xf32> to vector<256xf32>
    %broadcast_in_dim3A_1477 = vector.shape_cast %reduce_min3A_1476 : vector<256xf32> to vector<256x1xf32>
    %eq3A_1478 = arith.constant 60 : i32
    %eq3A_1479 = vector.broadcast %eq3A_1478 : i32 to vector<256x128xi32>
    %eq3A_1480 = arith.cmpi eq, %iota3A_61, %eq3A_1479 : vector<256x128xi32>
    %broadcast_in_dim3A_1481 = vector.shape_cast %broadcast_in_dim3A_1477 : vector<256x1xf32> to vector<256x1xf32>
    %broadcast_in_dim3A_1482 = vector.broadcast %broadcast_in_dim3A_1481 : vector<256x1xf32> to vector<256x128xf32>
    %select_n3A_1483 = arith.select %eq3A_1480, %broadcast_in_dim3A_1482, %select_n3A_1462 : vector<256x128xi1>, vector<256x128xf32>
    %eq3A_1484 = arith.constant 60 : i32
    %eq3A_1485 = vector.broadcast %eq3A_1484 : i32 to vector<256x128xi32>
    %eq3A_1486 = arith.cmpi eq, %iota3A_61, %eq3A_1485 : vector<256x128xi32>
    %add3A_1487 = arith.constant 4096 : i32
    %add3A_1488 = vector.broadcast %add3A_1487 : i32 to vector<256x1xi32>
    %add3A_1489 = arith.addi %add3A_1488, %and3A_1385 : vector<256x1xi32>
    %broadcast_in_dim3A_1490 = vector.shape_cast %add3A_1489 : vector<256x1xi32> to vector<256x1xi32>
    %broadcast_in_dim3A_1491 = vector.broadcast %broadcast_in_dim3A_1490 : vector<256x1xi32> to vector<256x128xi32>
    %select_n3A_1492 = arith.select %eq3A_1486, %broadcast_in_dim3A_1491, %select_n3A_1471 : vector<256x128xi1>, vector<256x128xi32>
    %jit3A_1493 = arith.constant 0x7F800000 : f32
    %broadcast_in_dim3A_1494 = vector.broadcast %jit3A_1493 : f32 to vector<256x1024xf32>
    %select_n3A_1495 = arith.select %eq3A_1387, %slice3A_19, %broadcast_in_dim3A_1494 : vector<256x1024xi1>, vector<256x1024xf32>
    %reduce_min3A_1496 = arith.constant dense<0x7F800000> : vector<256xf32>
    %reduce_min3A_1497 = vector.multi_reduction <minimumf>, %select_n3A_1495, %reduce_min3A_1496 [1] : vector<256x1024xf32> to vector<256xf32>
    %broadcast_in_dim3A_1498 = vector.shape_cast %reduce_min3A_1497 : vector<256xf32> to vector<256x1xf32>
    %eq3A_1499 = arith.constant 61 : i32
    %eq3A_1500 = vector.broadcast %eq3A_1499 : i32 to vector<256x128xi32>
    %eq3A_1501 = arith.cmpi eq, %iota3A_61, %eq3A_1500 : vector<256x128xi32>
    %broadcast_in_dim3A_1502 = vector.shape_cast %broadcast_in_dim3A_1498 : vector<256x1xf32> to vector<256x1xf32>
    %broadcast_in_dim3A_1503 = vector.broadcast %broadcast_in_dim3A_1502 : vector<256x1xf32> to vector<256x128xf32>
    %select_n3A_1504 = arith.select %eq3A_1501, %broadcast_in_dim3A_1503, %select_n3A_1483 : vector<256x128xi1>, vector<256x128xf32>
    %eq3A_1505 = arith.constant 61 : i32
    %eq3A_1506 = vector.broadcast %eq3A_1505 : i32 to vector<256x128xi32>
    %eq3A_1507 = arith.cmpi eq, %iota3A_61, %eq3A_1506 : vector<256x128xi32>
    %add3A_1508 = arith.constant 5120 : i32
    %add3A_1509 = vector.broadcast %add3A_1508 : i32 to vector<256x1xi32>
    %add3A_1510 = arith.addi %add3A_1509, %and3A_1385 : vector<256x1xi32>
    %broadcast_in_dim3A_1511 = vector.shape_cast %add3A_1510 : vector<256x1xi32> to vector<256x1xi32>
    %broadcast_in_dim3A_1512 = vector.broadcast %broadcast_in_dim3A_1511 : vector<256x1xi32> to vector<256x128xi32>
    %select_n3A_1513 = arith.select %eq3A_1507, %broadcast_in_dim3A_1512, %select_n3A_1492 : vector<256x128xi1>, vector<256x128xi32>
    %jit3A_1514 = arith.constant 0x7F800000 : f32
    %broadcast_in_dim3A_1515 = vector.broadcast %jit3A_1514 : f32 to vector<256x1024xf32>
    %select_n3A_1516 = arith.select %eq3A_1387, %slice3A_20, %broadcast_in_dim3A_1515 : vector<256x1024xi1>, vector<256x1024xf32>
    %reduce_min3A_1517 = arith.constant dense<0x7F800000> : vector<256xf32>
    %reduce_min3A_1518 = vector.multi_reduction <minimumf>, %select_n3A_1516, %reduce_min3A_1517 [1] : vector<256x1024xf32> to vector<256xf32>
    %broadcast_in_dim3A_1519 = vector.shape_cast %reduce_min3A_1518 : vector<256xf32> to vector<256x1xf32>
    %eq3A_1520 = arith.constant 62 : i32
    %eq3A_1521 = vector.broadcast %eq3A_1520 : i32 to vector<256x128xi32>
    %eq3A_1522 = arith.cmpi eq, %iota3A_61, %eq3A_1521 : vector<256x128xi32>
    %broadcast_in_dim3A_1523 = vector.shape_cast %broadcast_in_dim3A_1519 : vector<256x1xf32> to vector<256x1xf32>
    %broadcast_in_dim3A_1524 = vector.broadcast %broadcast_in_dim3A_1523 : vector<256x1xf32> to vector<256x128xf32>
    %select_n3A_1525 = arith.select %eq3A_1522, %broadcast_in_dim3A_1524, %select_n3A_1504 : vector<256x128xi1>, vector<256x128xf32>
    %eq3A_1526 = arith.constant 62 : i32
    %eq3A_1527 = vector.broadcast %eq3A_1526 : i32 to vector<256x128xi32>
    %eq3A_1528 = arith.cmpi eq, %iota3A_61, %eq3A_1527 : vector<256x128xi32>
    %add3A_1529 = arith.constant 6144 : i32
    %add3A_1530 = vector.broadcast %add3A_1529 : i32 to vector<256x1xi32>
    %add3A_1531 = arith.addi %add3A_1530, %and3A_1385 : vector<256x1xi32>
    %broadcast_in_dim3A_1532 = vector.shape_cast %add3A_1531 : vector<256x1xi32> to vector<256x1xi32>
    %broadcast_in_dim3A_1533 = vector.broadcast %broadcast_in_dim3A_1532 : vector<256x1xi32> to vector<256x128xi32>
    %select_n3A_1534 = arith.select %eq3A_1528, %broadcast_in_dim3A_1533, %select_n3A_1513 : vector<256x128xi1>, vector<256x128xi32>
    %jit3A_1535 = arith.constant 0x7F800000 : f32
    %broadcast_in_dim3A_1536 = vector.broadcast %jit3A_1535 : f32 to vector<256x1024xf32>
    %select_n3A_1537 = arith.select %eq3A_1387, %slice3A_21, %broadcast_in_dim3A_1536 : vector<256x1024xi1>, vector<256x1024xf32>
    %reduce_min3A_1538 = arith.constant dense<0x7F800000> : vector<256xf32>
    %reduce_min3A_1539 = vector.multi_reduction <minimumf>, %select_n3A_1537, %reduce_min3A_1538 [1] : vector<256x1024xf32> to vector<256xf32>
    %broadcast_in_dim3A_1540 = vector.shape_cast %reduce_min3A_1539 : vector<256xf32> to vector<256x1xf32>
    %eq3A_1541 = arith.constant 63 : i32
    %eq3A_1542 = vector.broadcast %eq3A_1541 : i32 to vector<256x128xi32>
    %eq3A_1543 = arith.cmpi eq, %iota3A_61, %eq3A_1542 : vector<256x128xi32>
    %broadcast_in_dim3A_1544 = vector.shape_cast %broadcast_in_dim3A_1540 : vector<256x1xf32> to vector<256x1xf32>
    %broadcast_in_dim3A_1545 = vector.broadcast %broadcast_in_dim3A_1544 : vector<256x1xf32> to vector<256x128xf32>
    %select_n3A_1546 = arith.select %eq3A_1543, %broadcast_in_dim3A_1545, %select_n3A_1525 : vector<256x128xi1>, vector<256x128xf32>
    %eq3A_1547 = arith.constant 63 : i32
    %eq3A_1548 = vector.broadcast %eq3A_1547 : i32 to vector<256x128xi32>
    %eq3A_1549 = arith.cmpi eq, %iota3A_61, %eq3A_1548 : vector<256x128xi32>
    %add3A_1550 = arith.constant 7168 : i32
    %add3A_1551 = vector.broadcast %add3A_1550 : i32 to vector<256x1xi32>
    %add3A_1552 = arith.addi %add3A_1551, %and3A_1385 : vector<256x1xi32>
    %broadcast_in_dim3A_1553 = vector.shape_cast %add3A_1552 : vector<256x1xi32> to vector<256x1xi32>
    %broadcast_in_dim3A_1554 = vector.broadcast %broadcast_in_dim3A_1553 : vector<256x1xi32> to vector<256x128xi32>
    %select_n3A_1555 = arith.select %eq3A_1549, %broadcast_in_dim3A_1554, %select_n3A_1534 : vector<256x128xi1>, vector<256x128xi32>
    %jit3A_1556 = arith.constant 0x7F800000 : f32
    %broadcast_in_dim3A_1557 = vector.broadcast %jit3A_1556 : f32 to vector<256x1024xf32>
    %select_n3A_1558 = arith.select %eq3A_1387, %broadcast_in_dim3A_1557, %select_n3A_1371 : vector<256x1024xi1>, vector<256x1024xf32>
    %reduce_min3A_1559 = arith.constant dense<0x7F800000> : vector<256xf32>
    %reduce_min3A_1560 = vector.multi_reduction <minimumf>, %select_n3A_1558, %reduce_min3A_1559 [1] : vector<256x1024xf32> to vector<256xf32>
    %broadcast_in_dim3A_1561 = vector.shape_cast %reduce_min3A_1560 : vector<256xf32> to vector<256x1xf32>
    %eq3A_1562 = vector.broadcast %broadcast_in_dim3A_1561 : vector<256x1xf32> to vector<256x1024xf32>
    %eq3A_1563 = arith.cmpf oeq, %select_n3A_1558, %eq3A_1562 : vector<256x1024xf32>
    %jit3A_1564 = arith.constant 1073741824 : i32
    %broadcast_in_dim3A_1565 = vector.broadcast %jit3A_1564 : i32 to vector<256x1024xi32>
    %select_n3A_1566 = arith.select %eq3A_1563, %select_n3A_60, %broadcast_in_dim3A_1565 : vector<256x1024xi1>, vector<256x1024xi32>
    %reduce_min3A_1567 = arith.constant dense<2147483647> : vector<256xi32>
    %reduce_min3A_1568 = vector.multi_reduction <minsi>, %select_n3A_1566, %reduce_min3A_1567 [1] : vector<256x1024xi32> to vector<256xi32>
    %broadcast_in_dim3A_1569 = vector.shape_cast %reduce_min3A_1568 : vector<256xi32> to vector<256x1xi32>
    %and3A_1570 = arith.constant 1023 : i32
    %and3A_1571 = vector.broadcast %and3A_1570 : i32 to vector<256x1xi32>
    %and3A_1572 = arith.andi %broadcast_in_dim3A_1569, %and3A_1571 : vector<256x1xi32>
    %eq3A_1573 = vector.broadcast %and3A_1572 : vector<256x1xi32> to vector<256x1024xi32>
    %eq3A_1574 = arith.cmpi eq, %iota3A, %eq3A_1573 : vector<256x1024xi32>
    %jit3A_1575 = arith.constant 0x7F800000 : f32
    %broadcast_in_dim3A_1576 = vector.broadcast %jit3A_1575 : f32 to vector<256x1024xf32>
    %select_n3A_1577 = arith.select %eq3A_1574, %slice3A, %broadcast_in_dim3A_1576 : vector<256x1024xi1>, vector<256x1024xf32>
    %reduce_min3A_1578 = arith.constant dense<0x7F800000> : vector<256xf32>
    %reduce_min3A_1579 = vector.multi_reduction <minimumf>, %select_n3A_1577, %reduce_min3A_1578 [1] : vector<256x1024xf32> to vector<256xf32>
    %broadcast_in_dim3A_1580 = vector.shape_cast %reduce_min3A_1579 : vector<256xf32> to vector<256x1xf32>
    %eq3A_1581 = arith.constant 64 : i32
    %eq3A_1582 = vector.broadcast %eq3A_1581 : i32 to vector<256x128xi32>
    %eq3A_1583 = arith.cmpi eq, %iota3A_61, %eq3A_1582 : vector<256x128xi32>
    %broadcast_in_dim3A_1584 = vector.shape_cast %broadcast_in_dim3A_1580 : vector<256x1xf32> to vector<256x1xf32>
    %broadcast_in_dim3A_1585 = vector.broadcast %broadcast_in_dim3A_1584 : vector<256x1xf32> to vector<256x128xf32>
    %select_n3A_1586 = arith.select %eq3A_1583, %broadcast_in_dim3A_1585, %select_n3A_1546 : vector<256x128xi1>, vector<256x128xf32>
    %eq3A_1587 = arith.constant 64 : i32
    %eq3A_1588 = vector.broadcast %eq3A_1587 : i32 to vector<256x128xi32>
    %eq3A_1589 = arith.cmpi eq, %iota3A_61, %eq3A_1588 : vector<256x128xi32>
    %add3A_1590 = arith.constant 0 : i32
    %add3A_1591 = vector.broadcast %add3A_1590 : i32 to vector<256x1xi32>
    %add3A_1592 = arith.addi %add3A_1591, %and3A_1572 : vector<256x1xi32>
    %broadcast_in_dim3A_1593 = vector.shape_cast %add3A_1592 : vector<256x1xi32> to vector<256x1xi32>
    %broadcast_in_dim3A_1594 = vector.broadcast %broadcast_in_dim3A_1593 : vector<256x1xi32> to vector<256x128xi32>
    %select_n3A_1595 = arith.select %eq3A_1589, %broadcast_in_dim3A_1594, %select_n3A_1555 : vector<256x128xi1>, vector<256x128xi32>
    %jit3A_1596 = arith.constant 0x7F800000 : f32
    %broadcast_in_dim3A_1597 = vector.broadcast %jit3A_1596 : f32 to vector<256x1024xf32>
    %select_n3A_1598 = arith.select %eq3A_1574, %slice3A_15, %broadcast_in_dim3A_1597 : vector<256x1024xi1>, vector<256x1024xf32>
    %reduce_min3A_1599 = arith.constant dense<0x7F800000> : vector<256xf32>
    %reduce_min3A_1600 = vector.multi_reduction <minimumf>, %select_n3A_1598, %reduce_min3A_1599 [1] : vector<256x1024xf32> to vector<256xf32>
    %broadcast_in_dim3A_1601 = vector.shape_cast %reduce_min3A_1600 : vector<256xf32> to vector<256x1xf32>
    %eq3A_1602 = arith.constant 65 : i32
    %eq3A_1603 = vector.broadcast %eq3A_1602 : i32 to vector<256x128xi32>
    %eq3A_1604 = arith.cmpi eq, %iota3A_61, %eq3A_1603 : vector<256x128xi32>
    %broadcast_in_dim3A_1605 = vector.shape_cast %broadcast_in_dim3A_1601 : vector<256x1xf32> to vector<256x1xf32>
    %broadcast_in_dim3A_1606 = vector.broadcast %broadcast_in_dim3A_1605 : vector<256x1xf32> to vector<256x128xf32>
    %select_n3A_1607 = arith.select %eq3A_1604, %broadcast_in_dim3A_1606, %select_n3A_1586 : vector<256x128xi1>, vector<256x128xf32>
    %eq3A_1608 = arith.constant 65 : i32
    %eq3A_1609 = vector.broadcast %eq3A_1608 : i32 to vector<256x128xi32>
    %eq3A_1610 = arith.cmpi eq, %iota3A_61, %eq3A_1609 : vector<256x128xi32>
    %add3A_1611 = arith.constant 1024 : i32
    %add3A_1612 = vector.broadcast %add3A_1611 : i32 to vector<256x1xi32>
    %add3A_1613 = arith.addi %add3A_1612, %and3A_1572 : vector<256x1xi32>
    %broadcast_in_dim3A_1614 = vector.shape_cast %add3A_1613 : vector<256x1xi32> to vector<256x1xi32>
    %broadcast_in_dim3A_1615 = vector.broadcast %broadcast_in_dim3A_1614 : vector<256x1xi32> to vector<256x128xi32>
    %select_n3A_1616 = arith.select %eq3A_1610, %broadcast_in_dim3A_1615, %select_n3A_1595 : vector<256x128xi1>, vector<256x128xi32>
    %jit3A_1617 = arith.constant 0x7F800000 : f32
    %broadcast_in_dim3A_1618 = vector.broadcast %jit3A_1617 : f32 to vector<256x1024xf32>
    %select_n3A_1619 = arith.select %eq3A_1574, %slice3A_16, %broadcast_in_dim3A_1618 : vector<256x1024xi1>, vector<256x1024xf32>
    %reduce_min3A_1620 = arith.constant dense<0x7F800000> : vector<256xf32>
    %reduce_min3A_1621 = vector.multi_reduction <minimumf>, %select_n3A_1619, %reduce_min3A_1620 [1] : vector<256x1024xf32> to vector<256xf32>
    %broadcast_in_dim3A_1622 = vector.shape_cast %reduce_min3A_1621 : vector<256xf32> to vector<256x1xf32>
    %eq3A_1623 = arith.constant 66 : i32
    %eq3A_1624 = vector.broadcast %eq3A_1623 : i32 to vector<256x128xi32>
    %eq3A_1625 = arith.cmpi eq, %iota3A_61, %eq3A_1624 : vector<256x128xi32>
    %broadcast_in_dim3A_1626 = vector.shape_cast %broadcast_in_dim3A_1622 : vector<256x1xf32> to vector<256x1xf32>
    %broadcast_in_dim3A_1627 = vector.broadcast %broadcast_in_dim3A_1626 : vector<256x1xf32> to vector<256x128xf32>
    %select_n3A_1628 = arith.select %eq3A_1625, %broadcast_in_dim3A_1627, %select_n3A_1607 : vector<256x128xi1>, vector<256x128xf32>
    %eq3A_1629 = arith.constant 66 : i32
    %eq3A_1630 = vector.broadcast %eq3A_1629 : i32 to vector<256x128xi32>
    %eq3A_1631 = arith.cmpi eq, %iota3A_61, %eq3A_1630 : vector<256x128xi32>
    %add3A_1632 = arith.constant 2048 : i32
    %add3A_1633 = vector.broadcast %add3A_1632 : i32 to vector<256x1xi32>
    %add3A_1634 = arith.addi %add3A_1633, %and3A_1572 : vector<256x1xi32>
    %broadcast_in_dim3A_1635 = vector.shape_cast %add3A_1634 : vector<256x1xi32> to vector<256x1xi32>
    %broadcast_in_dim3A_1636 = vector.broadcast %broadcast_in_dim3A_1635 : vector<256x1xi32> to vector<256x128xi32>
    %select_n3A_1637 = arith.select %eq3A_1631, %broadcast_in_dim3A_1636, %select_n3A_1616 : vector<256x128xi1>, vector<256x128xi32>
    %jit3A_1638 = arith.constant 0x7F800000 : f32
    %broadcast_in_dim3A_1639 = vector.broadcast %jit3A_1638 : f32 to vector<256x1024xf32>
    %select_n3A_1640 = arith.select %eq3A_1574, %slice3A_17, %broadcast_in_dim3A_1639 : vector<256x1024xi1>, vector<256x1024xf32>
    %reduce_min3A_1641 = arith.constant dense<0x7F800000> : vector<256xf32>
    %reduce_min3A_1642 = vector.multi_reduction <minimumf>, %select_n3A_1640, %reduce_min3A_1641 [1] : vector<256x1024xf32> to vector<256xf32>
    %broadcast_in_dim3A_1643 = vector.shape_cast %reduce_min3A_1642 : vector<256xf32> to vector<256x1xf32>
    %eq3A_1644 = arith.constant 67 : i32
    %eq3A_1645 = vector.broadcast %eq3A_1644 : i32 to vector<256x128xi32>
    %eq3A_1646 = arith.cmpi eq, %iota3A_61, %eq3A_1645 : vector<256x128xi32>
    %broadcast_in_dim3A_1647 = vector.shape_cast %broadcast_in_dim3A_1643 : vector<256x1xf32> to vector<256x1xf32>
    %broadcast_in_dim3A_1648 = vector.broadcast %broadcast_in_dim3A_1647 : vector<256x1xf32> to vector<256x128xf32>
    %select_n3A_1649 = arith.select %eq3A_1646, %broadcast_in_dim3A_1648, %select_n3A_1628 : vector<256x128xi1>, vector<256x128xf32>
    %eq3A_1650 = arith.constant 67 : i32
    %eq3A_1651 = vector.broadcast %eq3A_1650 : i32 to vector<256x128xi32>
    %eq3A_1652 = arith.cmpi eq, %iota3A_61, %eq3A_1651 : vector<256x128xi32>
    %add3A_1653 = arith.constant 3072 : i32
    %add3A_1654 = vector.broadcast %add3A_1653 : i32 to vector<256x1xi32>
    %add3A_1655 = arith.addi %add3A_1654, %and3A_1572 : vector<256x1xi32>
    %broadcast_in_dim3A_1656 = vector.shape_cast %add3A_1655 : vector<256x1xi32> to vector<256x1xi32>
    %broadcast_in_dim3A_1657 = vector.broadcast %broadcast_in_dim3A_1656 : vector<256x1xi32> to vector<256x128xi32>
    %select_n3A_1658 = arith.select %eq3A_1652, %broadcast_in_dim3A_1657, %select_n3A_1637 : vector<256x128xi1>, vector<256x128xi32>
    %jit3A_1659 = arith.constant 0x7F800000 : f32
    %broadcast_in_dim3A_1660 = vector.broadcast %jit3A_1659 : f32 to vector<256x1024xf32>
    %select_n3A_1661 = arith.select %eq3A_1574, %slice3A_18, %broadcast_in_dim3A_1660 : vector<256x1024xi1>, vector<256x1024xf32>
    %reduce_min3A_1662 = arith.constant dense<0x7F800000> : vector<256xf32>
    %reduce_min3A_1663 = vector.multi_reduction <minimumf>, %select_n3A_1661, %reduce_min3A_1662 [1] : vector<256x1024xf32> to vector<256xf32>
    %broadcast_in_dim3A_1664 = vector.shape_cast %reduce_min3A_1663 : vector<256xf32> to vector<256x1xf32>
    %eq3A_1665 = arith.constant 68 : i32
    %eq3A_1666 = vector.broadcast %eq3A_1665 : i32 to vector<256x128xi32>
    %eq3A_1667 = arith.cmpi eq, %iota3A_61, %eq3A_1666 : vector<256x128xi32>
    %broadcast_in_dim3A_1668 = vector.shape_cast %broadcast_in_dim3A_1664 : vector<256x1xf32> to vector<256x1xf32>
    %broadcast_in_dim3A_1669 = vector.broadcast %broadcast_in_dim3A_1668 : vector<256x1xf32> to vector<256x128xf32>
    %select_n3A_1670 = arith.select %eq3A_1667, %broadcast_in_dim3A_1669, %select_n3A_1649 : vector<256x128xi1>, vector<256x128xf32>
    %eq3A_1671 = arith.constant 68 : i32
    %eq3A_1672 = vector.broadcast %eq3A_1671 : i32 to vector<256x128xi32>
    %eq3A_1673 = arith.cmpi eq, %iota3A_61, %eq3A_1672 : vector<256x128xi32>
    %add3A_1674 = arith.constant 4096 : i32
    %add3A_1675 = vector.broadcast %add3A_1674 : i32 to vector<256x1xi32>
    %add3A_1676 = arith.addi %add3A_1675, %and3A_1572 : vector<256x1xi32>
    %broadcast_in_dim3A_1677 = vector.shape_cast %add3A_1676 : vector<256x1xi32> to vector<256x1xi32>
    %broadcast_in_dim3A_1678 = vector.broadcast %broadcast_in_dim3A_1677 : vector<256x1xi32> to vector<256x128xi32>
    %select_n3A_1679 = arith.select %eq3A_1673, %broadcast_in_dim3A_1678, %select_n3A_1658 : vector<256x128xi1>, vector<256x128xi32>
    %jit3A_1680 = arith.constant 0x7F800000 : f32
    %broadcast_in_dim3A_1681 = vector.broadcast %jit3A_1680 : f32 to vector<256x1024xf32>
    %select_n3A_1682 = arith.select %eq3A_1574, %slice3A_19, %broadcast_in_dim3A_1681 : vector<256x1024xi1>, vector<256x1024xf32>
    %reduce_min3A_1683 = arith.constant dense<0x7F800000> : vector<256xf32>
    %reduce_min3A_1684 = vector.multi_reduction <minimumf>, %select_n3A_1682, %reduce_min3A_1683 [1] : vector<256x1024xf32> to vector<256xf32>
    %broadcast_in_dim3A_1685 = vector.shape_cast %reduce_min3A_1684 : vector<256xf32> to vector<256x1xf32>
    %eq3A_1686 = arith.constant 69 : i32
    %eq3A_1687 = vector.broadcast %eq3A_1686 : i32 to vector<256x128xi32>
    %eq3A_1688 = arith.cmpi eq, %iota3A_61, %eq3A_1687 : vector<256x128xi32>
    %broadcast_in_dim3A_1689 = vector.shape_cast %broadcast_in_dim3A_1685 : vector<256x1xf32> to vector<256x1xf32>
    %broadcast_in_dim3A_1690 = vector.broadcast %broadcast_in_dim3A_1689 : vector<256x1xf32> to vector<256x128xf32>
    %select_n3A_1691 = arith.select %eq3A_1688, %broadcast_in_dim3A_1690, %select_n3A_1670 : vector<256x128xi1>, vector<256x128xf32>
    %eq3A_1692 = arith.constant 69 : i32
    %eq3A_1693 = vector.broadcast %eq3A_1692 : i32 to vector<256x128xi32>
    %eq3A_1694 = arith.cmpi eq, %iota3A_61, %eq3A_1693 : vector<256x128xi32>
    %add3A_1695 = arith.constant 5120 : i32
    %add3A_1696 = vector.broadcast %add3A_1695 : i32 to vector<256x1xi32>
    %add3A_1697 = arith.addi %add3A_1696, %and3A_1572 : vector<256x1xi32>
    %broadcast_in_dim3A_1698 = vector.shape_cast %add3A_1697 : vector<256x1xi32> to vector<256x1xi32>
    %broadcast_in_dim3A_1699 = vector.broadcast %broadcast_in_dim3A_1698 : vector<256x1xi32> to vector<256x128xi32>
    %select_n3A_1700 = arith.select %eq3A_1694, %broadcast_in_dim3A_1699, %select_n3A_1679 : vector<256x128xi1>, vector<256x128xi32>
    %jit3A_1701 = arith.constant 0x7F800000 : f32
    %broadcast_in_dim3A_1702 = vector.broadcast %jit3A_1701 : f32 to vector<256x1024xf32>
    %select_n3A_1703 = arith.select %eq3A_1574, %slice3A_20, %broadcast_in_dim3A_1702 : vector<256x1024xi1>, vector<256x1024xf32>
    %reduce_min3A_1704 = arith.constant dense<0x7F800000> : vector<256xf32>
    %reduce_min3A_1705 = vector.multi_reduction <minimumf>, %select_n3A_1703, %reduce_min3A_1704 [1] : vector<256x1024xf32> to vector<256xf32>
    %broadcast_in_dim3A_1706 = vector.shape_cast %reduce_min3A_1705 : vector<256xf32> to vector<256x1xf32>
    %eq3A_1707 = arith.constant 70 : i32
    %eq3A_1708 = vector.broadcast %eq3A_1707 : i32 to vector<256x128xi32>
    %eq3A_1709 = arith.cmpi eq, %iota3A_61, %eq3A_1708 : vector<256x128xi32>
    %broadcast_in_dim3A_1710 = vector.shape_cast %broadcast_in_dim3A_1706 : vector<256x1xf32> to vector<256x1xf32>
    %broadcast_in_dim3A_1711 = vector.broadcast %broadcast_in_dim3A_1710 : vector<256x1xf32> to vector<256x128xf32>
    %select_n3A_1712 = arith.select %eq3A_1709, %broadcast_in_dim3A_1711, %select_n3A_1691 : vector<256x128xi1>, vector<256x128xf32>
    %eq3A_1713 = arith.constant 70 : i32
    %eq3A_1714 = vector.broadcast %eq3A_1713 : i32 to vector<256x128xi32>
    %eq3A_1715 = arith.cmpi eq, %iota3A_61, %eq3A_1714 : vector<256x128xi32>
    %add3A_1716 = arith.constant 6144 : i32
    %add3A_1717 = vector.broadcast %add3A_1716 : i32 to vector<256x1xi32>
    %add3A_1718 = arith.addi %add3A_1717, %and3A_1572 : vector<256x1xi32>
    %broadcast_in_dim3A_1719 = vector.shape_cast %add3A_1718 : vector<256x1xi32> to vector<256x1xi32>
    %broadcast_in_dim3A_1720 = vector.broadcast %broadcast_in_dim3A_1719 : vector<256x1xi32> to vector<256x128xi32>
    %select_n3A_1721 = arith.select %eq3A_1715, %broadcast_in_dim3A_1720, %select_n3A_1700 : vector<256x128xi1>, vector<256x128xi32>
    %jit3A_1722 = arith.constant 0x7F800000 : f32
    %broadcast_in_dim3A_1723 = vector.broadcast %jit3A_1722 : f32 to vector<256x1024xf32>
    %select_n3A_1724 = arith.select %eq3A_1574, %slice3A_21, %broadcast_in_dim3A_1723 : vector<256x1024xi1>, vector<256x1024xf32>
    %reduce_min3A_1725 = arith.constant dense<0x7F800000> : vector<256xf32>
    %reduce_min3A_1726 = vector.multi_reduction <minimumf>, %select_n3A_1724, %reduce_min3A_1725 [1] : vector<256x1024xf32> to vector<256xf32>
    %broadcast_in_dim3A_1727 = vector.shape_cast %reduce_min3A_1726 : vector<256xf32> to vector<256x1xf32>
    %eq3A_1728 = arith.constant 71 : i32
    %eq3A_1729 = vector.broadcast %eq3A_1728 : i32 to vector<256x128xi32>
    %eq3A_1730 = arith.cmpi eq, %iota3A_61, %eq3A_1729 : vector<256x128xi32>
    %broadcast_in_dim3A_1731 = vector.shape_cast %broadcast_in_dim3A_1727 : vector<256x1xf32> to vector<256x1xf32>
    %broadcast_in_dim3A_1732 = vector.broadcast %broadcast_in_dim3A_1731 : vector<256x1xf32> to vector<256x128xf32>
    %select_n3A_1733 = arith.select %eq3A_1730, %broadcast_in_dim3A_1732, %select_n3A_1712 : vector<256x128xi1>, vector<256x128xf32>
    %eq3A_1734 = arith.constant 71 : i32
    %eq3A_1735 = vector.broadcast %eq3A_1734 : i32 to vector<256x128xi32>
    %eq3A_1736 = arith.cmpi eq, %iota3A_61, %eq3A_1735 : vector<256x128xi32>
    %add3A_1737 = arith.constant 7168 : i32
    %add3A_1738 = vector.broadcast %add3A_1737 : i32 to vector<256x1xi32>
    %add3A_1739 = arith.addi %add3A_1738, %and3A_1572 : vector<256x1xi32>
    %broadcast_in_dim3A_1740 = vector.shape_cast %add3A_1739 : vector<256x1xi32> to vector<256x1xi32>
    %broadcast_in_dim3A_1741 = vector.broadcast %broadcast_in_dim3A_1740 : vector<256x1xi32> to vector<256x128xi32>
    %select_n3A_1742 = arith.select %eq3A_1736, %broadcast_in_dim3A_1741, %select_n3A_1721 : vector<256x128xi1>, vector<256x128xi32>
    %jit3A_1743 = arith.constant 0x7F800000 : f32
    %broadcast_in_dim3A_1744 = vector.broadcast %jit3A_1743 : f32 to vector<256x1024xf32>
    %select_n3A_1745 = arith.select %eq3A_1574, %broadcast_in_dim3A_1744, %select_n3A_1558 : vector<256x1024xi1>, vector<256x1024xf32>
    %reduce_min3A_1746 = arith.constant dense<0x7F800000> : vector<256xf32>
    %reduce_min3A_1747 = vector.multi_reduction <minimumf>, %select_n3A_1745, %reduce_min3A_1746 [1] : vector<256x1024xf32> to vector<256xf32>
    %broadcast_in_dim3A_1748 = vector.shape_cast %reduce_min3A_1747 : vector<256xf32> to vector<256x1xf32>
    %eq3A_1749 = vector.broadcast %broadcast_in_dim3A_1748 : vector<256x1xf32> to vector<256x1024xf32>
    %eq3A_1750 = arith.cmpf oeq, %select_n3A_1745, %eq3A_1749 : vector<256x1024xf32>
    %jit3A_1751 = arith.constant 1073741824 : i32
    %broadcast_in_dim3A_1752 = vector.broadcast %jit3A_1751 : i32 to vector<256x1024xi32>
    %select_n3A_1753 = arith.select %eq3A_1750, %select_n3A_60, %broadcast_in_dim3A_1752 : vector<256x1024xi1>, vector<256x1024xi32>
    %reduce_min3A_1754 = arith.constant dense<2147483647> : vector<256xi32>
    %reduce_min3A_1755 = vector.multi_reduction <minsi>, %select_n3A_1753, %reduce_min3A_1754 [1] : vector<256x1024xi32> to vector<256xi32>
    %broadcast_in_dim3A_1756 = vector.shape_cast %reduce_min3A_1755 : vector<256xi32> to vector<256x1xi32>
    %and3A_1757 = arith.constant 1023 : i32
    %and3A_1758 = vector.broadcast %and3A_1757 : i32 to vector<256x1xi32>
    %and3A_1759 = arith.andi %broadcast_in_dim3A_1756, %and3A_1758 : vector<256x1xi32>
    %eq3A_1760 = vector.broadcast %and3A_1759 : vector<256x1xi32> to vector<256x1024xi32>
    %eq3A_1761 = arith.cmpi eq, %iota3A, %eq3A_1760 : vector<256x1024xi32>
    %jit3A_1762 = arith.constant 0x7F800000 : f32
    %broadcast_in_dim3A_1763 = vector.broadcast %jit3A_1762 : f32 to vector<256x1024xf32>
    %select_n3A_1764 = arith.select %eq3A_1761, %slice3A, %broadcast_in_dim3A_1763 : vector<256x1024xi1>, vector<256x1024xf32>
    %reduce_min3A_1765 = arith.constant dense<0x7F800000> : vector<256xf32>
    %reduce_min3A_1766 = vector.multi_reduction <minimumf>, %select_n3A_1764, %reduce_min3A_1765 [1] : vector<256x1024xf32> to vector<256xf32>
    %broadcast_in_dim3A_1767 = vector.shape_cast %reduce_min3A_1766 : vector<256xf32> to vector<256x1xf32>
    %eq3A_1768 = arith.constant 72 : i32
    %eq3A_1769 = vector.broadcast %eq3A_1768 : i32 to vector<256x128xi32>
    %eq3A_1770 = arith.cmpi eq, %iota3A_61, %eq3A_1769 : vector<256x128xi32>
    %broadcast_in_dim3A_1771 = vector.shape_cast %broadcast_in_dim3A_1767 : vector<256x1xf32> to vector<256x1xf32>
    %broadcast_in_dim3A_1772 = vector.broadcast %broadcast_in_dim3A_1771 : vector<256x1xf32> to vector<256x128xf32>
    %select_n3A_1773 = arith.select %eq3A_1770, %broadcast_in_dim3A_1772, %select_n3A_1733 : vector<256x128xi1>, vector<256x128xf32>
    %eq3A_1774 = arith.constant 72 : i32
    %eq3A_1775 = vector.broadcast %eq3A_1774 : i32 to vector<256x128xi32>
    %eq3A_1776 = arith.cmpi eq, %iota3A_61, %eq3A_1775 : vector<256x128xi32>
    %add3A_1777 = arith.constant 0 : i32
    %add3A_1778 = vector.broadcast %add3A_1777 : i32 to vector<256x1xi32>
    %add3A_1779 = arith.addi %add3A_1778, %and3A_1759 : vector<256x1xi32>
    %broadcast_in_dim3A_1780 = vector.shape_cast %add3A_1779 : vector<256x1xi32> to vector<256x1xi32>
    %broadcast_in_dim3A_1781 = vector.broadcast %broadcast_in_dim3A_1780 : vector<256x1xi32> to vector<256x128xi32>
    %select_n3A_1782 = arith.select %eq3A_1776, %broadcast_in_dim3A_1781, %select_n3A_1742 : vector<256x128xi1>, vector<256x128xi32>
    %jit3A_1783 = arith.constant 0x7F800000 : f32
    %broadcast_in_dim3A_1784 = vector.broadcast %jit3A_1783 : f32 to vector<256x1024xf32>
    %select_n3A_1785 = arith.select %eq3A_1761, %slice3A_15, %broadcast_in_dim3A_1784 : vector<256x1024xi1>, vector<256x1024xf32>
    %reduce_min3A_1786 = arith.constant dense<0x7F800000> : vector<256xf32>
    %reduce_min3A_1787 = vector.multi_reduction <minimumf>, %select_n3A_1785, %reduce_min3A_1786 [1] : vector<256x1024xf32> to vector<256xf32>
    %broadcast_in_dim3A_1788 = vector.shape_cast %reduce_min3A_1787 : vector<256xf32> to vector<256x1xf32>
    %eq3A_1789 = arith.constant 73 : i32
    %eq3A_1790 = vector.broadcast %eq3A_1789 : i32 to vector<256x128xi32>
    %eq3A_1791 = arith.cmpi eq, %iota3A_61, %eq3A_1790 : vector<256x128xi32>
    %broadcast_in_dim3A_1792 = vector.shape_cast %broadcast_in_dim3A_1788 : vector<256x1xf32> to vector<256x1xf32>
    %broadcast_in_dim3A_1793 = vector.broadcast %broadcast_in_dim3A_1792 : vector<256x1xf32> to vector<256x128xf32>
    %select_n3A_1794 = arith.select %eq3A_1791, %broadcast_in_dim3A_1793, %select_n3A_1773 : vector<256x128xi1>, vector<256x128xf32>
    %eq3A_1795 = arith.constant 73 : i32
    %eq3A_1796 = vector.broadcast %eq3A_1795 : i32 to vector<256x128xi32>
    %eq3A_1797 = arith.cmpi eq, %iota3A_61, %eq3A_1796 : vector<256x128xi32>
    %add3A_1798 = arith.constant 1024 : i32
    %add3A_1799 = vector.broadcast %add3A_1798 : i32 to vector<256x1xi32>
    %add3A_1800 = arith.addi %add3A_1799, %and3A_1759 : vector<256x1xi32>
    %broadcast_in_dim3A_1801 = vector.shape_cast %add3A_1800 : vector<256x1xi32> to vector<256x1xi32>
    %broadcast_in_dim3A_1802 = vector.broadcast %broadcast_in_dim3A_1801 : vector<256x1xi32> to vector<256x128xi32>
    %select_n3A_1803 = arith.select %eq3A_1797, %broadcast_in_dim3A_1802, %select_n3A_1782 : vector<256x128xi1>, vector<256x128xi32>
    %jit3A_1804 = arith.constant 0x7F800000 : f32
    %broadcast_in_dim3A_1805 = vector.broadcast %jit3A_1804 : f32 to vector<256x1024xf32>
    %select_n3A_1806 = arith.select %eq3A_1761, %slice3A_16, %broadcast_in_dim3A_1805 : vector<256x1024xi1>, vector<256x1024xf32>
    %reduce_min3A_1807 = arith.constant dense<0x7F800000> : vector<256xf32>
    %reduce_min3A_1808 = vector.multi_reduction <minimumf>, %select_n3A_1806, %reduce_min3A_1807 [1] : vector<256x1024xf32> to vector<256xf32>
    %broadcast_in_dim3A_1809 = vector.shape_cast %reduce_min3A_1808 : vector<256xf32> to vector<256x1xf32>
    %eq3A_1810 = arith.constant 74 : i32
    %eq3A_1811 = vector.broadcast %eq3A_1810 : i32 to vector<256x128xi32>
    %eq3A_1812 = arith.cmpi eq, %iota3A_61, %eq3A_1811 : vector<256x128xi32>
    %broadcast_in_dim3A_1813 = vector.shape_cast %broadcast_in_dim3A_1809 : vector<256x1xf32> to vector<256x1xf32>
    %broadcast_in_dim3A_1814 = vector.broadcast %broadcast_in_dim3A_1813 : vector<256x1xf32> to vector<256x128xf32>
    %select_n3A_1815 = arith.select %eq3A_1812, %broadcast_in_dim3A_1814, %select_n3A_1794 : vector<256x128xi1>, vector<256x128xf32>
    %eq3A_1816 = arith.constant 74 : i32
    %eq3A_1817 = vector.broadcast %eq3A_1816 : i32 to vector<256x128xi32>
    %eq3A_1818 = arith.cmpi eq, %iota3A_61, %eq3A_1817 : vector<256x128xi32>
    %add3A_1819 = arith.constant 2048 : i32
    %add3A_1820 = vector.broadcast %add3A_1819 : i32 to vector<256x1xi32>
    %add3A_1821 = arith.addi %add3A_1820, %and3A_1759 : vector<256x1xi32>
    %broadcast_in_dim3A_1822 = vector.shape_cast %add3A_1821 : vector<256x1xi32> to vector<256x1xi32>
    %broadcast_in_dim3A_1823 = vector.broadcast %broadcast_in_dim3A_1822 : vector<256x1xi32> to vector<256x128xi32>
    %select_n3A_1824 = arith.select %eq3A_1818, %broadcast_in_dim3A_1823, %select_n3A_1803 : vector<256x128xi1>, vector<256x128xi32>
    %jit3A_1825 = arith.constant 0x7F800000 : f32
    %broadcast_in_dim3A_1826 = vector.broadcast %jit3A_1825 : f32 to vector<256x1024xf32>
    %select_n3A_1827 = arith.select %eq3A_1761, %slice3A_17, %broadcast_in_dim3A_1826 : vector<256x1024xi1>, vector<256x1024xf32>
    %reduce_min3A_1828 = arith.constant dense<0x7F800000> : vector<256xf32>
    %reduce_min3A_1829 = vector.multi_reduction <minimumf>, %select_n3A_1827, %reduce_min3A_1828 [1] : vector<256x1024xf32> to vector<256xf32>
    %broadcast_in_dim3A_1830 = vector.shape_cast %reduce_min3A_1829 : vector<256xf32> to vector<256x1xf32>
    %eq3A_1831 = arith.constant 75 : i32
    %eq3A_1832 = vector.broadcast %eq3A_1831 : i32 to vector<256x128xi32>
    %eq3A_1833 = arith.cmpi eq, %iota3A_61, %eq3A_1832 : vector<256x128xi32>
    %broadcast_in_dim3A_1834 = vector.shape_cast %broadcast_in_dim3A_1830 : vector<256x1xf32> to vector<256x1xf32>
    %broadcast_in_dim3A_1835 = vector.broadcast %broadcast_in_dim3A_1834 : vector<256x1xf32> to vector<256x128xf32>
    %select_n3A_1836 = arith.select %eq3A_1833, %broadcast_in_dim3A_1835, %select_n3A_1815 : vector<256x128xi1>, vector<256x128xf32>
    %eq3A_1837 = arith.constant 75 : i32
    %eq3A_1838 = vector.broadcast %eq3A_1837 : i32 to vector<256x128xi32>
    %eq3A_1839 = arith.cmpi eq, %iota3A_61, %eq3A_1838 : vector<256x128xi32>
    %add3A_1840 = arith.constant 3072 : i32
    %add3A_1841 = vector.broadcast %add3A_1840 : i32 to vector<256x1xi32>
    %add3A_1842 = arith.addi %add3A_1841, %and3A_1759 : vector<256x1xi32>
    %broadcast_in_dim3A_1843 = vector.shape_cast %add3A_1842 : vector<256x1xi32> to vector<256x1xi32>
    %broadcast_in_dim3A_1844 = vector.broadcast %broadcast_in_dim3A_1843 : vector<256x1xi32> to vector<256x128xi32>
    %select_n3A_1845 = arith.select %eq3A_1839, %broadcast_in_dim3A_1844, %select_n3A_1824 : vector<256x128xi1>, vector<256x128xi32>
    %jit3A_1846 = arith.constant 0x7F800000 : f32
    %broadcast_in_dim3A_1847 = vector.broadcast %jit3A_1846 : f32 to vector<256x1024xf32>
    %select_n3A_1848 = arith.select %eq3A_1761, %slice3A_18, %broadcast_in_dim3A_1847 : vector<256x1024xi1>, vector<256x1024xf32>
    %reduce_min3A_1849 = arith.constant dense<0x7F800000> : vector<256xf32>
    %reduce_min3A_1850 = vector.multi_reduction <minimumf>, %select_n3A_1848, %reduce_min3A_1849 [1] : vector<256x1024xf32> to vector<256xf32>
    %broadcast_in_dim3A_1851 = vector.shape_cast %reduce_min3A_1850 : vector<256xf32> to vector<256x1xf32>
    %eq3A_1852 = arith.constant 76 : i32
    %eq3A_1853 = vector.broadcast %eq3A_1852 : i32 to vector<256x128xi32>
    %eq3A_1854 = arith.cmpi eq, %iota3A_61, %eq3A_1853 : vector<256x128xi32>
    %broadcast_in_dim3A_1855 = vector.shape_cast %broadcast_in_dim3A_1851 : vector<256x1xf32> to vector<256x1xf32>
    %broadcast_in_dim3A_1856 = vector.broadcast %broadcast_in_dim3A_1855 : vector<256x1xf32> to vector<256x128xf32>
    %select_n3A_1857 = arith.select %eq3A_1854, %broadcast_in_dim3A_1856, %select_n3A_1836 : vector<256x128xi1>, vector<256x128xf32>
    %eq3A_1858 = arith.constant 76 : i32
    %eq3A_1859 = vector.broadcast %eq3A_1858 : i32 to vector<256x128xi32>
    %eq3A_1860 = arith.cmpi eq, %iota3A_61, %eq3A_1859 : vector<256x128xi32>
    %add3A_1861 = arith.constant 4096 : i32
    %add3A_1862 = vector.broadcast %add3A_1861 : i32 to vector<256x1xi32>
    %add3A_1863 = arith.addi %add3A_1862, %and3A_1759 : vector<256x1xi32>
    %broadcast_in_dim3A_1864 = vector.shape_cast %add3A_1863 : vector<256x1xi32> to vector<256x1xi32>
    %broadcast_in_dim3A_1865 = vector.broadcast %broadcast_in_dim3A_1864 : vector<256x1xi32> to vector<256x128xi32>
    %select_n3A_1866 = arith.select %eq3A_1860, %broadcast_in_dim3A_1865, %select_n3A_1845 : vector<256x128xi1>, vector<256x128xi32>
    %jit3A_1867 = arith.constant 0x7F800000 : f32
    %broadcast_in_dim3A_1868 = vector.broadcast %jit3A_1867 : f32 to vector<256x1024xf32>
    %select_n3A_1869 = arith.select %eq3A_1761, %slice3A_19, %broadcast_in_dim3A_1868 : vector<256x1024xi1>, vector<256x1024xf32>
    %reduce_min3A_1870 = arith.constant dense<0x7F800000> : vector<256xf32>
    %reduce_min3A_1871 = vector.multi_reduction <minimumf>, %select_n3A_1869, %reduce_min3A_1870 [1] : vector<256x1024xf32> to vector<256xf32>
    %broadcast_in_dim3A_1872 = vector.shape_cast %reduce_min3A_1871 : vector<256xf32> to vector<256x1xf32>
    %eq3A_1873 = arith.constant 77 : i32
    %eq3A_1874 = vector.broadcast %eq3A_1873 : i32 to vector<256x128xi32>
    %eq3A_1875 = arith.cmpi eq, %iota3A_61, %eq3A_1874 : vector<256x128xi32>
    %broadcast_in_dim3A_1876 = vector.shape_cast %broadcast_in_dim3A_1872 : vector<256x1xf32> to vector<256x1xf32>
    %broadcast_in_dim3A_1877 = vector.broadcast %broadcast_in_dim3A_1876 : vector<256x1xf32> to vector<256x128xf32>
    %select_n3A_1878 = arith.select %eq3A_1875, %broadcast_in_dim3A_1877, %select_n3A_1857 : vector<256x128xi1>, vector<256x128xf32>
    %eq3A_1879 = arith.constant 77 : i32
    %eq3A_1880 = vector.broadcast %eq3A_1879 : i32 to vector<256x128xi32>
    %eq3A_1881 = arith.cmpi eq, %iota3A_61, %eq3A_1880 : vector<256x128xi32>
    %add3A_1882 = arith.constant 5120 : i32
    %add3A_1883 = vector.broadcast %add3A_1882 : i32 to vector<256x1xi32>
    %add3A_1884 = arith.addi %add3A_1883, %and3A_1759 : vector<256x1xi32>
    %broadcast_in_dim3A_1885 = vector.shape_cast %add3A_1884 : vector<256x1xi32> to vector<256x1xi32>
    %broadcast_in_dim3A_1886 = vector.broadcast %broadcast_in_dim3A_1885 : vector<256x1xi32> to vector<256x128xi32>
    %select_n3A_1887 = arith.select %eq3A_1881, %broadcast_in_dim3A_1886, %select_n3A_1866 : vector<256x128xi1>, vector<256x128xi32>
    %jit3A_1888 = arith.constant 0x7F800000 : f32
    %broadcast_in_dim3A_1889 = vector.broadcast %jit3A_1888 : f32 to vector<256x1024xf32>
    %select_n3A_1890 = arith.select %eq3A_1761, %slice3A_20, %broadcast_in_dim3A_1889 : vector<256x1024xi1>, vector<256x1024xf32>
    %reduce_min3A_1891 = arith.constant dense<0x7F800000> : vector<256xf32>
    %reduce_min3A_1892 = vector.multi_reduction <minimumf>, %select_n3A_1890, %reduce_min3A_1891 [1] : vector<256x1024xf32> to vector<256xf32>
    %broadcast_in_dim3A_1893 = vector.shape_cast %reduce_min3A_1892 : vector<256xf32> to vector<256x1xf32>
    %eq3A_1894 = arith.constant 78 : i32
    %eq3A_1895 = vector.broadcast %eq3A_1894 : i32 to vector<256x128xi32>
    %eq3A_1896 = arith.cmpi eq, %iota3A_61, %eq3A_1895 : vector<256x128xi32>
    %broadcast_in_dim3A_1897 = vector.shape_cast %broadcast_in_dim3A_1893 : vector<256x1xf32> to vector<256x1xf32>
    %broadcast_in_dim3A_1898 = vector.broadcast %broadcast_in_dim3A_1897 : vector<256x1xf32> to vector<256x128xf32>
    %select_n3A_1899 = arith.select %eq3A_1896, %broadcast_in_dim3A_1898, %select_n3A_1878 : vector<256x128xi1>, vector<256x128xf32>
    %eq3A_1900 = arith.constant 78 : i32
    %eq3A_1901 = vector.broadcast %eq3A_1900 : i32 to vector<256x128xi32>
    %eq3A_1902 = arith.cmpi eq, %iota3A_61, %eq3A_1901 : vector<256x128xi32>
    %add3A_1903 = arith.constant 6144 : i32
    %add3A_1904 = vector.broadcast %add3A_1903 : i32 to vector<256x1xi32>
    %add3A_1905 = arith.addi %add3A_1904, %and3A_1759 : vector<256x1xi32>
    %broadcast_in_dim3A_1906 = vector.shape_cast %add3A_1905 : vector<256x1xi32> to vector<256x1xi32>
    %broadcast_in_dim3A_1907 = vector.broadcast %broadcast_in_dim3A_1906 : vector<256x1xi32> to vector<256x128xi32>
    %select_n3A_1908 = arith.select %eq3A_1902, %broadcast_in_dim3A_1907, %select_n3A_1887 : vector<256x128xi1>, vector<256x128xi32>
    %jit3A_1909 = arith.constant 0x7F800000 : f32
    %broadcast_in_dim3A_1910 = vector.broadcast %jit3A_1909 : f32 to vector<256x1024xf32>
    %select_n3A_1911 = arith.select %eq3A_1761, %slice3A_21, %broadcast_in_dim3A_1910 : vector<256x1024xi1>, vector<256x1024xf32>
    %reduce_min3A_1912 = arith.constant dense<0x7F800000> : vector<256xf32>
    %reduce_min3A_1913 = vector.multi_reduction <minimumf>, %select_n3A_1911, %reduce_min3A_1912 [1] : vector<256x1024xf32> to vector<256xf32>
    %broadcast_in_dim3A_1914 = vector.shape_cast %reduce_min3A_1913 : vector<256xf32> to vector<256x1xf32>
    %eq3A_1915 = arith.constant 79 : i32
    %eq3A_1916 = vector.broadcast %eq3A_1915 : i32 to vector<256x128xi32>
    %eq3A_1917 = arith.cmpi eq, %iota3A_61, %eq3A_1916 : vector<256x128xi32>
    %broadcast_in_dim3A_1918 = vector.shape_cast %broadcast_in_dim3A_1914 : vector<256x1xf32> to vector<256x1xf32>
    %broadcast_in_dim3A_1919 = vector.broadcast %broadcast_in_dim3A_1918 : vector<256x1xf32> to vector<256x128xf32>
    %select_n3A_1920 = arith.select %eq3A_1917, %broadcast_in_dim3A_1919, %select_n3A_1899 : vector<256x128xi1>, vector<256x128xf32>
    %eq3A_1921 = arith.constant 79 : i32
    %eq3A_1922 = vector.broadcast %eq3A_1921 : i32 to vector<256x128xi32>
    %eq3A_1923 = arith.cmpi eq, %iota3A_61, %eq3A_1922 : vector<256x128xi32>
    %add3A_1924 = arith.constant 7168 : i32
    %add3A_1925 = vector.broadcast %add3A_1924 : i32 to vector<256x1xi32>
    %add3A_1926 = arith.addi %add3A_1925, %and3A_1759 : vector<256x1xi32>
    %broadcast_in_dim3A_1927 = vector.shape_cast %add3A_1926 : vector<256x1xi32> to vector<256x1xi32>
    %broadcast_in_dim3A_1928 = vector.broadcast %broadcast_in_dim3A_1927 : vector<256x1xi32> to vector<256x128xi32>
    %select_n3A_1929 = arith.select %eq3A_1923, %broadcast_in_dim3A_1928, %select_n3A_1908 : vector<256x128xi1>, vector<256x128xi32>
    %jit3A_1930 = arith.constant 0x7F800000 : f32
    %broadcast_in_dim3A_1931 = vector.broadcast %jit3A_1930 : f32 to vector<256x1024xf32>
    %select_n3A_1932 = arith.select %eq3A_1761, %broadcast_in_dim3A_1931, %select_n3A_1745 : vector<256x1024xi1>, vector<256x1024xf32>
    %reduce_min3A_1933 = arith.constant dense<0x7F800000> : vector<256xf32>
    %reduce_min3A_1934 = vector.multi_reduction <minimumf>, %select_n3A_1932, %reduce_min3A_1933 [1] : vector<256x1024xf32> to vector<256xf32>
    %broadcast_in_dim3A_1935 = vector.shape_cast %reduce_min3A_1934 : vector<256xf32> to vector<256x1xf32>
    %eq3A_1936 = vector.broadcast %broadcast_in_dim3A_1935 : vector<256x1xf32> to vector<256x1024xf32>
    %eq3A_1937 = arith.cmpf oeq, %select_n3A_1932, %eq3A_1936 : vector<256x1024xf32>
    %jit3A_1938 = arith.constant 1073741824 : i32
    %broadcast_in_dim3A_1939 = vector.broadcast %jit3A_1938 : i32 to vector<256x1024xi32>
    %select_n3A_1940 = arith.select %eq3A_1937, %select_n3A_60, %broadcast_in_dim3A_1939 : vector<256x1024xi1>, vector<256x1024xi32>
    %reduce_min3A_1941 = arith.constant dense<2147483647> : vector<256xi32>
    %reduce_min3A_1942 = vector.multi_reduction <minsi>, %select_n3A_1940, %reduce_min3A_1941 [1] : vector<256x1024xi32> to vector<256xi32>
    %broadcast_in_dim3A_1943 = vector.shape_cast %reduce_min3A_1942 : vector<256xi32> to vector<256x1xi32>
    %and3A_1944 = arith.constant 1023 : i32
    %and3A_1945 = vector.broadcast %and3A_1944 : i32 to vector<256x1xi32>
    %and3A_1946 = arith.andi %broadcast_in_dim3A_1943, %and3A_1945 : vector<256x1xi32>
    %eq3A_1947 = vector.broadcast %and3A_1946 : vector<256x1xi32> to vector<256x1024xi32>
    %eq3A_1948 = arith.cmpi eq, %iota3A, %eq3A_1947 : vector<256x1024xi32>
    %jit3A_1949 = arith.constant 0x7F800000 : f32
    %broadcast_in_dim3A_1950 = vector.broadcast %jit3A_1949 : f32 to vector<256x1024xf32>
    %select_n3A_1951 = arith.select %eq3A_1948, %slice3A, %broadcast_in_dim3A_1950 : vector<256x1024xi1>, vector<256x1024xf32>
    %reduce_min3A_1952 = arith.constant dense<0x7F800000> : vector<256xf32>
    %reduce_min3A_1953 = vector.multi_reduction <minimumf>, %select_n3A_1951, %reduce_min3A_1952 [1] : vector<256x1024xf32> to vector<256xf32>
    %broadcast_in_dim3A_1954 = vector.shape_cast %reduce_min3A_1953 : vector<256xf32> to vector<256x1xf32>
    %eq3A_1955 = arith.constant 80 : i32
    %eq3A_1956 = vector.broadcast %eq3A_1955 : i32 to vector<256x128xi32>
    %eq3A_1957 = arith.cmpi eq, %iota3A_61, %eq3A_1956 : vector<256x128xi32>
    %broadcast_in_dim3A_1958 = vector.shape_cast %broadcast_in_dim3A_1954 : vector<256x1xf32> to vector<256x1xf32>
    %broadcast_in_dim3A_1959 = vector.broadcast %broadcast_in_dim3A_1958 : vector<256x1xf32> to vector<256x128xf32>
    %select_n3A_1960 = arith.select %eq3A_1957, %broadcast_in_dim3A_1959, %select_n3A_1920 : vector<256x128xi1>, vector<256x128xf32>
    %eq3A_1961 = arith.constant 80 : i32
    %eq3A_1962 = vector.broadcast %eq3A_1961 : i32 to vector<256x128xi32>
    %eq3A_1963 = arith.cmpi eq, %iota3A_61, %eq3A_1962 : vector<256x128xi32>
    %add3A_1964 = arith.constant 0 : i32
    %add3A_1965 = vector.broadcast %add3A_1964 : i32 to vector<256x1xi32>
    %add3A_1966 = arith.addi %add3A_1965, %and3A_1946 : vector<256x1xi32>
    %broadcast_in_dim3A_1967 = vector.shape_cast %add3A_1966 : vector<256x1xi32> to vector<256x1xi32>
    %broadcast_in_dim3A_1968 = vector.broadcast %broadcast_in_dim3A_1967 : vector<256x1xi32> to vector<256x128xi32>
    %select_n3A_1969 = arith.select %eq3A_1963, %broadcast_in_dim3A_1968, %select_n3A_1929 : vector<256x128xi1>, vector<256x128xi32>
    %jit3A_1970 = arith.constant 0x7F800000 : f32
    %broadcast_in_dim3A_1971 = vector.broadcast %jit3A_1970 : f32 to vector<256x1024xf32>
    %select_n3A_1972 = arith.select %eq3A_1948, %slice3A_15, %broadcast_in_dim3A_1971 : vector<256x1024xi1>, vector<256x1024xf32>
    %reduce_min3A_1973 = arith.constant dense<0x7F800000> : vector<256xf32>
    %reduce_min3A_1974 = vector.multi_reduction <minimumf>, %select_n3A_1972, %reduce_min3A_1973 [1] : vector<256x1024xf32> to vector<256xf32>
    %broadcast_in_dim3A_1975 = vector.shape_cast %reduce_min3A_1974 : vector<256xf32> to vector<256x1xf32>
    %eq3A_1976 = arith.constant 81 : i32
    %eq3A_1977 = vector.broadcast %eq3A_1976 : i32 to vector<256x128xi32>
    %eq3A_1978 = arith.cmpi eq, %iota3A_61, %eq3A_1977 : vector<256x128xi32>
    %broadcast_in_dim3A_1979 = vector.shape_cast %broadcast_in_dim3A_1975 : vector<256x1xf32> to vector<256x1xf32>
    %broadcast_in_dim3A_1980 = vector.broadcast %broadcast_in_dim3A_1979 : vector<256x1xf32> to vector<256x128xf32>
    %select_n3A_1981 = arith.select %eq3A_1978, %broadcast_in_dim3A_1980, %select_n3A_1960 : vector<256x128xi1>, vector<256x128xf32>
    %eq3A_1982 = arith.constant 81 : i32
    %eq3A_1983 = vector.broadcast %eq3A_1982 : i32 to vector<256x128xi32>
    %eq3A_1984 = arith.cmpi eq, %iota3A_61, %eq3A_1983 : vector<256x128xi32>
    %add3A_1985 = arith.constant 1024 : i32
    %add3A_1986 = vector.broadcast %add3A_1985 : i32 to vector<256x1xi32>
    %add3A_1987 = arith.addi %add3A_1986, %and3A_1946 : vector<256x1xi32>
    %broadcast_in_dim3A_1988 = vector.shape_cast %add3A_1987 : vector<256x1xi32> to vector<256x1xi32>
    %broadcast_in_dim3A_1989 = vector.broadcast %broadcast_in_dim3A_1988 : vector<256x1xi32> to vector<256x128xi32>
    %select_n3A_1990 = arith.select %eq3A_1984, %broadcast_in_dim3A_1989, %select_n3A_1969 : vector<256x128xi1>, vector<256x128xi32>
    %jit3A_1991 = arith.constant 0x7F800000 : f32
    %broadcast_in_dim3A_1992 = vector.broadcast %jit3A_1991 : f32 to vector<256x1024xf32>
    %select_n3A_1993 = arith.select %eq3A_1948, %slice3A_16, %broadcast_in_dim3A_1992 : vector<256x1024xi1>, vector<256x1024xf32>
    %reduce_min3A_1994 = arith.constant dense<0x7F800000> : vector<256xf32>
    %reduce_min3A_1995 = vector.multi_reduction <minimumf>, %select_n3A_1993, %reduce_min3A_1994 [1] : vector<256x1024xf32> to vector<256xf32>
    %broadcast_in_dim3A_1996 = vector.shape_cast %reduce_min3A_1995 : vector<256xf32> to vector<256x1xf32>
    %eq3A_1997 = arith.constant 82 : i32
    %eq3A_1998 = vector.broadcast %eq3A_1997 : i32 to vector<256x128xi32>
    %eq3A_1999 = arith.cmpi eq, %iota3A_61, %eq3A_1998 : vector<256x128xi32>
    %broadcast_in_dim3A_2000 = vector.shape_cast %broadcast_in_dim3A_1996 : vector<256x1xf32> to vector<256x1xf32>
    %broadcast_in_dim3A_2001 = vector.broadcast %broadcast_in_dim3A_2000 : vector<256x1xf32> to vector<256x128xf32>
    %select_n3A_2002 = arith.select %eq3A_1999, %broadcast_in_dim3A_2001, %select_n3A_1981 : vector<256x128xi1>, vector<256x128xf32>
    %eq3A_2003 = arith.constant 82 : i32
    %eq3A_2004 = vector.broadcast %eq3A_2003 : i32 to vector<256x128xi32>
    %eq3A_2005 = arith.cmpi eq, %iota3A_61, %eq3A_2004 : vector<256x128xi32>
    %add3A_2006 = arith.constant 2048 : i32
    %add3A_2007 = vector.broadcast %add3A_2006 : i32 to vector<256x1xi32>
    %add3A_2008 = arith.addi %add3A_2007, %and3A_1946 : vector<256x1xi32>
    %broadcast_in_dim3A_2009 = vector.shape_cast %add3A_2008 : vector<256x1xi32> to vector<256x1xi32>
    %broadcast_in_dim3A_2010 = vector.broadcast %broadcast_in_dim3A_2009 : vector<256x1xi32> to vector<256x128xi32>
    %select_n3A_2011 = arith.select %eq3A_2005, %broadcast_in_dim3A_2010, %select_n3A_1990 : vector<256x128xi1>, vector<256x128xi32>
    %jit3A_2012 = arith.constant 0x7F800000 : f32
    %broadcast_in_dim3A_2013 = vector.broadcast %jit3A_2012 : f32 to vector<256x1024xf32>
    %select_n3A_2014 = arith.select %eq3A_1948, %slice3A_17, %broadcast_in_dim3A_2013 : vector<256x1024xi1>, vector<256x1024xf32>
    %reduce_min3A_2015 = arith.constant dense<0x7F800000> : vector<256xf32>
    %reduce_min3A_2016 = vector.multi_reduction <minimumf>, %select_n3A_2014, %reduce_min3A_2015 [1] : vector<256x1024xf32> to vector<256xf32>
    %broadcast_in_dim3A_2017 = vector.shape_cast %reduce_min3A_2016 : vector<256xf32> to vector<256x1xf32>
    %eq3A_2018 = arith.constant 83 : i32
    %eq3A_2019 = vector.broadcast %eq3A_2018 : i32 to vector<256x128xi32>
    %eq3A_2020 = arith.cmpi eq, %iota3A_61, %eq3A_2019 : vector<256x128xi32>
    %broadcast_in_dim3A_2021 = vector.shape_cast %broadcast_in_dim3A_2017 : vector<256x1xf32> to vector<256x1xf32>
    %broadcast_in_dim3A_2022 = vector.broadcast %broadcast_in_dim3A_2021 : vector<256x1xf32> to vector<256x128xf32>
    %select_n3A_2023 = arith.select %eq3A_2020, %broadcast_in_dim3A_2022, %select_n3A_2002 : vector<256x128xi1>, vector<256x128xf32>
    %eq3A_2024 = arith.constant 83 : i32
    %eq3A_2025 = vector.broadcast %eq3A_2024 : i32 to vector<256x128xi32>
    %eq3A_2026 = arith.cmpi eq, %iota3A_61, %eq3A_2025 : vector<256x128xi32>
    %add3A_2027 = arith.constant 3072 : i32
    %add3A_2028 = vector.broadcast %add3A_2027 : i32 to vector<256x1xi32>
    %add3A_2029 = arith.addi %add3A_2028, %and3A_1946 : vector<256x1xi32>
    %broadcast_in_dim3A_2030 = vector.shape_cast %add3A_2029 : vector<256x1xi32> to vector<256x1xi32>
    %broadcast_in_dim3A_2031 = vector.broadcast %broadcast_in_dim3A_2030 : vector<256x1xi32> to vector<256x128xi32>
    %select_n3A_2032 = arith.select %eq3A_2026, %broadcast_in_dim3A_2031, %select_n3A_2011 : vector<256x128xi1>, vector<256x128xi32>
    %jit3A_2033 = arith.constant 0x7F800000 : f32
    %broadcast_in_dim3A_2034 = vector.broadcast %jit3A_2033 : f32 to vector<256x1024xf32>
    %select_n3A_2035 = arith.select %eq3A_1948, %slice3A_18, %broadcast_in_dim3A_2034 : vector<256x1024xi1>, vector<256x1024xf32>
    %reduce_min3A_2036 = arith.constant dense<0x7F800000> : vector<256xf32>
    %reduce_min3A_2037 = vector.multi_reduction <minimumf>, %select_n3A_2035, %reduce_min3A_2036 [1] : vector<256x1024xf32> to vector<256xf32>
    %broadcast_in_dim3A_2038 = vector.shape_cast %reduce_min3A_2037 : vector<256xf32> to vector<256x1xf32>
    %eq3A_2039 = arith.constant 84 : i32
    %eq3A_2040 = vector.broadcast %eq3A_2039 : i32 to vector<256x128xi32>
    %eq3A_2041 = arith.cmpi eq, %iota3A_61, %eq3A_2040 : vector<256x128xi32>
    %broadcast_in_dim3A_2042 = vector.shape_cast %broadcast_in_dim3A_2038 : vector<256x1xf32> to vector<256x1xf32>
    %broadcast_in_dim3A_2043 = vector.broadcast %broadcast_in_dim3A_2042 : vector<256x1xf32> to vector<256x128xf32>
    %select_n3A_2044 = arith.select %eq3A_2041, %broadcast_in_dim3A_2043, %select_n3A_2023 : vector<256x128xi1>, vector<256x128xf32>
    %eq3A_2045 = arith.constant 84 : i32
    %eq3A_2046 = vector.broadcast %eq3A_2045 : i32 to vector<256x128xi32>
    %eq3A_2047 = arith.cmpi eq, %iota3A_61, %eq3A_2046 : vector<256x128xi32>
    %add3A_2048 = arith.constant 4096 : i32
    %add3A_2049 = vector.broadcast %add3A_2048 : i32 to vector<256x1xi32>
    %add3A_2050 = arith.addi %add3A_2049, %and3A_1946 : vector<256x1xi32>
    %broadcast_in_dim3A_2051 = vector.shape_cast %add3A_2050 : vector<256x1xi32> to vector<256x1xi32>
    %broadcast_in_dim3A_2052 = vector.broadcast %broadcast_in_dim3A_2051 : vector<256x1xi32> to vector<256x128xi32>
    %select_n3A_2053 = arith.select %eq3A_2047, %broadcast_in_dim3A_2052, %select_n3A_2032 : vector<256x128xi1>, vector<256x128xi32>
    %jit3A_2054 = arith.constant 0x7F800000 : f32
    %broadcast_in_dim3A_2055 = vector.broadcast %jit3A_2054 : f32 to vector<256x1024xf32>
    %select_n3A_2056 = arith.select %eq3A_1948, %slice3A_19, %broadcast_in_dim3A_2055 : vector<256x1024xi1>, vector<256x1024xf32>
    %reduce_min3A_2057 = arith.constant dense<0x7F800000> : vector<256xf32>
    %reduce_min3A_2058 = vector.multi_reduction <minimumf>, %select_n3A_2056, %reduce_min3A_2057 [1] : vector<256x1024xf32> to vector<256xf32>
    %broadcast_in_dim3A_2059 = vector.shape_cast %reduce_min3A_2058 : vector<256xf32> to vector<256x1xf32>
    %eq3A_2060 = arith.constant 85 : i32
    %eq3A_2061 = vector.broadcast %eq3A_2060 : i32 to vector<256x128xi32>
    %eq3A_2062 = arith.cmpi eq, %iota3A_61, %eq3A_2061 : vector<256x128xi32>
    %broadcast_in_dim3A_2063 = vector.shape_cast %broadcast_in_dim3A_2059 : vector<256x1xf32> to vector<256x1xf32>
    %broadcast_in_dim3A_2064 = vector.broadcast %broadcast_in_dim3A_2063 : vector<256x1xf32> to vector<256x128xf32>
    %select_n3A_2065 = arith.select %eq3A_2062, %broadcast_in_dim3A_2064, %select_n3A_2044 : vector<256x128xi1>, vector<256x128xf32>
    %eq3A_2066 = arith.constant 85 : i32
    %eq3A_2067 = vector.broadcast %eq3A_2066 : i32 to vector<256x128xi32>
    %eq3A_2068 = arith.cmpi eq, %iota3A_61, %eq3A_2067 : vector<256x128xi32>
    %add3A_2069 = arith.constant 5120 : i32
    %add3A_2070 = vector.broadcast %add3A_2069 : i32 to vector<256x1xi32>
    %add3A_2071 = arith.addi %add3A_2070, %and3A_1946 : vector<256x1xi32>
    %broadcast_in_dim3A_2072 = vector.shape_cast %add3A_2071 : vector<256x1xi32> to vector<256x1xi32>
    %broadcast_in_dim3A_2073 = vector.broadcast %broadcast_in_dim3A_2072 : vector<256x1xi32> to vector<256x128xi32>
    %select_n3A_2074 = arith.select %eq3A_2068, %broadcast_in_dim3A_2073, %select_n3A_2053 : vector<256x128xi1>, vector<256x128xi32>
    %jit3A_2075 = arith.constant 0x7F800000 : f32
    %broadcast_in_dim3A_2076 = vector.broadcast %jit3A_2075 : f32 to vector<256x1024xf32>
    %select_n3A_2077 = arith.select %eq3A_1948, %slice3A_20, %broadcast_in_dim3A_2076 : vector<256x1024xi1>, vector<256x1024xf32>
    %reduce_min3A_2078 = arith.constant dense<0x7F800000> : vector<256xf32>
    %reduce_min3A_2079 = vector.multi_reduction <minimumf>, %select_n3A_2077, %reduce_min3A_2078 [1] : vector<256x1024xf32> to vector<256xf32>
    %broadcast_in_dim3A_2080 = vector.shape_cast %reduce_min3A_2079 : vector<256xf32> to vector<256x1xf32>
    %eq3A_2081 = arith.constant 86 : i32
    %eq3A_2082 = vector.broadcast %eq3A_2081 : i32 to vector<256x128xi32>
    %eq3A_2083 = arith.cmpi eq, %iota3A_61, %eq3A_2082 : vector<256x128xi32>
    %broadcast_in_dim3A_2084 = vector.shape_cast %broadcast_in_dim3A_2080 : vector<256x1xf32> to vector<256x1xf32>
    %broadcast_in_dim3A_2085 = vector.broadcast %broadcast_in_dim3A_2084 : vector<256x1xf32> to vector<256x128xf32>
    %select_n3A_2086 = arith.select %eq3A_2083, %broadcast_in_dim3A_2085, %select_n3A_2065 : vector<256x128xi1>, vector<256x128xf32>
    %eq3A_2087 = arith.constant 86 : i32
    %eq3A_2088 = vector.broadcast %eq3A_2087 : i32 to vector<256x128xi32>
    %eq3A_2089 = arith.cmpi eq, %iota3A_61, %eq3A_2088 : vector<256x128xi32>
    %add3A_2090 = arith.constant 6144 : i32
    %add3A_2091 = vector.broadcast %add3A_2090 : i32 to vector<256x1xi32>
    %add3A_2092 = arith.addi %add3A_2091, %and3A_1946 : vector<256x1xi32>
    %broadcast_in_dim3A_2093 = vector.shape_cast %add3A_2092 : vector<256x1xi32> to vector<256x1xi32>
    %broadcast_in_dim3A_2094 = vector.broadcast %broadcast_in_dim3A_2093 : vector<256x1xi32> to vector<256x128xi32>
    %select_n3A_2095 = arith.select %eq3A_2089, %broadcast_in_dim3A_2094, %select_n3A_2074 : vector<256x128xi1>, vector<256x128xi32>
    %jit3A_2096 = arith.constant 0x7F800000 : f32
    %broadcast_in_dim3A_2097 = vector.broadcast %jit3A_2096 : f32 to vector<256x1024xf32>
    %select_n3A_2098 = arith.select %eq3A_1948, %slice3A_21, %broadcast_in_dim3A_2097 : vector<256x1024xi1>, vector<256x1024xf32>
    %reduce_min3A_2099 = arith.constant dense<0x7F800000> : vector<256xf32>
    %reduce_min3A_2100 = vector.multi_reduction <minimumf>, %select_n3A_2098, %reduce_min3A_2099 [1] : vector<256x1024xf32> to vector<256xf32>
    %broadcast_in_dim3A_2101 = vector.shape_cast %reduce_min3A_2100 : vector<256xf32> to vector<256x1xf32>
    %eq3A_2102 = arith.constant 87 : i32
    %eq3A_2103 = vector.broadcast %eq3A_2102 : i32 to vector<256x128xi32>
    %eq3A_2104 = arith.cmpi eq, %iota3A_61, %eq3A_2103 : vector<256x128xi32>
    %broadcast_in_dim3A_2105 = vector.shape_cast %broadcast_in_dim3A_2101 : vector<256x1xf32> to vector<256x1xf32>
    %broadcast_in_dim3A_2106 = vector.broadcast %broadcast_in_dim3A_2105 : vector<256x1xf32> to vector<256x128xf32>
    %select_n3A_2107 = arith.select %eq3A_2104, %broadcast_in_dim3A_2106, %select_n3A_2086 : vector<256x128xi1>, vector<256x128xf32>
    %eq3A_2108 = arith.constant 87 : i32
    %eq3A_2109 = vector.broadcast %eq3A_2108 : i32 to vector<256x128xi32>
    %eq3A_2110 = arith.cmpi eq, %iota3A_61, %eq3A_2109 : vector<256x128xi32>
    %add3A_2111 = arith.constant 7168 : i32
    %add3A_2112 = vector.broadcast %add3A_2111 : i32 to vector<256x1xi32>
    %add3A_2113 = arith.addi %add3A_2112, %and3A_1946 : vector<256x1xi32>
    %broadcast_in_dim3A_2114 = vector.shape_cast %add3A_2113 : vector<256x1xi32> to vector<256x1xi32>
    %broadcast_in_dim3A_2115 = vector.broadcast %broadcast_in_dim3A_2114 : vector<256x1xi32> to vector<256x128xi32>
    %select_n3A_2116 = arith.select %eq3A_2110, %broadcast_in_dim3A_2115, %select_n3A_2095 : vector<256x128xi1>, vector<256x128xi32>
    %jit3A_2117 = arith.constant 0x7F800000 : f32
    %broadcast_in_dim3A_2118 = vector.broadcast %jit3A_2117 : f32 to vector<256x1024xf32>
    %select_n3A_2119 = arith.select %eq3A_1948, %broadcast_in_dim3A_2118, %select_n3A_1932 : vector<256x1024xi1>, vector<256x1024xf32>
    %reduce_min3A_2120 = arith.constant dense<0x7F800000> : vector<256xf32>
    %reduce_min3A_2121 = vector.multi_reduction <minimumf>, %select_n3A_2119, %reduce_min3A_2120 [1] : vector<256x1024xf32> to vector<256xf32>
    %broadcast_in_dim3A_2122 = vector.shape_cast %reduce_min3A_2121 : vector<256xf32> to vector<256x1xf32>
    %eq3A_2123 = vector.broadcast %broadcast_in_dim3A_2122 : vector<256x1xf32> to vector<256x1024xf32>
    %eq3A_2124 = arith.cmpf oeq, %select_n3A_2119, %eq3A_2123 : vector<256x1024xf32>
    %jit3A_2125 = arith.constant 1073741824 : i32
    %broadcast_in_dim3A_2126 = vector.broadcast %jit3A_2125 : i32 to vector<256x1024xi32>
    %select_n3A_2127 = arith.select %eq3A_2124, %select_n3A_60, %broadcast_in_dim3A_2126 : vector<256x1024xi1>, vector<256x1024xi32>
    %reduce_min3A_2128 = arith.constant dense<2147483647> : vector<256xi32>
    %reduce_min3A_2129 = vector.multi_reduction <minsi>, %select_n3A_2127, %reduce_min3A_2128 [1] : vector<256x1024xi32> to vector<256xi32>
    %broadcast_in_dim3A_2130 = vector.shape_cast %reduce_min3A_2129 : vector<256xi32> to vector<256x1xi32>
    %and3A_2131 = arith.constant 1023 : i32
    %and3A_2132 = vector.broadcast %and3A_2131 : i32 to vector<256x1xi32>
    %and3A_2133 = arith.andi %broadcast_in_dim3A_2130, %and3A_2132 : vector<256x1xi32>
    %eq3A_2134 = vector.broadcast %and3A_2133 : vector<256x1xi32> to vector<256x1024xi32>
    %eq3A_2135 = arith.cmpi eq, %iota3A, %eq3A_2134 : vector<256x1024xi32>
    %jit3A_2136 = arith.constant 0x7F800000 : f32
    %broadcast_in_dim3A_2137 = vector.broadcast %jit3A_2136 : f32 to vector<256x1024xf32>
    %select_n3A_2138 = arith.select %eq3A_2135, %slice3A, %broadcast_in_dim3A_2137 : vector<256x1024xi1>, vector<256x1024xf32>
    %reduce_min3A_2139 = arith.constant dense<0x7F800000> : vector<256xf32>
    %reduce_min3A_2140 = vector.multi_reduction <minimumf>, %select_n3A_2138, %reduce_min3A_2139 [1] : vector<256x1024xf32> to vector<256xf32>
    %broadcast_in_dim3A_2141 = vector.shape_cast %reduce_min3A_2140 : vector<256xf32> to vector<256x1xf32>
    %eq3A_2142 = arith.constant 88 : i32
    %eq3A_2143 = vector.broadcast %eq3A_2142 : i32 to vector<256x128xi32>
    %eq3A_2144 = arith.cmpi eq, %iota3A_61, %eq3A_2143 : vector<256x128xi32>
    %broadcast_in_dim3A_2145 = vector.shape_cast %broadcast_in_dim3A_2141 : vector<256x1xf32> to vector<256x1xf32>
    %broadcast_in_dim3A_2146 = vector.broadcast %broadcast_in_dim3A_2145 : vector<256x1xf32> to vector<256x128xf32>
    %select_n3A_2147 = arith.select %eq3A_2144, %broadcast_in_dim3A_2146, %select_n3A_2107 : vector<256x128xi1>, vector<256x128xf32>
    %eq3A_2148 = arith.constant 88 : i32
    %eq3A_2149 = vector.broadcast %eq3A_2148 : i32 to vector<256x128xi32>
    %eq3A_2150 = arith.cmpi eq, %iota3A_61, %eq3A_2149 : vector<256x128xi32>
    %add3A_2151 = arith.constant 0 : i32
    %add3A_2152 = vector.broadcast %add3A_2151 : i32 to vector<256x1xi32>
    %add3A_2153 = arith.addi %add3A_2152, %and3A_2133 : vector<256x1xi32>
    %broadcast_in_dim3A_2154 = vector.shape_cast %add3A_2153 : vector<256x1xi32> to vector<256x1xi32>
    %broadcast_in_dim3A_2155 = vector.broadcast %broadcast_in_dim3A_2154 : vector<256x1xi32> to vector<256x128xi32>
    %select_n3A_2156 = arith.select %eq3A_2150, %broadcast_in_dim3A_2155, %select_n3A_2116 : vector<256x128xi1>, vector<256x128xi32>
    %jit3A_2157 = arith.constant 0x7F800000 : f32
    %broadcast_in_dim3A_2158 = vector.broadcast %jit3A_2157 : f32 to vector<256x1024xf32>
    %select_n3A_2159 = arith.select %eq3A_2135, %slice3A_15, %broadcast_in_dim3A_2158 : vector<256x1024xi1>, vector<256x1024xf32>
    %reduce_min3A_2160 = arith.constant dense<0x7F800000> : vector<256xf32>
    %reduce_min3A_2161 = vector.multi_reduction <minimumf>, %select_n3A_2159, %reduce_min3A_2160 [1] : vector<256x1024xf32> to vector<256xf32>
    %broadcast_in_dim3A_2162 = vector.shape_cast %reduce_min3A_2161 : vector<256xf32> to vector<256x1xf32>
    %eq3A_2163 = arith.constant 89 : i32
    %eq3A_2164 = vector.broadcast %eq3A_2163 : i32 to vector<256x128xi32>
    %eq3A_2165 = arith.cmpi eq, %iota3A_61, %eq3A_2164 : vector<256x128xi32>
    %broadcast_in_dim3A_2166 = vector.shape_cast %broadcast_in_dim3A_2162 : vector<256x1xf32> to vector<256x1xf32>
    %broadcast_in_dim3A_2167 = vector.broadcast %broadcast_in_dim3A_2166 : vector<256x1xf32> to vector<256x128xf32>
    %select_n3A_2168 = arith.select %eq3A_2165, %broadcast_in_dim3A_2167, %select_n3A_2147 : vector<256x128xi1>, vector<256x128xf32>
    %eq3A_2169 = arith.constant 89 : i32
    %eq3A_2170 = vector.broadcast %eq3A_2169 : i32 to vector<256x128xi32>
    %eq3A_2171 = arith.cmpi eq, %iota3A_61, %eq3A_2170 : vector<256x128xi32>
    %add3A_2172 = arith.constant 1024 : i32
    %add3A_2173 = vector.broadcast %add3A_2172 : i32 to vector<256x1xi32>
    %add3A_2174 = arith.addi %add3A_2173, %and3A_2133 : vector<256x1xi32>
    %broadcast_in_dim3A_2175 = vector.shape_cast %add3A_2174 : vector<256x1xi32> to vector<256x1xi32>
    %broadcast_in_dim3A_2176 = vector.broadcast %broadcast_in_dim3A_2175 : vector<256x1xi32> to vector<256x128xi32>
    %select_n3A_2177 = arith.select %eq3A_2171, %broadcast_in_dim3A_2176, %select_n3A_2156 : vector<256x128xi1>, vector<256x128xi32>
    %jit3A_2178 = arith.constant 0x7F800000 : f32
    %broadcast_in_dim3A_2179 = vector.broadcast %jit3A_2178 : f32 to vector<256x1024xf32>
    %select_n3A_2180 = arith.select %eq3A_2135, %slice3A_16, %broadcast_in_dim3A_2179 : vector<256x1024xi1>, vector<256x1024xf32>
    %reduce_min3A_2181 = arith.constant dense<0x7F800000> : vector<256xf32>
    %reduce_min3A_2182 = vector.multi_reduction <minimumf>, %select_n3A_2180, %reduce_min3A_2181 [1] : vector<256x1024xf32> to vector<256xf32>
    %broadcast_in_dim3A_2183 = vector.shape_cast %reduce_min3A_2182 : vector<256xf32> to vector<256x1xf32>
    %eq3A_2184 = arith.constant 90 : i32
    %eq3A_2185 = vector.broadcast %eq3A_2184 : i32 to vector<256x128xi32>
    %eq3A_2186 = arith.cmpi eq, %iota3A_61, %eq3A_2185 : vector<256x128xi32>
    %broadcast_in_dim3A_2187 = vector.shape_cast %broadcast_in_dim3A_2183 : vector<256x1xf32> to vector<256x1xf32>
    %broadcast_in_dim3A_2188 = vector.broadcast %broadcast_in_dim3A_2187 : vector<256x1xf32> to vector<256x128xf32>
    %select_n3A_2189 = arith.select %eq3A_2186, %broadcast_in_dim3A_2188, %select_n3A_2168 : vector<256x128xi1>, vector<256x128xf32>
    %eq3A_2190 = arith.constant 90 : i32
    %eq3A_2191 = vector.broadcast %eq3A_2190 : i32 to vector<256x128xi32>
    %eq3A_2192 = arith.cmpi eq, %iota3A_61, %eq3A_2191 : vector<256x128xi32>
    %add3A_2193 = arith.constant 2048 : i32
    %add3A_2194 = vector.broadcast %add3A_2193 : i32 to vector<256x1xi32>
    %add3A_2195 = arith.addi %add3A_2194, %and3A_2133 : vector<256x1xi32>
    %broadcast_in_dim3A_2196 = vector.shape_cast %add3A_2195 : vector<256x1xi32> to vector<256x1xi32>
    %broadcast_in_dim3A_2197 = vector.broadcast %broadcast_in_dim3A_2196 : vector<256x1xi32> to vector<256x128xi32>
    %select_n3A_2198 = arith.select %eq3A_2192, %broadcast_in_dim3A_2197, %select_n3A_2177 : vector<256x128xi1>, vector<256x128xi32>
    %jit3A_2199 = arith.constant 0x7F800000 : f32
    %broadcast_in_dim3A_2200 = vector.broadcast %jit3A_2199 : f32 to vector<256x1024xf32>
    %select_n3A_2201 = arith.select %eq3A_2135, %slice3A_17, %broadcast_in_dim3A_2200 : vector<256x1024xi1>, vector<256x1024xf32>
    %reduce_min3A_2202 = arith.constant dense<0x7F800000> : vector<256xf32>
    %reduce_min3A_2203 = vector.multi_reduction <minimumf>, %select_n3A_2201, %reduce_min3A_2202 [1] : vector<256x1024xf32> to vector<256xf32>
    %broadcast_in_dim3A_2204 = vector.shape_cast %reduce_min3A_2203 : vector<256xf32> to vector<256x1xf32>
    %eq3A_2205 = arith.constant 91 : i32
    %eq3A_2206 = vector.broadcast %eq3A_2205 : i32 to vector<256x128xi32>
    %eq3A_2207 = arith.cmpi eq, %iota3A_61, %eq3A_2206 : vector<256x128xi32>
    %broadcast_in_dim3A_2208 = vector.shape_cast %broadcast_in_dim3A_2204 : vector<256x1xf32> to vector<256x1xf32>
    %broadcast_in_dim3A_2209 = vector.broadcast %broadcast_in_dim3A_2208 : vector<256x1xf32> to vector<256x128xf32>
    %select_n3A_2210 = arith.select %eq3A_2207, %broadcast_in_dim3A_2209, %select_n3A_2189 : vector<256x128xi1>, vector<256x128xf32>
    %eq3A_2211 = arith.constant 91 : i32
    %eq3A_2212 = vector.broadcast %eq3A_2211 : i32 to vector<256x128xi32>
    %eq3A_2213 = arith.cmpi eq, %iota3A_61, %eq3A_2212 : vector<256x128xi32>
    %add3A_2214 = arith.constant 3072 : i32
    %add3A_2215 = vector.broadcast %add3A_2214 : i32 to vector<256x1xi32>
    %add3A_2216 = arith.addi %add3A_2215, %and3A_2133 : vector<256x1xi32>
    %broadcast_in_dim3A_2217 = vector.shape_cast %add3A_2216 : vector<256x1xi32> to vector<256x1xi32>
    %broadcast_in_dim3A_2218 = vector.broadcast %broadcast_in_dim3A_2217 : vector<256x1xi32> to vector<256x128xi32>
    %select_n3A_2219 = arith.select %eq3A_2213, %broadcast_in_dim3A_2218, %select_n3A_2198 : vector<256x128xi1>, vector<256x128xi32>
    %jit3A_2220 = arith.constant 0x7F800000 : f32
    %broadcast_in_dim3A_2221 = vector.broadcast %jit3A_2220 : f32 to vector<256x1024xf32>
    %select_n3A_2222 = arith.select %eq3A_2135, %slice3A_18, %broadcast_in_dim3A_2221 : vector<256x1024xi1>, vector<256x1024xf32>
    %reduce_min3A_2223 = arith.constant dense<0x7F800000> : vector<256xf32>
    %reduce_min3A_2224 = vector.multi_reduction <minimumf>, %select_n3A_2222, %reduce_min3A_2223 [1] : vector<256x1024xf32> to vector<256xf32>
    %broadcast_in_dim3A_2225 = vector.shape_cast %reduce_min3A_2224 : vector<256xf32> to vector<256x1xf32>
    %eq3A_2226 = arith.constant 92 : i32
    %eq3A_2227 = vector.broadcast %eq3A_2226 : i32 to vector<256x128xi32>
    %eq3A_2228 = arith.cmpi eq, %iota3A_61, %eq3A_2227 : vector<256x128xi32>
    %broadcast_in_dim3A_2229 = vector.shape_cast %broadcast_in_dim3A_2225 : vector<256x1xf32> to vector<256x1xf32>
    %broadcast_in_dim3A_2230 = vector.broadcast %broadcast_in_dim3A_2229 : vector<256x1xf32> to vector<256x128xf32>
    %select_n3A_2231 = arith.select %eq3A_2228, %broadcast_in_dim3A_2230, %select_n3A_2210 : vector<256x128xi1>, vector<256x128xf32>
    %eq3A_2232 = arith.constant 92 : i32
    %eq3A_2233 = vector.broadcast %eq3A_2232 : i32 to vector<256x128xi32>
    %eq3A_2234 = arith.cmpi eq, %iota3A_61, %eq3A_2233 : vector<256x128xi32>
    %add3A_2235 = arith.constant 4096 : i32
    %add3A_2236 = vector.broadcast %add3A_2235 : i32 to vector<256x1xi32>
    %add3A_2237 = arith.addi %add3A_2236, %and3A_2133 : vector<256x1xi32>
    %broadcast_in_dim3A_2238 = vector.shape_cast %add3A_2237 : vector<256x1xi32> to vector<256x1xi32>
    %broadcast_in_dim3A_2239 = vector.broadcast %broadcast_in_dim3A_2238 : vector<256x1xi32> to vector<256x128xi32>
    %select_n3A_2240 = arith.select %eq3A_2234, %broadcast_in_dim3A_2239, %select_n3A_2219 : vector<256x128xi1>, vector<256x128xi32>
    %jit3A_2241 = arith.constant 0x7F800000 : f32
    %broadcast_in_dim3A_2242 = vector.broadcast %jit3A_2241 : f32 to vector<256x1024xf32>
    %select_n3A_2243 = arith.select %eq3A_2135, %slice3A_19, %broadcast_in_dim3A_2242 : vector<256x1024xi1>, vector<256x1024xf32>
    %reduce_min3A_2244 = arith.constant dense<0x7F800000> : vector<256xf32>
    %reduce_min3A_2245 = vector.multi_reduction <minimumf>, %select_n3A_2243, %reduce_min3A_2244 [1] : vector<256x1024xf32> to vector<256xf32>
    %broadcast_in_dim3A_2246 = vector.shape_cast %reduce_min3A_2245 : vector<256xf32> to vector<256x1xf32>
    %eq3A_2247 = arith.constant 93 : i32
    %eq3A_2248 = vector.broadcast %eq3A_2247 : i32 to vector<256x128xi32>
    %eq3A_2249 = arith.cmpi eq, %iota3A_61, %eq3A_2248 : vector<256x128xi32>
    %broadcast_in_dim3A_2250 = vector.shape_cast %broadcast_in_dim3A_2246 : vector<256x1xf32> to vector<256x1xf32>
    %broadcast_in_dim3A_2251 = vector.broadcast %broadcast_in_dim3A_2250 : vector<256x1xf32> to vector<256x128xf32>
    %select_n3A_2252 = arith.select %eq3A_2249, %broadcast_in_dim3A_2251, %select_n3A_2231 : vector<256x128xi1>, vector<256x128xf32>
    %eq3A_2253 = arith.constant 93 : i32
    %eq3A_2254 = vector.broadcast %eq3A_2253 : i32 to vector<256x128xi32>
    %eq3A_2255 = arith.cmpi eq, %iota3A_61, %eq3A_2254 : vector<256x128xi32>
    %add3A_2256 = arith.constant 5120 : i32
    %add3A_2257 = vector.broadcast %add3A_2256 : i32 to vector<256x1xi32>
    %add3A_2258 = arith.addi %add3A_2257, %and3A_2133 : vector<256x1xi32>
    %broadcast_in_dim3A_2259 = vector.shape_cast %add3A_2258 : vector<256x1xi32> to vector<256x1xi32>
    %broadcast_in_dim3A_2260 = vector.broadcast %broadcast_in_dim3A_2259 : vector<256x1xi32> to vector<256x128xi32>
    %select_n3A_2261 = arith.select %eq3A_2255, %broadcast_in_dim3A_2260, %select_n3A_2240 : vector<256x128xi1>, vector<256x128xi32>
    %jit3A_2262 = arith.constant 0x7F800000 : f32
    %broadcast_in_dim3A_2263 = vector.broadcast %jit3A_2262 : f32 to vector<256x1024xf32>
    %select_n3A_2264 = arith.select %eq3A_2135, %slice3A_20, %broadcast_in_dim3A_2263 : vector<256x1024xi1>, vector<256x1024xf32>
    %reduce_min3A_2265 = arith.constant dense<0x7F800000> : vector<256xf32>
    %reduce_min3A_2266 = vector.multi_reduction <minimumf>, %select_n3A_2264, %reduce_min3A_2265 [1] : vector<256x1024xf32> to vector<256xf32>
    %broadcast_in_dim3A_2267 = vector.shape_cast %reduce_min3A_2266 : vector<256xf32> to vector<256x1xf32>
    %eq3A_2268 = arith.constant 94 : i32
    %eq3A_2269 = vector.broadcast %eq3A_2268 : i32 to vector<256x128xi32>
    %eq3A_2270 = arith.cmpi eq, %iota3A_61, %eq3A_2269 : vector<256x128xi32>
    %broadcast_in_dim3A_2271 = vector.shape_cast %broadcast_in_dim3A_2267 : vector<256x1xf32> to vector<256x1xf32>
    %broadcast_in_dim3A_2272 = vector.broadcast %broadcast_in_dim3A_2271 : vector<256x1xf32> to vector<256x128xf32>
    %select_n3A_2273 = arith.select %eq3A_2270, %broadcast_in_dim3A_2272, %select_n3A_2252 : vector<256x128xi1>, vector<256x128xf32>
    %eq3A_2274 = arith.constant 94 : i32
    %eq3A_2275 = vector.broadcast %eq3A_2274 : i32 to vector<256x128xi32>
    %eq3A_2276 = arith.cmpi eq, %iota3A_61, %eq3A_2275 : vector<256x128xi32>
    %add3A_2277 = arith.constant 6144 : i32
    %add3A_2278 = vector.broadcast %add3A_2277 : i32 to vector<256x1xi32>
    %add3A_2279 = arith.addi %add3A_2278, %and3A_2133 : vector<256x1xi32>
    %broadcast_in_dim3A_2280 = vector.shape_cast %add3A_2279 : vector<256x1xi32> to vector<256x1xi32>
    %broadcast_in_dim3A_2281 = vector.broadcast %broadcast_in_dim3A_2280 : vector<256x1xi32> to vector<256x128xi32>
    %select_n3A_2282 = arith.select %eq3A_2276, %broadcast_in_dim3A_2281, %select_n3A_2261 : vector<256x128xi1>, vector<256x128xi32>
    %jit3A_2283 = arith.constant 0x7F800000 : f32
    %broadcast_in_dim3A_2284 = vector.broadcast %jit3A_2283 : f32 to vector<256x1024xf32>
    %select_n3A_2285 = arith.select %eq3A_2135, %slice3A_21, %broadcast_in_dim3A_2284 : vector<256x1024xi1>, vector<256x1024xf32>
    %reduce_min3A_2286 = arith.constant dense<0x7F800000> : vector<256xf32>
    %reduce_min3A_2287 = vector.multi_reduction <minimumf>, %select_n3A_2285, %reduce_min3A_2286 [1] : vector<256x1024xf32> to vector<256xf32>
    %broadcast_in_dim3A_2288 = vector.shape_cast %reduce_min3A_2287 : vector<256xf32> to vector<256x1xf32>
    %eq3A_2289 = arith.constant 95 : i32
    %eq3A_2290 = vector.broadcast %eq3A_2289 : i32 to vector<256x128xi32>
    %eq3A_2291 = arith.cmpi eq, %iota3A_61, %eq3A_2290 : vector<256x128xi32>
    %broadcast_in_dim3A_2292 = vector.shape_cast %broadcast_in_dim3A_2288 : vector<256x1xf32> to vector<256x1xf32>
    %broadcast_in_dim3A_2293 = vector.broadcast %broadcast_in_dim3A_2292 : vector<256x1xf32> to vector<256x128xf32>
    %select_n3A_2294 = arith.select %eq3A_2291, %broadcast_in_dim3A_2293, %select_n3A_2273 : vector<256x128xi1>, vector<256x128xf32>
    %eq3A_2295 = arith.constant 95 : i32
    %eq3A_2296 = vector.broadcast %eq3A_2295 : i32 to vector<256x128xi32>
    %eq3A_2297 = arith.cmpi eq, %iota3A_61, %eq3A_2296 : vector<256x128xi32>
    %add3A_2298 = arith.constant 7168 : i32
    %add3A_2299 = vector.broadcast %add3A_2298 : i32 to vector<256x1xi32>
    %add3A_2300 = arith.addi %add3A_2299, %and3A_2133 : vector<256x1xi32>
    %broadcast_in_dim3A_2301 = vector.shape_cast %add3A_2300 : vector<256x1xi32> to vector<256x1xi32>
    %broadcast_in_dim3A_2302 = vector.broadcast %broadcast_in_dim3A_2301 : vector<256x1xi32> to vector<256x128xi32>
    %select_n3A_2303 = arith.select %eq3A_2297, %broadcast_in_dim3A_2302, %select_n3A_2282 : vector<256x128xi1>, vector<256x128xi32>
    %jit3A_2304 = arith.constant 0x7F800000 : f32
    %broadcast_in_dim3A_2305 = vector.broadcast %jit3A_2304 : f32 to vector<256x1024xf32>
    %select_n3A_2306 = arith.select %eq3A_2135, %broadcast_in_dim3A_2305, %select_n3A_2119 : vector<256x1024xi1>, vector<256x1024xf32>
    %reduce_min3A_2307 = arith.constant dense<0x7F800000> : vector<256xf32>
    %reduce_min3A_2308 = vector.multi_reduction <minimumf>, %select_n3A_2306, %reduce_min3A_2307 [1] : vector<256x1024xf32> to vector<256xf32>
    %broadcast_in_dim3A_2309 = vector.shape_cast %reduce_min3A_2308 : vector<256xf32> to vector<256x1xf32>
    %eq3A_2310 = vector.broadcast %broadcast_in_dim3A_2309 : vector<256x1xf32> to vector<256x1024xf32>
    %eq3A_2311 = arith.cmpf oeq, %select_n3A_2306, %eq3A_2310 : vector<256x1024xf32>
    %jit3A_2312 = arith.constant 1073741824 : i32
    %broadcast_in_dim3A_2313 = vector.broadcast %jit3A_2312 : i32 to vector<256x1024xi32>
    %select_n3A_2314 = arith.select %eq3A_2311, %select_n3A_60, %broadcast_in_dim3A_2313 : vector<256x1024xi1>, vector<256x1024xi32>
    %reduce_min3A_2315 = arith.constant dense<2147483647> : vector<256xi32>
    %reduce_min3A_2316 = vector.multi_reduction <minsi>, %select_n3A_2314, %reduce_min3A_2315 [1] : vector<256x1024xi32> to vector<256xi32>
    %broadcast_in_dim3A_2317 = vector.shape_cast %reduce_min3A_2316 : vector<256xi32> to vector<256x1xi32>
    %and3A_2318 = arith.constant 1023 : i32
    %and3A_2319 = vector.broadcast %and3A_2318 : i32 to vector<256x1xi32>
    %and3A_2320 = arith.andi %broadcast_in_dim3A_2317, %and3A_2319 : vector<256x1xi32>
    %eq3A_2321 = vector.broadcast %and3A_2320 : vector<256x1xi32> to vector<256x1024xi32>
    %eq3A_2322 = arith.cmpi eq, %iota3A, %eq3A_2321 : vector<256x1024xi32>
    %jit3A_2323 = arith.constant 0x7F800000 : f32
    %broadcast_in_dim3A_2324 = vector.broadcast %jit3A_2323 : f32 to vector<256x1024xf32>
    %select_n3A_2325 = arith.select %eq3A_2322, %slice3A, %broadcast_in_dim3A_2324 : vector<256x1024xi1>, vector<256x1024xf32>
    %reduce_min3A_2326 = arith.constant dense<0x7F800000> : vector<256xf32>
    %reduce_min3A_2327 = vector.multi_reduction <minimumf>, %select_n3A_2325, %reduce_min3A_2326 [1] : vector<256x1024xf32> to vector<256xf32>
    %broadcast_in_dim3A_2328 = vector.shape_cast %reduce_min3A_2327 : vector<256xf32> to vector<256x1xf32>
    %eq3A_2329 = arith.constant 96 : i32
    %eq3A_2330 = vector.broadcast %eq3A_2329 : i32 to vector<256x128xi32>
    %eq3A_2331 = arith.cmpi eq, %iota3A_61, %eq3A_2330 : vector<256x128xi32>
    %broadcast_in_dim3A_2332 = vector.shape_cast %broadcast_in_dim3A_2328 : vector<256x1xf32> to vector<256x1xf32>
    %broadcast_in_dim3A_2333 = vector.broadcast %broadcast_in_dim3A_2332 : vector<256x1xf32> to vector<256x128xf32>
    %select_n3A_2334 = arith.select %eq3A_2331, %broadcast_in_dim3A_2333, %select_n3A_2294 : vector<256x128xi1>, vector<256x128xf32>
    %eq3A_2335 = arith.constant 96 : i32
    %eq3A_2336 = vector.broadcast %eq3A_2335 : i32 to vector<256x128xi32>
    %eq3A_2337 = arith.cmpi eq, %iota3A_61, %eq3A_2336 : vector<256x128xi32>
    %add3A_2338 = arith.constant 0 : i32
    %add3A_2339 = vector.broadcast %add3A_2338 : i32 to vector<256x1xi32>
    %add3A_2340 = arith.addi %add3A_2339, %and3A_2320 : vector<256x1xi32>
    %broadcast_in_dim3A_2341 = vector.shape_cast %add3A_2340 : vector<256x1xi32> to vector<256x1xi32>
    %broadcast_in_dim3A_2342 = vector.broadcast %broadcast_in_dim3A_2341 : vector<256x1xi32> to vector<256x128xi32>
    %select_n3A_2343 = arith.select %eq3A_2337, %broadcast_in_dim3A_2342, %select_n3A_2303 : vector<256x128xi1>, vector<256x128xi32>
    %jit3A_2344 = arith.constant 0x7F800000 : f32
    %broadcast_in_dim3A_2345 = vector.broadcast %jit3A_2344 : f32 to vector<256x1024xf32>
    %select_n3A_2346 = arith.select %eq3A_2322, %slice3A_15, %broadcast_in_dim3A_2345 : vector<256x1024xi1>, vector<256x1024xf32>
    %reduce_min3A_2347 = arith.constant dense<0x7F800000> : vector<256xf32>
    %reduce_min3A_2348 = vector.multi_reduction <minimumf>, %select_n3A_2346, %reduce_min3A_2347 [1] : vector<256x1024xf32> to vector<256xf32>
    %broadcast_in_dim3A_2349 = vector.shape_cast %reduce_min3A_2348 : vector<256xf32> to vector<256x1xf32>
    %eq3A_2350 = arith.constant 97 : i32
    %eq3A_2351 = vector.broadcast %eq3A_2350 : i32 to vector<256x128xi32>
    %eq3A_2352 = arith.cmpi eq, %iota3A_61, %eq3A_2351 : vector<256x128xi32>
    %broadcast_in_dim3A_2353 = vector.shape_cast %broadcast_in_dim3A_2349 : vector<256x1xf32> to vector<256x1xf32>
    %broadcast_in_dim3A_2354 = vector.broadcast %broadcast_in_dim3A_2353 : vector<256x1xf32> to vector<256x128xf32>
    %select_n3A_2355 = arith.select %eq3A_2352, %broadcast_in_dim3A_2354, %select_n3A_2334 : vector<256x128xi1>, vector<256x128xf32>
    %eq3A_2356 = arith.constant 97 : i32
    %eq3A_2357 = vector.broadcast %eq3A_2356 : i32 to vector<256x128xi32>
    %eq3A_2358 = arith.cmpi eq, %iota3A_61, %eq3A_2357 : vector<256x128xi32>
    %add3A_2359 = arith.constant 1024 : i32
    %add3A_2360 = vector.broadcast %add3A_2359 : i32 to vector<256x1xi32>
    %add3A_2361 = arith.addi %add3A_2360, %and3A_2320 : vector<256x1xi32>
    %broadcast_in_dim3A_2362 = vector.shape_cast %add3A_2361 : vector<256x1xi32> to vector<256x1xi32>
    %broadcast_in_dim3A_2363 = vector.broadcast %broadcast_in_dim3A_2362 : vector<256x1xi32> to vector<256x128xi32>
    %select_n3A_2364 = arith.select %eq3A_2358, %broadcast_in_dim3A_2363, %select_n3A_2343 : vector<256x128xi1>, vector<256x128xi32>
    %jit3A_2365 = arith.constant 0x7F800000 : f32
    %broadcast_in_dim3A_2366 = vector.broadcast %jit3A_2365 : f32 to vector<256x1024xf32>
    %select_n3A_2367 = arith.select %eq3A_2322, %slice3A_16, %broadcast_in_dim3A_2366 : vector<256x1024xi1>, vector<256x1024xf32>
    %reduce_min3A_2368 = arith.constant dense<0x7F800000> : vector<256xf32>
    %reduce_min3A_2369 = vector.multi_reduction <minimumf>, %select_n3A_2367, %reduce_min3A_2368 [1] : vector<256x1024xf32> to vector<256xf32>
    %broadcast_in_dim3A_2370 = vector.shape_cast %reduce_min3A_2369 : vector<256xf32> to vector<256x1xf32>
    %eq3A_2371 = arith.constant 98 : i32
    %eq3A_2372 = vector.broadcast %eq3A_2371 : i32 to vector<256x128xi32>
    %eq3A_2373 = arith.cmpi eq, %iota3A_61, %eq3A_2372 : vector<256x128xi32>
    %broadcast_in_dim3A_2374 = vector.shape_cast %broadcast_in_dim3A_2370 : vector<256x1xf32> to vector<256x1xf32>
    %broadcast_in_dim3A_2375 = vector.broadcast %broadcast_in_dim3A_2374 : vector<256x1xf32> to vector<256x128xf32>
    %select_n3A_2376 = arith.select %eq3A_2373, %broadcast_in_dim3A_2375, %select_n3A_2355 : vector<256x128xi1>, vector<256x128xf32>
    %eq3A_2377 = arith.constant 98 : i32
    %eq3A_2378 = vector.broadcast %eq3A_2377 : i32 to vector<256x128xi32>
    %eq3A_2379 = arith.cmpi eq, %iota3A_61, %eq3A_2378 : vector<256x128xi32>
    %add3A_2380 = arith.constant 2048 : i32
    %add3A_2381 = vector.broadcast %add3A_2380 : i32 to vector<256x1xi32>
    %add3A_2382 = arith.addi %add3A_2381, %and3A_2320 : vector<256x1xi32>
    %broadcast_in_dim3A_2383 = vector.shape_cast %add3A_2382 : vector<256x1xi32> to vector<256x1xi32>
    %broadcast_in_dim3A_2384 = vector.broadcast %broadcast_in_dim3A_2383 : vector<256x1xi32> to vector<256x128xi32>
    %select_n3A_2385 = arith.select %eq3A_2379, %broadcast_in_dim3A_2384, %select_n3A_2364 : vector<256x128xi1>, vector<256x128xi32>
    %jit3A_2386 = arith.constant 0x7F800000 : f32
    %broadcast_in_dim3A_2387 = vector.broadcast %jit3A_2386 : f32 to vector<256x1024xf32>
    %select_n3A_2388 = arith.select %eq3A_2322, %slice3A_17, %broadcast_in_dim3A_2387 : vector<256x1024xi1>, vector<256x1024xf32>
    %reduce_min3A_2389 = arith.constant dense<0x7F800000> : vector<256xf32>
    %reduce_min3A_2390 = vector.multi_reduction <minimumf>, %select_n3A_2388, %reduce_min3A_2389 [1] : vector<256x1024xf32> to vector<256xf32>
    %broadcast_in_dim3A_2391 = vector.shape_cast %reduce_min3A_2390 : vector<256xf32> to vector<256x1xf32>
    %eq3A_2392 = arith.constant 99 : i32
    %eq3A_2393 = vector.broadcast %eq3A_2392 : i32 to vector<256x128xi32>
    %eq3A_2394 = arith.cmpi eq, %iota3A_61, %eq3A_2393 : vector<256x128xi32>
    %broadcast_in_dim3A_2395 = vector.shape_cast %broadcast_in_dim3A_2391 : vector<256x1xf32> to vector<256x1xf32>
    %broadcast_in_dim3A_2396 = vector.broadcast %broadcast_in_dim3A_2395 : vector<256x1xf32> to vector<256x128xf32>
    %select_n3A_2397 = arith.select %eq3A_2394, %broadcast_in_dim3A_2396, %select_n3A_2376 : vector<256x128xi1>, vector<256x128xf32>
    %eq3A_2398 = arith.constant 99 : i32
    %eq3A_2399 = vector.broadcast %eq3A_2398 : i32 to vector<256x128xi32>
    %eq3A_2400 = arith.cmpi eq, %iota3A_61, %eq3A_2399 : vector<256x128xi32>
    %add3A_2401 = arith.constant 3072 : i32
    %add3A_2402 = vector.broadcast %add3A_2401 : i32 to vector<256x1xi32>
    %add3A_2403 = arith.addi %add3A_2402, %and3A_2320 : vector<256x1xi32>
    %broadcast_in_dim3A_2404 = vector.shape_cast %add3A_2403 : vector<256x1xi32> to vector<256x1xi32>
    %broadcast_in_dim3A_2405 = vector.broadcast %broadcast_in_dim3A_2404 : vector<256x1xi32> to vector<256x128xi32>
    %select_n3A_2406 = arith.select %eq3A_2400, %broadcast_in_dim3A_2405, %select_n3A_2385 : vector<256x128xi1>, vector<256x128xi32>
    %jit3A_2407 = arith.constant 0x7F800000 : f32
    %broadcast_in_dim3A_2408 = vector.broadcast %jit3A_2407 : f32 to vector<256x1024xf32>
    %select_n3A_2409 = arith.select %eq3A_2322, %slice3A_18, %broadcast_in_dim3A_2408 : vector<256x1024xi1>, vector<256x1024xf32>
    %reduce_min3A_2410 = arith.constant dense<0x7F800000> : vector<256xf32>
    %reduce_min3A_2411 = vector.multi_reduction <minimumf>, %select_n3A_2409, %reduce_min3A_2410 [1] : vector<256x1024xf32> to vector<256xf32>
    %broadcast_in_dim3A_2412 = vector.shape_cast %reduce_min3A_2411 : vector<256xf32> to vector<256x1xf32>
    %eq3A_2413 = arith.constant 100 : i32
    %eq3A_2414 = vector.broadcast %eq3A_2413 : i32 to vector<256x128xi32>
    %eq3A_2415 = arith.cmpi eq, %iota3A_61, %eq3A_2414 : vector<256x128xi32>
    %broadcast_in_dim3A_2416 = vector.shape_cast %broadcast_in_dim3A_2412 : vector<256x1xf32> to vector<256x1xf32>
    %broadcast_in_dim3A_2417 = vector.broadcast %broadcast_in_dim3A_2416 : vector<256x1xf32> to vector<256x128xf32>
    %select_n3A_2418 = arith.select %eq3A_2415, %broadcast_in_dim3A_2417, %select_n3A_2397 : vector<256x128xi1>, vector<256x128xf32>
    %eq3A_2419 = arith.constant 100 : i32
    %eq3A_2420 = vector.broadcast %eq3A_2419 : i32 to vector<256x128xi32>
    %eq3A_2421 = arith.cmpi eq, %iota3A_61, %eq3A_2420 : vector<256x128xi32>
    %add3A_2422 = arith.constant 4096 : i32
    %add3A_2423 = vector.broadcast %add3A_2422 : i32 to vector<256x1xi32>
    %add3A_2424 = arith.addi %add3A_2423, %and3A_2320 : vector<256x1xi32>
    %broadcast_in_dim3A_2425 = vector.shape_cast %add3A_2424 : vector<256x1xi32> to vector<256x1xi32>
    %broadcast_in_dim3A_2426 = vector.broadcast %broadcast_in_dim3A_2425 : vector<256x1xi32> to vector<256x128xi32>
    %select_n3A_2427 = arith.select %eq3A_2421, %broadcast_in_dim3A_2426, %select_n3A_2406 : vector<256x128xi1>, vector<256x128xi32>
    %jit3A_2428 = arith.constant 0x7F800000 : f32
    %broadcast_in_dim3A_2429 = vector.broadcast %jit3A_2428 : f32 to vector<256x1024xf32>
    %select_n3A_2430 = arith.select %eq3A_2322, %slice3A_19, %broadcast_in_dim3A_2429 : vector<256x1024xi1>, vector<256x1024xf32>
    %reduce_min3A_2431 = arith.constant dense<0x7F800000> : vector<256xf32>
    %reduce_min3A_2432 = vector.multi_reduction <minimumf>, %select_n3A_2430, %reduce_min3A_2431 [1] : vector<256x1024xf32> to vector<256xf32>
    %broadcast_in_dim3A_2433 = vector.shape_cast %reduce_min3A_2432 : vector<256xf32> to vector<256x1xf32>
    %eq3A_2434 = arith.constant 101 : i32
    %eq3A_2435 = vector.broadcast %eq3A_2434 : i32 to vector<256x128xi32>
    %eq3A_2436 = arith.cmpi eq, %iota3A_61, %eq3A_2435 : vector<256x128xi32>
    %broadcast_in_dim3A_2437 = vector.shape_cast %broadcast_in_dim3A_2433 : vector<256x1xf32> to vector<256x1xf32>
    %broadcast_in_dim3A_2438 = vector.broadcast %broadcast_in_dim3A_2437 : vector<256x1xf32> to vector<256x128xf32>
    %select_n3A_2439 = arith.select %eq3A_2436, %broadcast_in_dim3A_2438, %select_n3A_2418 : vector<256x128xi1>, vector<256x128xf32>
    %eq3A_2440 = arith.constant 101 : i32
    %eq3A_2441 = vector.broadcast %eq3A_2440 : i32 to vector<256x128xi32>
    %eq3A_2442 = arith.cmpi eq, %iota3A_61, %eq3A_2441 : vector<256x128xi32>
    %add3A_2443 = arith.constant 5120 : i32
    %add3A_2444 = vector.broadcast %add3A_2443 : i32 to vector<256x1xi32>
    %add3A_2445 = arith.addi %add3A_2444, %and3A_2320 : vector<256x1xi32>
    %broadcast_in_dim3A_2446 = vector.shape_cast %add3A_2445 : vector<256x1xi32> to vector<256x1xi32>
    %broadcast_in_dim3A_2447 = vector.broadcast %broadcast_in_dim3A_2446 : vector<256x1xi32> to vector<256x128xi32>
    %select_n3A_2448 = arith.select %eq3A_2442, %broadcast_in_dim3A_2447, %select_n3A_2427 : vector<256x128xi1>, vector<256x128xi32>
    %jit3A_2449 = arith.constant 0x7F800000 : f32
    %broadcast_in_dim3A_2450 = vector.broadcast %jit3A_2449 : f32 to vector<256x1024xf32>
    %select_n3A_2451 = arith.select %eq3A_2322, %slice3A_20, %broadcast_in_dim3A_2450 : vector<256x1024xi1>, vector<256x1024xf32>
    %reduce_min3A_2452 = arith.constant dense<0x7F800000> : vector<256xf32>
    %reduce_min3A_2453 = vector.multi_reduction <minimumf>, %select_n3A_2451, %reduce_min3A_2452 [1] : vector<256x1024xf32> to vector<256xf32>
    %broadcast_in_dim3A_2454 = vector.shape_cast %reduce_min3A_2453 : vector<256xf32> to vector<256x1xf32>
    %eq3A_2455 = arith.constant 102 : i32
    %eq3A_2456 = vector.broadcast %eq3A_2455 : i32 to vector<256x128xi32>
    %eq3A_2457 = arith.cmpi eq, %iota3A_61, %eq3A_2456 : vector<256x128xi32>
    %broadcast_in_dim3A_2458 = vector.shape_cast %broadcast_in_dim3A_2454 : vector<256x1xf32> to vector<256x1xf32>
    %broadcast_in_dim3A_2459 = vector.broadcast %broadcast_in_dim3A_2458 : vector<256x1xf32> to vector<256x128xf32>
    %select_n3A_2460 = arith.select %eq3A_2457, %broadcast_in_dim3A_2459, %select_n3A_2439 : vector<256x128xi1>, vector<256x128xf32>
    %eq3A_2461 = arith.constant 102 : i32
    %eq3A_2462 = vector.broadcast %eq3A_2461 : i32 to vector<256x128xi32>
    %eq3A_2463 = arith.cmpi eq, %iota3A_61, %eq3A_2462 : vector<256x128xi32>
    %add3A_2464 = arith.constant 6144 : i32
    %add3A_2465 = vector.broadcast %add3A_2464 : i32 to vector<256x1xi32>
    %add3A_2466 = arith.addi %add3A_2465, %and3A_2320 : vector<256x1xi32>
    %broadcast_in_dim3A_2467 = vector.shape_cast %add3A_2466 : vector<256x1xi32> to vector<256x1xi32>
    %broadcast_in_dim3A_2468 = vector.broadcast %broadcast_in_dim3A_2467 : vector<256x1xi32> to vector<256x128xi32>
    %select_n3A_2469 = arith.select %eq3A_2463, %broadcast_in_dim3A_2468, %select_n3A_2448 : vector<256x128xi1>, vector<256x128xi32>
    %jit3A_2470 = arith.constant 0x7F800000 : f32
    %broadcast_in_dim3A_2471 = vector.broadcast %jit3A_2470 : f32 to vector<256x1024xf32>
    %select_n3A_2472 = arith.select %eq3A_2322, %slice3A_21, %broadcast_in_dim3A_2471 : vector<256x1024xi1>, vector<256x1024xf32>
    %reduce_min3A_2473 = arith.constant dense<0x7F800000> : vector<256xf32>
    %reduce_min3A_2474 = vector.multi_reduction <minimumf>, %select_n3A_2472, %reduce_min3A_2473 [1] : vector<256x1024xf32> to vector<256xf32>
    %broadcast_in_dim3A_2475 = vector.shape_cast %reduce_min3A_2474 : vector<256xf32> to vector<256x1xf32>
    %eq3A_2476 = arith.constant 103 : i32
    %eq3A_2477 = vector.broadcast %eq3A_2476 : i32 to vector<256x128xi32>
    %eq3A_2478 = arith.cmpi eq, %iota3A_61, %eq3A_2477 : vector<256x128xi32>
    %broadcast_in_dim3A_2479 = vector.shape_cast %broadcast_in_dim3A_2475 : vector<256x1xf32> to vector<256x1xf32>
    %broadcast_in_dim3A_2480 = vector.broadcast %broadcast_in_dim3A_2479 : vector<256x1xf32> to vector<256x128xf32>
    %select_n3A_2481 = arith.select %eq3A_2478, %broadcast_in_dim3A_2480, %select_n3A_2460 : vector<256x128xi1>, vector<256x128xf32>
    %eq3A_2482 = arith.constant 103 : i32
    %eq3A_2483 = vector.broadcast %eq3A_2482 : i32 to vector<256x128xi32>
    %eq3A_2484 = arith.cmpi eq, %iota3A_61, %eq3A_2483 : vector<256x128xi32>
    %add3A_2485 = arith.constant 7168 : i32
    %add3A_2486 = vector.broadcast %add3A_2485 : i32 to vector<256x1xi32>
    %add3A_2487 = arith.addi %add3A_2486, %and3A_2320 : vector<256x1xi32>
    %broadcast_in_dim3A_2488 = vector.shape_cast %add3A_2487 : vector<256x1xi32> to vector<256x1xi32>
    %broadcast_in_dim3A_2489 = vector.broadcast %broadcast_in_dim3A_2488 : vector<256x1xi32> to vector<256x128xi32>
    %select_n3A_2490 = arith.select %eq3A_2484, %broadcast_in_dim3A_2489, %select_n3A_2469 : vector<256x128xi1>, vector<256x128xi32>
    %jit3A_2491 = arith.constant 0x7F800000 : f32
    %broadcast_in_dim3A_2492 = vector.broadcast %jit3A_2491 : f32 to vector<256x1024xf32>
    %select_n3A_2493 = arith.select %eq3A_2322, %broadcast_in_dim3A_2492, %select_n3A_2306 : vector<256x1024xi1>, vector<256x1024xf32>
    %reduce_min3A_2494 = arith.constant dense<0x7F800000> : vector<256xf32>
    %reduce_min3A_2495 = vector.multi_reduction <minimumf>, %select_n3A_2493, %reduce_min3A_2494 [1] : vector<256x1024xf32> to vector<256xf32>
    %broadcast_in_dim3A_2496 = vector.shape_cast %reduce_min3A_2495 : vector<256xf32> to vector<256x1xf32>
    %eq3A_2497 = vector.broadcast %broadcast_in_dim3A_2496 : vector<256x1xf32> to vector<256x1024xf32>
    %eq3A_2498 = arith.cmpf oeq, %select_n3A_2493, %eq3A_2497 : vector<256x1024xf32>
    %jit3A_2499 = arith.constant 1073741824 : i32
    %broadcast_in_dim3A_2500 = vector.broadcast %jit3A_2499 : i32 to vector<256x1024xi32>
    %select_n3A_2501 = arith.select %eq3A_2498, %select_n3A_60, %broadcast_in_dim3A_2500 : vector<256x1024xi1>, vector<256x1024xi32>
    %reduce_min3A_2502 = arith.constant dense<2147483647> : vector<256xi32>
    %reduce_min3A_2503 = vector.multi_reduction <minsi>, %select_n3A_2501, %reduce_min3A_2502 [1] : vector<256x1024xi32> to vector<256xi32>
    %broadcast_in_dim3A_2504 = vector.shape_cast %reduce_min3A_2503 : vector<256xi32> to vector<256x1xi32>
    %and3A_2505 = arith.constant 1023 : i32
    %and3A_2506 = vector.broadcast %and3A_2505 : i32 to vector<256x1xi32>
    %and3A_2507 = arith.andi %broadcast_in_dim3A_2504, %and3A_2506 : vector<256x1xi32>
    %eq3A_2508 = vector.broadcast %and3A_2507 : vector<256x1xi32> to vector<256x1024xi32>
    %eq3A_2509 = arith.cmpi eq, %iota3A, %eq3A_2508 : vector<256x1024xi32>
    %jit3A_2510 = arith.constant 0x7F800000 : f32
    %broadcast_in_dim3A_2511 = vector.broadcast %jit3A_2510 : f32 to vector<256x1024xf32>
    %select_n3A_2512 = arith.select %eq3A_2509, %slice3A, %broadcast_in_dim3A_2511 : vector<256x1024xi1>, vector<256x1024xf32>
    %reduce_min3A_2513 = arith.constant dense<0x7F800000> : vector<256xf32>
    %reduce_min3A_2514 = vector.multi_reduction <minimumf>, %select_n3A_2512, %reduce_min3A_2513 [1] : vector<256x1024xf32> to vector<256xf32>
    %broadcast_in_dim3A_2515 = vector.shape_cast %reduce_min3A_2514 : vector<256xf32> to vector<256x1xf32>
    %eq3A_2516 = arith.constant 104 : i32
    %eq3A_2517 = vector.broadcast %eq3A_2516 : i32 to vector<256x128xi32>
    %eq3A_2518 = arith.cmpi eq, %iota3A_61, %eq3A_2517 : vector<256x128xi32>
    %broadcast_in_dim3A_2519 = vector.shape_cast %broadcast_in_dim3A_2515 : vector<256x1xf32> to vector<256x1xf32>
    %broadcast_in_dim3A_2520 = vector.broadcast %broadcast_in_dim3A_2519 : vector<256x1xf32> to vector<256x128xf32>
    %select_n3A_2521 = arith.select %eq3A_2518, %broadcast_in_dim3A_2520, %select_n3A_2481 : vector<256x128xi1>, vector<256x128xf32>
    %eq3A_2522 = arith.constant 104 : i32
    %eq3A_2523 = vector.broadcast %eq3A_2522 : i32 to vector<256x128xi32>
    %eq3A_2524 = arith.cmpi eq, %iota3A_61, %eq3A_2523 : vector<256x128xi32>
    %add3A_2525 = arith.constant 0 : i32
    %add3A_2526 = vector.broadcast %add3A_2525 : i32 to vector<256x1xi32>
    %add3A_2527 = arith.addi %add3A_2526, %and3A_2507 : vector<256x1xi32>
    %broadcast_in_dim3A_2528 = vector.shape_cast %add3A_2527 : vector<256x1xi32> to vector<256x1xi32>
    %broadcast_in_dim3A_2529 = vector.broadcast %broadcast_in_dim3A_2528 : vector<256x1xi32> to vector<256x128xi32>
    %select_n3A_2530 = arith.select %eq3A_2524, %broadcast_in_dim3A_2529, %select_n3A_2490 : vector<256x128xi1>, vector<256x128xi32>
    %jit3A_2531 = arith.constant 0x7F800000 : f32
    %broadcast_in_dim3A_2532 = vector.broadcast %jit3A_2531 : f32 to vector<256x1024xf32>
    %select_n3A_2533 = arith.select %eq3A_2509, %slice3A_15, %broadcast_in_dim3A_2532 : vector<256x1024xi1>, vector<256x1024xf32>
    %reduce_min3A_2534 = arith.constant dense<0x7F800000> : vector<256xf32>
    %reduce_min3A_2535 = vector.multi_reduction <minimumf>, %select_n3A_2533, %reduce_min3A_2534 [1] : vector<256x1024xf32> to vector<256xf32>
    %broadcast_in_dim3A_2536 = vector.shape_cast %reduce_min3A_2535 : vector<256xf32> to vector<256x1xf32>
    %eq3A_2537 = arith.constant 105 : i32
    %eq3A_2538 = vector.broadcast %eq3A_2537 : i32 to vector<256x128xi32>
    %eq3A_2539 = arith.cmpi eq, %iota3A_61, %eq3A_2538 : vector<256x128xi32>
    %broadcast_in_dim3A_2540 = vector.shape_cast %broadcast_in_dim3A_2536 : vector<256x1xf32> to vector<256x1xf32>
    %broadcast_in_dim3A_2541 = vector.broadcast %broadcast_in_dim3A_2540 : vector<256x1xf32> to vector<256x128xf32>
    %select_n3A_2542 = arith.select %eq3A_2539, %broadcast_in_dim3A_2541, %select_n3A_2521 : vector<256x128xi1>, vector<256x128xf32>
    %eq3A_2543 = arith.constant 105 : i32
    %eq3A_2544 = vector.broadcast %eq3A_2543 : i32 to vector<256x128xi32>
    %eq3A_2545 = arith.cmpi eq, %iota3A_61, %eq3A_2544 : vector<256x128xi32>
    %add3A_2546 = arith.constant 1024 : i32
    %add3A_2547 = vector.broadcast %add3A_2546 : i32 to vector<256x1xi32>
    %add3A_2548 = arith.addi %add3A_2547, %and3A_2507 : vector<256x1xi32>
    %broadcast_in_dim3A_2549 = vector.shape_cast %add3A_2548 : vector<256x1xi32> to vector<256x1xi32>
    %broadcast_in_dim3A_2550 = vector.broadcast %broadcast_in_dim3A_2549 : vector<256x1xi32> to vector<256x128xi32>
    %select_n3A_2551 = arith.select %eq3A_2545, %broadcast_in_dim3A_2550, %select_n3A_2530 : vector<256x128xi1>, vector<256x128xi32>
    %jit3A_2552 = arith.constant 0x7F800000 : f32
    %broadcast_in_dim3A_2553 = vector.broadcast %jit3A_2552 : f32 to vector<256x1024xf32>
    %select_n3A_2554 = arith.select %eq3A_2509, %slice3A_16, %broadcast_in_dim3A_2553 : vector<256x1024xi1>, vector<256x1024xf32>
    %reduce_min3A_2555 = arith.constant dense<0x7F800000> : vector<256xf32>
    %reduce_min3A_2556 = vector.multi_reduction <minimumf>, %select_n3A_2554, %reduce_min3A_2555 [1] : vector<256x1024xf32> to vector<256xf32>
    %broadcast_in_dim3A_2557 = vector.shape_cast %reduce_min3A_2556 : vector<256xf32> to vector<256x1xf32>
    %eq3A_2558 = arith.constant 106 : i32
    %eq3A_2559 = vector.broadcast %eq3A_2558 : i32 to vector<256x128xi32>
    %eq3A_2560 = arith.cmpi eq, %iota3A_61, %eq3A_2559 : vector<256x128xi32>
    %broadcast_in_dim3A_2561 = vector.shape_cast %broadcast_in_dim3A_2557 : vector<256x1xf32> to vector<256x1xf32>
    %broadcast_in_dim3A_2562 = vector.broadcast %broadcast_in_dim3A_2561 : vector<256x1xf32> to vector<256x128xf32>
    %select_n3A_2563 = arith.select %eq3A_2560, %broadcast_in_dim3A_2562, %select_n3A_2542 : vector<256x128xi1>, vector<256x128xf32>
    %eq3A_2564 = arith.constant 106 : i32
    %eq3A_2565 = vector.broadcast %eq3A_2564 : i32 to vector<256x128xi32>
    %eq3A_2566 = arith.cmpi eq, %iota3A_61, %eq3A_2565 : vector<256x128xi32>
    %add3A_2567 = arith.constant 2048 : i32
    %add3A_2568 = vector.broadcast %add3A_2567 : i32 to vector<256x1xi32>
    %add3A_2569 = arith.addi %add3A_2568, %and3A_2507 : vector<256x1xi32>
    %broadcast_in_dim3A_2570 = vector.shape_cast %add3A_2569 : vector<256x1xi32> to vector<256x1xi32>
    %broadcast_in_dim3A_2571 = vector.broadcast %broadcast_in_dim3A_2570 : vector<256x1xi32> to vector<256x128xi32>
    %select_n3A_2572 = arith.select %eq3A_2566, %broadcast_in_dim3A_2571, %select_n3A_2551 : vector<256x128xi1>, vector<256x128xi32>
    %jit3A_2573 = arith.constant 0x7F800000 : f32
    %broadcast_in_dim3A_2574 = vector.broadcast %jit3A_2573 : f32 to vector<256x1024xf32>
    %select_n3A_2575 = arith.select %eq3A_2509, %slice3A_17, %broadcast_in_dim3A_2574 : vector<256x1024xi1>, vector<256x1024xf32>
    %reduce_min3A_2576 = arith.constant dense<0x7F800000> : vector<256xf32>
    %reduce_min3A_2577 = vector.multi_reduction <minimumf>, %select_n3A_2575, %reduce_min3A_2576 [1] : vector<256x1024xf32> to vector<256xf32>
    %broadcast_in_dim3A_2578 = vector.shape_cast %reduce_min3A_2577 : vector<256xf32> to vector<256x1xf32>
    %eq3A_2579 = arith.constant 107 : i32
    %eq3A_2580 = vector.broadcast %eq3A_2579 : i32 to vector<256x128xi32>
    %eq3A_2581 = arith.cmpi eq, %iota3A_61, %eq3A_2580 : vector<256x128xi32>
    %broadcast_in_dim3A_2582 = vector.shape_cast %broadcast_in_dim3A_2578 : vector<256x1xf32> to vector<256x1xf32>
    %broadcast_in_dim3A_2583 = vector.broadcast %broadcast_in_dim3A_2582 : vector<256x1xf32> to vector<256x128xf32>
    %select_n3A_2584 = arith.select %eq3A_2581, %broadcast_in_dim3A_2583, %select_n3A_2563 : vector<256x128xi1>, vector<256x128xf32>
    %eq3A_2585 = arith.constant 107 : i32
    %eq3A_2586 = vector.broadcast %eq3A_2585 : i32 to vector<256x128xi32>
    %eq3A_2587 = arith.cmpi eq, %iota3A_61, %eq3A_2586 : vector<256x128xi32>
    %add3A_2588 = arith.constant 3072 : i32
    %add3A_2589 = vector.broadcast %add3A_2588 : i32 to vector<256x1xi32>
    %add3A_2590 = arith.addi %add3A_2589, %and3A_2507 : vector<256x1xi32>
    %broadcast_in_dim3A_2591 = vector.shape_cast %add3A_2590 : vector<256x1xi32> to vector<256x1xi32>
    %broadcast_in_dim3A_2592 = vector.broadcast %broadcast_in_dim3A_2591 : vector<256x1xi32> to vector<256x128xi32>
    %select_n3A_2593 = arith.select %eq3A_2587, %broadcast_in_dim3A_2592, %select_n3A_2572 : vector<256x128xi1>, vector<256x128xi32>
    %jit3A_2594 = arith.constant 0x7F800000 : f32
    %broadcast_in_dim3A_2595 = vector.broadcast %jit3A_2594 : f32 to vector<256x1024xf32>
    %select_n3A_2596 = arith.select %eq3A_2509, %slice3A_18, %broadcast_in_dim3A_2595 : vector<256x1024xi1>, vector<256x1024xf32>
    %reduce_min3A_2597 = arith.constant dense<0x7F800000> : vector<256xf32>
    %reduce_min3A_2598 = vector.multi_reduction <minimumf>, %select_n3A_2596, %reduce_min3A_2597 [1] : vector<256x1024xf32> to vector<256xf32>
    %broadcast_in_dim3A_2599 = vector.shape_cast %reduce_min3A_2598 : vector<256xf32> to vector<256x1xf32>
    %eq3A_2600 = arith.constant 108 : i32
    %eq3A_2601 = vector.broadcast %eq3A_2600 : i32 to vector<256x128xi32>
    %eq3A_2602 = arith.cmpi eq, %iota3A_61, %eq3A_2601 : vector<256x128xi32>
    %broadcast_in_dim3A_2603 = vector.shape_cast %broadcast_in_dim3A_2599 : vector<256x1xf32> to vector<256x1xf32>
    %broadcast_in_dim3A_2604 = vector.broadcast %broadcast_in_dim3A_2603 : vector<256x1xf32> to vector<256x128xf32>
    %select_n3A_2605 = arith.select %eq3A_2602, %broadcast_in_dim3A_2604, %select_n3A_2584 : vector<256x128xi1>, vector<256x128xf32>
    %eq3A_2606 = arith.constant 108 : i32
    %eq3A_2607 = vector.broadcast %eq3A_2606 : i32 to vector<256x128xi32>
    %eq3A_2608 = arith.cmpi eq, %iota3A_61, %eq3A_2607 : vector<256x128xi32>
    %add3A_2609 = arith.constant 4096 : i32
    %add3A_2610 = vector.broadcast %add3A_2609 : i32 to vector<256x1xi32>
    %add3A_2611 = arith.addi %add3A_2610, %and3A_2507 : vector<256x1xi32>
    %broadcast_in_dim3A_2612 = vector.shape_cast %add3A_2611 : vector<256x1xi32> to vector<256x1xi32>
    %broadcast_in_dim3A_2613 = vector.broadcast %broadcast_in_dim3A_2612 : vector<256x1xi32> to vector<256x128xi32>
    %select_n3A_2614 = arith.select %eq3A_2608, %broadcast_in_dim3A_2613, %select_n3A_2593 : vector<256x128xi1>, vector<256x128xi32>
    %jit3A_2615 = arith.constant 0x7F800000 : f32
    %broadcast_in_dim3A_2616 = vector.broadcast %jit3A_2615 : f32 to vector<256x1024xf32>
    %select_n3A_2617 = arith.select %eq3A_2509, %slice3A_19, %broadcast_in_dim3A_2616 : vector<256x1024xi1>, vector<256x1024xf32>
    %reduce_min3A_2618 = arith.constant dense<0x7F800000> : vector<256xf32>
    %reduce_min3A_2619 = vector.multi_reduction <minimumf>, %select_n3A_2617, %reduce_min3A_2618 [1] : vector<256x1024xf32> to vector<256xf32>
    %broadcast_in_dim3A_2620 = vector.shape_cast %reduce_min3A_2619 : vector<256xf32> to vector<256x1xf32>
    %eq3A_2621 = arith.constant 109 : i32
    %eq3A_2622 = vector.broadcast %eq3A_2621 : i32 to vector<256x128xi32>
    %eq3A_2623 = arith.cmpi eq, %iota3A_61, %eq3A_2622 : vector<256x128xi32>
    %broadcast_in_dim3A_2624 = vector.shape_cast %broadcast_in_dim3A_2620 : vector<256x1xf32> to vector<256x1xf32>
    %broadcast_in_dim3A_2625 = vector.broadcast %broadcast_in_dim3A_2624 : vector<256x1xf32> to vector<256x128xf32>
    %select_n3A_2626 = arith.select %eq3A_2623, %broadcast_in_dim3A_2625, %select_n3A_2605 : vector<256x128xi1>, vector<256x128xf32>
    %eq3A_2627 = arith.constant 109 : i32
    %eq3A_2628 = vector.broadcast %eq3A_2627 : i32 to vector<256x128xi32>
    %eq3A_2629 = arith.cmpi eq, %iota3A_61, %eq3A_2628 : vector<256x128xi32>
    %add3A_2630 = arith.constant 5120 : i32
    %add3A_2631 = vector.broadcast %add3A_2630 : i32 to vector<256x1xi32>
    %add3A_2632 = arith.addi %add3A_2631, %and3A_2507 : vector<256x1xi32>
    %broadcast_in_dim3A_2633 = vector.shape_cast %add3A_2632 : vector<256x1xi32> to vector<256x1xi32>
    %broadcast_in_dim3A_2634 = vector.broadcast %broadcast_in_dim3A_2633 : vector<256x1xi32> to vector<256x128xi32>
    %select_n3A_2635 = arith.select %eq3A_2629, %broadcast_in_dim3A_2634, %select_n3A_2614 : vector<256x128xi1>, vector<256x128xi32>
    %jit3A_2636 = arith.constant 0x7F800000 : f32
    %broadcast_in_dim3A_2637 = vector.broadcast %jit3A_2636 : f32 to vector<256x1024xf32>
    %select_n3A_2638 = arith.select %eq3A_2509, %slice3A_20, %broadcast_in_dim3A_2637 : vector<256x1024xi1>, vector<256x1024xf32>
    %reduce_min3A_2639 = arith.constant dense<0x7F800000> : vector<256xf32>
    %reduce_min3A_2640 = vector.multi_reduction <minimumf>, %select_n3A_2638, %reduce_min3A_2639 [1] : vector<256x1024xf32> to vector<256xf32>
    %broadcast_in_dim3A_2641 = vector.shape_cast %reduce_min3A_2640 : vector<256xf32> to vector<256x1xf32>
    %eq3A_2642 = arith.constant 110 : i32
    %eq3A_2643 = vector.broadcast %eq3A_2642 : i32 to vector<256x128xi32>
    %eq3A_2644 = arith.cmpi eq, %iota3A_61, %eq3A_2643 : vector<256x128xi32>
    %broadcast_in_dim3A_2645 = vector.shape_cast %broadcast_in_dim3A_2641 : vector<256x1xf32> to vector<256x1xf32>
    %broadcast_in_dim3A_2646 = vector.broadcast %broadcast_in_dim3A_2645 : vector<256x1xf32> to vector<256x128xf32>
    %select_n3A_2647 = arith.select %eq3A_2644, %broadcast_in_dim3A_2646, %select_n3A_2626 : vector<256x128xi1>, vector<256x128xf32>
    %eq3A_2648 = arith.constant 110 : i32
    %eq3A_2649 = vector.broadcast %eq3A_2648 : i32 to vector<256x128xi32>
    %eq3A_2650 = arith.cmpi eq, %iota3A_61, %eq3A_2649 : vector<256x128xi32>
    %add3A_2651 = arith.constant 6144 : i32
    %add3A_2652 = vector.broadcast %add3A_2651 : i32 to vector<256x1xi32>
    %add3A_2653 = arith.addi %add3A_2652, %and3A_2507 : vector<256x1xi32>
    %broadcast_in_dim3A_2654 = vector.shape_cast %add3A_2653 : vector<256x1xi32> to vector<256x1xi32>
    %broadcast_in_dim3A_2655 = vector.broadcast %broadcast_in_dim3A_2654 : vector<256x1xi32> to vector<256x128xi32>
    %select_n3A_2656 = arith.select %eq3A_2650, %broadcast_in_dim3A_2655, %select_n3A_2635 : vector<256x128xi1>, vector<256x128xi32>
    %jit3A_2657 = arith.constant 0x7F800000 : f32
    %broadcast_in_dim3A_2658 = vector.broadcast %jit3A_2657 : f32 to vector<256x1024xf32>
    %select_n3A_2659 = arith.select %eq3A_2509, %slice3A_21, %broadcast_in_dim3A_2658 : vector<256x1024xi1>, vector<256x1024xf32>
    %reduce_min3A_2660 = arith.constant dense<0x7F800000> : vector<256xf32>
    %reduce_min3A_2661 = vector.multi_reduction <minimumf>, %select_n3A_2659, %reduce_min3A_2660 [1] : vector<256x1024xf32> to vector<256xf32>
    %broadcast_in_dim3A_2662 = vector.shape_cast %reduce_min3A_2661 : vector<256xf32> to vector<256x1xf32>
    %eq3A_2663 = arith.constant 111 : i32
    %eq3A_2664 = vector.broadcast %eq3A_2663 : i32 to vector<256x128xi32>
    %eq3A_2665 = arith.cmpi eq, %iota3A_61, %eq3A_2664 : vector<256x128xi32>
    %broadcast_in_dim3A_2666 = vector.shape_cast %broadcast_in_dim3A_2662 : vector<256x1xf32> to vector<256x1xf32>
    %broadcast_in_dim3A_2667 = vector.broadcast %broadcast_in_dim3A_2666 : vector<256x1xf32> to vector<256x128xf32>
    %select_n3A_2668 = arith.select %eq3A_2665, %broadcast_in_dim3A_2667, %select_n3A_2647 : vector<256x128xi1>, vector<256x128xf32>
    %eq3A_2669 = arith.constant 111 : i32
    %eq3A_2670 = vector.broadcast %eq3A_2669 : i32 to vector<256x128xi32>
    %eq3A_2671 = arith.cmpi eq, %iota3A_61, %eq3A_2670 : vector<256x128xi32>
    %add3A_2672 = arith.constant 7168 : i32
    %add3A_2673 = vector.broadcast %add3A_2672 : i32 to vector<256x1xi32>
    %add3A_2674 = arith.addi %add3A_2673, %and3A_2507 : vector<256x1xi32>
    %broadcast_in_dim3A_2675 = vector.shape_cast %add3A_2674 : vector<256x1xi32> to vector<256x1xi32>
    %broadcast_in_dim3A_2676 = vector.broadcast %broadcast_in_dim3A_2675 : vector<256x1xi32> to vector<256x128xi32>
    %select_n3A_2677 = arith.select %eq3A_2671, %broadcast_in_dim3A_2676, %select_n3A_2656 : vector<256x128xi1>, vector<256x128xi32>
    %jit3A_2678 = arith.constant 0x7F800000 : f32
    %broadcast_in_dim3A_2679 = vector.broadcast %jit3A_2678 : f32 to vector<256x1024xf32>
    %select_n3A_2680 = arith.select %eq3A_2509, %broadcast_in_dim3A_2679, %select_n3A_2493 : vector<256x1024xi1>, vector<256x1024xf32>
    %reduce_min3A_2681 = arith.constant dense<0x7F800000> : vector<256xf32>
    %reduce_min3A_2682 = vector.multi_reduction <minimumf>, %select_n3A_2680, %reduce_min3A_2681 [1] : vector<256x1024xf32> to vector<256xf32>
    %broadcast_in_dim3A_2683 = vector.shape_cast %reduce_min3A_2682 : vector<256xf32> to vector<256x1xf32>
    %eq3A_2684 = vector.broadcast %broadcast_in_dim3A_2683 : vector<256x1xf32> to vector<256x1024xf32>
    %eq3A_2685 = arith.cmpf oeq, %select_n3A_2680, %eq3A_2684 : vector<256x1024xf32>
    %jit3A_2686 = arith.constant 1073741824 : i32
    %broadcast_in_dim3A_2687 = vector.broadcast %jit3A_2686 : i32 to vector<256x1024xi32>
    %select_n3A_2688 = arith.select %eq3A_2685, %select_n3A_60, %broadcast_in_dim3A_2687 : vector<256x1024xi1>, vector<256x1024xi32>
    %reduce_min3A_2689 = arith.constant dense<2147483647> : vector<256xi32>
    %reduce_min3A_2690 = vector.multi_reduction <minsi>, %select_n3A_2688, %reduce_min3A_2689 [1] : vector<256x1024xi32> to vector<256xi32>
    %broadcast_in_dim3A_2691 = vector.shape_cast %reduce_min3A_2690 : vector<256xi32> to vector<256x1xi32>
    %and3A_2692 = arith.constant 1023 : i32
    %and3A_2693 = vector.broadcast %and3A_2692 : i32 to vector<256x1xi32>
    %and3A_2694 = arith.andi %broadcast_in_dim3A_2691, %and3A_2693 : vector<256x1xi32>
    %eq3A_2695 = vector.broadcast %and3A_2694 : vector<256x1xi32> to vector<256x1024xi32>
    %eq3A_2696 = arith.cmpi eq, %iota3A, %eq3A_2695 : vector<256x1024xi32>
    %jit3A_2697 = arith.constant 0x7F800000 : f32
    %broadcast_in_dim3A_2698 = vector.broadcast %jit3A_2697 : f32 to vector<256x1024xf32>
    %select_n3A_2699 = arith.select %eq3A_2696, %slice3A, %broadcast_in_dim3A_2698 : vector<256x1024xi1>, vector<256x1024xf32>
    %reduce_min3A_2700 = arith.constant dense<0x7F800000> : vector<256xf32>
    %reduce_min3A_2701 = vector.multi_reduction <minimumf>, %select_n3A_2699, %reduce_min3A_2700 [1] : vector<256x1024xf32> to vector<256xf32>
    %broadcast_in_dim3A_2702 = vector.shape_cast %reduce_min3A_2701 : vector<256xf32> to vector<256x1xf32>
    %eq3A_2703 = arith.constant 112 : i32
    %eq3A_2704 = vector.broadcast %eq3A_2703 : i32 to vector<256x128xi32>
    %eq3A_2705 = arith.cmpi eq, %iota3A_61, %eq3A_2704 : vector<256x128xi32>
    %broadcast_in_dim3A_2706 = vector.shape_cast %broadcast_in_dim3A_2702 : vector<256x1xf32> to vector<256x1xf32>
    %broadcast_in_dim3A_2707 = vector.broadcast %broadcast_in_dim3A_2706 : vector<256x1xf32> to vector<256x128xf32>
    %select_n3A_2708 = arith.select %eq3A_2705, %broadcast_in_dim3A_2707, %select_n3A_2668 : vector<256x128xi1>, vector<256x128xf32>
    %eq3A_2709 = arith.constant 112 : i32
    %eq3A_2710 = vector.broadcast %eq3A_2709 : i32 to vector<256x128xi32>
    %eq3A_2711 = arith.cmpi eq, %iota3A_61, %eq3A_2710 : vector<256x128xi32>
    %add3A_2712 = arith.constant 0 : i32
    %add3A_2713 = vector.broadcast %add3A_2712 : i32 to vector<256x1xi32>
    %add3A_2714 = arith.addi %add3A_2713, %and3A_2694 : vector<256x1xi32>
    %broadcast_in_dim3A_2715 = vector.shape_cast %add3A_2714 : vector<256x1xi32> to vector<256x1xi32>
    %broadcast_in_dim3A_2716 = vector.broadcast %broadcast_in_dim3A_2715 : vector<256x1xi32> to vector<256x128xi32>
    %select_n3A_2717 = arith.select %eq3A_2711, %broadcast_in_dim3A_2716, %select_n3A_2677 : vector<256x128xi1>, vector<256x128xi32>
    %jit3A_2718 = arith.constant 0x7F800000 : f32
    %broadcast_in_dim3A_2719 = vector.broadcast %jit3A_2718 : f32 to vector<256x1024xf32>
    %select_n3A_2720 = arith.select %eq3A_2696, %slice3A_15, %broadcast_in_dim3A_2719 : vector<256x1024xi1>, vector<256x1024xf32>
    %reduce_min3A_2721 = arith.constant dense<0x7F800000> : vector<256xf32>
    %reduce_min3A_2722 = vector.multi_reduction <minimumf>, %select_n3A_2720, %reduce_min3A_2721 [1] : vector<256x1024xf32> to vector<256xf32>
    %broadcast_in_dim3A_2723 = vector.shape_cast %reduce_min3A_2722 : vector<256xf32> to vector<256x1xf32>
    %eq3A_2724 = arith.constant 113 : i32
    %eq3A_2725 = vector.broadcast %eq3A_2724 : i32 to vector<256x128xi32>
    %eq3A_2726 = arith.cmpi eq, %iota3A_61, %eq3A_2725 : vector<256x128xi32>
    %broadcast_in_dim3A_2727 = vector.shape_cast %broadcast_in_dim3A_2723 : vector<256x1xf32> to vector<256x1xf32>
    %broadcast_in_dim3A_2728 = vector.broadcast %broadcast_in_dim3A_2727 : vector<256x1xf32> to vector<256x128xf32>
    %select_n3A_2729 = arith.select %eq3A_2726, %broadcast_in_dim3A_2728, %select_n3A_2708 : vector<256x128xi1>, vector<256x128xf32>
    %eq3A_2730 = arith.constant 113 : i32
    %eq3A_2731 = vector.broadcast %eq3A_2730 : i32 to vector<256x128xi32>
    %eq3A_2732 = arith.cmpi eq, %iota3A_61, %eq3A_2731 : vector<256x128xi32>
    %add3A_2733 = arith.constant 1024 : i32
    %add3A_2734 = vector.broadcast %add3A_2733 : i32 to vector<256x1xi32>
    %add3A_2735 = arith.addi %add3A_2734, %and3A_2694 : vector<256x1xi32>
    %broadcast_in_dim3A_2736 = vector.shape_cast %add3A_2735 : vector<256x1xi32> to vector<256x1xi32>
    %broadcast_in_dim3A_2737 = vector.broadcast %broadcast_in_dim3A_2736 : vector<256x1xi32> to vector<256x128xi32>
    %select_n3A_2738 = arith.select %eq3A_2732, %broadcast_in_dim3A_2737, %select_n3A_2717 : vector<256x128xi1>, vector<256x128xi32>
    %jit3A_2739 = arith.constant 0x7F800000 : f32
    %broadcast_in_dim3A_2740 = vector.broadcast %jit3A_2739 : f32 to vector<256x1024xf32>
    %select_n3A_2741 = arith.select %eq3A_2696, %slice3A_16, %broadcast_in_dim3A_2740 : vector<256x1024xi1>, vector<256x1024xf32>
    %reduce_min3A_2742 = arith.constant dense<0x7F800000> : vector<256xf32>
    %reduce_min3A_2743 = vector.multi_reduction <minimumf>, %select_n3A_2741, %reduce_min3A_2742 [1] : vector<256x1024xf32> to vector<256xf32>
    %broadcast_in_dim3A_2744 = vector.shape_cast %reduce_min3A_2743 : vector<256xf32> to vector<256x1xf32>
    %eq3A_2745 = arith.constant 114 : i32
    %eq3A_2746 = vector.broadcast %eq3A_2745 : i32 to vector<256x128xi32>
    %eq3A_2747 = arith.cmpi eq, %iota3A_61, %eq3A_2746 : vector<256x128xi32>
    %broadcast_in_dim3A_2748 = vector.shape_cast %broadcast_in_dim3A_2744 : vector<256x1xf32> to vector<256x1xf32>
    %broadcast_in_dim3A_2749 = vector.broadcast %broadcast_in_dim3A_2748 : vector<256x1xf32> to vector<256x128xf32>
    %select_n3A_2750 = arith.select %eq3A_2747, %broadcast_in_dim3A_2749, %select_n3A_2729 : vector<256x128xi1>, vector<256x128xf32>
    %eq3A_2751 = arith.constant 114 : i32
    %eq3A_2752 = vector.broadcast %eq3A_2751 : i32 to vector<256x128xi32>
    %eq3A_2753 = arith.cmpi eq, %iota3A_61, %eq3A_2752 : vector<256x128xi32>
    %add3A_2754 = arith.constant 2048 : i32
    %add3A_2755 = vector.broadcast %add3A_2754 : i32 to vector<256x1xi32>
    %add3A_2756 = arith.addi %add3A_2755, %and3A_2694 : vector<256x1xi32>
    %broadcast_in_dim3A_2757 = vector.shape_cast %add3A_2756 : vector<256x1xi32> to vector<256x1xi32>
    %broadcast_in_dim3A_2758 = vector.broadcast %broadcast_in_dim3A_2757 : vector<256x1xi32> to vector<256x128xi32>
    %select_n3A_2759 = arith.select %eq3A_2753, %broadcast_in_dim3A_2758, %select_n3A_2738 : vector<256x128xi1>, vector<256x128xi32>
    %jit3A_2760 = arith.constant 0x7F800000 : f32
    %broadcast_in_dim3A_2761 = vector.broadcast %jit3A_2760 : f32 to vector<256x1024xf32>
    %select_n3A_2762 = arith.select %eq3A_2696, %slice3A_17, %broadcast_in_dim3A_2761 : vector<256x1024xi1>, vector<256x1024xf32>
    %reduce_min3A_2763 = arith.constant dense<0x7F800000> : vector<256xf32>
    %reduce_min3A_2764 = vector.multi_reduction <minimumf>, %select_n3A_2762, %reduce_min3A_2763 [1] : vector<256x1024xf32> to vector<256xf32>
    %broadcast_in_dim3A_2765 = vector.shape_cast %reduce_min3A_2764 : vector<256xf32> to vector<256x1xf32>
    %eq3A_2766 = arith.constant 115 : i32
    %eq3A_2767 = vector.broadcast %eq3A_2766 : i32 to vector<256x128xi32>
    %eq3A_2768 = arith.cmpi eq, %iota3A_61, %eq3A_2767 : vector<256x128xi32>
    %broadcast_in_dim3A_2769 = vector.shape_cast %broadcast_in_dim3A_2765 : vector<256x1xf32> to vector<256x1xf32>
    %broadcast_in_dim3A_2770 = vector.broadcast %broadcast_in_dim3A_2769 : vector<256x1xf32> to vector<256x128xf32>
    %select_n3A_2771 = arith.select %eq3A_2768, %broadcast_in_dim3A_2770, %select_n3A_2750 : vector<256x128xi1>, vector<256x128xf32>
    %eq3A_2772 = arith.constant 115 : i32
    %eq3A_2773 = vector.broadcast %eq3A_2772 : i32 to vector<256x128xi32>
    %eq3A_2774 = arith.cmpi eq, %iota3A_61, %eq3A_2773 : vector<256x128xi32>
    %add3A_2775 = arith.constant 3072 : i32
    %add3A_2776 = vector.broadcast %add3A_2775 : i32 to vector<256x1xi32>
    %add3A_2777 = arith.addi %add3A_2776, %and3A_2694 : vector<256x1xi32>
    %broadcast_in_dim3A_2778 = vector.shape_cast %add3A_2777 : vector<256x1xi32> to vector<256x1xi32>
    %broadcast_in_dim3A_2779 = vector.broadcast %broadcast_in_dim3A_2778 : vector<256x1xi32> to vector<256x128xi32>
    %select_n3A_2780 = arith.select %eq3A_2774, %broadcast_in_dim3A_2779, %select_n3A_2759 : vector<256x128xi1>, vector<256x128xi32>
    %jit3A_2781 = arith.constant 0x7F800000 : f32
    %broadcast_in_dim3A_2782 = vector.broadcast %jit3A_2781 : f32 to vector<256x1024xf32>
    %select_n3A_2783 = arith.select %eq3A_2696, %slice3A_18, %broadcast_in_dim3A_2782 : vector<256x1024xi1>, vector<256x1024xf32>
    %reduce_min3A_2784 = arith.constant dense<0x7F800000> : vector<256xf32>
    %reduce_min3A_2785 = vector.multi_reduction <minimumf>, %select_n3A_2783, %reduce_min3A_2784 [1] : vector<256x1024xf32> to vector<256xf32>
    %broadcast_in_dim3A_2786 = vector.shape_cast %reduce_min3A_2785 : vector<256xf32> to vector<256x1xf32>
    %eq3A_2787 = arith.constant 116 : i32
    %eq3A_2788 = vector.broadcast %eq3A_2787 : i32 to vector<256x128xi32>
    %eq3A_2789 = arith.cmpi eq, %iota3A_61, %eq3A_2788 : vector<256x128xi32>
    %broadcast_in_dim3A_2790 = vector.shape_cast %broadcast_in_dim3A_2786 : vector<256x1xf32> to vector<256x1xf32>
    %broadcast_in_dim3A_2791 = vector.broadcast %broadcast_in_dim3A_2790 : vector<256x1xf32> to vector<256x128xf32>
    %select_n3A_2792 = arith.select %eq3A_2789, %broadcast_in_dim3A_2791, %select_n3A_2771 : vector<256x128xi1>, vector<256x128xf32>
    %eq3A_2793 = arith.constant 116 : i32
    %eq3A_2794 = vector.broadcast %eq3A_2793 : i32 to vector<256x128xi32>
    %eq3A_2795 = arith.cmpi eq, %iota3A_61, %eq3A_2794 : vector<256x128xi32>
    %add3A_2796 = arith.constant 4096 : i32
    %add3A_2797 = vector.broadcast %add3A_2796 : i32 to vector<256x1xi32>
    %add3A_2798 = arith.addi %add3A_2797, %and3A_2694 : vector<256x1xi32>
    %broadcast_in_dim3A_2799 = vector.shape_cast %add3A_2798 : vector<256x1xi32> to vector<256x1xi32>
    %broadcast_in_dim3A_2800 = vector.broadcast %broadcast_in_dim3A_2799 : vector<256x1xi32> to vector<256x128xi32>
    %select_n3A_2801 = arith.select %eq3A_2795, %broadcast_in_dim3A_2800, %select_n3A_2780 : vector<256x128xi1>, vector<256x128xi32>
    %jit3A_2802 = arith.constant 0x7F800000 : f32
    %broadcast_in_dim3A_2803 = vector.broadcast %jit3A_2802 : f32 to vector<256x1024xf32>
    %select_n3A_2804 = arith.select %eq3A_2696, %slice3A_19, %broadcast_in_dim3A_2803 : vector<256x1024xi1>, vector<256x1024xf32>
    %reduce_min3A_2805 = arith.constant dense<0x7F800000> : vector<256xf32>
    %reduce_min3A_2806 = vector.multi_reduction <minimumf>, %select_n3A_2804, %reduce_min3A_2805 [1] : vector<256x1024xf32> to vector<256xf32>
    %broadcast_in_dim3A_2807 = vector.shape_cast %reduce_min3A_2806 : vector<256xf32> to vector<256x1xf32>
    %eq3A_2808 = arith.constant 117 : i32
    %eq3A_2809 = vector.broadcast %eq3A_2808 : i32 to vector<256x128xi32>
    %eq3A_2810 = arith.cmpi eq, %iota3A_61, %eq3A_2809 : vector<256x128xi32>
    %broadcast_in_dim3A_2811 = vector.shape_cast %broadcast_in_dim3A_2807 : vector<256x1xf32> to vector<256x1xf32>
    %broadcast_in_dim3A_2812 = vector.broadcast %broadcast_in_dim3A_2811 : vector<256x1xf32> to vector<256x128xf32>
    %select_n3A_2813 = arith.select %eq3A_2810, %broadcast_in_dim3A_2812, %select_n3A_2792 : vector<256x128xi1>, vector<256x128xf32>
    %eq3A_2814 = arith.constant 117 : i32
    %eq3A_2815 = vector.broadcast %eq3A_2814 : i32 to vector<256x128xi32>
    %eq3A_2816 = arith.cmpi eq, %iota3A_61, %eq3A_2815 : vector<256x128xi32>
    %add3A_2817 = arith.constant 5120 : i32
    %add3A_2818 = vector.broadcast %add3A_2817 : i32 to vector<256x1xi32>
    %add3A_2819 = arith.addi %add3A_2818, %and3A_2694 : vector<256x1xi32>
    %broadcast_in_dim3A_2820 = vector.shape_cast %add3A_2819 : vector<256x1xi32> to vector<256x1xi32>
    %broadcast_in_dim3A_2821 = vector.broadcast %broadcast_in_dim3A_2820 : vector<256x1xi32> to vector<256x128xi32>
    %select_n3A_2822 = arith.select %eq3A_2816, %broadcast_in_dim3A_2821, %select_n3A_2801 : vector<256x128xi1>, vector<256x128xi32>
    %jit3A_2823 = arith.constant 0x7F800000 : f32
    %broadcast_in_dim3A_2824 = vector.broadcast %jit3A_2823 : f32 to vector<256x1024xf32>
    %select_n3A_2825 = arith.select %eq3A_2696, %slice3A_20, %broadcast_in_dim3A_2824 : vector<256x1024xi1>, vector<256x1024xf32>
    %reduce_min3A_2826 = arith.constant dense<0x7F800000> : vector<256xf32>
    %reduce_min3A_2827 = vector.multi_reduction <minimumf>, %select_n3A_2825, %reduce_min3A_2826 [1] : vector<256x1024xf32> to vector<256xf32>
    %broadcast_in_dim3A_2828 = vector.shape_cast %reduce_min3A_2827 : vector<256xf32> to vector<256x1xf32>
    %eq3A_2829 = arith.constant 118 : i32
    %eq3A_2830 = vector.broadcast %eq3A_2829 : i32 to vector<256x128xi32>
    %eq3A_2831 = arith.cmpi eq, %iota3A_61, %eq3A_2830 : vector<256x128xi32>
    %broadcast_in_dim3A_2832 = vector.shape_cast %broadcast_in_dim3A_2828 : vector<256x1xf32> to vector<256x1xf32>
    %broadcast_in_dim3A_2833 = vector.broadcast %broadcast_in_dim3A_2832 : vector<256x1xf32> to vector<256x128xf32>
    %select_n3A_2834 = arith.select %eq3A_2831, %broadcast_in_dim3A_2833, %select_n3A_2813 : vector<256x128xi1>, vector<256x128xf32>
    %eq3A_2835 = arith.constant 118 : i32
    %eq3A_2836 = vector.broadcast %eq3A_2835 : i32 to vector<256x128xi32>
    %eq3A_2837 = arith.cmpi eq, %iota3A_61, %eq3A_2836 : vector<256x128xi32>
    %add3A_2838 = arith.constant 6144 : i32
    %add3A_2839 = vector.broadcast %add3A_2838 : i32 to vector<256x1xi32>
    %add3A_2840 = arith.addi %add3A_2839, %and3A_2694 : vector<256x1xi32>
    %broadcast_in_dim3A_2841 = vector.shape_cast %add3A_2840 : vector<256x1xi32> to vector<256x1xi32>
    %broadcast_in_dim3A_2842 = vector.broadcast %broadcast_in_dim3A_2841 : vector<256x1xi32> to vector<256x128xi32>
    %select_n3A_2843 = arith.select %eq3A_2837, %broadcast_in_dim3A_2842, %select_n3A_2822 : vector<256x128xi1>, vector<256x128xi32>
    %jit3A_2844 = arith.constant 0x7F800000 : f32
    %broadcast_in_dim3A_2845 = vector.broadcast %jit3A_2844 : f32 to vector<256x1024xf32>
    %select_n3A_2846 = arith.select %eq3A_2696, %slice3A_21, %broadcast_in_dim3A_2845 : vector<256x1024xi1>, vector<256x1024xf32>
    %reduce_min3A_2847 = arith.constant dense<0x7F800000> : vector<256xf32>
    %reduce_min3A_2848 = vector.multi_reduction <minimumf>, %select_n3A_2846, %reduce_min3A_2847 [1] : vector<256x1024xf32> to vector<256xf32>
    %broadcast_in_dim3A_2849 = vector.shape_cast %reduce_min3A_2848 : vector<256xf32> to vector<256x1xf32>
    %eq3A_2850 = arith.constant 119 : i32
    %eq3A_2851 = vector.broadcast %eq3A_2850 : i32 to vector<256x128xi32>
    %eq3A_2852 = arith.cmpi eq, %iota3A_61, %eq3A_2851 : vector<256x128xi32>
    %broadcast_in_dim3A_2853 = vector.shape_cast %broadcast_in_dim3A_2849 : vector<256x1xf32> to vector<256x1xf32>
    %broadcast_in_dim3A_2854 = vector.broadcast %broadcast_in_dim3A_2853 : vector<256x1xf32> to vector<256x128xf32>
    %select_n3A_2855 = arith.select %eq3A_2852, %broadcast_in_dim3A_2854, %select_n3A_2834 : vector<256x128xi1>, vector<256x128xf32>
    %eq3A_2856 = arith.constant 119 : i32
    %eq3A_2857 = vector.broadcast %eq3A_2856 : i32 to vector<256x128xi32>
    %eq3A_2858 = arith.cmpi eq, %iota3A_61, %eq3A_2857 : vector<256x128xi32>
    %add3A_2859 = arith.constant 7168 : i32
    %add3A_2860 = vector.broadcast %add3A_2859 : i32 to vector<256x1xi32>
    %add3A_2861 = arith.addi %add3A_2860, %and3A_2694 : vector<256x1xi32>
    %broadcast_in_dim3A_2862 = vector.shape_cast %add3A_2861 : vector<256x1xi32> to vector<256x1xi32>
    %broadcast_in_dim3A_2863 = vector.broadcast %broadcast_in_dim3A_2862 : vector<256x1xi32> to vector<256x128xi32>
    %select_n3A_2864 = arith.select %eq3A_2858, %broadcast_in_dim3A_2863, %select_n3A_2843 : vector<256x128xi1>, vector<256x128xi32>
    %jit3A_2865 = arith.constant 0x7F800000 : f32
    %broadcast_in_dim3A_2866 = vector.broadcast %jit3A_2865 : f32 to vector<256x1024xf32>
    %select_n3A_2867 = arith.select %eq3A_2696, %broadcast_in_dim3A_2866, %select_n3A_2680 : vector<256x1024xi1>, vector<256x1024xf32>
    %reduce_min3A_2868 = arith.constant dense<0x7F800000> : vector<256xf32>
    %reduce_min3A_2869 = vector.multi_reduction <minimumf>, %select_n3A_2867, %reduce_min3A_2868 [1] : vector<256x1024xf32> to vector<256xf32>
    %broadcast_in_dim3A_2870 = vector.shape_cast %reduce_min3A_2869 : vector<256xf32> to vector<256x1xf32>
    %eq3A_2871 = vector.broadcast %broadcast_in_dim3A_2870 : vector<256x1xf32> to vector<256x1024xf32>
    %eq3A_2872 = arith.cmpf oeq, %select_n3A_2867, %eq3A_2871 : vector<256x1024xf32>
    %jit3A_2873 = arith.constant 1073741824 : i32
    %broadcast_in_dim3A_2874 = vector.broadcast %jit3A_2873 : i32 to vector<256x1024xi32>
    %select_n3A_2875 = arith.select %eq3A_2872, %select_n3A_60, %broadcast_in_dim3A_2874 : vector<256x1024xi1>, vector<256x1024xi32>
    %reduce_min3A_2876 = arith.constant dense<2147483647> : vector<256xi32>
    %reduce_min3A_2877 = vector.multi_reduction <minsi>, %select_n3A_2875, %reduce_min3A_2876 [1] : vector<256x1024xi32> to vector<256xi32>
    %broadcast_in_dim3A_2878 = vector.shape_cast %reduce_min3A_2877 : vector<256xi32> to vector<256x1xi32>
    %and3A_2879 = arith.constant 1023 : i32
    %and3A_2880 = vector.broadcast %and3A_2879 : i32 to vector<256x1xi32>
    %and3A_2881 = arith.andi %broadcast_in_dim3A_2878, %and3A_2880 : vector<256x1xi32>
    %eq3A_2882 = vector.broadcast %and3A_2881 : vector<256x1xi32> to vector<256x1024xi32>
    %eq3A_2883 = arith.cmpi eq, %iota3A, %eq3A_2882 : vector<256x1024xi32>
    %jit3A_2884 = arith.constant 0x7F800000 : f32
    %broadcast_in_dim3A_2885 = vector.broadcast %jit3A_2884 : f32 to vector<256x1024xf32>
    %select_n3A_2886 = arith.select %eq3A_2883, %slice3A, %broadcast_in_dim3A_2885 : vector<256x1024xi1>, vector<256x1024xf32>
    %reduce_min3A_2887 = arith.constant dense<0x7F800000> : vector<256xf32>
    %reduce_min3A_2888 = vector.multi_reduction <minimumf>, %select_n3A_2886, %reduce_min3A_2887 [1] : vector<256x1024xf32> to vector<256xf32>
    %broadcast_in_dim3A_2889 = vector.shape_cast %reduce_min3A_2888 : vector<256xf32> to vector<256x1xf32>
    %eq3A_2890 = arith.constant 120 : i32
    %eq3A_2891 = vector.broadcast %eq3A_2890 : i32 to vector<256x128xi32>
    %eq3A_2892 = arith.cmpi eq, %iota3A_61, %eq3A_2891 : vector<256x128xi32>
    %broadcast_in_dim3A_2893 = vector.shape_cast %broadcast_in_dim3A_2889 : vector<256x1xf32> to vector<256x1xf32>
    %broadcast_in_dim3A_2894 = vector.broadcast %broadcast_in_dim3A_2893 : vector<256x1xf32> to vector<256x128xf32>
    %select_n3A_2895 = arith.select %eq3A_2892, %broadcast_in_dim3A_2894, %select_n3A_2855 : vector<256x128xi1>, vector<256x128xf32>
    %eq3A_2896 = arith.constant 120 : i32
    %eq3A_2897 = vector.broadcast %eq3A_2896 : i32 to vector<256x128xi32>
    %eq3A_2898 = arith.cmpi eq, %iota3A_61, %eq3A_2897 : vector<256x128xi32>
    %add3A_2899 = arith.constant 0 : i32
    %add3A_2900 = vector.broadcast %add3A_2899 : i32 to vector<256x1xi32>
    %add3A_2901 = arith.addi %add3A_2900, %and3A_2881 : vector<256x1xi32>
    %broadcast_in_dim3A_2902 = vector.shape_cast %add3A_2901 : vector<256x1xi32> to vector<256x1xi32>
    %broadcast_in_dim3A_2903 = vector.broadcast %broadcast_in_dim3A_2902 : vector<256x1xi32> to vector<256x128xi32>
    %select_n3A_2904 = arith.select %eq3A_2898, %broadcast_in_dim3A_2903, %select_n3A_2864 : vector<256x128xi1>, vector<256x128xi32>
    %jit3A_2905 = arith.constant 0x7F800000 : f32
    %broadcast_in_dim3A_2906 = vector.broadcast %jit3A_2905 : f32 to vector<256x1024xf32>
    %select_n3A_2907 = arith.select %eq3A_2883, %slice3A_15, %broadcast_in_dim3A_2906 : vector<256x1024xi1>, vector<256x1024xf32>
    %reduce_min3A_2908 = arith.constant dense<0x7F800000> : vector<256xf32>
    %reduce_min3A_2909 = vector.multi_reduction <minimumf>, %select_n3A_2907, %reduce_min3A_2908 [1] : vector<256x1024xf32> to vector<256xf32>
    %broadcast_in_dim3A_2910 = vector.shape_cast %reduce_min3A_2909 : vector<256xf32> to vector<256x1xf32>
    %eq3A_2911 = arith.constant 121 : i32
    %eq3A_2912 = vector.broadcast %eq3A_2911 : i32 to vector<256x128xi32>
    %eq3A_2913 = arith.cmpi eq, %iota3A_61, %eq3A_2912 : vector<256x128xi32>
    %broadcast_in_dim3A_2914 = vector.shape_cast %broadcast_in_dim3A_2910 : vector<256x1xf32> to vector<256x1xf32>
    %broadcast_in_dim3A_2915 = vector.broadcast %broadcast_in_dim3A_2914 : vector<256x1xf32> to vector<256x128xf32>
    %select_n3A_2916 = arith.select %eq3A_2913, %broadcast_in_dim3A_2915, %select_n3A_2895 : vector<256x128xi1>, vector<256x128xf32>
    %eq3A_2917 = arith.constant 121 : i32
    %eq3A_2918 = vector.broadcast %eq3A_2917 : i32 to vector<256x128xi32>
    %eq3A_2919 = arith.cmpi eq, %iota3A_61, %eq3A_2918 : vector<256x128xi32>
    %add3A_2920 = arith.constant 1024 : i32
    %add3A_2921 = vector.broadcast %add3A_2920 : i32 to vector<256x1xi32>
    %add3A_2922 = arith.addi %add3A_2921, %and3A_2881 : vector<256x1xi32>
    %broadcast_in_dim3A_2923 = vector.shape_cast %add3A_2922 : vector<256x1xi32> to vector<256x1xi32>
    %broadcast_in_dim3A_2924 = vector.broadcast %broadcast_in_dim3A_2923 : vector<256x1xi32> to vector<256x128xi32>
    %select_n3A_2925 = arith.select %eq3A_2919, %broadcast_in_dim3A_2924, %select_n3A_2904 : vector<256x128xi1>, vector<256x128xi32>
    %jit3A_2926 = arith.constant 0x7F800000 : f32
    %broadcast_in_dim3A_2927 = vector.broadcast %jit3A_2926 : f32 to vector<256x1024xf32>
    %select_n3A_2928 = arith.select %eq3A_2883, %slice3A_16, %broadcast_in_dim3A_2927 : vector<256x1024xi1>, vector<256x1024xf32>
    %reduce_min3A_2929 = arith.constant dense<0x7F800000> : vector<256xf32>
    %reduce_min3A_2930 = vector.multi_reduction <minimumf>, %select_n3A_2928, %reduce_min3A_2929 [1] : vector<256x1024xf32> to vector<256xf32>
    %broadcast_in_dim3A_2931 = vector.shape_cast %reduce_min3A_2930 : vector<256xf32> to vector<256x1xf32>
    %eq3A_2932 = arith.constant 122 : i32
    %eq3A_2933 = vector.broadcast %eq3A_2932 : i32 to vector<256x128xi32>
    %eq3A_2934 = arith.cmpi eq, %iota3A_61, %eq3A_2933 : vector<256x128xi32>
    %broadcast_in_dim3A_2935 = vector.shape_cast %broadcast_in_dim3A_2931 : vector<256x1xf32> to vector<256x1xf32>
    %broadcast_in_dim3A_2936 = vector.broadcast %broadcast_in_dim3A_2935 : vector<256x1xf32> to vector<256x128xf32>
    %select_n3A_2937 = arith.select %eq3A_2934, %broadcast_in_dim3A_2936, %select_n3A_2916 : vector<256x128xi1>, vector<256x128xf32>
    %eq3A_2938 = arith.constant 122 : i32
    %eq3A_2939 = vector.broadcast %eq3A_2938 : i32 to vector<256x128xi32>
    %eq3A_2940 = arith.cmpi eq, %iota3A_61, %eq3A_2939 : vector<256x128xi32>
    %add3A_2941 = arith.constant 2048 : i32
    %add3A_2942 = vector.broadcast %add3A_2941 : i32 to vector<256x1xi32>
    %add3A_2943 = arith.addi %add3A_2942, %and3A_2881 : vector<256x1xi32>
    %broadcast_in_dim3A_2944 = vector.shape_cast %add3A_2943 : vector<256x1xi32> to vector<256x1xi32>
    %broadcast_in_dim3A_2945 = vector.broadcast %broadcast_in_dim3A_2944 : vector<256x1xi32> to vector<256x128xi32>
    %select_n3A_2946 = arith.select %eq3A_2940, %broadcast_in_dim3A_2945, %select_n3A_2925 : vector<256x128xi1>, vector<256x128xi32>
    %jit3A_2947 = arith.constant 0x7F800000 : f32
    %broadcast_in_dim3A_2948 = vector.broadcast %jit3A_2947 : f32 to vector<256x1024xf32>
    %select_n3A_2949 = arith.select %eq3A_2883, %slice3A_17, %broadcast_in_dim3A_2948 : vector<256x1024xi1>, vector<256x1024xf32>
    %reduce_min3A_2950 = arith.constant dense<0x7F800000> : vector<256xf32>
    %reduce_min3A_2951 = vector.multi_reduction <minimumf>, %select_n3A_2949, %reduce_min3A_2950 [1] : vector<256x1024xf32> to vector<256xf32>
    %broadcast_in_dim3A_2952 = vector.shape_cast %reduce_min3A_2951 : vector<256xf32> to vector<256x1xf32>
    %eq3A_2953 = arith.constant 123 : i32
    %eq3A_2954 = vector.broadcast %eq3A_2953 : i32 to vector<256x128xi32>
    %eq3A_2955 = arith.cmpi eq, %iota3A_61, %eq3A_2954 : vector<256x128xi32>
    %broadcast_in_dim3A_2956 = vector.shape_cast %broadcast_in_dim3A_2952 : vector<256x1xf32> to vector<256x1xf32>
    %broadcast_in_dim3A_2957 = vector.broadcast %broadcast_in_dim3A_2956 : vector<256x1xf32> to vector<256x128xf32>
    %select_n3A_2958 = arith.select %eq3A_2955, %broadcast_in_dim3A_2957, %select_n3A_2937 : vector<256x128xi1>, vector<256x128xf32>
    %eq3A_2959 = arith.constant 123 : i32
    %eq3A_2960 = vector.broadcast %eq3A_2959 : i32 to vector<256x128xi32>
    %eq3A_2961 = arith.cmpi eq, %iota3A_61, %eq3A_2960 : vector<256x128xi32>
    %add3A_2962 = arith.constant 3072 : i32
    %add3A_2963 = vector.broadcast %add3A_2962 : i32 to vector<256x1xi32>
    %add3A_2964 = arith.addi %add3A_2963, %and3A_2881 : vector<256x1xi32>
    %broadcast_in_dim3A_2965 = vector.shape_cast %add3A_2964 : vector<256x1xi32> to vector<256x1xi32>
    %broadcast_in_dim3A_2966 = vector.broadcast %broadcast_in_dim3A_2965 : vector<256x1xi32> to vector<256x128xi32>
    %select_n3A_2967 = arith.select %eq3A_2961, %broadcast_in_dim3A_2966, %select_n3A_2946 : vector<256x128xi1>, vector<256x128xi32>
    %jit3A_2968 = arith.constant 0x7F800000 : f32
    %broadcast_in_dim3A_2969 = vector.broadcast %jit3A_2968 : f32 to vector<256x1024xf32>
    %select_n3A_2970 = arith.select %eq3A_2883, %slice3A_18, %broadcast_in_dim3A_2969 : vector<256x1024xi1>, vector<256x1024xf32>
    %reduce_min3A_2971 = arith.constant dense<0x7F800000> : vector<256xf32>
    %reduce_min3A_2972 = vector.multi_reduction <minimumf>, %select_n3A_2970, %reduce_min3A_2971 [1] : vector<256x1024xf32> to vector<256xf32>
    %broadcast_in_dim3A_2973 = vector.shape_cast %reduce_min3A_2972 : vector<256xf32> to vector<256x1xf32>
    %eq3A_2974 = arith.constant 124 : i32
    %eq3A_2975 = vector.broadcast %eq3A_2974 : i32 to vector<256x128xi32>
    %eq3A_2976 = arith.cmpi eq, %iota3A_61, %eq3A_2975 : vector<256x128xi32>
    %broadcast_in_dim3A_2977 = vector.shape_cast %broadcast_in_dim3A_2973 : vector<256x1xf32> to vector<256x1xf32>
    %broadcast_in_dim3A_2978 = vector.broadcast %broadcast_in_dim3A_2977 : vector<256x1xf32> to vector<256x128xf32>
    %select_n3A_2979 = arith.select %eq3A_2976, %broadcast_in_dim3A_2978, %select_n3A_2958 : vector<256x128xi1>, vector<256x128xf32>
    %eq3A_2980 = arith.constant 124 : i32
    %eq3A_2981 = vector.broadcast %eq3A_2980 : i32 to vector<256x128xi32>
    %eq3A_2982 = arith.cmpi eq, %iota3A_61, %eq3A_2981 : vector<256x128xi32>
    %add3A_2983 = arith.constant 4096 : i32
    %add3A_2984 = vector.broadcast %add3A_2983 : i32 to vector<256x1xi32>
    %add3A_2985 = arith.addi %add3A_2984, %and3A_2881 : vector<256x1xi32>
    %broadcast_in_dim3A_2986 = vector.shape_cast %add3A_2985 : vector<256x1xi32> to vector<256x1xi32>
    %broadcast_in_dim3A_2987 = vector.broadcast %broadcast_in_dim3A_2986 : vector<256x1xi32> to vector<256x128xi32>
    %select_n3A_2988 = arith.select %eq3A_2982, %broadcast_in_dim3A_2987, %select_n3A_2967 : vector<256x128xi1>, vector<256x128xi32>
    %jit3A_2989 = arith.constant 0x7F800000 : f32
    %broadcast_in_dim3A_2990 = vector.broadcast %jit3A_2989 : f32 to vector<256x1024xf32>
    %select_n3A_2991 = arith.select %eq3A_2883, %slice3A_19, %broadcast_in_dim3A_2990 : vector<256x1024xi1>, vector<256x1024xf32>
    %reduce_min3A_2992 = arith.constant dense<0x7F800000> : vector<256xf32>
    %reduce_min3A_2993 = vector.multi_reduction <minimumf>, %select_n3A_2991, %reduce_min3A_2992 [1] : vector<256x1024xf32> to vector<256xf32>
    %broadcast_in_dim3A_2994 = vector.shape_cast %reduce_min3A_2993 : vector<256xf32> to vector<256x1xf32>
    %eq3A_2995 = arith.constant 125 : i32
    %eq3A_2996 = vector.broadcast %eq3A_2995 : i32 to vector<256x128xi32>
    %eq3A_2997 = arith.cmpi eq, %iota3A_61, %eq3A_2996 : vector<256x128xi32>
    %broadcast_in_dim3A_2998 = vector.shape_cast %broadcast_in_dim3A_2994 : vector<256x1xf32> to vector<256x1xf32>
    %broadcast_in_dim3A_2999 = vector.broadcast %broadcast_in_dim3A_2998 : vector<256x1xf32> to vector<256x128xf32>
    %select_n3A_3000 = arith.select %eq3A_2997, %broadcast_in_dim3A_2999, %select_n3A_2979 : vector<256x128xi1>, vector<256x128xf32>
    %eq3A_3001 = arith.constant 125 : i32
    %eq3A_3002 = vector.broadcast %eq3A_3001 : i32 to vector<256x128xi32>
    %eq3A_3003 = arith.cmpi eq, %iota3A_61, %eq3A_3002 : vector<256x128xi32>
    %add3A_3004 = arith.constant 5120 : i32
    %add3A_3005 = vector.broadcast %add3A_3004 : i32 to vector<256x1xi32>
    %add3A_3006 = arith.addi %add3A_3005, %and3A_2881 : vector<256x1xi32>
    %broadcast_in_dim3A_3007 = vector.shape_cast %add3A_3006 : vector<256x1xi32> to vector<256x1xi32>
    %broadcast_in_dim3A_3008 = vector.broadcast %broadcast_in_dim3A_3007 : vector<256x1xi32> to vector<256x128xi32>
    %select_n3A_3009 = arith.select %eq3A_3003, %broadcast_in_dim3A_3008, %select_n3A_2988 : vector<256x128xi1>, vector<256x128xi32>
    %jit3A_3010 = arith.constant 0x7F800000 : f32
    %broadcast_in_dim3A_3011 = vector.broadcast %jit3A_3010 : f32 to vector<256x1024xf32>
    %select_n3A_3012 = arith.select %eq3A_2883, %slice3A_20, %broadcast_in_dim3A_3011 : vector<256x1024xi1>, vector<256x1024xf32>
    %reduce_min3A_3013 = arith.constant dense<0x7F800000> : vector<256xf32>
    %reduce_min3A_3014 = vector.multi_reduction <minimumf>, %select_n3A_3012, %reduce_min3A_3013 [1] : vector<256x1024xf32> to vector<256xf32>
    %broadcast_in_dim3A_3015 = vector.shape_cast %reduce_min3A_3014 : vector<256xf32> to vector<256x1xf32>
    %eq3A_3016 = arith.constant 126 : i32
    %eq3A_3017 = vector.broadcast %eq3A_3016 : i32 to vector<256x128xi32>
    %eq3A_3018 = arith.cmpi eq, %iota3A_61, %eq3A_3017 : vector<256x128xi32>
    %broadcast_in_dim3A_3019 = vector.shape_cast %broadcast_in_dim3A_3015 : vector<256x1xf32> to vector<256x1xf32>
    %broadcast_in_dim3A_3020 = vector.broadcast %broadcast_in_dim3A_3019 : vector<256x1xf32> to vector<256x128xf32>
    %select_n3A_3021 = arith.select %eq3A_3018, %broadcast_in_dim3A_3020, %select_n3A_3000 : vector<256x128xi1>, vector<256x128xf32>
    %eq3A_3022 = arith.constant 126 : i32
    %eq3A_3023 = vector.broadcast %eq3A_3022 : i32 to vector<256x128xi32>
    %eq3A_3024 = arith.cmpi eq, %iota3A_61, %eq3A_3023 : vector<256x128xi32>
    %add3A_3025 = arith.constant 6144 : i32
    %add3A_3026 = vector.broadcast %add3A_3025 : i32 to vector<256x1xi32>
    %add3A_3027 = arith.addi %add3A_3026, %and3A_2881 : vector<256x1xi32>
    %broadcast_in_dim3A_3028 = vector.shape_cast %add3A_3027 : vector<256x1xi32> to vector<256x1xi32>
    %broadcast_in_dim3A_3029 = vector.broadcast %broadcast_in_dim3A_3028 : vector<256x1xi32> to vector<256x128xi32>
    %select_n3A_3030 = arith.select %eq3A_3024, %broadcast_in_dim3A_3029, %select_n3A_3009 : vector<256x128xi1>, vector<256x128xi32>
    %jit3A_3031 = arith.constant 0x7F800000 : f32
    %broadcast_in_dim3A_3032 = vector.broadcast %jit3A_3031 : f32 to vector<256x1024xf32>
    %select_n3A_3033 = arith.select %eq3A_2883, %slice3A_21, %broadcast_in_dim3A_3032 : vector<256x1024xi1>, vector<256x1024xf32>
    %reduce_min3A_3034 = arith.constant dense<0x7F800000> : vector<256xf32>
    %reduce_min3A_3035 = vector.multi_reduction <minimumf>, %select_n3A_3033, %reduce_min3A_3034 [1] : vector<256x1024xf32> to vector<256xf32>
    %broadcast_in_dim3A_3036 = vector.shape_cast %reduce_min3A_3035 : vector<256xf32> to vector<256x1xf32>
    %eq3A_3037 = arith.constant 127 : i32
    %eq3A_3038 = vector.broadcast %eq3A_3037 : i32 to vector<256x128xi32>
    %eq3A_3039 = arith.cmpi eq, %iota3A_61, %eq3A_3038 : vector<256x128xi32>
    %broadcast_in_dim3A_3040 = vector.shape_cast %broadcast_in_dim3A_3036 : vector<256x1xf32> to vector<256x1xf32>
    %broadcast_in_dim3A_3041 = vector.broadcast %broadcast_in_dim3A_3040 : vector<256x1xf32> to vector<256x128xf32>
    %select_n3A_3042 = arith.select %eq3A_3039, %broadcast_in_dim3A_3041, %select_n3A_3021 : vector<256x128xi1>, vector<256x128xf32>
    %eq3A_3043 = arith.constant 127 : i32
    %eq3A_3044 = vector.broadcast %eq3A_3043 : i32 to vector<256x128xi32>
    %eq3A_3045 = arith.cmpi eq, %iota3A_61, %eq3A_3044 : vector<256x128xi32>
    %add3A_3046 = arith.constant 7168 : i32
    %add3A_3047 = vector.broadcast %add3A_3046 : i32 to vector<256x1xi32>
    %add3A_3048 = arith.addi %add3A_3047, %and3A_2881 : vector<256x1xi32>
    %broadcast_in_dim3A_3049 = vector.shape_cast %add3A_3048 : vector<256x1xi32> to vector<256x1xi32>
    %broadcast_in_dim3A_3050 = vector.broadcast %broadcast_in_dim3A_3049 : vector<256x1xi32> to vector<256x128xi32>
    %select_n3A_3051 = arith.select %eq3A_3045, %broadcast_in_dim3A_3050, %select_n3A_3030 : vector<256x128xi1>, vector<256x128xi32>
    %broadcast_in_dim3A_3052 = arith.constant 0 : i32
    %broadcast_in_dim3A_3053 = vector.broadcast %broadcast_in_dim3A_3052 : i32 to vector<256x16xi32>
    %reduce_min3A_3054 = arith.constant dense<0x7F800000> : vector<256xf32>
    %reduce_min3A_3055 = vector.multi_reduction <minimumf>, %select_n3A_3042, %reduce_min3A_3054 [1] : vector<256x128xf32> to vector<256xf32>
    %broadcast_in_dim3A_3056 = vector.shape_cast %reduce_min3A_3055 : vector<256xf32> to vector<256x1xf32>
    %eq3A_3057 = vector.broadcast %broadcast_in_dim3A_3056 : vector<256x1xf32> to vector<256x128xf32>
    %eq3A_3058 = arith.cmpf oeq, %select_n3A_3042, %eq3A_3057 : vector<256x128xf32>
    %jit3A_3059 = arith.constant 1073741824 : i32
    %broadcast_in_dim3A_3060 = vector.broadcast %jit3A_3059 : i32 to vector<256x128xi32>
    %select_n3A_3061 = arith.select %eq3A_3058, %select_n3A_3051, %broadcast_in_dim3A_3060 : vector<256x128xi1>, vector<256x128xi32>
    %reduce_min3A_3062 = arith.constant dense<2147483647> : vector<256xi32>
    %reduce_min3A_3063 = vector.multi_reduction <minsi>, %select_n3A_3061, %reduce_min3A_3062 [1] : vector<256x128xi32> to vector<256xi32>
    %broadcast_in_dim3A_3064 = vector.shape_cast %reduce_min3A_3063 : vector<256xi32> to vector<256x1xi32>
    %eq3A_3065 = arith.constant 0 : i32
    %eq3A_3066 = vector.broadcast %eq3A_3065 : i32 to vector<256x16xi32>
    %eq3A_3067 = arith.cmpi eq, %iota3A_62, %eq3A_3066 : vector<256x16xi32>
    %broadcast_in_dim3A_3068 = vector.shape_cast %broadcast_in_dim3A_3064 : vector<256x1xi32> to vector<256x1xi32>
    %broadcast_in_dim3A_3069 = vector.broadcast %broadcast_in_dim3A_3068 : vector<256x1xi32> to vector<256x16xi32>
    %select_n3A_3070 = arith.select %eq3A_3067, %broadcast_in_dim3A_3069, %broadcast_in_dim3A_3053 : vector<256x16xi1>, vector<256x16xi32>
    %eq3A_3071 = vector.broadcast %broadcast_in_dim3A_3064 : vector<256x1xi32> to vector<256x128xi32>
    %eq3A_3072 = arith.cmpi eq, %select_n3A_3051, %eq3A_3071 : vector<256x128xi32>
    %and3A_3073 = arith.andi %eq3A_3058, %eq3A_3072 : vector<256x128xi1>
    %jit3A_3074 = arith.constant 0x7F800000 : f32
    %broadcast_in_dim3A_3075 = vector.broadcast %jit3A_3074 : f32 to vector<256x128xf32>
    %select_n3A_3076 = arith.select %and3A_3073, %broadcast_in_dim3A_3075, %select_n3A_3042 : vector<256x128xi1>, vector<256x128xf32>
    %reduce_min3A_3077 = arith.constant dense<0x7F800000> : vector<256xf32>
    %reduce_min3A_3078 = vector.multi_reduction <minimumf>, %select_n3A_3076, %reduce_min3A_3077 [1] : vector<256x128xf32> to vector<256xf32>
    %broadcast_in_dim3A_3079 = vector.shape_cast %reduce_min3A_3078 : vector<256xf32> to vector<256x1xf32>
    %eq3A_3080 = vector.broadcast %broadcast_in_dim3A_3079 : vector<256x1xf32> to vector<256x128xf32>
    %eq3A_3081 = arith.cmpf oeq, %select_n3A_3076, %eq3A_3080 : vector<256x128xf32>
    %jit3A_3082 = arith.constant 1073741824 : i32
    %broadcast_in_dim3A_3083 = vector.broadcast %jit3A_3082 : i32 to vector<256x128xi32>
    %select_n3A_3084 = arith.select %eq3A_3081, %select_n3A_3051, %broadcast_in_dim3A_3083 : vector<256x128xi1>, vector<256x128xi32>
    %reduce_min3A_3085 = arith.constant dense<2147483647> : vector<256xi32>
    %reduce_min3A_3086 = vector.multi_reduction <minsi>, %select_n3A_3084, %reduce_min3A_3085 [1] : vector<256x128xi32> to vector<256xi32>
    %broadcast_in_dim3A_3087 = vector.shape_cast %reduce_min3A_3086 : vector<256xi32> to vector<256x1xi32>
    %eq3A_3088 = arith.constant 1 : i32
    %eq3A_3089 = vector.broadcast %eq3A_3088 : i32 to vector<256x16xi32>
    %eq3A_3090 = arith.cmpi eq, %iota3A_62, %eq3A_3089 : vector<256x16xi32>
    %broadcast_in_dim3A_3091 = vector.shape_cast %broadcast_in_dim3A_3087 : vector<256x1xi32> to vector<256x1xi32>
    %broadcast_in_dim3A_3092 = vector.broadcast %broadcast_in_dim3A_3091 : vector<256x1xi32> to vector<256x16xi32>
    %select_n3A_3093 = arith.select %eq3A_3090, %broadcast_in_dim3A_3092, %select_n3A_3070 : vector<256x16xi1>, vector<256x16xi32>
    %eq3A_3094 = vector.broadcast %broadcast_in_dim3A_3087 : vector<256x1xi32> to vector<256x128xi32>
    %eq3A_3095 = arith.cmpi eq, %select_n3A_3051, %eq3A_3094 : vector<256x128xi32>
    %and3A_3096 = arith.andi %eq3A_3081, %eq3A_3095 : vector<256x128xi1>
    %jit3A_3097 = arith.constant 0x7F800000 : f32
    %broadcast_in_dim3A_3098 = vector.broadcast %jit3A_3097 : f32 to vector<256x128xf32>
    %select_n3A_3099 = arith.select %and3A_3096, %broadcast_in_dim3A_3098, %select_n3A_3076 : vector<256x128xi1>, vector<256x128xf32>
    %reduce_min3A_3100 = arith.constant dense<0x7F800000> : vector<256xf32>
    %reduce_min3A_3101 = vector.multi_reduction <minimumf>, %select_n3A_3099, %reduce_min3A_3100 [1] : vector<256x128xf32> to vector<256xf32>
    %broadcast_in_dim3A_3102 = vector.shape_cast %reduce_min3A_3101 : vector<256xf32> to vector<256x1xf32>
    %eq3A_3103 = vector.broadcast %broadcast_in_dim3A_3102 : vector<256x1xf32> to vector<256x128xf32>
    %eq3A_3104 = arith.cmpf oeq, %select_n3A_3099, %eq3A_3103 : vector<256x128xf32>
    %jit3A_3105 = arith.constant 1073741824 : i32
    %broadcast_in_dim3A_3106 = vector.broadcast %jit3A_3105 : i32 to vector<256x128xi32>
    %select_n3A_3107 = arith.select %eq3A_3104, %select_n3A_3051, %broadcast_in_dim3A_3106 : vector<256x128xi1>, vector<256x128xi32>
    %reduce_min3A_3108 = arith.constant dense<2147483647> : vector<256xi32>
    %reduce_min3A_3109 = vector.multi_reduction <minsi>, %select_n3A_3107, %reduce_min3A_3108 [1] : vector<256x128xi32> to vector<256xi32>
    %broadcast_in_dim3A_3110 = vector.shape_cast %reduce_min3A_3109 : vector<256xi32> to vector<256x1xi32>
    %eq3A_3111 = arith.constant 2 : i32
    %eq3A_3112 = vector.broadcast %eq3A_3111 : i32 to vector<256x16xi32>
    %eq3A_3113 = arith.cmpi eq, %iota3A_62, %eq3A_3112 : vector<256x16xi32>
    %broadcast_in_dim3A_3114 = vector.shape_cast %broadcast_in_dim3A_3110 : vector<256x1xi32> to vector<256x1xi32>
    %broadcast_in_dim3A_3115 = vector.broadcast %broadcast_in_dim3A_3114 : vector<256x1xi32> to vector<256x16xi32>
    %select_n3A_3116 = arith.select %eq3A_3113, %broadcast_in_dim3A_3115, %select_n3A_3093 : vector<256x16xi1>, vector<256x16xi32>
    %eq3A_3117 = vector.broadcast %broadcast_in_dim3A_3110 : vector<256x1xi32> to vector<256x128xi32>
    %eq3A_3118 = arith.cmpi eq, %select_n3A_3051, %eq3A_3117 : vector<256x128xi32>
    %and3A_3119 = arith.andi %eq3A_3104, %eq3A_3118 : vector<256x128xi1>
    %jit3A_3120 = arith.constant 0x7F800000 : f32
    %broadcast_in_dim3A_3121 = vector.broadcast %jit3A_3120 : f32 to vector<256x128xf32>
    %select_n3A_3122 = arith.select %and3A_3119, %broadcast_in_dim3A_3121, %select_n3A_3099 : vector<256x128xi1>, vector<256x128xf32>
    %reduce_min3A_3123 = arith.constant dense<0x7F800000> : vector<256xf32>
    %reduce_min3A_3124 = vector.multi_reduction <minimumf>, %select_n3A_3122, %reduce_min3A_3123 [1] : vector<256x128xf32> to vector<256xf32>
    %broadcast_in_dim3A_3125 = vector.shape_cast %reduce_min3A_3124 : vector<256xf32> to vector<256x1xf32>
    %eq3A_3126 = vector.broadcast %broadcast_in_dim3A_3125 : vector<256x1xf32> to vector<256x128xf32>
    %eq3A_3127 = arith.cmpf oeq, %select_n3A_3122, %eq3A_3126 : vector<256x128xf32>
    %jit3A_3128 = arith.constant 1073741824 : i32
    %broadcast_in_dim3A_3129 = vector.broadcast %jit3A_3128 : i32 to vector<256x128xi32>
    %select_n3A_3130 = arith.select %eq3A_3127, %select_n3A_3051, %broadcast_in_dim3A_3129 : vector<256x128xi1>, vector<256x128xi32>
    %reduce_min3A_3131 = arith.constant dense<2147483647> : vector<256xi32>
    %reduce_min3A_3132 = vector.multi_reduction <minsi>, %select_n3A_3130, %reduce_min3A_3131 [1] : vector<256x128xi32> to vector<256xi32>
    %broadcast_in_dim3A_3133 = vector.shape_cast %reduce_min3A_3132 : vector<256xi32> to vector<256x1xi32>
    %eq3A_3134 = arith.constant 3 : i32
    %eq3A_3135 = vector.broadcast %eq3A_3134 : i32 to vector<256x16xi32>
    %eq3A_3136 = arith.cmpi eq, %iota3A_62, %eq3A_3135 : vector<256x16xi32>
    %broadcast_in_dim3A_3137 = vector.shape_cast %broadcast_in_dim3A_3133 : vector<256x1xi32> to vector<256x1xi32>
    %broadcast_in_dim3A_3138 = vector.broadcast %broadcast_in_dim3A_3137 : vector<256x1xi32> to vector<256x16xi32>
    %select_n3A_3139 = arith.select %eq3A_3136, %broadcast_in_dim3A_3138, %select_n3A_3116 : vector<256x16xi1>, vector<256x16xi32>
    %eq3A_3140 = vector.broadcast %broadcast_in_dim3A_3133 : vector<256x1xi32> to vector<256x128xi32>
    %eq3A_3141 = arith.cmpi eq, %select_n3A_3051, %eq3A_3140 : vector<256x128xi32>
    %and3A_3142 = arith.andi %eq3A_3127, %eq3A_3141 : vector<256x128xi1>
    %jit3A_3143 = arith.constant 0x7F800000 : f32
    %broadcast_in_dim3A_3144 = vector.broadcast %jit3A_3143 : f32 to vector<256x128xf32>
    %select_n3A_3145 = arith.select %and3A_3142, %broadcast_in_dim3A_3144, %select_n3A_3122 : vector<256x128xi1>, vector<256x128xf32>
    %reduce_min3A_3146 = arith.constant dense<0x7F800000> : vector<256xf32>
    %reduce_min3A_3147 = vector.multi_reduction <minimumf>, %select_n3A_3145, %reduce_min3A_3146 [1] : vector<256x128xf32> to vector<256xf32>
    %broadcast_in_dim3A_3148 = vector.shape_cast %reduce_min3A_3147 : vector<256xf32> to vector<256x1xf32>
    %eq3A_3149 = vector.broadcast %broadcast_in_dim3A_3148 : vector<256x1xf32> to vector<256x128xf32>
    %eq3A_3150 = arith.cmpf oeq, %select_n3A_3145, %eq3A_3149 : vector<256x128xf32>
    %jit3A_3151 = arith.constant 1073741824 : i32
    %broadcast_in_dim3A_3152 = vector.broadcast %jit3A_3151 : i32 to vector<256x128xi32>
    %select_n3A_3153 = arith.select %eq3A_3150, %select_n3A_3051, %broadcast_in_dim3A_3152 : vector<256x128xi1>, vector<256x128xi32>
    %reduce_min3A_3154 = arith.constant dense<2147483647> : vector<256xi32>
    %reduce_min3A_3155 = vector.multi_reduction <minsi>, %select_n3A_3153, %reduce_min3A_3154 [1] : vector<256x128xi32> to vector<256xi32>
    %broadcast_in_dim3A_3156 = vector.shape_cast %reduce_min3A_3155 : vector<256xi32> to vector<256x1xi32>
    %eq3A_3157 = arith.constant 4 : i32
    %eq3A_3158 = vector.broadcast %eq3A_3157 : i32 to vector<256x16xi32>
    %eq3A_3159 = arith.cmpi eq, %iota3A_62, %eq3A_3158 : vector<256x16xi32>
    %broadcast_in_dim3A_3160 = vector.shape_cast %broadcast_in_dim3A_3156 : vector<256x1xi32> to vector<256x1xi32>
    %broadcast_in_dim3A_3161 = vector.broadcast %broadcast_in_dim3A_3160 : vector<256x1xi32> to vector<256x16xi32>
    %select_n3A_3162 = arith.select %eq3A_3159, %broadcast_in_dim3A_3161, %select_n3A_3139 : vector<256x16xi1>, vector<256x16xi32>
    %eq3A_3163 = vector.broadcast %broadcast_in_dim3A_3156 : vector<256x1xi32> to vector<256x128xi32>
    %eq3A_3164 = arith.cmpi eq, %select_n3A_3051, %eq3A_3163 : vector<256x128xi32>
    %and3A_3165 = arith.andi %eq3A_3150, %eq3A_3164 : vector<256x128xi1>
    %jit3A_3166 = arith.constant 0x7F800000 : f32
    %broadcast_in_dim3A_3167 = vector.broadcast %jit3A_3166 : f32 to vector<256x128xf32>
    %select_n3A_3168 = arith.select %and3A_3165, %broadcast_in_dim3A_3167, %select_n3A_3145 : vector<256x128xi1>, vector<256x128xf32>
    %reduce_min3A_3169 = arith.constant dense<0x7F800000> : vector<256xf32>
    %reduce_min3A_3170 = vector.multi_reduction <minimumf>, %select_n3A_3168, %reduce_min3A_3169 [1] : vector<256x128xf32> to vector<256xf32>
    %broadcast_in_dim3A_3171 = vector.shape_cast %reduce_min3A_3170 : vector<256xf32> to vector<256x1xf32>
    %eq3A_3172 = vector.broadcast %broadcast_in_dim3A_3171 : vector<256x1xf32> to vector<256x128xf32>
    %eq3A_3173 = arith.cmpf oeq, %select_n3A_3168, %eq3A_3172 : vector<256x128xf32>
    %jit3A_3174 = arith.constant 1073741824 : i32
    %broadcast_in_dim3A_3175 = vector.broadcast %jit3A_3174 : i32 to vector<256x128xi32>
    %select_n3A_3176 = arith.select %eq3A_3173, %select_n3A_3051, %broadcast_in_dim3A_3175 : vector<256x128xi1>, vector<256x128xi32>
    %reduce_min3A_3177 = arith.constant dense<2147483647> : vector<256xi32>
    %reduce_min3A_3178 = vector.multi_reduction <minsi>, %select_n3A_3176, %reduce_min3A_3177 [1] : vector<256x128xi32> to vector<256xi32>
    %broadcast_in_dim3A_3179 = vector.shape_cast %reduce_min3A_3178 : vector<256xi32> to vector<256x1xi32>
    %eq3A_3180 = arith.constant 5 : i32
    %eq3A_3181 = vector.broadcast %eq3A_3180 : i32 to vector<256x16xi32>
    %eq3A_3182 = arith.cmpi eq, %iota3A_62, %eq3A_3181 : vector<256x16xi32>
    %broadcast_in_dim3A_3183 = vector.shape_cast %broadcast_in_dim3A_3179 : vector<256x1xi32> to vector<256x1xi32>
    %broadcast_in_dim3A_3184 = vector.broadcast %broadcast_in_dim3A_3183 : vector<256x1xi32> to vector<256x16xi32>
    %select_n3A_3185 = arith.select %eq3A_3182, %broadcast_in_dim3A_3184, %select_n3A_3162 : vector<256x16xi1>, vector<256x16xi32>
    %eq3A_3186 = vector.broadcast %broadcast_in_dim3A_3179 : vector<256x1xi32> to vector<256x128xi32>
    %eq3A_3187 = arith.cmpi eq, %select_n3A_3051, %eq3A_3186 : vector<256x128xi32>
    %and3A_3188 = arith.andi %eq3A_3173, %eq3A_3187 : vector<256x128xi1>
    %jit3A_3189 = arith.constant 0x7F800000 : f32
    %broadcast_in_dim3A_3190 = vector.broadcast %jit3A_3189 : f32 to vector<256x128xf32>
    %select_n3A_3191 = arith.select %and3A_3188, %broadcast_in_dim3A_3190, %select_n3A_3168 : vector<256x128xi1>, vector<256x128xf32>
    %reduce_min3A_3192 = arith.constant dense<0x7F800000> : vector<256xf32>
    %reduce_min3A_3193 = vector.multi_reduction <minimumf>, %select_n3A_3191, %reduce_min3A_3192 [1] : vector<256x128xf32> to vector<256xf32>
    %broadcast_in_dim3A_3194 = vector.shape_cast %reduce_min3A_3193 : vector<256xf32> to vector<256x1xf32>
    %eq3A_3195 = vector.broadcast %broadcast_in_dim3A_3194 : vector<256x1xf32> to vector<256x128xf32>
    %eq3A_3196 = arith.cmpf oeq, %select_n3A_3191, %eq3A_3195 : vector<256x128xf32>
    %jit3A_3197 = arith.constant 1073741824 : i32
    %broadcast_in_dim3A_3198 = vector.broadcast %jit3A_3197 : i32 to vector<256x128xi32>
    %select_n3A_3199 = arith.select %eq3A_3196, %select_n3A_3051, %broadcast_in_dim3A_3198 : vector<256x128xi1>, vector<256x128xi32>
    %reduce_min3A_3200 = arith.constant dense<2147483647> : vector<256xi32>
    %reduce_min3A_3201 = vector.multi_reduction <minsi>, %select_n3A_3199, %reduce_min3A_3200 [1] : vector<256x128xi32> to vector<256xi32>
    %broadcast_in_dim3A_3202 = vector.shape_cast %reduce_min3A_3201 : vector<256xi32> to vector<256x1xi32>
    %eq3A_3203 = arith.constant 6 : i32
    %eq3A_3204 = vector.broadcast %eq3A_3203 : i32 to vector<256x16xi32>
    %eq3A_3205 = arith.cmpi eq, %iota3A_62, %eq3A_3204 : vector<256x16xi32>
    %broadcast_in_dim3A_3206 = vector.shape_cast %broadcast_in_dim3A_3202 : vector<256x1xi32> to vector<256x1xi32>
    %broadcast_in_dim3A_3207 = vector.broadcast %broadcast_in_dim3A_3206 : vector<256x1xi32> to vector<256x16xi32>
    %select_n3A_3208 = arith.select %eq3A_3205, %broadcast_in_dim3A_3207, %select_n3A_3185 : vector<256x16xi1>, vector<256x16xi32>
    %eq3A_3209 = vector.broadcast %broadcast_in_dim3A_3202 : vector<256x1xi32> to vector<256x128xi32>
    %eq3A_3210 = arith.cmpi eq, %select_n3A_3051, %eq3A_3209 : vector<256x128xi32>
    %and3A_3211 = arith.andi %eq3A_3196, %eq3A_3210 : vector<256x128xi1>
    %jit3A_3212 = arith.constant 0x7F800000 : f32
    %broadcast_in_dim3A_3213 = vector.broadcast %jit3A_3212 : f32 to vector<256x128xf32>
    %select_n3A_3214 = arith.select %and3A_3211, %broadcast_in_dim3A_3213, %select_n3A_3191 : vector<256x128xi1>, vector<256x128xf32>
    %reduce_min3A_3215 = arith.constant dense<0x7F800000> : vector<256xf32>
    %reduce_min3A_3216 = vector.multi_reduction <minimumf>, %select_n3A_3214, %reduce_min3A_3215 [1] : vector<256x128xf32> to vector<256xf32>
    %broadcast_in_dim3A_3217 = vector.shape_cast %reduce_min3A_3216 : vector<256xf32> to vector<256x1xf32>
    %eq3A_3218 = vector.broadcast %broadcast_in_dim3A_3217 : vector<256x1xf32> to vector<256x128xf32>
    %eq3A_3219 = arith.cmpf oeq, %select_n3A_3214, %eq3A_3218 : vector<256x128xf32>
    %jit3A_3220 = arith.constant 1073741824 : i32
    %broadcast_in_dim3A_3221 = vector.broadcast %jit3A_3220 : i32 to vector<256x128xi32>
    %select_n3A_3222 = arith.select %eq3A_3219, %select_n3A_3051, %broadcast_in_dim3A_3221 : vector<256x128xi1>, vector<256x128xi32>
    %reduce_min3A_3223 = arith.constant dense<2147483647> : vector<256xi32>
    %reduce_min3A_3224 = vector.multi_reduction <minsi>, %select_n3A_3222, %reduce_min3A_3223 [1] : vector<256x128xi32> to vector<256xi32>
    %broadcast_in_dim3A_3225 = vector.shape_cast %reduce_min3A_3224 : vector<256xi32> to vector<256x1xi32>
    %eq3A_3226 = arith.constant 7 : i32
    %eq3A_3227 = vector.broadcast %eq3A_3226 : i32 to vector<256x16xi32>
    %eq3A_3228 = arith.cmpi eq, %iota3A_62, %eq3A_3227 : vector<256x16xi32>
    %broadcast_in_dim3A_3229 = vector.shape_cast %broadcast_in_dim3A_3225 : vector<256x1xi32> to vector<256x1xi32>
    %broadcast_in_dim3A_3230 = vector.broadcast %broadcast_in_dim3A_3229 : vector<256x1xi32> to vector<256x16xi32>
    %select_n3A_3231 = arith.select %eq3A_3228, %broadcast_in_dim3A_3230, %select_n3A_3208 : vector<256x16xi1>, vector<256x16xi32>
    %eq3A_3232 = vector.broadcast %broadcast_in_dim3A_3225 : vector<256x1xi32> to vector<256x128xi32>
    %eq3A_3233 = arith.cmpi eq, %select_n3A_3051, %eq3A_3232 : vector<256x128xi32>
    %and3A_3234 = arith.andi %eq3A_3219, %eq3A_3233 : vector<256x128xi1>
    %jit3A_3235 = arith.constant 0x7F800000 : f32
    %broadcast_in_dim3A_3236 = vector.broadcast %jit3A_3235 : f32 to vector<256x128xf32>
    %select_n3A_3237 = arith.select %and3A_3234, %broadcast_in_dim3A_3236, %select_n3A_3214 : vector<256x128xi1>, vector<256x128xf32>
    %reduce_min3A_3238 = arith.constant dense<0x7F800000> : vector<256xf32>
    %reduce_min3A_3239 = vector.multi_reduction <minimumf>, %select_n3A_3237, %reduce_min3A_3238 [1] : vector<256x128xf32> to vector<256xf32>
    %broadcast_in_dim3A_3240 = vector.shape_cast %reduce_min3A_3239 : vector<256xf32> to vector<256x1xf32>
    %eq3A_3241 = vector.broadcast %broadcast_in_dim3A_3240 : vector<256x1xf32> to vector<256x128xf32>
    %eq3A_3242 = arith.cmpf oeq, %select_n3A_3237, %eq3A_3241 : vector<256x128xf32>
    %jit3A_3243 = arith.constant 1073741824 : i32
    %broadcast_in_dim3A_3244 = vector.broadcast %jit3A_3243 : i32 to vector<256x128xi32>
    %select_n3A_3245 = arith.select %eq3A_3242, %select_n3A_3051, %broadcast_in_dim3A_3244 : vector<256x128xi1>, vector<256x128xi32>
    %reduce_min3A_3246 = arith.constant dense<2147483647> : vector<256xi32>
    %reduce_min3A_3247 = vector.multi_reduction <minsi>, %select_n3A_3245, %reduce_min3A_3246 [1] : vector<256x128xi32> to vector<256xi32>
    %broadcast_in_dim3A_3248 = vector.shape_cast %reduce_min3A_3247 : vector<256xi32> to vector<256x1xi32>
    %eq3A_3249 = arith.constant 8 : i32
    %eq3A_3250 = vector.broadcast %eq3A_3249 : i32 to vector<256x16xi32>
    %eq3A_3251 = arith.cmpi eq, %iota3A_62, %eq3A_3250 : vector<256x16xi32>
    %broadcast_in_dim3A_3252 = vector.shape_cast %broadcast_in_dim3A_3248 : vector<256x1xi32> to vector<256x1xi32>
    %broadcast_in_dim3A_3253 = vector.broadcast %broadcast_in_dim3A_3252 : vector<256x1xi32> to vector<256x16xi32>
    %select_n3A_3254 = arith.select %eq3A_3251, %broadcast_in_dim3A_3253, %select_n3A_3231 : vector<256x16xi1>, vector<256x16xi32>
    %eq3A_3255 = vector.broadcast %broadcast_in_dim3A_3248 : vector<256x1xi32> to vector<256x128xi32>
    %eq3A_3256 = arith.cmpi eq, %select_n3A_3051, %eq3A_3255 : vector<256x128xi32>
    %and3A_3257 = arith.andi %eq3A_3242, %eq3A_3256 : vector<256x128xi1>
    %jit3A_3258 = arith.constant 0x7F800000 : f32
    %broadcast_in_dim3A_3259 = vector.broadcast %jit3A_3258 : f32 to vector<256x128xf32>
    %select_n3A_3260 = arith.select %and3A_3257, %broadcast_in_dim3A_3259, %select_n3A_3237 : vector<256x128xi1>, vector<256x128xf32>
    %reduce_min3A_3261 = arith.constant dense<0x7F800000> : vector<256xf32>
    %reduce_min3A_3262 = vector.multi_reduction <minimumf>, %select_n3A_3260, %reduce_min3A_3261 [1] : vector<256x128xf32> to vector<256xf32>
    %broadcast_in_dim3A_3263 = vector.shape_cast %reduce_min3A_3262 : vector<256xf32> to vector<256x1xf32>
    %eq3A_3264 = vector.broadcast %broadcast_in_dim3A_3263 : vector<256x1xf32> to vector<256x128xf32>
    %eq3A_3265 = arith.cmpf oeq, %select_n3A_3260, %eq3A_3264 : vector<256x128xf32>
    %jit3A_3266 = arith.constant 1073741824 : i32
    %broadcast_in_dim3A_3267 = vector.broadcast %jit3A_3266 : i32 to vector<256x128xi32>
    %select_n3A_3268 = arith.select %eq3A_3265, %select_n3A_3051, %broadcast_in_dim3A_3267 : vector<256x128xi1>, vector<256x128xi32>
    %reduce_min3A_3269 = arith.constant dense<2147483647> : vector<256xi32>
    %reduce_min3A_3270 = vector.multi_reduction <minsi>, %select_n3A_3268, %reduce_min3A_3269 [1] : vector<256x128xi32> to vector<256xi32>
    %broadcast_in_dim3A_3271 = vector.shape_cast %reduce_min3A_3270 : vector<256xi32> to vector<256x1xi32>
    %eq3A_3272 = arith.constant 9 : i32
    %eq3A_3273 = vector.broadcast %eq3A_3272 : i32 to vector<256x16xi32>
    %eq3A_3274 = arith.cmpi eq, %iota3A_62, %eq3A_3273 : vector<256x16xi32>
    %broadcast_in_dim3A_3275 = vector.shape_cast %broadcast_in_dim3A_3271 : vector<256x1xi32> to vector<256x1xi32>
    %broadcast_in_dim3A_3276 = vector.broadcast %broadcast_in_dim3A_3275 : vector<256x1xi32> to vector<256x16xi32>
    %select_n3A_3277 = arith.select %eq3A_3274, %broadcast_in_dim3A_3276, %select_n3A_3254 : vector<256x16xi1>, vector<256x16xi32>
    %eq3A_3278 = vector.broadcast %broadcast_in_dim3A_3271 : vector<256x1xi32> to vector<256x128xi32>
    %eq3A_3279 = arith.cmpi eq, %select_n3A_3051, %eq3A_3278 : vector<256x128xi32>
    %and3A_3280 = arith.andi %eq3A_3265, %eq3A_3279 : vector<256x128xi1>
    %jit3A_3281 = arith.constant 0x7F800000 : f32
    %broadcast_in_dim3A_3282 = vector.broadcast %jit3A_3281 : f32 to vector<256x128xf32>
    %select_n3A_3283 = arith.select %and3A_3280, %broadcast_in_dim3A_3282, %select_n3A_3260 : vector<256x128xi1>, vector<256x128xf32>
    %reduce_min3A_3284 = arith.constant dense<0x7F800000> : vector<256xf32>
    %reduce_min3A_3285 = vector.multi_reduction <minimumf>, %select_n3A_3283, %reduce_min3A_3284 [1] : vector<256x128xf32> to vector<256xf32>
    %broadcast_in_dim3A_3286 = vector.shape_cast %reduce_min3A_3285 : vector<256xf32> to vector<256x1xf32>
    %eq3A_3287 = vector.broadcast %broadcast_in_dim3A_3286 : vector<256x1xf32> to vector<256x128xf32>
    %eq3A_3288 = arith.cmpf oeq, %select_n3A_3283, %eq3A_3287 : vector<256x128xf32>
    %jit3A_3289 = arith.constant 1073741824 : i32
    %broadcast_in_dim3A_3290 = vector.broadcast %jit3A_3289 : i32 to vector<256x128xi32>
    %select_n3A_3291 = arith.select %eq3A_3288, %select_n3A_3051, %broadcast_in_dim3A_3290 : vector<256x128xi1>, vector<256x128xi32>
    %reduce_min3A_3292 = arith.constant dense<2147483647> : vector<256xi32>
    %reduce_min3A_3293 = vector.multi_reduction <minsi>, %select_n3A_3291, %reduce_min3A_3292 [1] : vector<256x128xi32> to vector<256xi32>
    %broadcast_in_dim3A_3294 = vector.shape_cast %reduce_min3A_3293 : vector<256xi32> to vector<256x1xi32>
    %eq3A_3295 = arith.constant 10 : i32
    %eq3A_3296 = vector.broadcast %eq3A_3295 : i32 to vector<256x16xi32>
    %eq3A_3297 = arith.cmpi eq, %iota3A_62, %eq3A_3296 : vector<256x16xi32>
    %broadcast_in_dim3A_3298 = vector.shape_cast %broadcast_in_dim3A_3294 : vector<256x1xi32> to vector<256x1xi32>
    %broadcast_in_dim3A_3299 = vector.broadcast %broadcast_in_dim3A_3298 : vector<256x1xi32> to vector<256x16xi32>
    %select_n3A_3300 = arith.select %eq3A_3297, %broadcast_in_dim3A_3299, %select_n3A_3277 : vector<256x16xi1>, vector<256x16xi32>
    %eq3A_3301 = vector.broadcast %broadcast_in_dim3A_3294 : vector<256x1xi32> to vector<256x128xi32>
    %eq3A_3302 = arith.cmpi eq, %select_n3A_3051, %eq3A_3301 : vector<256x128xi32>
    %and3A_3303 = arith.andi %eq3A_3288, %eq3A_3302 : vector<256x128xi1>
    %jit3A_3304 = arith.constant 0x7F800000 : f32
    %broadcast_in_dim3A_3305 = vector.broadcast %jit3A_3304 : f32 to vector<256x128xf32>
    %select_n3A_3306 = arith.select %and3A_3303, %broadcast_in_dim3A_3305, %select_n3A_3283 : vector<256x128xi1>, vector<256x128xf32>
    %reduce_min3A_3307 = arith.constant dense<0x7F800000> : vector<256xf32>
    %reduce_min3A_3308 = vector.multi_reduction <minimumf>, %select_n3A_3306, %reduce_min3A_3307 [1] : vector<256x128xf32> to vector<256xf32>
    %broadcast_in_dim3A_3309 = vector.shape_cast %reduce_min3A_3308 : vector<256xf32> to vector<256x1xf32>
    %eq3A_3310 = vector.broadcast %broadcast_in_dim3A_3309 : vector<256x1xf32> to vector<256x128xf32>
    %eq3A_3311 = arith.cmpf oeq, %select_n3A_3306, %eq3A_3310 : vector<256x128xf32>
    %jit3A_3312 = arith.constant 1073741824 : i32
    %broadcast_in_dim3A_3313 = vector.broadcast %jit3A_3312 : i32 to vector<256x128xi32>
    %select_n3A_3314 = arith.select %eq3A_3311, %select_n3A_3051, %broadcast_in_dim3A_3313 : vector<256x128xi1>, vector<256x128xi32>
    %reduce_min3A_3315 = arith.constant dense<2147483647> : vector<256xi32>
    %reduce_min3A_3316 = vector.multi_reduction <minsi>, %select_n3A_3314, %reduce_min3A_3315 [1] : vector<256x128xi32> to vector<256xi32>
    %broadcast_in_dim3A_3317 = vector.shape_cast %reduce_min3A_3316 : vector<256xi32> to vector<256x1xi32>
    %eq3A_3318 = arith.constant 11 : i32
    %eq3A_3319 = vector.broadcast %eq3A_3318 : i32 to vector<256x16xi32>
    %eq3A_3320 = arith.cmpi eq, %iota3A_62, %eq3A_3319 : vector<256x16xi32>
    %broadcast_in_dim3A_3321 = vector.shape_cast %broadcast_in_dim3A_3317 : vector<256x1xi32> to vector<256x1xi32>
    %broadcast_in_dim3A_3322 = vector.broadcast %broadcast_in_dim3A_3321 : vector<256x1xi32> to vector<256x16xi32>
    %select_n3A_3323 = arith.select %eq3A_3320, %broadcast_in_dim3A_3322, %select_n3A_3300 : vector<256x16xi1>, vector<256x16xi32>
    %eq3A_3324 = vector.broadcast %broadcast_in_dim3A_3317 : vector<256x1xi32> to vector<256x128xi32>
    %eq3A_3325 = arith.cmpi eq, %select_n3A_3051, %eq3A_3324 : vector<256x128xi32>
    %and3A_3326 = arith.andi %eq3A_3311, %eq3A_3325 : vector<256x128xi1>
    %jit3A_3327 = arith.constant 0x7F800000 : f32
    %broadcast_in_dim3A_3328 = vector.broadcast %jit3A_3327 : f32 to vector<256x128xf32>
    %select_n3A_3329 = arith.select %and3A_3326, %broadcast_in_dim3A_3328, %select_n3A_3306 : vector<256x128xi1>, vector<256x128xf32>
    %reduce_min3A_3330 = arith.constant dense<0x7F800000> : vector<256xf32>
    %reduce_min3A_3331 = vector.multi_reduction <minimumf>, %select_n3A_3329, %reduce_min3A_3330 [1] : vector<256x128xf32> to vector<256xf32>
    %broadcast_in_dim3A_3332 = vector.shape_cast %reduce_min3A_3331 : vector<256xf32> to vector<256x1xf32>
    %eq3A_3333 = vector.broadcast %broadcast_in_dim3A_3332 : vector<256x1xf32> to vector<256x128xf32>
    %eq3A_3334 = arith.cmpf oeq, %select_n3A_3329, %eq3A_3333 : vector<256x128xf32>
    %jit3A_3335 = arith.constant 1073741824 : i32
    %broadcast_in_dim3A_3336 = vector.broadcast %jit3A_3335 : i32 to vector<256x128xi32>
    %select_n3A_3337 = arith.select %eq3A_3334, %select_n3A_3051, %broadcast_in_dim3A_3336 : vector<256x128xi1>, vector<256x128xi32>
    %reduce_min3A_3338 = arith.constant dense<2147483647> : vector<256xi32>
    %reduce_min3A_3339 = vector.multi_reduction <minsi>, %select_n3A_3337, %reduce_min3A_3338 [1] : vector<256x128xi32> to vector<256xi32>
    %broadcast_in_dim3A_3340 = vector.shape_cast %reduce_min3A_3339 : vector<256xi32> to vector<256x1xi32>
    %eq3A_3341 = arith.constant 12 : i32
    %eq3A_3342 = vector.broadcast %eq3A_3341 : i32 to vector<256x16xi32>
    %eq3A_3343 = arith.cmpi eq, %iota3A_62, %eq3A_3342 : vector<256x16xi32>
    %broadcast_in_dim3A_3344 = vector.shape_cast %broadcast_in_dim3A_3340 : vector<256x1xi32> to vector<256x1xi32>
    %broadcast_in_dim3A_3345 = vector.broadcast %broadcast_in_dim3A_3344 : vector<256x1xi32> to vector<256x16xi32>
    %select_n3A_3346 = arith.select %eq3A_3343, %broadcast_in_dim3A_3345, %select_n3A_3323 : vector<256x16xi1>, vector<256x16xi32>
    %eq3A_3347 = vector.broadcast %broadcast_in_dim3A_3340 : vector<256x1xi32> to vector<256x128xi32>
    %eq3A_3348 = arith.cmpi eq, %select_n3A_3051, %eq3A_3347 : vector<256x128xi32>
    %and3A_3349 = arith.andi %eq3A_3334, %eq3A_3348 : vector<256x128xi1>
    %jit3A_3350 = arith.constant 0x7F800000 : f32
    %broadcast_in_dim3A_3351 = vector.broadcast %jit3A_3350 : f32 to vector<256x128xf32>
    %select_n3A_3352 = arith.select %and3A_3349, %broadcast_in_dim3A_3351, %select_n3A_3329 : vector<256x128xi1>, vector<256x128xf32>
    %reduce_min3A_3353 = arith.constant dense<0x7F800000> : vector<256xf32>
    %reduce_min3A_3354 = vector.multi_reduction <minimumf>, %select_n3A_3352, %reduce_min3A_3353 [1] : vector<256x128xf32> to vector<256xf32>
    %broadcast_in_dim3A_3355 = vector.shape_cast %reduce_min3A_3354 : vector<256xf32> to vector<256x1xf32>
    %eq3A_3356 = vector.broadcast %broadcast_in_dim3A_3355 : vector<256x1xf32> to vector<256x128xf32>
    %eq3A_3357 = arith.cmpf oeq, %select_n3A_3352, %eq3A_3356 : vector<256x128xf32>
    %jit3A_3358 = arith.constant 1073741824 : i32
    %broadcast_in_dim3A_3359 = vector.broadcast %jit3A_3358 : i32 to vector<256x128xi32>
    %select_n3A_3360 = arith.select %eq3A_3357, %select_n3A_3051, %broadcast_in_dim3A_3359 : vector<256x128xi1>, vector<256x128xi32>
    %reduce_min3A_3361 = arith.constant dense<2147483647> : vector<256xi32>
    %reduce_min3A_3362 = vector.multi_reduction <minsi>, %select_n3A_3360, %reduce_min3A_3361 [1] : vector<256x128xi32> to vector<256xi32>
    %broadcast_in_dim3A_3363 = vector.shape_cast %reduce_min3A_3362 : vector<256xi32> to vector<256x1xi32>
    %eq3A_3364 = arith.constant 13 : i32
    %eq3A_3365 = vector.broadcast %eq3A_3364 : i32 to vector<256x16xi32>
    %eq3A_3366 = arith.cmpi eq, %iota3A_62, %eq3A_3365 : vector<256x16xi32>
    %broadcast_in_dim3A_3367 = vector.shape_cast %broadcast_in_dim3A_3363 : vector<256x1xi32> to vector<256x1xi32>
    %broadcast_in_dim3A_3368 = vector.broadcast %broadcast_in_dim3A_3367 : vector<256x1xi32> to vector<256x16xi32>
    %select_n3A_3369 = arith.select %eq3A_3366, %broadcast_in_dim3A_3368, %select_n3A_3346 : vector<256x16xi1>, vector<256x16xi32>
    %eq3A_3370 = vector.broadcast %broadcast_in_dim3A_3363 : vector<256x1xi32> to vector<256x128xi32>
    %eq3A_3371 = arith.cmpi eq, %select_n3A_3051, %eq3A_3370 : vector<256x128xi32>
    %and3A_3372 = arith.andi %eq3A_3357, %eq3A_3371 : vector<256x128xi1>
    %jit3A_3373 = arith.constant 0x7F800000 : f32
    %broadcast_in_dim3A_3374 = vector.broadcast %jit3A_3373 : f32 to vector<256x128xf32>
    %select_n3A_3375 = arith.select %and3A_3372, %broadcast_in_dim3A_3374, %select_n3A_3352 : vector<256x128xi1>, vector<256x128xf32>
    %reduce_min3A_3376 = arith.constant dense<0x7F800000> : vector<256xf32>
    %reduce_min3A_3377 = vector.multi_reduction <minimumf>, %select_n3A_3375, %reduce_min3A_3376 [1] : vector<256x128xf32> to vector<256xf32>
    %broadcast_in_dim3A_3378 = vector.shape_cast %reduce_min3A_3377 : vector<256xf32> to vector<256x1xf32>
    %eq3A_3379 = vector.broadcast %broadcast_in_dim3A_3378 : vector<256x1xf32> to vector<256x128xf32>
    %eq3A_3380 = arith.cmpf oeq, %select_n3A_3375, %eq3A_3379 : vector<256x128xf32>
    %jit3A_3381 = arith.constant 1073741824 : i32
    %broadcast_in_dim3A_3382 = vector.broadcast %jit3A_3381 : i32 to vector<256x128xi32>
    %select_n3A_3383 = arith.select %eq3A_3380, %select_n3A_3051, %broadcast_in_dim3A_3382 : vector<256x128xi1>, vector<256x128xi32>
    %reduce_min3A_3384 = arith.constant dense<2147483647> : vector<256xi32>
    %reduce_min3A_3385 = vector.multi_reduction <minsi>, %select_n3A_3383, %reduce_min3A_3384 [1] : vector<256x128xi32> to vector<256xi32>
    %broadcast_in_dim3A_3386 = vector.shape_cast %reduce_min3A_3385 : vector<256xi32> to vector<256x1xi32>
    %eq3A_3387 = arith.constant 14 : i32
    %eq3A_3388 = vector.broadcast %eq3A_3387 : i32 to vector<256x16xi32>
    %eq3A_3389 = arith.cmpi eq, %iota3A_62, %eq3A_3388 : vector<256x16xi32>
    %broadcast_in_dim3A_3390 = vector.shape_cast %broadcast_in_dim3A_3386 : vector<256x1xi32> to vector<256x1xi32>
    %broadcast_in_dim3A_3391 = vector.broadcast %broadcast_in_dim3A_3390 : vector<256x1xi32> to vector<256x16xi32>
    %select_n3A_3392 = arith.select %eq3A_3389, %broadcast_in_dim3A_3391, %select_n3A_3369 : vector<256x16xi1>, vector<256x16xi32>
    %eq3A_3393 = vector.broadcast %broadcast_in_dim3A_3386 : vector<256x1xi32> to vector<256x128xi32>
    %eq3A_3394 = arith.cmpi eq, %select_n3A_3051, %eq3A_3393 : vector<256x128xi32>
    %and3A_3395 = arith.andi %eq3A_3380, %eq3A_3394 : vector<256x128xi1>
    %jit3A_3396 = arith.constant 0x7F800000 : f32
    %broadcast_in_dim3A_3397 = vector.broadcast %jit3A_3396 : f32 to vector<256x128xf32>
    %select_n3A_3398 = arith.select %and3A_3395, %broadcast_in_dim3A_3397, %select_n3A_3375 : vector<256x128xi1>, vector<256x128xf32>
    %reduce_min3A_3399 = arith.constant dense<0x7F800000> : vector<256xf32>
    %reduce_min3A_3400 = vector.multi_reduction <minimumf>, %select_n3A_3398, %reduce_min3A_3399 [1] : vector<256x128xf32> to vector<256xf32>
    %broadcast_in_dim3A_3401 = vector.shape_cast %reduce_min3A_3400 : vector<256xf32> to vector<256x1xf32>
    %eq3A_3402 = vector.broadcast %broadcast_in_dim3A_3401 : vector<256x1xf32> to vector<256x128xf32>
    %eq3A_3403 = arith.cmpf oeq, %select_n3A_3398, %eq3A_3402 : vector<256x128xf32>
    %jit3A_3404 = arith.constant 1073741824 : i32
    %broadcast_in_dim3A_3405 = vector.broadcast %jit3A_3404 : i32 to vector<256x128xi32>
    %select_n3A_3406 = arith.select %eq3A_3403, %select_n3A_3051, %broadcast_in_dim3A_3405 : vector<256x128xi1>, vector<256x128xi32>
    %reduce_min3A_3407 = arith.constant dense<2147483647> : vector<256xi32>
    %reduce_min3A_3408 = vector.multi_reduction <minsi>, %select_n3A_3406, %reduce_min3A_3407 [1] : vector<256x128xi32> to vector<256xi32>
    %broadcast_in_dim3A_3409 = vector.shape_cast %reduce_min3A_3408 : vector<256xi32> to vector<256x1xi32>
    %eq3A_3410 = arith.constant 15 : i32
    %eq3A_3411 = vector.broadcast %eq3A_3410 : i32 to vector<256x16xi32>
    %eq3A_3412 = arith.cmpi eq, %iota3A_62, %eq3A_3411 : vector<256x16xi32>
    %broadcast_in_dim3A_3413 = vector.shape_cast %broadcast_in_dim3A_3409 : vector<256x1xi32> to vector<256x1xi32>
    %broadcast_in_dim3A_3414 = vector.broadcast %broadcast_in_dim3A_3413 : vector<256x1xi32> to vector<256x16xi32>
    %select_n3A_3415 = arith.select %eq3A_3412, %broadcast_in_dim3A_3414, %select_n3A_3392 : vector<256x16xi1>, vector<256x16xi32>
    %mul3A_3416 = arith.constant 8192 : i32
    %mul3A_3417 = arith.muli %arg0, %mul3A_3416 : i32
    %add3A_3418 = vector.broadcast %mul3A_3417 : i32 to vector<256x16xi32>
    %add3A_3419 = arith.addi %select_n3A_3415, %add3A_3418 : vector<256x16xi32>
    %swap3A = arith.constant 0 : index
    %swap3A_3420 = arith.constant 0 : index
    %swap3A_3421 = arith.constant 0 : index
    %swap3A_3422 = vector.load %arg9[%swap3A, %swap3A_3420, %swap3A_3421] : memref<1x256x16xi32, #tpu.memory_space<vmem>>, vector<1x256x16xi32>
    %swap3A_3423 = vector.shape_cast %swap3A_3422 : vector<1x256x16xi32> to vector<256x16xi32>
    %swap3A_3424 = vector.shape_cast %add3A_3419 : vector<256x16xi32> to vector<1x256x16xi32>
    tpu.vector_store %arg9[%swap3A, %swap3A_3420, %swap3A_3421], %swap3A_3424 {strides = array<i32>} : memref<1x256x16xi32, #tpu.memory_space<vmem>>, vector<1x256x16xi32>,
    %get3A_3425 = arith.constant 0 : index
    %get3A_3426 = arith.constant 0 : index
    %get3A_3427 = arith.constant 0 : index
    %get3A_3428 = vector.load %arg3[%get3A_3425, %get3A_3426, %get3A_3427] : memref<1x3x1024xf32, #tpu.memory_space<vmem>>, vector<1x3x1024xf32>
    %get3A_3429 = vector.shape_cast %get3A_3428 : vector<1x3x1024xf32> to vector<3x1024xf32>
    %get3A_3430 = arith.constant 0 : index
    %get3A_3431 = arith.constant 0 : index
    %get3A_3432 = vector.load %arg6[%get3A_3430, %get3A_3431] : memref<3x32xf32, #tpu.memory_space<vmem>>, vector<3x32xf32>
    %dot_general3A_3433 = arith.constant dense<0.000000e+00> : vector<1024x32xf32>
    %dot_general3A_3434 = tpu.matmul %get3A_3429, %get3A_3432, %dot_general3A_3433 {dimension_numbers = #tpu.dot_dimension_numbers<[0], [0], [1], [1], [0, 1, 1, 1], [], []>, transpose_lhs_hint = false} : vector<3x1024xf32>, vector<3x32xf32>, vector<1024x32xf32> -> vector<1024x32xf32>
    %get3A_3435 = arith.constant 0 : index
    %get3A_3436 = arith.constant 0 : index
    %get3A_3437 = arith.constant 0 : index
    %get3A_3438 = vector.load %arg5[%get3A_3435, %get3A_3436, %get3A_3437] : memref<1x16x1024xf32, #tpu.memory_space<vmem>>, vector<1x16x1024xf32>
    %get3A_3439 = vector.shape_cast %get3A_3438 : vector<1x16x1024xf32> to vector<16x1024xf32>
    %get3A_3440 = arith.constant 0 : index
    %get3A_3441 = arith.constant 0 : index
    %get3A_3442 = vector.load %arg7[%get3A_3440, %get3A_3441] : memref<16x32xf32, #tpu.memory_space<vmem>>, vector<16x32xf32>
    %dot_general3A_3443 = arith.constant dense<0.000000e+00> : vector<1024x32xf32>
    %dot_general3A_3444 = tpu.matmul %get3A_3439, %get3A_3442, %dot_general3A_3443 {dimension_numbers = #tpu.dot_dimension_numbers<[0], [0], [1], [1], [0, 1, 1, 1], [], []>, transpose_lhs_hint = false} : vector<16x1024xf32>, vector<16x32xf32>, vector<1024x32xf32> -> vector<1024x32xf32>
    %add3A_3445 = arith.addf %dot_general3A_3434, %dot_general3A_3444 : vector<1024x32xf32>
    %get3A_3446 = arith.constant 0 : index
    %get3A_3447 = arith.constant 0 : index
    %get3A_3448 = vector.load %arg8[%get3A_3446, %get3A_3447] : memref<1x32xf32, #tpu.memory_space<vmem>>, vector<1x32xf32>
    %add3A_3449 = vector.broadcast %get3A_3448 : vector<1x32xf32> to vector<1024x32xf32>
    %add3A_3450 = arith.addf %add3A_3445, %add3A_3449 : vector<1024x32xf32>
    %swap3A_3451 = arith.constant 0 : index
    %swap3A_3452 = arith.constant 0 : index
    %swap3A_3453 = arith.constant 0 : index
    %swap3A_3454 = vector.load %arg10[%swap3A_3451, %swap3A_3452, %swap3A_3453] : memref<1x1024x32xf32, #tpu.memory_space<vmem>>, vector<1x1024x32xf32>
    %swap3A_3455 = vector.shape_cast %swap3A_3454 : vector<1x1024x32xf32> to vector<1024x32xf32>
    %swap3A_3456 = vector.shape_cast %add3A_3450 : vector<1024x32xf32> to vector<1x1024x32xf32>
    tpu.vector_store %arg10[%swap3A_3451, %swap3A_3452, %swap3A_3453], %swap3A_3456 {strides = array<i32>} : memref<1x1024x32xf32, #tpu.memory_space<vmem>>, vector<1x1024x32xf32>,
    %get3A_3457 = arith.constant 0 : index
    %get3A_3458 = arith.constant 0 : index
    %get3A_3459 = vector.load %arg6[%get3A_3457, %get3A_3458] : memref<3x32xf32, #tpu.memory_space<vmem>>, vector<3x32xf32>
    %dot_general3A_3460 = arith.constant dense<0.000000e+00> : vector<256x32xf32>
    %dot_general3A_3461 = tpu.matmul %get3A_8, %get3A_3459, %dot_general3A_3460 {dimension_numbers = #tpu.dot_dimension_numbers<[0], [0], [1], [1], [0, 1, 1, 1], [], []>, transpose_lhs_hint = false} : vector<3x256xf32>, vector<3x32xf32>, vector<256x32xf32> -> vector<256x32xf32>
    %swap3A_3462 = arith.constant 0 : index
    %swap3A_3463 = arith.constant 0 : index
    %swap3A_3464 = arith.constant 0 : index
    %swap3A_3465 = vector.load %arg11[%swap3A_3462, %swap3A_3463, %swap3A_3464] : memref<1x256x32xf32, #tpu.memory_space<vmem>>, vector<1x256x32xf32>
    %swap3A_3466 = vector.shape_cast %swap3A_3465 : vector<1x256x32xf32> to vector<256x32xf32>
    %swap3A_3467 = vector.shape_cast %dot_general3A_3461 : vector<256x32xf32> to vector<1x256x32xf32>
    tpu.vector_store %arg11[%swap3A_3462, %swap3A_3463, %swap3A_3464], %swap3A_3467 {strides = array<i32>} : memref<1x256x32xf32, #tpu.memory_space<vmem>>, vector<1x256x32xf32>,
    return
  }
  func.func @transform_0(%arg0: i32, %arg1: i32) -> (i32, i32, i32) {
    %c0_i32 = arith.constant 0 : i32
    %c0_i32_0 = arith.constant 0 : i32
    %c0_i32_1 = arith.constant 0 : i32
    return %arg0, %c0_i32, %c0_i32_0 : i32, i32, i32
  }
  func.func @transform_1(%arg0: i32, %arg1: i32) -> (i32, i32, i32) {
    %c0_i32 = arith.constant 0 : i32
    %c0_i32_0 = arith.constant 0 : i32
    return %arg0, %c0_i32, %arg1 : i32, i32, i32
  }
  func.func @transform_2(%arg0: i32, %arg1: i32) -> (i32, i32, i32) {
    %c0_i32 = arith.constant 0 : i32
    %c0_i32_0 = arith.constant 0 : i32
    return %arg0, %c0_i32, %arg1 : i32, i32, i32
  }
  func.func @transform_3(%arg0: i32, %arg1: i32) -> (i32, i32, i32) {
    %c0_i32 = arith.constant 0 : i32
    %c0_i32_0 = arith.constant 0 : i32
    return %arg0, %c0_i32, %arg1 : i32, i32, i32
  }
  func.func @transform_4(%arg0: i32, %arg1: i32) -> (i32, i32) {
    %c0_i32 = arith.constant 0 : i32
    %c0_i32_0 = arith.constant 0 : i32
    %c0_i32_1 = arith.constant 0 : i32
    return %c0_i32, %c0_i32_0 : i32, i32
  }
  func.func @transform_5(%arg0: i32, %arg1: i32) -> (i32, i32) {
    %c0_i32 = arith.constant 0 : i32
    %c0_i32_0 = arith.constant 0 : i32
    %c0_i32_1 = arith.constant 0 : i32
    return %c0_i32, %c0_i32_0 : i32, i32
  }
  func.func @transform_6(%arg0: i32, %arg1: i32) -> (i32, i32) {
    %c0_i32 = arith.constant 0 : i32
    %c0_i32_0 = arith.constant 0 : i32
    %c0_i32_1 = arith.constant 0 : i32
    return %c0_i32, %c0_i32_0 : i32, i32
  }
  func.func @transform_7(%arg0: i32, %arg1: i32) -> (i32, i32, i32) {
    %c0_i32 = arith.constant 0 : i32
    %c0_i32_0 = arith.constant 0 : i32
    return %arg0, %arg1, %c0_i32 : i32, i32, i32
  }
  func.func @transform_8(%arg0: i32, %arg1: i32) -> (i32, i32, i32) {
    %c0_i32 = arith.constant 0 : i32
    %c0_i32_0 = arith.constant 0 : i32
    return %arg0, %arg1, %c0_i32 : i32, i32, i32
  }
  func.func @transform_9(%arg0: i32, %arg1: i32) -> (i32, i32, i32) {
    %c0_i32 = arith.constant 0 : i32
    %c0_i32_0 = arith.constant 0 : i32
    return %arg0, %arg1, %c0_i32 : i32, i32, i32
  }
}

module attributes {stable_mosaic.version = 14 : i64} {
  func.func @_mlp_body(%arg0: i32, %arg1: memref<16x256x32xf32, #tpu.memory_space<vmem>>, %arg2: memref<256x32xf32, #tpu.memory_space<vmem>>, %arg3: memref<32x64xf32, #tpu.memory_space<vmem>>, %arg4: memref<1x64xf32, #tpu.memory_space<vmem>>, %arg5: memref<256x64xf32, #tpu.memory_space<vmem>>) attributes {dimension_semantics = [#tpu.dimension_semantics<arbitrary>], iteration_bounds = array<i64: 16>, scalar_prefetch = 0 : i64, scratch_operands = 0 : i64, tpu.core_type = #tpu.core_type<tc>, window_params = [{transform_indices = @transform_0, window_bounds = array<i64: 16, 256, 32>}, {transform_indices = @transform_1, window_bounds = array<i64: 256, 32>}, {pipeline_mode = #tpu.pipeline_mode<synchronous>, transform_indices = @transform_2, window_bounds = array<i64: 32, 64>}, {pipeline_mode = #tpu.pipeline_mode<synchronous>, transform_indices = @transform_3, window_bounds = array<i64: 1, 64>}, {transform_indices = @transform_4, window_bounds = array<i64: 256, 64>}]} {
    %get3A = arith.constant 0 : index
    %get3A_0 = arith.constant 0 : index
    %get3A_1 = vector.load %arg2[%get3A, %get3A_0] : memref<256x32xf32, #tpu.memory_space<vmem>>, vector<256x32xf32>
    %get3A_2 = arith.constant 0 : index
    %get3A_3 = arith.constant 0 : index
    %get3A_4 = vector.load %arg3[%get3A_2, %get3A_3] : memref<32x64xf32, #tpu.memory_space<vmem>>, vector<32x64xf32>
    %get3A_5 = arith.constant 0 : index
    %get3A_6 = arith.constant 0 : index
    %get3A_7 = vector.load %arg4[%get3A_5, %get3A_6] : memref<1x64xf32, #tpu.memory_space<vmem>>, vector<1x64xf32>
    %broadcast_in_dim3A = arith.constant 0.000000e+00 : f32
    %broadcast_in_dim3A_8 = vector.broadcast %broadcast_in_dim3A : f32 to vector<256x64xf32>
    %get3A_9 = arith.constant 0 : index
    %get3A_10 = arith.constant 0 : index
    %get3A_11 = arith.constant 0 : index
    %get3A_12 = vector.load %arg1[%get3A_9, %get3A_10, %get3A_11] : memref<16x256x32xf32, #tpu.memory_space<vmem>>, vector<1x256x32xf32>
    %get3A_13 = vector.shape_cast %get3A_12 : vector<1x256x32xf32> to vector<256x32xf32>
    %sub3A = arith.subf %get3A_13, %get3A_1 : vector<256x32xf32>
    %max3A = arith.constant 0.000000e+00 : f32
    %max3A_14 = vector.broadcast %max3A : f32 to vector<256x32xf32>
    %max3A_15 = arith.maximumf %sub3A, %max3A_14 : vector<256x32xf32>
    %dot_general3A = arith.constant dense<0.000000e+00> : vector<256x64xf32>
    %dot_general3A_16 = tpu.matmul %max3A_15, %get3A_4, %dot_general3A {dimension_numbers = #tpu.dot_dimension_numbers<[1], [0], [0], [1], [0, 0, 1, 1], [], []>, transpose_lhs_hint = false} : vector<256x32xf32>, vector<32x64xf32>, vector<256x64xf32> -> vector<256x64xf32>
    %add3A = vector.broadcast %get3A_7 : vector<1x64xf32> to vector<256x64xf32>
    %add3A_17 = arith.addf %dot_general3A_16, %add3A : vector<256x64xf32>
    %max3A_18 = arith.constant 0.000000e+00 : f32
    %max3A_19 = vector.broadcast %max3A_18 : f32 to vector<256x64xf32>
    %max3A_20 = arith.maximumf %add3A_17, %max3A_19 : vector<256x64xf32>
    %max3A_21 = arith.maximumf %broadcast_in_dim3A_8, %max3A_20 : vector<256x64xf32>
    %get3A_22 = arith.constant 1 : index
    %get3A_23 = arith.constant 0 : index
    %get3A_24 = arith.constant 0 : index
    %get3A_25 = vector.load %arg1[%get3A_22, %get3A_23, %get3A_24] : memref<16x256x32xf32, #tpu.memory_space<vmem>>, vector<1x256x32xf32>
    %get3A_26 = vector.shape_cast %get3A_25 : vector<1x256x32xf32> to vector<256x32xf32>
    %sub3A_27 = arith.subf %get3A_26, %get3A_1 : vector<256x32xf32>
    %max3A_28 = arith.constant 0.000000e+00 : f32
    %max3A_29 = vector.broadcast %max3A_28 : f32 to vector<256x32xf32>
    %max3A_30 = arith.maximumf %sub3A_27, %max3A_29 : vector<256x32xf32>
    %dot_general3A_31 = arith.constant dense<0.000000e+00> : vector<256x64xf32>
    %dot_general3A_32 = tpu.matmul %max3A_30, %get3A_4, %dot_general3A_31 {dimension_numbers = #tpu.dot_dimension_numbers<[1], [0], [0], [1], [0, 0, 1, 1], [], []>, transpose_lhs_hint = false} : vector<256x32xf32>, vector<32x64xf32>, vector<256x64xf32> -> vector<256x64xf32>
    %add3A_33 = vector.broadcast %get3A_7 : vector<1x64xf32> to vector<256x64xf32>
    %add3A_34 = arith.addf %dot_general3A_32, %add3A_33 : vector<256x64xf32>
    %max3A_35 = arith.constant 0.000000e+00 : f32
    %max3A_36 = vector.broadcast %max3A_35 : f32 to vector<256x64xf32>
    %max3A_37 = arith.maximumf %add3A_34, %max3A_36 : vector<256x64xf32>
    %max3A_38 = arith.maximumf %max3A_21, %max3A_37 : vector<256x64xf32>
    %get3A_39 = arith.constant 2 : index
    %get3A_40 = arith.constant 0 : index
    %get3A_41 = arith.constant 0 : index
    %get3A_42 = vector.load %arg1[%get3A_39, %get3A_40, %get3A_41] : memref<16x256x32xf32, #tpu.memory_space<vmem>>, vector<1x256x32xf32>
    %get3A_43 = vector.shape_cast %get3A_42 : vector<1x256x32xf32> to vector<256x32xf32>
    %sub3A_44 = arith.subf %get3A_43, %get3A_1 : vector<256x32xf32>
    %max3A_45 = arith.constant 0.000000e+00 : f32
    %max3A_46 = vector.broadcast %max3A_45 : f32 to vector<256x32xf32>
    %max3A_47 = arith.maximumf %sub3A_44, %max3A_46 : vector<256x32xf32>
    %dot_general3A_48 = arith.constant dense<0.000000e+00> : vector<256x64xf32>
    %dot_general3A_49 = tpu.matmul %max3A_47, %get3A_4, %dot_general3A_48 {dimension_numbers = #tpu.dot_dimension_numbers<[1], [0], [0], [1], [0, 0, 1, 1], [], []>, transpose_lhs_hint = false} : vector<256x32xf32>, vector<32x64xf32>, vector<256x64xf32> -> vector<256x64xf32>
    %add3A_50 = vector.broadcast %get3A_7 : vector<1x64xf32> to vector<256x64xf32>
    %add3A_51 = arith.addf %dot_general3A_49, %add3A_50 : vector<256x64xf32>
    %max3A_52 = arith.constant 0.000000e+00 : f32
    %max3A_53 = vector.broadcast %max3A_52 : f32 to vector<256x64xf32>
    %max3A_54 = arith.maximumf %add3A_51, %max3A_53 : vector<256x64xf32>
    %max3A_55 = arith.maximumf %max3A_38, %max3A_54 : vector<256x64xf32>
    %get3A_56 = arith.constant 3 : index
    %get3A_57 = arith.constant 0 : index
    %get3A_58 = arith.constant 0 : index
    %get3A_59 = vector.load %arg1[%get3A_56, %get3A_57, %get3A_58] : memref<16x256x32xf32, #tpu.memory_space<vmem>>, vector<1x256x32xf32>
    %get3A_60 = vector.shape_cast %get3A_59 : vector<1x256x32xf32> to vector<256x32xf32>
    %sub3A_61 = arith.subf %get3A_60, %get3A_1 : vector<256x32xf32>
    %max3A_62 = arith.constant 0.000000e+00 : f32
    %max3A_63 = vector.broadcast %max3A_62 : f32 to vector<256x32xf32>
    %max3A_64 = arith.maximumf %sub3A_61, %max3A_63 : vector<256x32xf32>
    %dot_general3A_65 = arith.constant dense<0.000000e+00> : vector<256x64xf32>
    %dot_general3A_66 = tpu.matmul %max3A_64, %get3A_4, %dot_general3A_65 {dimension_numbers = #tpu.dot_dimension_numbers<[1], [0], [0], [1], [0, 0, 1, 1], [], []>, transpose_lhs_hint = false} : vector<256x32xf32>, vector<32x64xf32>, vector<256x64xf32> -> vector<256x64xf32>
    %add3A_67 = vector.broadcast %get3A_7 : vector<1x64xf32> to vector<256x64xf32>
    %add3A_68 = arith.addf %dot_general3A_66, %add3A_67 : vector<256x64xf32>
    %max3A_69 = arith.constant 0.000000e+00 : f32
    %max3A_70 = vector.broadcast %max3A_69 : f32 to vector<256x64xf32>
    %max3A_71 = arith.maximumf %add3A_68, %max3A_70 : vector<256x64xf32>
    %max3A_72 = arith.maximumf %max3A_55, %max3A_71 : vector<256x64xf32>
    %get3A_73 = arith.constant 4 : index
    %get3A_74 = arith.constant 0 : index
    %get3A_75 = arith.constant 0 : index
    %get3A_76 = vector.load %arg1[%get3A_73, %get3A_74, %get3A_75] : memref<16x256x32xf32, #tpu.memory_space<vmem>>, vector<1x256x32xf32>
    %get3A_77 = vector.shape_cast %get3A_76 : vector<1x256x32xf32> to vector<256x32xf32>
    %sub3A_78 = arith.subf %get3A_77, %get3A_1 : vector<256x32xf32>
    %max3A_79 = arith.constant 0.000000e+00 : f32
    %max3A_80 = vector.broadcast %max3A_79 : f32 to vector<256x32xf32>
    %max3A_81 = arith.maximumf %sub3A_78, %max3A_80 : vector<256x32xf32>
    %dot_general3A_82 = arith.constant dense<0.000000e+00> : vector<256x64xf32>
    %dot_general3A_83 = tpu.matmul %max3A_81, %get3A_4, %dot_general3A_82 {dimension_numbers = #tpu.dot_dimension_numbers<[1], [0], [0], [1], [0, 0, 1, 1], [], []>, transpose_lhs_hint = false} : vector<256x32xf32>, vector<32x64xf32>, vector<256x64xf32> -> vector<256x64xf32>
    %add3A_84 = vector.broadcast %get3A_7 : vector<1x64xf32> to vector<256x64xf32>
    %add3A_85 = arith.addf %dot_general3A_83, %add3A_84 : vector<256x64xf32>
    %max3A_86 = arith.constant 0.000000e+00 : f32
    %max3A_87 = vector.broadcast %max3A_86 : f32 to vector<256x64xf32>
    %max3A_88 = arith.maximumf %add3A_85, %max3A_87 : vector<256x64xf32>
    %max3A_89 = arith.maximumf %max3A_72, %max3A_88 : vector<256x64xf32>
    %get3A_90 = arith.constant 5 : index
    %get3A_91 = arith.constant 0 : index
    %get3A_92 = arith.constant 0 : index
    %get3A_93 = vector.load %arg1[%get3A_90, %get3A_91, %get3A_92] : memref<16x256x32xf32, #tpu.memory_space<vmem>>, vector<1x256x32xf32>
    %get3A_94 = vector.shape_cast %get3A_93 : vector<1x256x32xf32> to vector<256x32xf32>
    %sub3A_95 = arith.subf %get3A_94, %get3A_1 : vector<256x32xf32>
    %max3A_96 = arith.constant 0.000000e+00 : f32
    %max3A_97 = vector.broadcast %max3A_96 : f32 to vector<256x32xf32>
    %max3A_98 = arith.maximumf %sub3A_95, %max3A_97 : vector<256x32xf32>
    %dot_general3A_99 = arith.constant dense<0.000000e+00> : vector<256x64xf32>
    %dot_general3A_100 = tpu.matmul %max3A_98, %get3A_4, %dot_general3A_99 {dimension_numbers = #tpu.dot_dimension_numbers<[1], [0], [0], [1], [0, 0, 1, 1], [], []>, transpose_lhs_hint = false} : vector<256x32xf32>, vector<32x64xf32>, vector<256x64xf32> -> vector<256x64xf32>
    %add3A_101 = vector.broadcast %get3A_7 : vector<1x64xf32> to vector<256x64xf32>
    %add3A_102 = arith.addf %dot_general3A_100, %add3A_101 : vector<256x64xf32>
    %max3A_103 = arith.constant 0.000000e+00 : f32
    %max3A_104 = vector.broadcast %max3A_103 : f32 to vector<256x64xf32>
    %max3A_105 = arith.maximumf %add3A_102, %max3A_104 : vector<256x64xf32>
    %max3A_106 = arith.maximumf %max3A_89, %max3A_105 : vector<256x64xf32>
    %get3A_107 = arith.constant 6 : index
    %get3A_108 = arith.constant 0 : index
    %get3A_109 = arith.constant 0 : index
    %get3A_110 = vector.load %arg1[%get3A_107, %get3A_108, %get3A_109] : memref<16x256x32xf32, #tpu.memory_space<vmem>>, vector<1x256x32xf32>
    %get3A_111 = vector.shape_cast %get3A_110 : vector<1x256x32xf32> to vector<256x32xf32>
    %sub3A_112 = arith.subf %get3A_111, %get3A_1 : vector<256x32xf32>
    %max3A_113 = arith.constant 0.000000e+00 : f32
    %max3A_114 = vector.broadcast %max3A_113 : f32 to vector<256x32xf32>
    %max3A_115 = arith.maximumf %sub3A_112, %max3A_114 : vector<256x32xf32>
    %dot_general3A_116 = arith.constant dense<0.000000e+00> : vector<256x64xf32>
    %dot_general3A_117 = tpu.matmul %max3A_115, %get3A_4, %dot_general3A_116 {dimension_numbers = #tpu.dot_dimension_numbers<[1], [0], [0], [1], [0, 0, 1, 1], [], []>, transpose_lhs_hint = false} : vector<256x32xf32>, vector<32x64xf32>, vector<256x64xf32> -> vector<256x64xf32>
    %add3A_118 = vector.broadcast %get3A_7 : vector<1x64xf32> to vector<256x64xf32>
    %add3A_119 = arith.addf %dot_general3A_117, %add3A_118 : vector<256x64xf32>
    %max3A_120 = arith.constant 0.000000e+00 : f32
    %max3A_121 = vector.broadcast %max3A_120 : f32 to vector<256x64xf32>
    %max3A_122 = arith.maximumf %add3A_119, %max3A_121 : vector<256x64xf32>
    %max3A_123 = arith.maximumf %max3A_106, %max3A_122 : vector<256x64xf32>
    %get3A_124 = arith.constant 7 : index
    %get3A_125 = arith.constant 0 : index
    %get3A_126 = arith.constant 0 : index
    %get3A_127 = vector.load %arg1[%get3A_124, %get3A_125, %get3A_126] : memref<16x256x32xf32, #tpu.memory_space<vmem>>, vector<1x256x32xf32>
    %get3A_128 = vector.shape_cast %get3A_127 : vector<1x256x32xf32> to vector<256x32xf32>
    %sub3A_129 = arith.subf %get3A_128, %get3A_1 : vector<256x32xf32>
    %max3A_130 = arith.constant 0.000000e+00 : f32
    %max3A_131 = vector.broadcast %max3A_130 : f32 to vector<256x32xf32>
    %max3A_132 = arith.maximumf %sub3A_129, %max3A_131 : vector<256x32xf32>
    %dot_general3A_133 = arith.constant dense<0.000000e+00> : vector<256x64xf32>
    %dot_general3A_134 = tpu.matmul %max3A_132, %get3A_4, %dot_general3A_133 {dimension_numbers = #tpu.dot_dimension_numbers<[1], [0], [0], [1], [0, 0, 1, 1], [], []>, transpose_lhs_hint = false} : vector<256x32xf32>, vector<32x64xf32>, vector<256x64xf32> -> vector<256x64xf32>
    %add3A_135 = vector.broadcast %get3A_7 : vector<1x64xf32> to vector<256x64xf32>
    %add3A_136 = arith.addf %dot_general3A_134, %add3A_135 : vector<256x64xf32>
    %max3A_137 = arith.constant 0.000000e+00 : f32
    %max3A_138 = vector.broadcast %max3A_137 : f32 to vector<256x64xf32>
    %max3A_139 = arith.maximumf %add3A_136, %max3A_138 : vector<256x64xf32>
    %max3A_140 = arith.maximumf %max3A_123, %max3A_139 : vector<256x64xf32>
    %get3A_141 = arith.constant 8 : index
    %get3A_142 = arith.constant 0 : index
    %get3A_143 = arith.constant 0 : index
    %get3A_144 = vector.load %arg1[%get3A_141, %get3A_142, %get3A_143] : memref<16x256x32xf32, #tpu.memory_space<vmem>>, vector<1x256x32xf32>
    %get3A_145 = vector.shape_cast %get3A_144 : vector<1x256x32xf32> to vector<256x32xf32>
    %sub3A_146 = arith.subf %get3A_145, %get3A_1 : vector<256x32xf32>
    %max3A_147 = arith.constant 0.000000e+00 : f32
    %max3A_148 = vector.broadcast %max3A_147 : f32 to vector<256x32xf32>
    %max3A_149 = arith.maximumf %sub3A_146, %max3A_148 : vector<256x32xf32>
    %dot_general3A_150 = arith.constant dense<0.000000e+00> : vector<256x64xf32>
    %dot_general3A_151 = tpu.matmul %max3A_149, %get3A_4, %dot_general3A_150 {dimension_numbers = #tpu.dot_dimension_numbers<[1], [0], [0], [1], [0, 0, 1, 1], [], []>, transpose_lhs_hint = false} : vector<256x32xf32>, vector<32x64xf32>, vector<256x64xf32> -> vector<256x64xf32>
    %add3A_152 = vector.broadcast %get3A_7 : vector<1x64xf32> to vector<256x64xf32>
    %add3A_153 = arith.addf %dot_general3A_151, %add3A_152 : vector<256x64xf32>
    %max3A_154 = arith.constant 0.000000e+00 : f32
    %max3A_155 = vector.broadcast %max3A_154 : f32 to vector<256x64xf32>
    %max3A_156 = arith.maximumf %add3A_153, %max3A_155 : vector<256x64xf32>
    %max3A_157 = arith.maximumf %max3A_140, %max3A_156 : vector<256x64xf32>
    %get3A_158 = arith.constant 9 : index
    %get3A_159 = arith.constant 0 : index
    %get3A_160 = arith.constant 0 : index
    %get3A_161 = vector.load %arg1[%get3A_158, %get3A_159, %get3A_160] : memref<16x256x32xf32, #tpu.memory_space<vmem>>, vector<1x256x32xf32>
    %get3A_162 = vector.shape_cast %get3A_161 : vector<1x256x32xf32> to vector<256x32xf32>
    %sub3A_163 = arith.subf %get3A_162, %get3A_1 : vector<256x32xf32>
    %max3A_164 = arith.constant 0.000000e+00 : f32
    %max3A_165 = vector.broadcast %max3A_164 : f32 to vector<256x32xf32>
    %max3A_166 = arith.maximumf %sub3A_163, %max3A_165 : vector<256x32xf32>
    %dot_general3A_167 = arith.constant dense<0.000000e+00> : vector<256x64xf32>
    %dot_general3A_168 = tpu.matmul %max3A_166, %get3A_4, %dot_general3A_167 {dimension_numbers = #tpu.dot_dimension_numbers<[1], [0], [0], [1], [0, 0, 1, 1], [], []>, transpose_lhs_hint = false} : vector<256x32xf32>, vector<32x64xf32>, vector<256x64xf32> -> vector<256x64xf32>
    %add3A_169 = vector.broadcast %get3A_7 : vector<1x64xf32> to vector<256x64xf32>
    %add3A_170 = arith.addf %dot_general3A_168, %add3A_169 : vector<256x64xf32>
    %max3A_171 = arith.constant 0.000000e+00 : f32
    %max3A_172 = vector.broadcast %max3A_171 : f32 to vector<256x64xf32>
    %max3A_173 = arith.maximumf %add3A_170, %max3A_172 : vector<256x64xf32>
    %max3A_174 = arith.maximumf %max3A_157, %max3A_173 : vector<256x64xf32>
    %get3A_175 = arith.constant 10 : index
    %get3A_176 = arith.constant 0 : index
    %get3A_177 = arith.constant 0 : index
    %get3A_178 = vector.load %arg1[%get3A_175, %get3A_176, %get3A_177] : memref<16x256x32xf32, #tpu.memory_space<vmem>>, vector<1x256x32xf32>
    %get3A_179 = vector.shape_cast %get3A_178 : vector<1x256x32xf32> to vector<256x32xf32>
    %sub3A_180 = arith.subf %get3A_179, %get3A_1 : vector<256x32xf32>
    %max3A_181 = arith.constant 0.000000e+00 : f32
    %max3A_182 = vector.broadcast %max3A_181 : f32 to vector<256x32xf32>
    %max3A_183 = arith.maximumf %sub3A_180, %max3A_182 : vector<256x32xf32>
    %dot_general3A_184 = arith.constant dense<0.000000e+00> : vector<256x64xf32>
    %dot_general3A_185 = tpu.matmul %max3A_183, %get3A_4, %dot_general3A_184 {dimension_numbers = #tpu.dot_dimension_numbers<[1], [0], [0], [1], [0, 0, 1, 1], [], []>, transpose_lhs_hint = false} : vector<256x32xf32>, vector<32x64xf32>, vector<256x64xf32> -> vector<256x64xf32>
    %add3A_186 = vector.broadcast %get3A_7 : vector<1x64xf32> to vector<256x64xf32>
    %add3A_187 = arith.addf %dot_general3A_185, %add3A_186 : vector<256x64xf32>
    %max3A_188 = arith.constant 0.000000e+00 : f32
    %max3A_189 = vector.broadcast %max3A_188 : f32 to vector<256x64xf32>
    %max3A_190 = arith.maximumf %add3A_187, %max3A_189 : vector<256x64xf32>
    %max3A_191 = arith.maximumf %max3A_174, %max3A_190 : vector<256x64xf32>
    %get3A_192 = arith.constant 11 : index
    %get3A_193 = arith.constant 0 : index
    %get3A_194 = arith.constant 0 : index
    %get3A_195 = vector.load %arg1[%get3A_192, %get3A_193, %get3A_194] : memref<16x256x32xf32, #tpu.memory_space<vmem>>, vector<1x256x32xf32>
    %get3A_196 = vector.shape_cast %get3A_195 : vector<1x256x32xf32> to vector<256x32xf32>
    %sub3A_197 = arith.subf %get3A_196, %get3A_1 : vector<256x32xf32>
    %max3A_198 = arith.constant 0.000000e+00 : f32
    %max3A_199 = vector.broadcast %max3A_198 : f32 to vector<256x32xf32>
    %max3A_200 = arith.maximumf %sub3A_197, %max3A_199 : vector<256x32xf32>
    %dot_general3A_201 = arith.constant dense<0.000000e+00> : vector<256x64xf32>
    %dot_general3A_202 = tpu.matmul %max3A_200, %get3A_4, %dot_general3A_201 {dimension_numbers = #tpu.dot_dimension_numbers<[1], [0], [0], [1], [0, 0, 1, 1], [], []>, transpose_lhs_hint = false} : vector<256x32xf32>, vector<32x64xf32>, vector<256x64xf32> -> vector<256x64xf32>
    %add3A_203 = vector.broadcast %get3A_7 : vector<1x64xf32> to vector<256x64xf32>
    %add3A_204 = arith.addf %dot_general3A_202, %add3A_203 : vector<256x64xf32>
    %max3A_205 = arith.constant 0.000000e+00 : f32
    %max3A_206 = vector.broadcast %max3A_205 : f32 to vector<256x64xf32>
    %max3A_207 = arith.maximumf %add3A_204, %max3A_206 : vector<256x64xf32>
    %max3A_208 = arith.maximumf %max3A_191, %max3A_207 : vector<256x64xf32>
    %get3A_209 = arith.constant 12 : index
    %get3A_210 = arith.constant 0 : index
    %get3A_211 = arith.constant 0 : index
    %get3A_212 = vector.load %arg1[%get3A_209, %get3A_210, %get3A_211] : memref<16x256x32xf32, #tpu.memory_space<vmem>>, vector<1x256x32xf32>
    %get3A_213 = vector.shape_cast %get3A_212 : vector<1x256x32xf32> to vector<256x32xf32>
    %sub3A_214 = arith.subf %get3A_213, %get3A_1 : vector<256x32xf32>
    %max3A_215 = arith.constant 0.000000e+00 : f32
    %max3A_216 = vector.broadcast %max3A_215 : f32 to vector<256x32xf32>
    %max3A_217 = arith.maximumf %sub3A_214, %max3A_216 : vector<256x32xf32>
    %dot_general3A_218 = arith.constant dense<0.000000e+00> : vector<256x64xf32>
    %dot_general3A_219 = tpu.matmul %max3A_217, %get3A_4, %dot_general3A_218 {dimension_numbers = #tpu.dot_dimension_numbers<[1], [0], [0], [1], [0, 0, 1, 1], [], []>, transpose_lhs_hint = false} : vector<256x32xf32>, vector<32x64xf32>, vector<256x64xf32> -> vector<256x64xf32>
    %add3A_220 = vector.broadcast %get3A_7 : vector<1x64xf32> to vector<256x64xf32>
    %add3A_221 = arith.addf %dot_general3A_219, %add3A_220 : vector<256x64xf32>
    %max3A_222 = arith.constant 0.000000e+00 : f32
    %max3A_223 = vector.broadcast %max3A_222 : f32 to vector<256x64xf32>
    %max3A_224 = arith.maximumf %add3A_221, %max3A_223 : vector<256x64xf32>
    %max3A_225 = arith.maximumf %max3A_208, %max3A_224 : vector<256x64xf32>
    %get3A_226 = arith.constant 13 : index
    %get3A_227 = arith.constant 0 : index
    %get3A_228 = arith.constant 0 : index
    %get3A_229 = vector.load %arg1[%get3A_226, %get3A_227, %get3A_228] : memref<16x256x32xf32, #tpu.memory_space<vmem>>, vector<1x256x32xf32>
    %get3A_230 = vector.shape_cast %get3A_229 : vector<1x256x32xf32> to vector<256x32xf32>
    %sub3A_231 = arith.subf %get3A_230, %get3A_1 : vector<256x32xf32>
    %max3A_232 = arith.constant 0.000000e+00 : f32
    %max3A_233 = vector.broadcast %max3A_232 : f32 to vector<256x32xf32>
    %max3A_234 = arith.maximumf %sub3A_231, %max3A_233 : vector<256x32xf32>
    %dot_general3A_235 = arith.constant dense<0.000000e+00> : vector<256x64xf32>
    %dot_general3A_236 = tpu.matmul %max3A_234, %get3A_4, %dot_general3A_235 {dimension_numbers = #tpu.dot_dimension_numbers<[1], [0], [0], [1], [0, 0, 1, 1], [], []>, transpose_lhs_hint = false} : vector<256x32xf32>, vector<32x64xf32>, vector<256x64xf32> -> vector<256x64xf32>
    %add3A_237 = vector.broadcast %get3A_7 : vector<1x64xf32> to vector<256x64xf32>
    %add3A_238 = arith.addf %dot_general3A_236, %add3A_237 : vector<256x64xf32>
    %max3A_239 = arith.constant 0.000000e+00 : f32
    %max3A_240 = vector.broadcast %max3A_239 : f32 to vector<256x64xf32>
    %max3A_241 = arith.maximumf %add3A_238, %max3A_240 : vector<256x64xf32>
    %max3A_242 = arith.maximumf %max3A_225, %max3A_241 : vector<256x64xf32>
    %get3A_243 = arith.constant 14 : index
    %get3A_244 = arith.constant 0 : index
    %get3A_245 = arith.constant 0 : index
    %get3A_246 = vector.load %arg1[%get3A_243, %get3A_244, %get3A_245] : memref<16x256x32xf32, #tpu.memory_space<vmem>>, vector<1x256x32xf32>
    %get3A_247 = vector.shape_cast %get3A_246 : vector<1x256x32xf32> to vector<256x32xf32>
    %sub3A_248 = arith.subf %get3A_247, %get3A_1 : vector<256x32xf32>
    %max3A_249 = arith.constant 0.000000e+00 : f32
    %max3A_250 = vector.broadcast %max3A_249 : f32 to vector<256x32xf32>
    %max3A_251 = arith.maximumf %sub3A_248, %max3A_250 : vector<256x32xf32>
    %dot_general3A_252 = arith.constant dense<0.000000e+00> : vector<256x64xf32>
    %dot_general3A_253 = tpu.matmul %max3A_251, %get3A_4, %dot_general3A_252 {dimension_numbers = #tpu.dot_dimension_numbers<[1], [0], [0], [1], [0, 0, 1, 1], [], []>, transpose_lhs_hint = false} : vector<256x32xf32>, vector<32x64xf32>, vector<256x64xf32> -> vector<256x64xf32>
    %add3A_254 = vector.broadcast %get3A_7 : vector<1x64xf32> to vector<256x64xf32>
    %add3A_255 = arith.addf %dot_general3A_253, %add3A_254 : vector<256x64xf32>
    %max3A_256 = arith.constant 0.000000e+00 : f32
    %max3A_257 = vector.broadcast %max3A_256 : f32 to vector<256x64xf32>
    %max3A_258 = arith.maximumf %add3A_255, %max3A_257 : vector<256x64xf32>
    %max3A_259 = arith.maximumf %max3A_242, %max3A_258 : vector<256x64xf32>
    %get3A_260 = arith.constant 15 : index
    %get3A_261 = arith.constant 0 : index
    %get3A_262 = arith.constant 0 : index
    %get3A_263 = vector.load %arg1[%get3A_260, %get3A_261, %get3A_262] : memref<16x256x32xf32, #tpu.memory_space<vmem>>, vector<1x256x32xf32>
    %get3A_264 = vector.shape_cast %get3A_263 : vector<1x256x32xf32> to vector<256x32xf32>
    %sub3A_265 = arith.subf %get3A_264, %get3A_1 : vector<256x32xf32>
    %max3A_266 = arith.constant 0.000000e+00 : f32
    %max3A_267 = vector.broadcast %max3A_266 : f32 to vector<256x32xf32>
    %max3A_268 = arith.maximumf %sub3A_265, %max3A_267 : vector<256x32xf32>
    %dot_general3A_269 = arith.constant dense<0.000000e+00> : vector<256x64xf32>
    %dot_general3A_270 = tpu.matmul %max3A_268, %get3A_4, %dot_general3A_269 {dimension_numbers = #tpu.dot_dimension_numbers<[1], [0], [0], [1], [0, 0, 1, 1], [], []>, transpose_lhs_hint = false} : vector<256x32xf32>, vector<32x64xf32>, vector<256x64xf32> -> vector<256x64xf32>
    %add3A_271 = vector.broadcast %get3A_7 : vector<1x64xf32> to vector<256x64xf32>
    %add3A_272 = arith.addf %dot_general3A_270, %add3A_271 : vector<256x64xf32>
    %max3A_273 = arith.constant 0.000000e+00 : f32
    %max3A_274 = vector.broadcast %max3A_273 : f32 to vector<256x64xf32>
    %max3A_275 = arith.maximumf %add3A_272, %max3A_274 : vector<256x64xf32>
    %max3A_276 = arith.maximumf %max3A_259, %max3A_275 : vector<256x64xf32>
    %swap3A = arith.constant 0 : index
    %swap3A_277 = arith.constant 0 : index
    %swap3A_278 = vector.load %arg5[%swap3A, %swap3A_277] : memref<256x64xf32, #tpu.memory_space<vmem>>, vector<256x64xf32>
    tpu.vector_store %arg5[%swap3A, %swap3A_277], %max3A_276 {strides = array<i32>} : memref<256x64xf32, #tpu.memory_space<vmem>>, vector<256x64xf32>,
    return
  }
  func.func @transform_0(%arg0: i32) -> (i32, i32, i32) {
    %c0_i32 = arith.constant 0 : i32
    %c0_i32_0 = arith.constant 0 : i32
    %c0_i32_1 = arith.constant 0 : i32
    return %c0_i32, %arg0, %c0_i32_0 : i32, i32, i32
  }
  func.func @transform_1(%arg0: i32) -> (i32, i32) {
    %c0_i32 = arith.constant 0 : i32
    %c0_i32_0 = arith.constant 0 : i32
    return %arg0, %c0_i32 : i32, i32
  }
  func.func @transform_2(%arg0: i32) -> (i32, i32) {
    %c0_i32 = arith.constant 0 : i32
    %c0_i32_0 = arith.constant 0 : i32
    %c0_i32_1 = arith.constant 0 : i32
    return %c0_i32, %c0_i32_0 : i32, i32
  }
  func.func @transform_3(%arg0: i32) -> (i32, i32) {
    %c0_i32 = arith.constant 0 : i32
    %c0_i32_0 = arith.constant 0 : i32
    %c0_i32_1 = arith.constant 0 : i32
    return %c0_i32, %c0_i32_0 : i32, i32
  }
  func.func @transform_4(%arg0: i32) -> (i32, i32) {
    %c0_i32 = arith.constant 0 : i32
    %c0_i32_0 = arith.constant 0 : i32
    return %arg0, %c0_i32 : i32, i32
  }
}

</mosaic_0001>

<sc_bundles>
// kernel: kernel.5.cloned.1.call-start
scs
__scs_entry_jumppad:
0x0: {  	(pc) =	sbr.rel $0x88, $3  }
0x1: {  	(tag) =	ssettag $0x0;
	lr =	simm.s32 $0x1  }
0x2: {  	[smem:$0x3F9A] =	sst lr;
	_ =	strace $0xD0000000  }
0x3: {  	_ = 	snop  }
0x4: {  	_ = 	snop  }
0x5: {  	_ = 	snop  }
0x6: {  	_ = 	snop  }
0x7: {  	_ = 	snop  }
__scs_overlays_trampoline_lowered:
0x8: {  	[smem:$0x3FA9] =	sst s0  }
0x9: {  	[smem:$0x3FAA] =	sst s1  }
0xa: {  	[smem:$0x3FAB] =	sst s2  }
0xb: {  	[smem:$0x3FAC] =	sst s3  }
0xc: {  	[smem:$0x3FAD] =	sst s4  }
0xd: {  	[smem:$0x3FAE] =	sst s5  }
0xe: {  	[smem:$0x3FAF] =	sst s6  }
0xf: {  	[smem:$0x3FB0] =	sst s7  }
0x10: {  	[smem:$0x3FB1] =	sst s8  }
0x11: {  	[smem:$0x3FB2] =	sst s9;
	s0 =	simm.s32 @!p0 $0x0  }
0x12: {  	s1 =	sld [smem:$0x3F98];
	s0 =	simm.s32 @p0 $0x1  }
0x13: {  	[smem:$0x3FB3] =	sst s0;
	s0 =	simm.s32 @!p1 $0x0  }
0x14: {  	s2 =	sld [smem:$0x3F97];
	s0 =	simm.s32 @p1 $0x1  }
0x15: {  	[smem:$0x3FB4] =	sst s0;
	s0 =	simm.s32 @!p2 $0x0  }
0x16: {  	s3 =	sld [smem:$0x3FDB];
	s0 =	simm.s32 @p2 $0x1  }
0x17: {  	s4 =	simm.s32 $0x1BF5;
	[smem:$0x3FB6] =	sst s0  }
0x18: {  	s0 =	sld [smem:$0x3F99];
	_ =	swait.ge [sflag:s4], $0x0  }
0x19: {  	s7 =	sld [smem:$0x3F9A]  }
0x1a: {  	s8 =	sadd.s32 $0xFFFFE003, lr  }
0x1b: {  	s9 =	sadd.s32 $0xFFFFFEF7, lr;
	s5 =	simm.s32 $0xFFFFFFFF;
	p2 =	slt.u32 s8, $0xFFFFF086  }
0x1c: {  	p1 =	slt.u32 s9, $0xF7A;
	s5 =	simm.s32 @!p2 $0x0  }
0x1d: {  	s5 =	simm.s32 @p1 $0x1;
	p0 =	seq.s32 s7, s2  }
0x1e: {  	s7 =	smul.u32 @!p0 $0xF7A, s2;
	p2 =	seq.s32 @!p0 s5, $0x0  }
0x1f: {  	s9 =	smul.u32 $0xF7A, s1;
	s8 =	simm.s32 @!p0 $0x1BF5;
	p2 =	por !p2, p0  }
0x20: {  	[sflag:s8] =	ssyncset.s32 @!p0 $0xFFFFF086;
	s6 =	sadd.s32 @!p0 s3, s7;
	s7 =	simm.s32 @!p0 $0x108  }
0x21: {  	s3 =	sadd.s32 s3, s9;
	s6 =	sadd.s32 @!p0 $0x88, s6;
	s7 =	simm.s32 @p2 $0x1082  }
0x22: {  	[simem:s7], [sflag:s8] =	dma.local @!p0 [hbm:s6], $0xF7A  }
0x23: {  	s9 =	sor.u32 $0xD0000000, s2;
	s6 =	simm.s32 $0x108;
	_ =	swait.ge @!p0 [sflag:s8], $0x0  }
0x24: {  	s3 =	sadd.s32 $0x88, s3;
	s6 =	simm.s32 @!p1 $0x1082;
	[sflag:s4] =	ssyncset.s32 $0xFFFFF086  }
0x25: {  	[simem:s6], [sflag:s4] =	dma.local [hbm:s3], $0xF7A  }
0x26: {  	[smem:$0x3F9A] =	sst s1;
	(tag) =	ssettag s2;
	_ =	strace s9  }
0x27: {  	s1 =	sld [smem:$0x3FAA]  }
0x28: {  	s2 =	sld [smem:$0x3FAB]  }
0x29: {  	s4 =	sld [smem:$0x3FAD]  }
0x2a: {  	p0 =	seq.s32 s5, $0x0;
	s5 =	sld [smem:$0x3FAE]  }
0x2b: {  	s6 =	sld [smem:$0x3FAF]  }
0x2c: {  	s7 =	sld [smem:$0x3FB0]  }
0x2d: {  	s3 =	simm.s32 $0x108;
	s8 =	sld [smem:$0x3FB1]  }
0x2e: {  	s3 =	simm.s32 @!p0 $0x1082;
	s9 =	sld [smem:$0x3FB2]  }
0x2f: {  	lr =	sadd.s32 s0, s3;
	s0 =	sld [smem:$0x3FA9]  }
0x30: {  	s3 =	sld [smem:$0x3FAC]  }
0x31: {  	[smem:$0x3FB5] =	sst s10  }
0x32: {  	s10 =	sld [smem:$0x3FB3];
	_ =	sdelay $0x3  }
0x33: {  	p0 =	seq.s32 s10, $0x1;
	s10 =	sld [smem:$0x3FB5];
	_ =	sdelay $0x3  }
0x34: {  	[smem:$0x3FB5] =	sst s10  }
0x35: {  	s10 =	sld [smem:$0x3FB4];
	_ =	sdelay $0x3  }
0x36: {  	p1 =	seq.s32 s10, $0x1;
	s10 =	sld [smem:$0x3FB5];
	_ =	sdelay $0x3  }
0x37: {  	[smem:$0x3FB5] =	sst s10  }
0x38: {  	s10 =	sld [smem:$0x3FB6]  }
0x39: {  	_ = 	snop;
	(pc) =	sbr.ind lr, $3  }
0x3a: {  	_ = 	snop  }
0x3b: {  	_ = 	snop  }
0x3c: {  	p2 =	seq.s32 s10, $0x1;
	s10 =	sld [smem:$0x3FB5]  }
0x3d: {  	_ =	shalt  }
0x3e: {  	_ =	shalt  }
0x3f: {  	_ =	shalt  }
0x40: {  	_ =	shalt  }
0x41: {  	_ =	shalt  }
0x42: {  	_ =	shalt  }
0x43: {  	_ =	shalt  }
0x44: {  	_ =	shalt  }
0x45: {  	_ =	shalt  }
0x46: {  	_ =	shalt  }
0x47: {  	_ =	shalt  }
0x48: {  	_ =	shalt  }
0x49: {  	_ =	shalt  }
0x4a: {  	_ =	shalt  }
0x4b: {  	_ =	shalt  }
0x4c: {  	_ =	shalt  }
0x4d: {  	_ =	shalt  }
0x4e: {  	_ =	shalt  }
0x4f: {  	_ =	shalt  }
0x50: {  	_ =	shalt  }
0x51: {  	_ =	shalt  }
0x52: {  	_ =	shalt  }
0x53: {  	_ =	shalt  }
0x54: {  	_ =	shalt  }
0x55: {  	_ =	shalt  }
0x56: {  	_ =	shalt  }
0x57: {  	_ =	shalt  }
0x58: {  	_ =	shalt  }
0x59: {  	_ =	shalt  }
0x5a: {  	_ =	shalt  }
0x5b: {  	_ =	shalt  }
0x5c: {  	_ =	shalt  }
0x5d: {  	_ =	shalt  }
0x5e: {  	_ =	shalt  }
0x5f: {  	_ =	shalt  }
0x60: {  	_ =	shalt  }
0x61: {  	_ =	shalt  }
0x62: {  	_ =	shalt  }
0x63: {  	_ =	shalt  }
0x64: {  	_ =	shalt  }
0x65: {  	_ =	shalt  }
0x66: {  	_ =	shalt  }
0x67: {  	_ =	shalt  }
0x68: {  	_ =	shalt  }
0x69: {  	_ =	shalt  }
0x6a: {  	_ =	shalt  }
0x6b: {  	_ =	shalt  }
0x6c: {  	_ =	shalt  }
0x6d: {  	_ =	shalt  }
0x6e: {  	_ =	shalt  }
0x6f: {  	_ =	shalt  }
0x70: {  	_ =	shalt  }
0x71: {  	_ =	shalt  }
0x72: {  	_ =	shalt  }
0x73: {  	_ =	shalt  }
0x74: {  	_ =	shalt  }
0x75: {  	_ =	shalt  }
0x76: {  	_ =	shalt  }
0x77: {  	_ =	shalt  }
0x78: {  	_ =	shalt  }
0x79: {  	_ =	shalt  }
0x7a: {  	_ =	shalt  }
0x7b: {  	_ =	shalt  }
0x7c: {  	_ =	shalt  }
0x7d: {  	_ =	shalt  }
0x7e: {  	_ =	shalt  }
0x7f: {  	_ =	shalt  }
0x80: {  	_ =	shalt  }
0x81: {  	_ =	shalt  }
0x82: {  	_ =	shalt  }
0x83: {  	_ =	shalt  }
0x84: {  	_ =	shalt  }
0x85: {  	_ =	shalt  }
0x86: {  	_ =	shalt  }
0x87: {  	_ =	shalt  }
.Lfunc_end0:
.L_simem_size_0:
called_computation_lowered:
.L_overlay_start_0:
0x88: {  	s2 =	sld [smem:$0x3FD9]  }
0x89: {  	s3 =	sld [smem:$0x3FFE];
	_ =	sdelay $0x1  }
0x8a: {  	s1 =	srdreg.scid  }
0x8b: {  	s0 =	sand.u32 $0x1, s1  }
0x8c: {  	s14 =	sshll.u32 s0, $0xA;
	s2 =	sadd.s32 s3, s2  }
0x8d: {  	s2 =	sadd.s32 s2, s14  }
0x8e: {  	[smem:$0x3FC1] =	sst s2  }
0x8f: {  	_ = 	snop  }
0x90: {  	s2 =	sld [smem:$0x3FD0];
	_ =	sdelay $0x2  }
0x91: {  	s15 =	simm.s32 $0xA;
	s4 =	simm.s32 $0x10  }
0x92: {  	[smem:s4], [sflag:s15] =	dma.local [hbm:s2], $0x1  }
0x93: {  	_ =	swait.eq [sflag:s15], $0x1  }
0x94: {  	[sflag:s15] =	ssyncset.done $0x0  }
0x95: {  	[sflag:s15] =	ssyncadd.s32 $0xFFFFFFFF  }
0x96: {  	s16 =	sld [smem:$0x11];
	(tm) =	ssettm $0x1  }
0x97: {  	s17 =	sld [smem:$0x3FFB];
	_ =	sdelay $0x3  }
0x98: {  	_ =	strace s17  }
0x99: {  	s3 =	sld [smem:$0x3FFC];
	_ =	sdelay $0x3  }
0x9a: {  	_ =	strace s3  }
0x9b: {  	s3 =	sld [smem:$0x3FFD];
	_ =	sdelay $0x3  }
0x9c: {  	_ =	strace s3  }
0x9d: {  	_ =	strace $0x8FFFFFFF  }
0x9e: {  	s18 =	sld [smem:$0x3FDB];
	_ =	sdelay $0x1  }
0x9f: {  	s19 =	simm.s32 $_scs_section_size  }
0xa0: {  	s5 =	simm.s32 $_size__tile_overlayer_lowered;
	s6 =	simm.s32 $_tile_overlayer_lowered  }
0xa1: {  	s22 =	simm.s32 $0x1BFF;
	s21 =	sshll.u32 s6, $0x1;
	s3 =	sadd.s32 s19, s18  }
0xa2: {  	s7 =	simm.s32 $0x0;
	s20 =	sshll.u32 s5, $0x1;
	s5 =	sadd.s32 s21, s3  }
0xa3: {  	[timem:s7], [sflag:s22] =	dma.local [hbm:s5], s20  }
0xa4: {  	_ =	swait.ge [sflag:s22], s20  }
0xa5: {  	s4 =	ssub.s32 $0x0, s20;
	[sflag:s22] =	ssyncset.done $0x0  }
0xa6: {  	[sflag:s22] =	ssyncadd.s32 s4;
	_ =	sdelay $0x1  }
0xa7: {  	s23 =	simm.s32 $0x1B8B  }
0xa8: {  	_ =	swait.ge [sflag:s23], $0x1  }
0xa9: {  	[sflag:s23] =	ssyncset.done $0x0  }
0xaa: {  	s25 =	simm.s32 $0x1B8E;
	s24 =	sld [smem:$0x3FFE];
	[sflag:s23] =	ssyncadd.s32 $0xFFFFFFFF  }
0xab: {  	s26 =	simm.s32 $execute0_lowered;
	[smem:$0x3FD2] =	sst s25  }
0xac: {  	s5 =	sshll.u32 s26, $0x1;
	_ =	strace $0x80000046;
	[dreg:$0x1] =	wrdreg $0xFFFFFFFF  }
0xad: {  	s28 =	simm.s32 $_size_execute0_lowered;
	s3 =	sadd.s32 s3, s5;
	[dreg:$0x0] =	wrdreg $0x0  }
0xae: {  	s5 =	sshll.u32 s28, $0x1;
	[dreg:$0x2] =	wrdreg s3  }
0xaf: {  	[dreg:$0x3] =	wrdreg s5  }
0xb0: {  	[dreg:$0x4] =	wrdreg $0xC0  }
0xb1: {  	_ =	task [dreg:s7], $0x5FFFF  }
0xb2: {  	[dreg:$0x1] =	wrdreg $0xFFFFFFFF  }
0xb3: {  	[dreg:$0x0] =	wrdreg $0x60  }
0xb4: {  	[dreg:$0x2] =	wrdreg s24  }
0xb5: {  	[dreg:$0x3] =	wrdreg s16  }
0xb6: {  	[dreg:$0x4] =	wrdreg $0x9  }
0xb7: {  	_ =	task.clear_ibuf [dreg:s7], $0x5FFFF;
	_ =	strace $0x90000046  }
0xb8: {  	s29 =	simm.s32 $0x9;
	_ =	strace $0x80000048  }
0xb9: {  	_ =	swait.ge [sflag:s29], $0x1  }
0xba: {  	[sflag:s29] =	ssyncadd.s32 $0xFFFFFFFF  }
0xbb: {  	_ =	strace $0x90000048  }
0xbc: {  	_ =	sfence  }
0xbd: {  	s30 =	sld [smem:$0x0];
	_ =	sdelay $0x2  }
0xbe: {  	s31 =	sshll.u32 s1, $0xD;
	s1 =	sshrl.u32 s1, $0x2  }
0xbf: {  	s3 =	sand.u32 $0x4000, s31;
	s1 =	sadd.s32 s1, s30  }
0xc0: {  	s0 =	sor.u32 s3, s0;
	s1 =	sshll.u32 s1, $0x11  }
0xc1: {  	s0 =	sor.u32 s1, s0  }
0xc2: {  	s0 =	sadd.s32 $0x8F2B, s0  }
0xc3: {  	[sflag:s0] =	ssyncadd.remote.s32 $0x1  }
0xc4: {  	_ =	sfence.sel $0xFFFF  }
0xc5: {  	[dreg:$0x0] =	wrdreg $0xFFFFFFFF;
	(pc) =	sbr.abs _section_cstart, $3  }
0xc6: {  	[dreg:$0x1] =	wrdreg $0xFFFFFFFF  }
0xc7: {  	_ =	task.clear_ibuf [dreg:s7], $0x2FFFF;
	_ =	strace $0x9FFFFFFF  }
0xc8: {  	(tm) =	ssettm $0x7FFFFFFF  }
0xc9: {  	_ =	shalt  }
tec
execute0_lowered:
.L_overlay_start_1:
0x0: {  	(tag) =	ssettag $0x1  }
0x1: {  	s1 =	rddreg [dreg:$0x0];
	s2 =	srdreg.scid  }
0x2: {  	s0 =	stileid.u32;
	s3 =	rddreg [dreg:$0x1];
	s7 =	simm.s32 $0x100  }
0x3: {  	s8 =	simm.s32 $0x2800;
	s9 =	simm.s32 $0x180;
	s25 =	simm.s32 $0x3800  }
0x4: {  	s26 =	simm.s32 $0x200;
	s11 =	simm.s32 $0x300;
	s12 =	simm.s32 $0x6800  }
0x5: {  	s13 =	simm.s32 $0x380;
	s14 =	simm.s32 $0x7800;
	s15 =	simm.s32 $0x400  }
0x6: {  	s16 =	simm.s32 $0x8800;
	s17 =	simm.s32 $0x480;
	s18 =	simm.s32 $0x9800  }
0x7: {  	s19 =	simm.s32 $0x500;
	s20 =	simm.s32 $0xA800;
	s21 =	simm.s32 $0x580  }
0x8: {  	s22 =	simm.s32 $0xB800;
	s23 =	simm.s32 $0x600;
	s24 =	simm.s32 $0xC800  }
0x9: {  	s4 =	sand.u32 $0x1, s2;
	s5 =	sshll.u32 s0, $0x1;
	s2 =	simm.s32 $0x0  }
0xa: {  	p0 =	por $0x0, $0x0;
	s5 =	sor.u32 s4, s5;
	[smem:$0x7FF] =	sst s2  }
0xb: {  	s6 =	sshll.u32 s5, $0xD;
	s5 =	sshll.u32 s5, $0x8;
	_ =	strace $0x80000047  }
0xc: {  	[dreg:$0x6] =	wrdreg s7;
	s3 =	sadd.s32 s3, s5;
	s5 =	ssub.s32 $0x2, s4  }
0xd: {  	[dreg:$0x3] =	wrdreg s3;
	s3 =	simm.s32 $0x1800;
	s4 =	sshrl.u32 s5, $0x1  }
0xe: {  	s28 =	simm.s32 $0x700;
	[dreg:$0x5] =	wrdreg s3;
	s3 =	ssub.s32 s5, s4  }
0xf: {  	s29 =	simm.s32 $0xE800;
	[dreg:$0x7] =	wrdreg s8;
	s10 =	smax.u32 s3, $0x1  }
0x10: {  	s30 =	simm.s32 $0x780;
	[dreg:$0x8] =	wrdreg s9;
	p1 =	sne.s32 s10, $0x1  }
.Ltmp0:
0x11: {  	s31 =	simm.s32 $0xF800;
	[dreg:$0x9] =	wrdreg s25;
	(pc) =	sbr.rel @!p1 .LBB2_3-.Ltmp0, $4  }
0x12: {  	s7 =	simm.s32 $0x80;
	[dreg:$0xa] =	wrdreg s26;
	s6 =	sadd.s32 s6, s1  }
0x13: {  	s25 =	simm.s32 $0x680;
	s26 =	simm.s32 $0xD800;
	s0 =	sadd.s32 $0x10E00, s6  }
0x14: {  	s6 =	sadd.s32 $0xE00, s1;
	[dreg:$0x4] =	wrdreg s0;
	s4 =	simm.s32 $0x800  }
0x15: {  	s5 =	simm.s32 $0x1;
	s3 =	simm.s32 $0x2;
	s8 =	sadd.s32 $0xFFFFFFFF, s10  }
0x16: {  	s0 =	rddreg [dreg:$0x3]  }
0x17: {  	[tilespmem:s2], [sflag:$0x2] =	stream.linear.gather [hbm4b:s0+s2], $0x800, $0x38;
	[tilespmem:$0x10800] =	vst v63  }
0x18: {  	_ =	swait.ge [sflag:s3], $0x800  }
0x19: {  	s10 =	rddreg [dreg:$0x6]  }
0x1a: {  	s1 =	rddreg [dreg:$0x5]  }
0x1b: {  	s0 =	rddreg [dreg:$0x7]  }
0x1c: {  	[sflag:s3] =	ssyncset.done $0x0;
	[dreg:$0xb] =	wrdreg s10  }
0x1d: {  	[sflag:s3] =	ssyncadd.s32 $0xFFFFF800;
	s10 =	rddreg [dreg:$0x9]  }
0x1e: {  	[tilespmem:s4], [sflag:$0x1] =	stream.indirect.gather [hbm4b:s6+s7], $0x20, s2, s7, $0xb8;
	[tilespmem:$0x10800] =	vst v63  }
0x1f: {  	[dreg:$0xc] =	wrdreg s10  }
0x20: {  	s10 =	rddreg [dreg:$0xb]  }
0x21: {  	[tilespmem:s1], [sflag:$0x1] =	stream.indirect.gather [hbm4b:s6+s7], $0x20, s7, s7, $0xb8;
	[tilespmem:$0x10800] =	vst v63  }
0x22: {  	s1 =	rddreg [dreg:$0x8]  }
0x23: {  	[tilespmem:s0], [sflag:$0x1] =	stream.indirect.gather [hbm4b:s6+s7], $0x20, s10, s7, $0xb8;
	[tilespmem:$0x10800] =	vst v63  }
0x24: {  	s10 =	rddreg [dreg:$0xc]  }
0x25: {  	[tilespmem:s10], [sflag:$0x1] =	stream.indirect.gather [hbm4b:s6+s7], $0x20, s1, s7, $0xb8;
	[tilespmem:$0x10800] =	vst v63  }
0x26: {  	s9 =	simm.s32 $0x4800;
	s0 =	rddreg [dreg:$0xa]  }
0x27: {  	[tilespmem:s9], [sflag:$0x1] =	stream.indirect.gather [hbm4b:s6+s7], $0x20, s0, s7, $0xb8;
	[tilespmem:$0x10800] =	vst v63  }
0x28: {  	s1 =	simm.s32 $0x280;
	s9 =	simm.s32 $0x5800  }
0x29: {  	[tilespmem:s9], [sflag:$0x1] =	stream.indirect.gather [hbm4b:s6+s7], $0x20, s1, s7, $0xb8;
	[tilespmem:$0x10800] =	vst v63  }
0x2a: {  	_ = 	snop  }
0x2b: {  	[tilespmem:s12], [sflag:$0x1] =	stream.indirect.gather [hbm4b:s6+s7], $0x20, s11, s7, $0xb8;
	[tilespmem:$0x10800] =	vst v63  }
0x2c: {  	_ = 	snop  }
0x2d: {  	[tilespmem:s14], [sflag:$0x1] =	stream.indirect.gather [hbm4b:s6+s7], $0x20, s13, s7, $0xb8;
	[tilespmem:$0x10800] =	vst v63  }
0x2e: {  	_ = 	snop  }
0x2f: {  	[tilespmem:s16], [sflag:$0x1] =	stream.indirect.gather [hbm4b:s6+s7], $0x20, s15, s7, $0xb8;
	[tilespmem:$0x10800] =	vst v63  }
0x30: {  	_ = 	snop  }
0x31: {  	[tilespmem:s18], [sflag:$0x1] =	stream.indirect.gather [hbm4b:s6+s7], $0x20, s17, s7, $0xb8;
	[tilespmem:$0x10800] =	vst v63  }
0x32: {  	_ = 	snop  }
0x33: {  	[tilespmem:s20], [sflag:$0x1] =	stream.indirect.gather [hbm4b:s6+s7], $0x20, s19, s7, $0xb8;
	[tilespmem:$0x10800] =	vst v63  }
0x34: {  	_ = 	snop  }
0x35: {  	[tilespmem:s22], [sflag:$0x1] =	stream.indirect.gather [hbm4b:s6+s7], $0x20, s21, s7, $0xb8;
	[tilespmem:$0x10800] =	vst v63  }
0x36: {  	_ = 	snop  }
0x37: {  	[tilespmem:s24], [sflag:$0x1] =	stream.indirect.gather [hbm4b:s6+s7], $0x20, s23, s7, $0xb8;
	[tilespmem:$0x10800] =	vst v63  }
0x38: {  	_ = 	snop  }
0x39: {  	[tilespmem:s26], [sflag:$0x1] =	stream.indirect.gather [hbm4b:s6+s7], $0x20, s25, s7, $0xb8;
	[tilespmem:$0x10800] =	vst v63  }
0x3a: {  	_ = 	snop  }
0x3b: {  	[tilespmem:s29], [sflag:$0x1] =	stream.indirect.gather [hbm4b:s6+s7], $0x20, s28, s7, $0xb8;
	[tilespmem:$0x10800] =	vst v63  }
0x3c: {  	_ = 	snop  }
0x3d: {  	[tilespmem:s31], [sflag:$0x1] =	stream.indirect.gather [hbm4b:s6+s7], $0x20, s30, s7, $0xb8;
	[tilespmem:$0x10800] =	vst v63  }
0x3e: {  	_ =	swait.ge [sflag:s5], $0x1000  }
0x3f: {  	[sflag:s5] =	ssyncset.done $0x0  }
0x40: {  	[sflag:s5] =	ssyncadd.s32 $0xFFFFF000  }
0x41: {  	_ =	swait.ge [sflag:s5], $0x1000  }
0x42: {  	[sflag:s5] =	ssyncset.done $0x0  }
0x43: {  	[sflag:s5] =	ssyncadd.s32 $0xFFFFF000  }
0x44: {  	_ =	swait.ge [sflag:s5], $0x1000  }
0x45: {  	[sflag:s5] =	ssyncset.done $0x0  }
0x46: {  	[sflag:s5] =	ssyncadd.s32 $0xFFFFF000  }
0x47: {  	_ =	swait.ge [sflag:s5], $0x1000  }
0x48: {  	[sflag:s5] =	ssyncset.done $0x0  }
0x49: {  	[sflag:s5] =	ssyncadd.s32 $0xFFFFF000  }
0x4a: {  	_ =	swait.ge [sflag:s5], $0x1000  }
0x4b: {  	[sflag:s5] =	ssyncset.done $0x0  }
0x4c: {  	[sflag:s5] =	ssyncadd.s32 $0xFFFFF000  }
0x4d: {  	_ =	swait.ge [sflag:s5], $0x1000  }
0x4e: {  	[sflag:s5] =	ssyncset.done $0x0  }
0x4f: {  	[sflag:s5] =	ssyncadd.s32 $0xFFFFF000  }
0x50: {  	_ =	swait.ge [sflag:s5], $0x1000  }
0x51: {  	[sflag:s5] =	ssyncset.done $0x0  }
0x52: {  	[sflag:s5] =	ssyncadd.s32 $0xFFFFF000  }
0x53: {  	_ =	swait.ge [sflag:s5], $0x1000  }
0x54: {  	[sflag:s5] =	ssyncset.done $0x0  }
0x55: {  	[sflag:s5] =	ssyncadd.s32 $0xFFFFF000  }
0x56: {  	_ =	swait.ge [sflag:s5], $0x1000  }
0x57: {  	[sflag:s5] =	ssyncset.done $0x0  }
0x58: {  	[sflag:s5] =	ssyncadd.s32 $0xFFFFF000  }
0x59: {  	_ =	swait.ge [sflag:s5], $0x1000  }
0x5a: {  	[sflag:s5] =	ssyncset.done $0x0  }
0x5b: {  	[sflag:s5] =	ssyncadd.s32 $0xFFFFF000  }
0x5c: {  	_ =	swait.ge [sflag:s5], $0x1000  }
0x5d: {  	[sflag:s5] =	ssyncset.done $0x0  }
0x5e: {  	[sflag:s5] =	ssyncadd.s32 $0xFFFFF000  }
0x5f: {  	_ =	swait.ge [sflag:s5], $0x1000  }
0x60: {  	[sflag:s5] =	ssyncset.done $0x0  }
0x61: {  	[sflag:s5] =	ssyncadd.s32 $0xFFFFF000  }
0x62: {  	_ =	swait.ge [sflag:s5], $0x1000  }
0x63: {  	[sflag:s5] =	ssyncset.done $0x0  }
0x64: {  	[sflag:s5] =	ssyncadd.s32 $0xFFFFF000  }
0x65: {  	_ =	swait.ge [sflag:s5], $0x1000  }
0x66: {  	[sflag:s5] =	ssyncset.done $0x0  }
0x67: {  	[sflag:s5] =	ssyncadd.s32 $0xFFFFF000  }
0x68: {  	_ =	swait.ge [sflag:s5], $0x1000  }
0x69: {  	p1 =	sne.s32 s8, $0x1;
	[sflag:s5] =	ssyncset.done $0x0  }
.Ltmp1:
0x6a: {  	[sflag:s5] =	ssyncadd.s32 $0xFFFFF000;
	(pc) =	sbr.rel @!p1 .LBB2_3-.Ltmp1, $4  }
0x6b: {  	_ =	swait.ge [sflag:s5], $0x1000  }
0x6c: {  	p0 =	por $0x1, $0x1;
	[sflag:s5] =	ssyncset.done $0x0  }
0x6d: {  	s1 =	sadd.s32 $0xFFFFFFFF, s8;
	s10 =	rddreg [dreg:$0x4];
	[sflag:s5] =	ssyncadd.s32 $0xFFFFF000  }
0x6e: {  	[hbm4b:s10+s2] =	stream.linear.scatter [tilespmem:s4], [sflag:$0x2], $0x10000, $0x38;
	[tilespmem:$0x10800] =	vst v63  }
.LBB2_2:
0x6f: {  	_ =	swait.ge [sflag:s3], $0x10000  }
0x70: {  	[sflag:s3] =	ssyncset.done $0x0  }
0x71: {  	s0 =	rddreg [dreg:$0x3];
	[sflag:s3] =	ssyncadd.s32 $0xFFFF0000  }
0x72: {  	[tilespmem:s2], [sflag:$0x2] =	stream.linear.gather [hbm4b:s0+s2], $0x800, $0x38;
	[tilespmem:$0x10800] =	vst v63  }
0x73: {  	_ =	swait.ge [sflag:s3], $0x800  }
0x74: {  	s0 =	rddreg [dreg:$0x6];
	[sflag:s3] =	ssyncset.done $0x0  }
0x75: {  	s8 =	rddreg [dreg:$0x5];
	[sflag:s3] =	ssyncadd.s32 $0xFFFFF800  }
0x76: {  	[tilespmem:s4], [sflag:$0x1] =	stream.indirect.gather [hbm4b:s6+s7], $0x20, s2, s7, $0xb8;
	[tilespmem:$0x10800] =	vst v63  }
0x77: {  	s9 =	rddreg [dreg:$0x7]  }
0x78: {  	[tilespmem:s8], [sflag:$0x1] =	stream.indirect.gather [hbm4b:s6+s7], $0x20, s7, s7, $0xb8;
	[tilespmem:$0x10800] =	vst v63  }
0x79: {  	s10 =	rddreg [dreg:$0x9]  }
0x7a: {  	[tilespmem:s9], [sflag:$0x1] =	stream.indirect.gather [hbm4b:s6+s7], $0x20, s0, s7, $0xb8;
	[tilespmem:$0x10800] =	vst v63  }
0x7b: {  	s8 =	rddreg [dreg:$0x8]  }
0x7c: {  	[tilespmem:s10], [sflag:$0x1] =	stream.indirect.gather [hbm4b:s6+s7], $0x20, s8, s7, $0xb8;
	[tilespmem:$0x10800] =	vst v63  }
0x7d: {  	s0 =	rddreg [dreg:$0xa];
	s8 =	simm.s32 $0x4800  }
0x7e: {  	[tilespmem:s8], [sflag:$0x1] =	stream.indirect.gather [hbm4b:s6+s7], $0x20, s0, s7, $0xb8;
	[tilespmem:$0x10800] =	vst v63  }
0x7f: {  	s9 =	simm.s32 $0x280;
	s10 =	simm.s32 $0x5800  }
0x80: {  	[tilespmem:s10], [sflag:$0x1] =	stream.indirect.gather [hbm4b:s6+s7], $0x20, s9, s7, $0xb8;
	[tilespmem:$0x10800] =	vst v63  }
0x81: {  	_ = 	snop  }
0x82: {  	[tilespmem:s12], [sflag:$0x1] =	stream.indirect.gather [hbm4b:s6+s7], $0x20, s11, s7, $0xb8;
	[tilespmem:$0x10800] =	vst v63  }
0x83: {  	_ = 	snop  }
0x84: {  	[tilespmem:s14], [sflag:$0x1] =	stream.indirect.gather [hbm4b:s6+s7], $0x20, s13, s7, $0xb8;
	[tilespmem:$0x10800] =	vst v63  }
0x85: {  	_ = 	snop  }
0x86: {  	[tilespmem:s16], [sflag:$0x1] =	stream.indirect.gather [hbm4b:s6+s7], $0x20, s15, s7, $0xb8;
	[tilespmem:$0x10800] =	vst v63  }
0x87: {  	_ = 	snop  }
0x88: {  	[tilespmem:s18], [sflag:$0x1] =	stream.indirect.gather [hbm4b:s6+s7], $0x20, s17, s7, $0xb8;
	[tilespmem:$0x10800] =	vst v63  }
0x89: {  	_ = 	snop  }
0x8a: {  	[tilespmem:s20], [sflag:$0x1] =	stream.indirect.gather [hbm4b:s6+s7], $0x20, s19, s7, $0xb8;
	[tilespmem:$0x10800] =	vst v63  }
0x8b: {  	_ = 	snop  }
0x8c: {  	[tilespmem:s22], [sflag:$0x1] =	stream.indirect.gather [hbm4b:s6+s7], $0x20, s21, s7, $0xb8;
	[tilespmem:$0x10800] =	vst v63  }
0x8d: {  	_ = 	snop  }
0x8e: {  	[tilespmem:s24], [sflag:$0x1] =	stream.indirect.gather [hbm4b:s6+s7], $0x20, s23, s7, $0xb8;
	[tilespmem:$0x10800] =	vst v63  }
0x8f: {  	_ = 	snop  }
0x90: {  	[tilespmem:s26], [sflag:$0x1] =	stream.indirect.gather [hbm4b:s6+s7], $0x20, s25, s7, $0xb8;
	[tilespmem:$0x10800] =	vst v63  }
0x91: {  	_ = 	snop  }
0x92: {  	[tilespmem:s29], [sflag:$0x1] =	stream.indirect.gather [hbm4b:s6+s7], $0x20, s28, s7, $0xb8;
	[tilespmem:$0x10800] =	vst v63  }
0x93: {  	_ = 	snop  }
0x94: {  	[tilespmem:s31], [sflag:$0x1] =	stream.indirect.gather [hbm4b:s6+s7], $0x20, s30, s7, $0xb8;
	[tilespmem:$0x10800] =	vst v63  }
0x95: {  	_ =	swait.ge [sflag:s5], $0x1000  }
0x96: {  	[sflag:s5] =	ssyncset.done $0x0  }
0x97: {  	[sflag:s5] =	ssyncadd.s32 $0xFFFFF000  }
0x98: {  	_ =	swait.ge [sflag:s5], $0x1000  }
0x99: {  	[sflag:s5] =	ssyncset.done $0x0  }
0x9a: {  	[sflag:s5] =	ssyncadd.s32 $0xFFFFF000  }
0x9b: {  	_ =	swait.ge [sflag:s5], $0x1000  }
0x9c: {  	[sflag:s5] =	ssyncset.done $0x0  }
0x9d: {  	[sflag:s5] =	ssyncadd.s32 $0xFFFFF000  }
0x9e: {  	_ =	swait.ge [sflag:s5], $0x1000  }
0x9f: {  	[sflag:s5] =	ssyncset.done $0x0  }
0xa0: {  	[sflag:s5] =	ssyncadd.s32 $0xFFFFF000  }
0xa1: {  	_ =	swait.ge [sflag:s5], $0x1000  }
0xa2: {  	[sflag:s5] =	ssyncset.done $0x0  }
0xa3: {  	[sflag:s5] =	ssyncadd.s32 $0xFFFFF000  }
0xa4: {  	_ =	swait.ge [sflag:s5], $0x1000  }
0xa5: {  	[sflag:s5] =	ssyncset.done $0x0  }
0xa6: {  	[sflag:s5] =	ssyncadd.s32 $0xFFFFF000  }
0xa7: {  	_ =	swait.ge [sflag:s5], $0x1000  }
0xa8: {  	[sflag:s5] =	ssyncset.done $0x0  }
0xa9: {  	[sflag:s5] =	ssyncadd.s32 $0xFFFFF000  }
0xaa: {  	_ =	swait.ge [sflag:s5], $0x1000  }
0xab: {  	[sflag:s5] =	ssyncset.done $0x0  }
0xac: {  	[sflag:s5] =	ssyncadd.s32 $0xFFFFF000  }
0xad: {  	_ =	swait.ge [sflag:s5], $0x1000  }
0xae: {  	[sflag:s5] =	ssyncset.done $0x0  }
0xaf: {  	[sflag:s5] =	ssyncadd.s32 $0xFFFFF000  }
0xb0: {  	_ =	swait.ge [sflag:s5], $0x1000  }
0xb1: {  	[sflag:s5] =	ssyncset.done $0x0  }
0xb2: {  	[sflag:s5] =	ssyncadd.s32 $0xFFFFF000  }
0xb3: {  	_ =	swait.ge [sflag:s5], $0x1000  }
0xb4: {  	[sflag:s5] =	ssyncset.done $0x0  }
0xb5: {  	[sflag:s5] =	ssyncadd.s32 $0xFFFFF000  }
0xb6: {  	_ =	swait.ge [sflag:s5], $0x1000  }
0xb7: {  	[sflag:s5] =	ssyncset.done $0x0  }
0xb8: {  	[sflag:s5] =	ssyncadd.s32 $0xFFFFF000  }
0xb9: {  	_ =	swait.ge [sflag:s5], $0x1000  }
0xba: {  	[sflag:s5] =	ssyncset.done $0x0  }
0xbb: {  	[sflag:s5] =	ssyncadd.s32 $0xFFFFF000  }
0xbc: {  	_ =	swait.ge [sflag:s5], $0x1000  }
0xbd: {  	[sflag:s5] =	ssyncset.done $0x0  }
0xbe: {  	[sflag:s5] =	ssyncadd.s32 $0xFFFFF000  }
0xbf: {  	_ =	swait.ge [sflag:s5], $0x1000  }
0xc0: {  	p1 =	sne.s32 s1, $0x1;
	[sflag:s5] =	ssyncset.done $0x0  }
.Ltmp2:
0xc1: {  	[sflag:s5] =	ssyncadd.s32 $0xFFFFF000;
	(pc) =	sbr.rel @p1 .LBB2_2-.Ltmp2, $4  }
0xc2: {  	_ =	swait.ge [sflag:s5], $0x1000  }
0xc3: {  	[sflag:s5] =	ssyncset.done $0x0  }
0xc4: {  	s1 =	sadd.s32 $0xFFFFFFFF, s1;
	s10 =	rddreg [dreg:$0x4];
	[sflag:s5] =	ssyncadd.s32 $0xFFFFF000  }
0xc5: {  	[hbm4b:s10+s2] =	stream.linear.scatter [tilespmem:s4], [sflag:$0x2], $0x10000, $0x38;
	[tilespmem:$0x10800] =	vst v63  }
.LBB2_3:
0xc6: {  	_ =	swait.ge @p0 [sflag:s3], $0x10000  }
0xc7: {  	[sflag:s3] =	ssyncset.done @p0 $0x0  }
0xc8: {  	s0 =	rddreg [dreg:$0x3];
	[sflag:s3] =	ssyncadd.s32 @p0 $0xFFFF0000  }
0xc9: {  	[tilespmem:s2], [sflag:$0x2] =	stream.linear.gather [hbm4b:s0+s2], $0x800, $0x38;
	[tilespmem:$0x10800] =	vst v63  }
0xca: {  	_ =	swait.ge [sflag:s3], $0x800  }
0xcb: {  	[sflag:s3] =	ssyncset.done $0x0;
	s10 =	rddreg [dreg:$0x5]  }
0xcc: {  	s0 =	rddreg [dreg:$0x6];
	[sflag:s3] =	ssyncadd.s32 $0xFFFFF800  }
0xcd: {  	[tilespmem:s4], [sflag:$0x1] =	stream.indirect.gather [hbm4b:s6+s7], $0x20, s2, s7, $0xb8;
	[tilespmem:$0x10800] =	vst v63  }
0xce: {  	s1 =	rddreg [dreg:$0x7]  }
0xcf: {  	[tilespmem:s10], [sflag:$0x1] =	stream.indirect.gather [hbm4b:s6+s7], $0x20, s7, s7, $0xb8;
	[tilespmem:$0x10800] =	vst v63  }
0xd0: {  	s8 =	rddreg [dreg:$0x9]  }
0xd1: {  	[tilespmem:s1], [sflag:$0x1] =	stream.indirect.gather [hbm4b:s6+s7], $0x20, s0, s7, $0xb8;
	[tilespmem:$0x10800] =	vst v63  }
0xd2: {  	s9 =	rddreg [dreg:$0x8]  }
0xd3: {  	[tilespmem:s8], [sflag:$0x1] =	stream.indirect.gather [hbm4b:s6+s7], $0x20, s9, s7, $0xb8;
	[tilespmem:$0x10800] =	vst v63  }
0xd4: {  	s10 =	simm.s32 $0x4800;
	s1 =	rddreg [dreg:$0xa]  }
0xd5: {  	[tilespmem:s10], [sflag:$0x1] =	stream.indirect.gather [hbm4b:s6+s7], $0x20, s1, s7, $0xb8;
	[tilespmem:$0x10800] =	vst v63  }
0xd6: {  	s9 =	simm.s32 $0x5800;
	s10 =	simm.s32 $0x280  }
0xd7: {  	[tilespmem:s9], [sflag:$0x1] =	stream.indirect.gather [hbm4b:s6+s7], $0x20, s10, s7, $0xb8;
	[tilespmem:$0x10800] =	vst v63  }
0xd8: {  	_ = 	snop  }
0xd9: {  	[tilespmem:s12], [sflag:$0x1] =	stream.indirect.gather [hbm4b:s6+s7], $0x20, s11, s7, $0xb8;
	[tilespmem:$0x10800] =	vst v63  }
0xda: {  	_ = 	snop  }
0xdb: {  	[tilespmem:s14], [sflag:$0x1] =	stream.indirect.gather [hbm4b:s6+s7], $0x20, s13, s7, $0xb8;
	[tilespmem:$0x10800] =	vst v63  }
0xdc: {  	_ = 	snop  }
0xdd: {  	[tilespmem:s16], [sflag:$0x1] =	stream.indirect.gather [hbm4b:s6+s7], $0x20, s15, s7, $0xb8;
	[tilespmem:$0x10800] =	vst v63  }
0xde: {  	_ = 	snop  }
0xdf: {  	[tilespmem:s18], [sflag:$0x1] =	stream.indirect.gather [hbm4b:s6+s7], $0x20, s17, s7, $0xb8;
	[tilespmem:$0x10800] =	vst v63  }
0xe0: {  	_ = 	snop  }
0xe1: {  	[tilespmem:s20], [sflag:$0x1] =	stream.indirect.gather [hbm4b:s6+s7], $0x20, s19, s7, $0xb8;
	[tilespmem:$0x10800] =	vst v63  }
0xe2: {  	_ = 	snop  }
0xe3: {  	[tilespmem:s22], [sflag:$0x1] =	stream.indirect.gather [hbm4b:s6+s7], $0x20, s21, s7, $0xb8;
	[tilespmem:$0x10800] =	vst v63  }
0xe4: {  	_ = 	snop  }
0xe5: {  	[tilespmem:s24], [sflag:$0x1] =	stream.indirect.gather [hbm4b:s6+s7], $0x20, s23, s7, $0xb8;
	[tilespmem:$0x10800] =	vst v63  }
0xe6: {  	_ = 	snop  }
0xe7: {  	[tilespmem:s26], [sflag:$0x1] =	stream.indirect.gather [hbm4b:s6+s7], $0x20, s25, s7, $0xb8;
	[tilespmem:$0x10800] =	vst v63  }
0xe8: {  	_ = 	snop  }
0xe9: {  	[tilespmem:s29], [sflag:$0x1] =	stream.indirect.gather [hbm4b:s6+s7], $0x20, s28, s7, $0xb8;
	[tilespmem:$0x10800] =	vst v63  }
0xea: {  	_ = 	snop  }
0xeb: {  	[tilespmem:s31], [sflag:$0x1] =	stream.indirect.gather [hbm4b:s6+s7], $0x20, s30, s7, $0xb8;
	[tilespmem:$0x10800] =	vst v63  }
0xec: {  	_ =	swait.ge [sflag:s5], $0x1000  }
0xed: {  	[sflag:s5] =	ssyncset.done $0x0  }
0xee: {  	[sflag:s5] =	ssyncadd.s32 $0xFFFFF000  }
0xef: {  	_ =	swait.ge [sflag:s5], $0x1000  }
0xf0: {  	[sflag:s5] =	ssyncset.done $0x0  }
0xf1: {  	[sflag:s5] =	ssyncadd.s32 $0xFFFFF000  }
0xf2: {  	_ =	swait.ge [sflag:s5], $0x1000  }
0xf3: {  	[sflag:s5] =	ssyncset.done $0x0  }
0xf4: {  	[sflag:s5] =	ssyncadd.s32 $0xFFFFF000  }
0xf5: {  	_ =	swait.ge [sflag:s5], $0x1000  }
0xf6: {  	[sflag:s5] =	ssyncset.done $0x0  }
0xf7: {  	[sflag:s5] =	ssyncadd.s32 $0xFFFFF000  }
0xf8: {  	_ =	swait.ge [sflag:s5], $0x1000  }
0xf9: {  	[sflag:s5] =	ssyncset.done $0x0  }
0xfa: {  	[sflag:s5] =	ssyncadd.s32 $0xFFFFF000  }
0xfb: {  	_ =	swait.ge [sflag:s5], $0x1000  }
0xfc: {  	[sflag:s5] =	ssyncset.done $0x0  }
0xfd: {  	[sflag:s5] =	ssyncadd.s32 $0xFFFFF000  }
0xfe: {  	_ =	swait.ge [sflag:s5], $0x1000  }
0xff: {  	[sflag:s5] =	ssyncset.done $0x0  }
0x100: {  	[sflag:s5] =	ssyncadd.s32 $0xFFFFF000  }
0x101: {  	_ =	swait.ge [sflag:s5], $0x1000  }
0x102: {  	[sflag:s5] =	ssyncset.done $0x0  }
0x103: {  	[sflag:s5] =	ssyncadd.s32 $0xFFFFF000  }
0x104: {  	_ =	swait.ge [sflag:s5], $0x1000  }
0x105: {  	[sflag:s5] =	ssyncset.done $0x0  }
0x106: {  	[sflag:s5] =	ssyncadd.s32 $0xFFFFF000  }
0x107: {  	_ =	swait.ge [sflag:s5], $0x1000  }
0x108: {  	[sflag:s5] =	ssyncset.done $0x0  }
0x109: {  	[sflag:s5] =	ssyncadd.s32 $0xFFFFF000  }
0x10a: {  	_ =	swait.ge [sflag:s5], $0x1000  }
0x10b: {  	[sflag:s5] =	ssyncset.done $0x0  }
0x10c: {  	[sflag:s5] =	ssyncadd.s32 $0xFFFFF000  }
0x10d: {  	_ =	swait.ge [sflag:s5], $0x1000  }
0x10e: {  	[sflag:s5] =	ssyncset.done $0x0  }
0x10f: {  	[sflag:s5] =	ssyncadd.s32 $0xFFFFF000  }
0x110: {  	_ =	swait.ge [sflag:s5], $0x1000  }
0x111: {  	[sflag:s5] =	ssyncset.done $0x0  }
0x112: {  	[sflag:s5] =	ssyncadd.s32 $0xFFFFF000  }
0x113: {  	_ =	swait.ge [sflag:s5], $0x1000  }
0x114: {  	[sflag:s5] =	ssyncset.done $0x0  }
0x115: {  	[sflag:s5] =	ssyncadd.s32 $0xFFFFF000  }
0x116: {  	_ =	swait.ge [sflag:s5], $0x1000  }
0x117: {  	[sflag:s5] =	ssyncset.done $0x0  }
0x118: {  	[sflag:s5] =	ssyncadd.s32 $0xFFFFF000  }
0x119: {  	_ =	swait.ge [sflag:s5], $0x1000  }
0x11a: {  	[sflag:s5] =	ssyncset.done $0x0  }
0x11b: {  	s30 =	rddreg [dreg:$0x4];
	[sflag:s5] =	ssyncadd.s32 $0xFFFFF000  }
0x11c: {  	[hbm4b:s30+s2] =	stream.linear.scatter [tilespmem:s4], [sflag:$0x2], $0x10000, $0x38;
	[tilespmem:$0x10800] =	vst v63  }
0x11d: {  	_ =	swait.ge [sflag:s3], $0x10000  }
0x11e: {  	[sflag:s3] =	ssyncset.done $0x0  }
0x11f: {  	[sflag:s3] =	ssyncadd.s32 $0xFFFF0000  }
0x120: {  	_ =	sfence.sel $0x180000  }
0x121: {  	[bflag:$0x0] =	sbarrier.arrive $0xFFFF  }
0x122: {  	_ =	strace $0x90000047  }
0x123: {  	s31 =	stileid.u32;
	[bflag:$0x2] =	sbarrier.arrive $0xFFFF  }
0x124: {  	p0 =	sne.s32 s31, $0x0;
	s0 =	rddreg [dreg:$0x2]  }
0x125: {  	s0 =	sadd.s32 @!p0 $0x100000, s0  }
0x126: {  	[sflag:s0] =	ssyncadd.tile.s32 @!p0 $0x1;
	_ =	shalt  }
.Lfunc_end2:
_tile_overlayer_lowered:
.L_overlay_start_2:
0x127: {  	(tag) =	ssettag $0x2  }
0x128: {  	s0 =	rddreg [dreg:$0x0];
	s2 =	stileid.u32  }
0x129: {  	s1 =	rddreg [dreg:$0x1];
	p0 =	sne.s32 s2, $0x0  }
0x12a: {  	s3 =	rddreg [dreg:$0x2];
	[bflag:$0x3] =	sbarrier.arrive $0xFFFF;
	s2 =	simm.s32 @!p0 $0x1C02  }
0x12b: {  	[timem:s3], [sflag:s2] =	dma.local @!p0 [hbm:s0], s1  }
0x12c: {  	s0 =	simm.s32 @!p0 $0x2  }
0x12d: {  	_ =	swait.ge @!p0 [sflag:s0], s1  }
0x12e: {  	s1 =	ssub.s32 @!p0 $0x0, s1;
	[sflag:s0] =	ssyncset.done @!p0 $0x0  }
0x12f: {  	[sflag:s0] =	ssyncadd.s32 @!p0 s1  }
0x130: {  	[bflag:$0x3] =	sbarrier.arrive $0xFFFF  }
0x131: {  	_ =	shalt  }

</sc_bundles>
